<compile_context>
chip_gen: v7x
topology: tpu7x:2x2x1
jax: 0.10.2.dev20260603
libtpu: 0.0.44.dev20260713+nightly
codegen_flags: <defaults>
</compile_context>

<pallas_src>
import jax
import jax.numpy as jnp
import numpy as np
from jax import lax
from jax.experimental import pallas as pl
from jax.experimental.pallas import tpu as pltpu
from jax.experimental.pallas import tpu_sc as plsc

N = 10000
E = 320000
NFEAT = 128
NHID = 64
NCLASS = 10
B = 256
EMB_ROWS = 5000
EMB_DIM = 32
NLAYER = 2

NT = 16
NPAD = 10240
NODES_PT = NPAD // NT
EPT = E // NT
BINS = 512
GPT = B // NT
VL = 16

_M1 = np.int32(np.uint32(0x85EBCA6B))
_M2 = np.int32(np.uint32(0xC2B2AE35))
_GOLD = np.int32(np.uint32(0x9E3779B1))


def _mix32(h):
    h = h * _M1
    h = h ^ lax.shift_right_logical(h, 13)
    h = h * _M2
    h = h ^ lax.shift_right_logical(h, 16)
    return h


def _ploop(n_total, unroll, body):
    plsc.parallel_loop(0, n_total, unroll=unroll)(
        lambda i: body(pl.multiple_of(i * VL, VL)))


def _argmax_body(x_ref, o_ref):
    x = x_ref[...]
    m = jnp.max(x, axis=-1, keepdims=True)
    lane = lax.broadcasted_iota(jnp.int32, (N, NFEAT), 1)
    am = jnp.min(jnp.where(x == m, lane, NFEAT), axis=-1).astype(jnp.int32)
    o_ref[...] = jnp.concatenate([am, jnp.zeros((NPAD - N,), jnp.int32)])


def _colors_tc(x):
    return pl.pallas_call(
        _argmax_body,
        out_shape=jax.ShapeDtypeStruct((NPAD,), jnp.int32),
    )(x)


def _sc_body(colors_hbm, edge_hbm, batch_hbm, out_hbm,
             colors_v, mixed_v, agg_v, red_v, src_v, dst_v,
             batch_v, bins_v, binred_v, gidx_v,
             spm_agg, spm_mixed, spm_bins, sem_s, sem_d, sem_b):
    wid = lax.axis_index("s")
    nbase = pl.multiple_of(wid * NODES_PT, 8)
    ebase = pl.multiple_of(wid * EPT, 8)
    gbase = pl.multiple_of(wid * GPT, 8)

    cp_s = pltpu.async_copy(edge_hbm.at[0, pl.ds(ebase, EPT)], src_v, sem_s)
    cp_d = pltpu.async_copy(edge_hbm.at[1, pl.ds(ebase, EPT)], dst_v, sem_d)

    last = NT - 1

    @pl.when(wid < last)
    def _():
        pltpu.sync_copy(batch_hbm.at[pl.ds(nbase, NODES_PT)], batch_v)

    @pl.when(wid == last)
    def _():
        tail = N - last * NODES_PT
        pltpu.sync_copy(batch_hbm.at[pl.ds(last * NODES_PT, tail)],
                        batch_v.at[pl.ds(0, tail)])
        for u in range(tail // VL, NODES_PT // VL):
            batch_v[pl.ds(u * VL, VL)] = jnp.full((VL,), B, jnp.int32)

    pltpu.sync_copy(colors_hbm.at[pl.ds(nbase, NODES_PT)], colors_v)

    edges_pending = True
    for _layer in range(NLAYER):
        with jax.named_scope("mixshare"):
            def mix_body(o):
                mixed_v[pl.ds(nbase + o, VL)] = _mix32(colors_v[pl.ds(o, VL)])
            _ploop(NODES_PT // VL, 8, mix_body)

            pltpu.sync_copy(mixed_v.at[pl.ds(nbase, NODES_PT)],
                            spm_mixed.at[pl.ds(nbase, NODES_PT)])
            plsc.subcore_barrier()
            pltpu.sync_copy(spm_mixed, mixed_v)

        with jax.named_scope("zero"):
            def zero_body(o):
                agg_v[pl.ds(o, VL)] = jnp.zeros((VL,), jnp.int32)
            _ploop(NPAD // VL, 8, zero_body)

        if edges_pending:
            cp_s.wait()
            cp_d.wait()
            edges_pending = False

        with jax.named_scope("edges"):
            def edge_body(o):
                s = src_v[pl.ds(o, VL)]
                d = dst_v[pl.ds(o, VL)]
                vals = plsc.load_gather(mixed_v, [s])
                plsc.addupdate_scatter(agg_v, [d], vals)
            _ploop(EPT // VL, 16, edge_body)

        with jax.named_scope("reduce"):
            pltpu.sync_copy(agg_v, spm_agg.at[wid])
            plsc.subcore_barrier()
            cps = [pltpu.async_copy(spm_agg.at[t, pl.ds(nbase, NODES_PT)],
                                    red_v.at[t], sem_b)
                   for t in range(NT)]
            for cp in cps:
                cp.wait()

            def upd_body(o):
                a = red_v[0, pl.ds(o, VL)]
                for t in range(1, NT):
                    a = a + red_v[t, pl.ds(o, VL)]
                c = colors_v[pl.ds(o, VL)]
                colors_v[pl.ds(o, VL)] = _mix32((c * _GOLD) ^ a)
            _ploop(NODES_PT // VL, 4, upd_body)

    with jax.named_scope("bins"):
        def binzero_body(o):
            bins_v[pl.ds(o, VL)] = jnp.zeros((VL,), jnp.int32)
        _ploop(BINS // VL, 8, binzero_body)

        def bin_body(o):
            c = colors_v[pl.ds(o, VL)]
            b = batch_v[pl.ds(o, VL)]
            plsc.addupdate_scatter(bins_v, [b], _mix32(c))
        _ploop(NODES_PT // VL, 8, bin_body)

        pltpu.sync_copy(bins_v, spm_bins.at[wid])
        plsc.subcore_barrier()
        cps = [pltpu.async_copy(spm_bins.at[t, pl.ds(gbase, GPT)],
                                binred_v.at[t], sem_b)
               for t in range(NT)]
        for cp in cps:
            cp.wait()

        ghash = binred_v[0, pl.ds(0, GPT)]
        for t in range(1, NT):
            ghash = ghash + binred_v[t, pl.ds(0, GPT)]

        gu = plsc.bitcast(ghash, jnp.uint32)
        gidx_v[...] = (gu % jnp.uint32(EMB_ROWS)).astype(jnp.int32)
        pltpu.sync_copy(gidx_v, out_hbm.at[pl.ds(gbase, GPT)])


def _sc_call(colors_pad, edge_index, batch):
    mesh = plsc.VectorSubcoreMesh(core_axis_name="c", subcore_axis_name="s",
                                  num_cores=1)
    fn = pl.kernel(
        _sc_body,
        out_type=jax.ShapeDtypeStruct((B,), jnp.int32),
        mesh=mesh,
        scratch_types=[
            pltpu.VMEM((NODES_PT,), jnp.int32),
            pltpu.VMEM((NPAD,), jnp.int32),
            pltpu.VMEM((NPAD,), jnp.int32),
            pltpu.VMEM((NT, NODES_PT), jnp.int32),
            pltpu.VMEM((EPT,), jnp.int32),
            pltpu.VMEM((EPT,), jnp.int32),
            pltpu.VMEM((NODES_PT,), jnp.int32),
            pltpu.VMEM((BINS,), jnp.int32),
            pltpu.VMEM((NT, GPT), jnp.int32),
            pltpu.VMEM((GPT,), jnp.int32),
            pltpu.VMEM_SHARED((NT, NPAD), jnp.int32),
            pltpu.VMEM_SHARED((NPAD,), jnp.int32),
            pltpu.VMEM_SHARED((NT, BINS), jnp.int32),
            pltpu.SemaphoreType.DMA,
            pltpu.SemaphoreType.DMA,
            pltpu.SemaphoreType.DMA,
        ],
        compiler_params=pltpu.CompilerParams(needs_layout_passes=False,
                                             use_tc_tiling_on_sc=False),
    )
    return fn(colors_pad, edge_index, batch)


def _mlp_body(gidx_ref, emb_ref, w1_ref, b1_ref, w2_ref, b2_ref, o_ref):
    rows = lax.broadcasted_iota(jnp.int32, (B, EMB_ROWS), 1)
    onehot = (rows == gidx_ref[...][:, None]).astype(jnp.float32)
    gx = jnp.dot(onehot, emb_ref[...], preferred_element_type=jnp.float32)
    h = jnp.dot(gx, w1_ref[...],
                preferred_element_type=jnp.float32) + b1_ref[...]
    h = jnp.where(h > 0, h, jnp.float32(0.01) * h)
    logits = jnp.dot(h, w2_ref[...],
                     preferred_element_type=jnp.float32) + b2_ref[...]
    m = jnp.max(logits, axis=1, keepdims=True)
    s = logits - m
    lse = jnp.log(jnp.sum(jnp.exp(s), axis=1, keepdims=True))
    o_ref[...] = s - lse


def _mlp_tc(gidx, emb, W1, b1, W2, b2):
    return pl.pallas_call(
        _mlp_body,
        out_shape=jax.ShapeDtypeStruct((B, NCLASS), jnp.float32),
    )(gidx, emb, W1, b1, W2, b2)


@jax.jit
def kernel(x, edge_index, batch, emb, W1, b1, W2, b2):
    colors_pad = _colors_tc(x)
    gidx = _sc_call(colors_pad, edge_index, batch)
    return _mlp_tc(gidx, emb, W1, b1, W2, b2)

# --- scband reference (transcript-rebuilt; emitter-appended) ---
"""Pipeline reference for scband-wlgraph-model-56178172232063 (READ-ONLY COPY).

The authoritative reference and input builder live on the scoring server;
editing this copy changes nothing except your own understanding.
"""

import jax, jax.numpy as jnp
import numpy as np

N = 10000
E = 320000
NFEAT = 128
NHID = 64
NCLASS = 10
B = 256
EMB_ROWS = 5000
EMB_DIM = 32
NLAYER = 2


def _mix(h):
    h = h.astype(jnp.uint32)
    h = h * jnp.uint32(0x85EBCA6B)
    h = h ^ (h >> 13)
    h = h * jnp.uint32(0xC2B2AE35)
    h = h ^ (h >> 16)
    return h


def _wl_conv(colors, src, dst):
    # WL refinement: new color = hash(own color, multiset of neighbor colors).
    # Multiset-invariant neighbor aggregation via segment-sum of mixed colors.
    neigh = _mix(colors)[src]
    agg = jax.ops.segment_sum(neigh, dst, num_segments=N)
    combined = (colors.astype(jnp.uint32) * jnp.uint32(0x9E3779B1)) ^ agg.astype(jnp.uint32)
    return _mix(combined)


def setup_inputs(seed: int = 0):
    key = jax.random.key(seed)
    ks = jax.random.split(key, 8)
    x = jax.random.normal(ks[0], (N, NFEAT), dtype=jnp.float32)
    edge_index = jax.random.randint(ks[1], (2, E), 0, N, dtype=jnp.int32)
    batch = jnp.sort(jax.random.randint(ks[2], (N,), 0, B, dtype=jnp.int32))
    emb = jax.random.normal(ks[3], (EMB_ROWS, EMB_DIM), dtype=jnp.float32) * 0.1
    W1 = jax.random.normal(ks[4], (EMB_DIM, NHID), dtype=jnp.float32) * (1.0 / np.sqrt(EMB_DIM))
    b1 = jnp.zeros((NHID,), dtype=jnp.float32)
    W2 = jax.random.normal(ks[5], (NHID, NCLASS), dtype=jnp.float32) * (1.0 / np.sqrt(NHID))
    b2 = jnp.zeros((NCLASS,), dtype=jnp.float32)
    return {"x": x, "edge_index": edge_index, "batch": batch, "emb": emb,
            "W1": W1, "b1": b1, "W2": W2, "b2": b2}


def reference(x, edge_index, batch, emb, W1, b1, W2, b2):
    # x: one-hot-like node features -> integer labels (x.shape[-1] != 1 -> argmax)
    colors = jnp.argmax(x, axis=-1).astype(jnp.uint32)
    src, dst = edge_index[0], edge_index[1]
    for _ in range(NLAYER):
        colors = _wl_conv(colors, src, dst)
    # per-graph WL fingerprint (order-invariant hash of node color multiset),
    # mapped into the 5000-row embedding table (stand-in for graph_map dict)
    ghash = jax.ops.segment_sum(_mix(colors), batch, num_segments=B)
    gidx = (ghash % jnp.uint32(EMB_ROWS)).astype(jnp.int32)
    gx = jnp.take(emb, gidx, axis=0)
    # dropout is a no-op in eval mode
    h = jax.nn.leaky_relu(gx @ W1 + b1, negative_slope=0.01)
    logits = h @ W2 + b2
    return jax.nn.log_softmax(logits, axis=1)

if __name__ == "__main__":
    import jax
    _d = setup_inputs()
    print(jax.jit(kernel)(*tuple(_d.values())))

</pallas_src>

<mosaic_0001>
#map = affine_map<(d0, d1) -> (0)>
#map1 = affine_map<(d0, d1) -> (0, 0)>
module attributes {stable_mosaic.version = 14 : i64} {
  func.func @_sc_body(%arg0: i32, %arg1: i32, %arg2: memref<10240xi32, #tpu.memory_space<hbm>>, %arg3: memref<2x320000xi32, #tpu.memory_space<hbm>>, %arg4: memref<10000xi32, #tpu.memory_space<hbm>>, %arg5: memref<256xi32, #tpu.memory_space<hbm>>, %arg6: memref<640xi32, #tpu.memory_space<vmem>>, %arg7: memref<10240xi32, #tpu.memory_space<vmem>>, %arg8: memref<10240xi32, #tpu.memory_space<vmem>>, %arg9: memref<16x640xi32, #tpu.memory_space<vmem>>, %arg10: memref<20000xi32, #tpu.memory_space<vmem>>, %arg11: memref<20000xi32, #tpu.memory_space<vmem>>, %arg12: memref<640xi32, #tpu.memory_space<vmem>>, %arg13: memref<512xi32, #tpu.memory_space<vmem>>, %arg14: memref<16x16xi32, #tpu.memory_space<vmem>>, %arg15: memref<16xi32, #tpu.memory_space<vmem>>, %arg16: memref<16x10240xi32, #tpu.memory_space<vmem_shared>>, %arg17: memref<10240xi32, #tpu.memory_space<vmem_shared>>, %arg18: memref<16x512xi32, #tpu.memory_space<vmem_shared>>, %arg19: memref<!tpu.dma_semaphore, #tpu.memory_space<semaphore_mem>>, %arg20: memref<!tpu.dma_semaphore, #tpu.memory_space<semaphore_mem>>, %arg21: memref<!tpu.dma_semaphore, #tpu.memory_space<semaphore_mem>>) attributes {dimension_semantics = [#tpu.dimension_semantics<core_parallel>, #tpu.dimension_semantics<subcore_parallel>], iteration_bounds = array<i64: 1, 16>, scalar_prefetch = 0 : i64, scratch_operands = 16 : i64, tpu.core_type = #tpu.core_type<sc_vector_subcore>, window_params = [{transform_indices = #map}, {transform_indices = #map1}, {transform_indices = #map}, {transform_indices = #map}]} {
    %mul3A = arith.constant 640 : i32
    %mul3A_0 = arith.muli %arg1, %mul3A : i32
    %multiple_of3A = tpu.assume_multiple %mul3A_0, 8 : i32
    %mul3A_1 = arith.constant 20000 : i32
    %mul3A_2 = arith.muli %arg1, %mul3A_1 : i32
    %multiple_of3A_3 = tpu.assume_multiple %mul3A_2, 8 : i32
    %mul3A_4 = arith.constant 16 : i32
    %mul3A_5 = arith.muli %arg1, %mul3A_4 : i32
    %multiple_of3A_6 = tpu.assume_multiple %mul3A_5, 8 : i32
    %dma_start3A = arith.constant 0 : i32
    %dma_start3A_7 = tpu.memref_slice %arg3[%dma_start3A, %multiple_of3A_3] : memref<2x320000xi32, #tpu.memory_space<hbm>> -> memref<1x20000xi32, #tpu.memory_space<hbm>>
    %dma_start3A_8 = tpu.memref_squeeze %dma_start3A_7 : memref<1x20000xi32, #tpu.memory_space<hbm>> -> memref<20000xi32, #tpu.memory_space<hbm>>
    %dma_start3A_9 = tpu.memref_slice %arg3[%dma_start3A, %multiple_of3A_3] : memref<2x320000xi32, #tpu.memory_space<hbm>> -> memref<1x20000xi32, #tpu.memory_space<hbm>>
    %dma_start3A_10 = tpu.memref_squeeze %dma_start3A_9 : memref<1x20000xi32, #tpu.memory_space<hbm>> -> memref<20000xi32, #tpu.memory_space<hbm>>
    tpu.enqueue_dma source(%dma_start3A_10 : memref<20000xi32, #tpu.memory_space<hbm>>) target(%arg10 : memref<20000xi32, #tpu.memory_space<vmem>>) target_semaphore(%arg19 : memref<!tpu.dma_semaphore, #tpu.memory_space<semaphore_mem>>)
    %dma_start3A_11 = arith.constant 1 : i32
    %dma_start3A_12 = tpu.memref_slice %arg3[%dma_start3A_11, %multiple_of3A_3] : memref<2x320000xi32, #tpu.memory_space<hbm>> -> memref<1x20000xi32, #tpu.memory_space<hbm>>
    %dma_start3A_13 = tpu.memref_squeeze %dma_start3A_12 : memref<1x20000xi32, #tpu.memory_space<hbm>> -> memref<20000xi32, #tpu.memory_space<hbm>>
    %dma_start3A_14 = tpu.memref_slice %arg3[%dma_start3A_11, %multiple_of3A_3] : memref<2x320000xi32, #tpu.memory_space<hbm>> -> memref<1x20000xi32, #tpu.memory_space<hbm>>
    %dma_start3A_15 = tpu.memref_squeeze %dma_start3A_14 : memref<1x20000xi32, #tpu.memory_space<hbm>> -> memref<20000xi32, #tpu.memory_space<hbm>>
    tpu.enqueue_dma source(%dma_start3A_15 : memref<20000xi32, #tpu.memory_space<hbm>>) target(%arg11 : memref<20000xi32, #tpu.memory_space<vmem>>) target_semaphore(%arg20 : memref<!tpu.dma_semaphore, #tpu.memory_space<semaphore_mem>>)
    %lt3A = arith.constant 15 : i32
    %lt3A_16 = arith.cmpi slt, %arg1, %lt3A : i32
    %convert_element_type3A = arith.extui %lt3A_16 : i1 to i32
    %cond3A = arith.constant 0 : i32
    %cond3A_17 = arith.cmpi ne, %convert_element_type3A, %cond3A : i32
    scf.if %cond3A_17 {
      "tpu.region"() ({
        %run_scoped3A = tpu.sem_alloc : memref<!tpu.dma_semaphore, #tpu.memory_space<semaphore_mem>>
        %dma_start3A_1311 = tpu.memref_slice %arg4[%multiple_of3A] : memref<10000xi32, #tpu.memory_space<hbm>> -> memref<640xi32, #tpu.memory_space<hbm>>
        %dma_start3A_1312 = tpu.memref_slice %arg4[%multiple_of3A] : memref<10000xi32, #tpu.memory_space<hbm>> -> memref<640xi32, #tpu.memory_space<hbm>>
        tpu.enqueue_dma source(%dma_start3A_1312 : memref<640xi32, #tpu.memory_space<hbm>>) target(%arg12 : memref<640xi32, #tpu.memory_space<vmem>>) target_semaphore(%run_scoped3A : memref<!tpu.dma_semaphore, #tpu.memory_space<semaphore_mem>>)
        %dma_wait3A_1313 = tpu.memref_slice %arg4[%multiple_of3A] : memref<10000xi32, #tpu.memory_space<hbm>> -> memref<640xi32, #tpu.memory_space<hbm>>
        %dma_wait3A_1314 = tpu.memref_slice %arg4[%multiple_of3A] : memref<10000xi32, #tpu.memory_space<hbm>> -> memref<640xi32, #tpu.memory_space<hbm>>
        tpu.wait_dma2 semaphore(%run_scoped3A : memref<!tpu.dma_semaphore, #tpu.memory_space<semaphore_mem>>) src(%dma_wait3A_1314 : memref<640xi32, #tpu.memory_space<hbm>>) dst(%arg12 : memref<640xi32, #tpu.memory_space<vmem>>)
        tpu.yield
      }) : () -> ()
    } else {
    }
    %eq3A = arith.constant 15 : i32
    %eq3A_18 = arith.cmpi eq, %arg1, %eq3A : i32
    %convert_element_type3A_19 = arith.extui %eq3A_18 : i1 to i32
    %cond3A_20 = arith.constant 0 : i32
    %cond3A_21 = arith.cmpi ne, %convert_element_type3A_19, %cond3A_20 : i32
    scf.if %cond3A_21 {
      "tpu.region"() ({
        %run_scoped3A = tpu.sem_alloc : memref<!tpu.dma_semaphore, #tpu.memory_space<semaphore_mem>>
        %dma_start3A_1370 = arith.constant 0 : i32
        %dma_start3A_1371 = tpu.memref_slice %arg12[%dma_start3A_1370] : memref<640xi32, #tpu.memory_space<vmem>> -> memref<400xi32, #tpu.memory_space<vmem>>
        %dma_start3A_1372 = arith.constant 9600 : i32
        %dma_start3A_1373 = tpu.memref_slice %arg4[%dma_start3A_1372] : memref<10000xi32, #tpu.memory_space<hbm>> -> memref<400xi32, #tpu.memory_space<hbm>>
        %dma_start3A_1374 = arith.constant 0 : i32
        %dma_start3A_1375 = tpu.memref_slice %arg12[%dma_start3A_1374] : memref<640xi32, #tpu.memory_space<vmem>> -> memref<400xi32, #tpu.memory_space<vmem>>
        %dma_start3A_1376 = arith.constant 9600 : i32
        %dma_start3A_1377 = tpu.memref_slice %arg4[%dma_start3A_1376] : memref<10000xi32, #tpu.memory_space<hbm>> -> memref<400xi32, #tpu.memory_space<hbm>>
        tpu.enqueue_dma source(%dma_start3A_1377 : memref<400xi32, #tpu.memory_space<hbm>>) target(%dma_start3A_1375 : memref<400xi32, #tpu.memory_space<vmem>>) target_semaphore(%run_scoped3A : memref<!tpu.dma_semaphore, #tpu.memory_space<semaphore_mem>>)
        %dma_wait3A_1378 = arith.constant 0 : i32
        %dma_wait3A_1379 = tpu.memref_slice %arg12[%dma_wait3A_1378] : memref<640xi32, #tpu.memory_space<vmem>> -> memref<400xi32, #tpu.memory_space<vmem>>
        %dma_wait3A_1380 = arith.constant 9600 : i32
        %dma_wait3A_1381 = tpu.memref_slice %arg4[%dma_wait3A_1380] : memref<10000xi32, #tpu.memory_space<hbm>> -> memref<400xi32, #tpu.memory_space<hbm>>
        %dma_wait3A_1382 = arith.constant 0 : i32
        %dma_wait3A_1383 = tpu.memref_slice %arg12[%dma_wait3A_1382] : memref<640xi32, #tpu.memory_space<vmem>> -> memref<400xi32, #tpu.memory_space<vmem>>
        %dma_wait3A_1384 = arith.constant 9600 : i32
        %dma_wait3A_1385 = tpu.memref_slice %arg4[%dma_wait3A_1384] : memref<10000xi32, #tpu.memory_space<hbm>> -> memref<400xi32, #tpu.memory_space<hbm>>
        tpu.wait_dma2 semaphore(%run_scoped3A : memref<!tpu.dma_semaphore, #tpu.memory_space<semaphore_mem>>) src(%dma_wait3A_1385 : memref<400xi32, #tpu.memory_space<hbm>>) dst(%dma_wait3A_1383 : memref<400xi32, #tpu.memory_space<vmem>>)
        tpu.yield
      }) : () -> ()
      %broadcast_in_dim3A = arith.constant 256 : i32
      %broadcast_in_dim3A_1311 = vector.broadcast %broadcast_in_dim3A : i32 to vector<16xi32>
      %swap3A_1312 = arith.constant 400 : index
      %swap3A_1313 = tpu.vector_load %arg12[%swap3A_1312] {strides = array<i32>} : memref<640xi32, #tpu.memory_space<vmem>>, vector<16xi32>,
      tpu.vector_store %arg12[%swap3A_1312], %broadcast_in_dim3A_1311 {strides = array<i32>} : memref<640xi32, #tpu.memory_space<vmem>>, vector<16xi32>,
      %broadcast_in_dim3A_1314 = arith.constant 256 : i32
      %broadcast_in_dim3A_1315 = vector.broadcast %broadcast_in_dim3A_1314 : i32 to vector<16xi32>
      %swap3A_1316 = arith.constant 416 : index
      %swap3A_1317 = tpu.vector_load %arg12[%swap3A_1316] {strides = array<i32>} : memref<640xi32, #tpu.memory_space<vmem>>, vector<16xi32>,
      tpu.vector_store %arg12[%swap3A_1316], %broadcast_in_dim3A_1315 {strides = array<i32>} : memref<640xi32, #tpu.memory_space<vmem>>, vector<16xi32>,
      %broadcast_in_dim3A_1318 = arith.constant 256 : i32
      %broadcast_in_dim3A_1319 = vector.broadcast %broadcast_in_dim3A_1318 : i32 to vector<16xi32>
      %swap3A_1320 = arith.constant 432 : index
      %swap3A_1321 = tpu.vector_load %arg12[%swap3A_1320] {strides = array<i32>} : memref<640xi32, #tpu.memory_space<vmem>>, vector<16xi32>,
      tpu.vector_store %arg12[%swap3A_1320], %broadcast_in_dim3A_1319 {strides = array<i32>} : memref<640xi32, #tpu.memory_space<vmem>>, vector<16xi32>,
      %broadcast_in_dim3A_1322 = arith.constant 256 : i32
      %broadcast_in_dim3A_1323 = vector.broadcast %broadcast_in_dim3A_1322 : i32 to vector<16xi32>
      %swap3A_1324 = arith.constant 448 : index
      %swap3A_1325 = tpu.vector_load %arg12[%swap3A_1324] {strides = array<i32>} : memref<640xi32, #tpu.memory_space<vmem>>, vector<16xi32>,
      tpu.vector_store %arg12[%swap3A_1324], %broadcast_in_dim3A_1323 {strides = array<i32>} : memref<640xi32, #tpu.memory_space<vmem>>, vector<16xi32>,
      %broadcast_in_dim3A_1326 = arith.constant 256 : i32
      %broadcast_in_dim3A_1327 = vector.broadcast %broadcast_in_dim3A_1326 : i32 to vector<16xi32>
      %swap3A_1328 = arith.constant 464 : index
      %swap3A_1329 = tpu.vector_load %arg12[%swap3A_1328] {strides = array<i32>} : memref<640xi32, #tpu.memory_space<vmem>>, vector<16xi32>,
      tpu.vector_store %arg12[%swap3A_1328], %broadcast_in_dim3A_1327 {strides = array<i32>} : memref<640xi32, #tpu.memory_space<vmem>>, vector<16xi32>,
      %broadcast_in_dim3A_1330 = arith.constant 256 : i32
      %broadcast_in_dim3A_1331 = vector.broadcast %broadcast_in_dim3A_1330 : i32 to vector<16xi32>
      %swap3A_1332 = arith.constant 480 : index
      %swap3A_1333 = tpu.vector_load %arg12[%swap3A_1332] {strides = array<i32>} : memref<640xi32, #tpu.memory_space<vmem>>, vector<16xi32>,
      tpu.vector_store %arg12[%swap3A_1332], %broadcast_in_dim3A_1331 {strides = array<i32>} : memref<640xi32, #tpu.memory_space<vmem>>, vector<16xi32>,
      %broadcast_in_dim3A_1334 = arith.constant 256 : i32
      %broadcast_in_dim3A_1335 = vector.broadcast %broadcast_in_dim3A_1334 : i32 to vector<16xi32>
      %swap3A_1336 = arith.constant 496 : index
      %swap3A_1337 = tpu.vector_load %arg12[%swap3A_1336] {strides = array<i32>} : memref<640xi32, #tpu.memory_space<vmem>>, vector<16xi32>,
      tpu.vector_store %arg12[%swap3A_1336], %broadcast_in_dim3A_1335 {strides = array<i32>} : memref<640xi32, #tpu.memory_space<vmem>>, vector<16xi32>,
      %broadcast_in_dim3A_1338 = arith.constant 256 : i32
      %broadcast_in_dim3A_1339 = vector.broadcast %broadcast_in_dim3A_1338 : i32 to vector<16xi32>
      %swap3A_1340 = arith.constant 512 : index
      %swap3A_1341 = tpu.vector_load %arg12[%swap3A_1340] {strides = array<i32>} : memref<640xi32, #tpu.memory_space<vmem>>, vector<16xi32>,
      tpu.vector_store %arg12[%swap3A_1340], %broadcast_in_dim3A_1339 {strides = array<i32>} : memref<640xi32, #tpu.memory_space<vmem>>, vector<16xi32>,
      %broadcast_in_dim3A_1342 = arith.constant 256 : i32
      %broadcast_in_dim3A_1343 = vector.broadcast %broadcast_in_dim3A_1342 : i32 to vector<16xi32>
      %swap3A_1344 = arith.constant 528 : index
      %swap3A_1345 = tpu.vector_load %arg12[%swap3A_1344] {strides = array<i32>} : memref<640xi32, #tpu.memory_space<vmem>>, vector<16xi32>,
      tpu.vector_store %arg12[%swap3A_1344], %broadcast_in_dim3A_1343 {strides = array<i32>} : memref<640xi32, #tpu.memory_space<vmem>>, vector<16xi32>,
      %broadcast_in_dim3A_1346 = arith.constant 256 : i32
      %broadcast_in_dim3A_1347 = vector.broadcast %broadcast_in_dim3A_1346 : i32 to vector<16xi32>
      %swap3A_1348 = arith.constant 544 : index
      %swap3A_1349 = tpu.vector_load %arg12[%swap3A_1348] {strides = array<i32>} : memref<640xi32, #tpu.memory_space<vmem>>, vector<16xi32>,
      tpu.vector_store %arg12[%swap3A_1348], %broadcast_in_dim3A_1347 {strides = array<i32>} : memref<640xi32, #tpu.memory_space<vmem>>, vector<16xi32>,
      %broadcast_in_dim3A_1350 = arith.constant 256 : i32
      %broadcast_in_dim3A_1351 = vector.broadcast %broadcast_in_dim3A_1350 : i32 to vector<16xi32>
      %swap3A_1352 = arith.constant 560 : index
      %swap3A_1353 = tpu.vector_load %arg12[%swap3A_1352] {strides = array<i32>} : memref<640xi32, #tpu.memory_space<vmem>>, vector<16xi32>,
      tpu.vector_store %arg12[%swap3A_1352], %broadcast_in_dim3A_1351 {strides = array<i32>} : memref<640xi32, #tpu.memory_space<vmem>>, vector<16xi32>,
      %broadcast_in_dim3A_1354 = arith.constant 256 : i32
      %broadcast_in_dim3A_1355 = vector.broadcast %broadcast_in_dim3A_1354 : i32 to vector<16xi32>
      %swap3A_1356 = arith.constant 576 : index
      %swap3A_1357 = tpu.vector_load %arg12[%swap3A_1356] {strides = array<i32>} : memref<640xi32, #tpu.memory_space<vmem>>, vector<16xi32>,
      tpu.vector_store %arg12[%swap3A_1356], %broadcast_in_dim3A_1355 {strides = array<i32>} : memref<640xi32, #tpu.memory_space<vmem>>, vector<16xi32>,
      %broadcast_in_dim3A_1358 = arith.constant 256 : i32
      %broadcast_in_dim3A_1359 = vector.broadcast %broadcast_in_dim3A_1358 : i32 to vector<16xi32>
      %swap3A_1360 = arith.constant 592 : index
      %swap3A_1361 = tpu.vector_load %arg12[%swap3A_1360] {strides = array<i32>} : memref<640xi32, #tpu.memory_space<vmem>>, vector<16xi32>,
      tpu.vector_store %arg12[%swap3A_1360], %broadcast_in_dim3A_1359 {strides = array<i32>} : memref<640xi32, #tpu.memory_space<vmem>>, vector<16xi32>,
      %broadcast_in_dim3A_1362 = arith.constant 256 : i32
      %broadcast_in_dim3A_1363 = vector.broadcast %broadcast_in_dim3A_1362 : i32 to vector<16xi32>
      %swap3A_1364 = arith.constant 608 : index
      %swap3A_1365 = tpu.vector_load %arg12[%swap3A_1364] {strides = array<i32>} : memref<640xi32, #tpu.memory_space<vmem>>, vector<16xi32>,
      tpu.vector_store %arg12[%swap3A_1364], %broadcast_in_dim3A_1363 {strides = array<i32>} : memref<640xi32, #tpu.memory_space<vmem>>, vector<16xi32>,
      %broadcast_in_dim3A_1366 = arith.constant 256 : i32
      %broadcast_in_dim3A_1367 = vector.broadcast %broadcast_in_dim3A_1366 : i32 to vector<16xi32>
      %swap3A_1368 = arith.constant 624 : index
      %swap3A_1369 = tpu.vector_load %arg12[%swap3A_1368] {strides = array<i32>} : memref<640xi32, #tpu.memory_space<vmem>>, vector<16xi32>,
      tpu.vector_store %arg12[%swap3A_1368], %broadcast_in_dim3A_1367 {strides = array<i32>} : memref<640xi32, #tpu.memory_space<vmem>>, vector<16xi32>,
    } else {
    }
    "tpu.region"() ({
      %run_scoped3A = tpu.sem_alloc : memref<!tpu.dma_semaphore, #tpu.memory_space<semaphore_mem>>
      %dma_start3A_1311 = tpu.memref_slice %arg2[%multiple_of3A] : memref<10240xi32, #tpu.memory_space<hbm>> -> memref<640xi32, #tpu.memory_space<hbm>>
      %dma_start3A_1312 = tpu.memref_slice %arg2[%multiple_of3A] : memref<10240xi32, #tpu.memory_space<hbm>> -> memref<640xi32, #tpu.memory_space<hbm>>
      tpu.enqueue_dma source(%dma_start3A_1312 : memref<640xi32, #tpu.memory_space<hbm>>) target(%arg6 : memref<640xi32, #tpu.memory_space<vmem>>) target_semaphore(%run_scoped3A : memref<!tpu.dma_semaphore, #tpu.memory_space<semaphore_mem>>)
      %dma_wait3A_1313 = tpu.memref_slice %arg2[%multiple_of3A] : memref<10240xi32, #tpu.memory_space<hbm>> -> memref<640xi32, #tpu.memory_space<hbm>>
      %dma_wait3A_1314 = tpu.memref_slice %arg2[%multiple_of3A] : memref<10240xi32, #tpu.memory_space<hbm>> -> memref<640xi32, #tpu.memory_space<hbm>>
      tpu.wait_dma2 semaphore(%run_scoped3A : memref<!tpu.dma_semaphore, #tpu.memory_space<semaphore_mem>>) src(%dma_wait3A_1314 : memref<640xi32, #tpu.memory_space<hbm>>) dst(%arg6 : memref<640xi32, #tpu.memory_space<vmem>>)
      tpu.yield
    }) : () -> ()
    %parallel_loop3A = arith.constant 0 : i32
    %parallel_loop3A_22 = arith.constant 40 : i32
    %parallel_loop3A_23 = arith.constant 1 : i32
    "tpu.trace_start"() <{level = 10 : i32, message = "mixshare"}> : () -> ()
    scf.for %parallel_loop3A_1311 = %parallel_loop3A to %parallel_loop3A_22 step %parallel_loop3A_23  : i32 {
      %parallel_loop3A_1312 = arith.constant 16 : i32
      %parallel_loop3A_1313 = arith.muli %parallel_loop3A_1311, %parallel_loop3A_1312 : i32
      %parallel_loop3A_1314 = tpu.assume_multiple %parallel_loop3A_1313, 16 : i32
      %parallel_loop3A_1315 = arith.index_cast %parallel_loop3A_1314 : i32 to index
      %parallel_loop3A_1316 = tpu.vector_load %arg6[%parallel_loop3A_1315] {strides = array<i32>} : memref<640xi32, #tpu.memory_space<vmem>>, vector<16xi32>,
      %parallel_loop3A_1317 = arith.constant -2048144789 : i32
      %parallel_loop3A_1318 = vector.broadcast %parallel_loop3A_1317 : i32 to vector<16xi32>
      %parallel_loop3A_1319 = arith.muli %parallel_loop3A_1316, %parallel_loop3A_1318 : vector<16xi32>
      %parallel_loop3A_1320 = arith.constant 13 : i32
      %parallel_loop3A_1321 = vector.broadcast %parallel_loop3A_1320 : i32 to vector<16xi32>
      %parallel_loop3A_1322 = arith.shrui %parallel_loop3A_1319, %parallel_loop3A_1321 : vector<16xi32>
      %parallel_loop3A_1323 = arith.xori %parallel_loop3A_1319, %parallel_loop3A_1322 : vector<16xi32>
      %parallel_loop3A_1324 = arith.constant -1028477387 : i32
      %parallel_loop3A_1325 = vector.broadcast %parallel_loop3A_1324 : i32 to vector<16xi32>
      %parallel_loop3A_1326 = arith.muli %parallel_loop3A_1323, %parallel_loop3A_1325 : vector<16xi32>
      %parallel_loop3A_1327 = arith.constant 16 : i32
      %parallel_loop3A_1328 = vector.broadcast %parallel_loop3A_1327 : i32 to vector<16xi32>
      %parallel_loop3A_1329 = arith.shrui %parallel_loop3A_1326, %parallel_loop3A_1328 : vector<16xi32>
      %parallel_loop3A_1330 = arith.xori %parallel_loop3A_1326, %parallel_loop3A_1329 : vector<16xi32>
      %parallel_loop3A_1331 = arith.addi %multiple_of3A, %parallel_loop3A_1314 : i32
      %parallel_loop3A_1332 = arith.index_cast %parallel_loop3A_1331 : i32 to index
      %parallel_loop3A_1333 = tpu.vector_load %arg7[%parallel_loop3A_1332] {strides = array<i32>} : memref<10240xi32, #tpu.memory_space<vmem>>, vector<16xi32>,
      tpu.vector_store %arg7[%parallel_loop3A_1332], %parallel_loop3A_1330 {strides = array<i32>} : memref<10240xi32, #tpu.memory_space<vmem>>, vector<16xi32>,
    } {sc.loop_unroll_factor = 8 : i64, sc.parallel_access}
    "tpu.region"() ({
      %run_scoped3A = tpu.sem_alloc : memref<!tpu.dma_semaphore, #tpu.memory_space<semaphore_mem>>
      %dma_start3A_1311 = tpu.memref_slice %arg7[%multiple_of3A] : memref<10240xi32, #tpu.memory_space<vmem>> -> memref<640xi32, #tpu.memory_space<vmem>>
      %dma_start3A_1312 = tpu.memref_slice %arg17[%multiple_of3A] : memref<10240xi32, #tpu.memory_space<vmem_shared>> -> memref<640xi32, #tpu.memory_space<vmem_shared>>
      %dma_start3A_1313 = tpu.memref_slice %arg17[%multiple_of3A] : memref<10240xi32, #tpu.memory_space<vmem_shared>> -> memref<640xi32, #tpu.memory_space<vmem_shared>>
      %dma_start3A_1314 = tpu.memref_slice %arg7[%multiple_of3A] : memref<10240xi32, #tpu.memory_space<vmem>> -> memref<640xi32, #tpu.memory_space<vmem>>
      tpu.enqueue_dma source(%dma_start3A_1314 : memref<640xi32, #tpu.memory_space<vmem>>) target(%dma_start3A_1313 : memref<640xi32, #tpu.memory_space<vmem_shared>>) target_semaphore(%run_scoped3A : memref<!tpu.dma_semaphore, #tpu.memory_space<semaphore_mem>>)
      %dma_wait3A_1315 = tpu.memref_slice %arg7[%multiple_of3A] : memref<10240xi32, #tpu.memory_space<vmem>> -> memref<640xi32, #tpu.memory_space<vmem>>
      %dma_wait3A_1316 = tpu.memref_slice %arg17[%multiple_of3A] : memref<10240xi32, #tpu.memory_space<vmem_shared>> -> memref<640xi32, #tpu.memory_space<vmem_shared>>
      %dma_wait3A_1317 = tpu.memref_slice %arg17[%multiple_of3A] : memref<10240xi32, #tpu.memory_space<vmem_shared>> -> memref<640xi32, #tpu.memory_space<vmem_shared>>
      %dma_wait3A_1318 = tpu.memref_slice %arg7[%multiple_of3A] : memref<10240xi32, #tpu.memory_space<vmem>> -> memref<640xi32, #tpu.memory_space<vmem>>
      tpu.wait_dma2 semaphore(%run_scoped3A : memref<!tpu.dma_semaphore, #tpu.memory_space<semaphore_mem>>) src(%dma_wait3A_1318 : memref<640xi32, #tpu.memory_space<vmem>>) dst(%dma_wait3A_1317 : memref<640xi32, #tpu.memory_space<vmem_shared>>)
      tpu.yield
    }) : () -> ()
    %barrier3A = arith.constant 0 : index
    tpu.barrier barrier_id(%barrier3A)
    "tpu.region"() ({
      %run_scoped3A = tpu.sem_alloc : memref<!tpu.dma_semaphore, #tpu.memory_space<semaphore_mem>>
      tpu.enqueue_dma source(%arg17 : memref<10240xi32, #tpu.memory_space<vmem_shared>>) target(%arg7 : memref<10240xi32, #tpu.memory_space<vmem>>) target_semaphore(%run_scoped3A : memref<!tpu.dma_semaphore, #tpu.memory_space<semaphore_mem>>)
      tpu.wait_dma2 semaphore(%run_scoped3A : memref<!tpu.dma_semaphore, #tpu.memory_space<semaphore_mem>>) src(%arg17 : memref<10240xi32, #tpu.memory_space<vmem_shared>>) dst(%arg7 : memref<10240xi32, #tpu.memory_space<vmem>>)
      tpu.yield
    }) : () -> ()
    %parallel_loop3A_24 = arith.constant 0 : i32
    %parallel_loop3A_25 = arith.constant 640 : i32
    %parallel_loop3A_26 = arith.constant 1 : i32
    "tpu.trace_stop"() : () -> ()
    "tpu.trace_start"() <{level = 10 : i32, message = "zero"}> : () -> ()
    scf.for %parallel_loop3A_1311 = %parallel_loop3A_24 to %parallel_loop3A_25 step %parallel_loop3A_26  : i32 {
      %parallel_loop3A_1312 = arith.constant 16 : i32
      %parallel_loop3A_1313 = arith.muli %parallel_loop3A_1311, %parallel_loop3A_1312 : i32
      %parallel_loop3A_1314 = tpu.assume_multiple %parallel_loop3A_1313, 16 : i32
      %parallel_loop3A_1315 = arith.constant 0 : i32
      %parallel_loop3A_1316 = vector.broadcast %parallel_loop3A_1315 : i32 to vector<16xi32>
      %parallel_loop3A_1317 = arith.index_cast %parallel_loop3A_1314 : i32 to index
      %parallel_loop3A_1318 = tpu.vector_load %arg8[%parallel_loop3A_1317] {strides = array<i32>} : memref<10240xi32, #tpu.memory_space<vmem>>, vector<16xi32>,
      tpu.vector_store %arg8[%parallel_loop3A_1317], %parallel_loop3A_1316 {strides = array<i32>} : memref<10240xi32, #tpu.memory_space<vmem>>, vector<16xi32>,
    } {sc.loop_unroll_factor = 8 : i64, sc.parallel_access}
    %dma_wait3A = arith.constant 0 : i32
    "tpu.trace_stop"() : () -> ()
    %dma_wait3A_27 = tpu.memref_slice %arg3[%dma_wait3A, %multiple_of3A_3] : memref<2x320000xi32, #tpu.memory_space<hbm>> -> memref<1x20000xi32, #tpu.memory_space<hbm>>
    %dma_wait3A_28 = tpu.memref_squeeze %dma_wait3A_27 : memref<1x20000xi32, #tpu.memory_space<hbm>> -> memref<20000xi32, #tpu.memory_space<hbm>>
    %dma_wait3A_29 = tpu.memref_slice %arg3[%dma_wait3A, %multiple_of3A_3] : memref<2x320000xi32, #tpu.memory_space<hbm>> -> memref<1x20000xi32, #tpu.memory_space<hbm>>
    %dma_wait3A_30 = tpu.memref_squeeze %dma_wait3A_29 : memref<1x20000xi32, #tpu.memory_space<hbm>> -> memref<20000xi32, #tpu.memory_space<hbm>>
    tpu.wait_dma2 semaphore(%arg19 : memref<!tpu.dma_semaphore, #tpu.memory_space<semaphore_mem>>) src(%dma_wait3A_30 : memref<20000xi32, #tpu.memory_space<hbm>>) dst(%arg10 : memref<20000xi32, #tpu.memory_space<vmem>>)
    %dma_wait3A_31 = arith.constant 1 : i32
    %dma_wait3A_32 = tpu.memref_slice %arg3[%dma_wait3A_31, %multiple_of3A_3] : memref<2x320000xi32, #tpu.memory_space<hbm>> -> memref<1x20000xi32, #tpu.memory_space<hbm>>
    %dma_wait3A_33 = tpu.memref_squeeze %dma_wait3A_32 : memref<1x20000xi32, #tpu.memory_space<hbm>> -> memref<20000xi32, #tpu.memory_space<hbm>>
    %dma_wait3A_34 = tpu.memref_slice %arg3[%dma_wait3A_31, %multiple_of3A_3] : memref<2x320000xi32, #tpu.memory_space<hbm>> -> memref<1x20000xi32, #tpu.memory_space<hbm>>
    %dma_wait3A_35 = tpu.memref_squeeze %dma_wait3A_34 : memref<1x20000xi32, #tpu.memory_space<hbm>> -> memref<20000xi32, #tpu.memory_space<hbm>>
    tpu.wait_dma2 semaphore(%arg20 : memref<!tpu.dma_semaphore, #tpu.memory_space<semaphore_mem>>) src(%dma_wait3A_35 : memref<20000xi32, #tpu.memory_space<hbm>>) dst(%arg11 : memref<20000xi32, #tpu.memory_space<vmem>>)
    %parallel_loop3A_36 = arith.constant 0 : i32
    %parallel_loop3A_37 = arith.constant 1250 : i32
    %parallel_loop3A_38 = arith.constant 1 : i32
    "tpu.trace_start"() <{level = 10 : i32, message = "edges"}> : () -> ()
    scf.for %parallel_loop3A_1311 = %parallel_loop3A_36 to %parallel_loop3A_37 step %parallel_loop3A_38  : i32 {
      %parallel_loop3A_1312 = arith.constant 16 : i32
      %parallel_loop3A_1313 = arith.muli %parallel_loop3A_1311, %parallel_loop3A_1312 : i32
      %parallel_loop3A_1314 = tpu.assume_multiple %parallel_loop3A_1313, 16 : i32
      %parallel_loop3A_1315 = arith.index_cast %parallel_loop3A_1314 : i32 to index
      %parallel_loop3A_1316 = tpu.vector_load %arg10[%parallel_loop3A_1315] {strides = array<i32>} : memref<20000xi32, #tpu.memory_space<vmem>>, vector<16xi32>,
      %parallel_loop3A_1317 = arith.index_cast %parallel_loop3A_1314 : i32 to index
      %parallel_loop3A_1318 = tpu.vector_load %arg11[%parallel_loop3A_1317] {strides = array<i32>} : memref<20000xi32, #tpu.memory_space<vmem>>, vector<16xi32>,
      %parallel_loop3A_1319 = tpu.vector_load_idx %arg7[%parallel_loop3A_1316] : memref<10240xi32, #tpu.memory_space<vmem>>[vector<16xi32>], vector<16xi32>,
      tpu.vector_store_idx %arg8[%parallel_loop3A_1318], %parallel_loop3A_1319 {add = true} : memref<10240xi32, #tpu.memory_space<vmem>>[vector<16xi32>], vector<16xi32>,
    } {sc.loop_unroll_factor = 16 : i64, sc.parallel_access}
    "tpu.trace_stop"() : () -> ()
    "tpu.trace_start"() <{level = 10 : i32, message = "reduce"}> : () -> ()
    "tpu.region"() ({
      %run_scoped3A = tpu.sem_alloc : memref<!tpu.dma_semaphore, #tpu.memory_space<semaphore_mem>>
      %dma_start3A_1311 = arith.constant 0 : i32
      %dma_start3A_1312 = tpu.memref_slice %arg16[%arg1, %dma_start3A_1311] : memref<16x10240xi32, #tpu.memory_space<vmem_shared>> -> memref<1x10240xi32, #tpu.memory_space<vmem_shared>>
      %dma_start3A_1313 = tpu.memref_squeeze %dma_start3A_1312 : memref<1x10240xi32, #tpu.memory_space<vmem_shared>> -> memref<10240xi32, #tpu.memory_space<vmem_shared>>
      %dma_start3A_1314 = arith.constant 0 : i32
      %dma_start3A_1315 = tpu.memref_slice %arg16[%arg1, %dma_start3A_1314] : memref<16x10240xi32, #tpu.memory_space<vmem_shared>> -> memref<1x10240xi32, #tpu.memory_space<vmem_shared>>
      %dma_start3A_1316 = tpu.memref_squeeze %dma_start3A_1315 : memref<1x10240xi32, #tpu.memory_space<vmem_shared>> -> memref<10240xi32, #tpu.memory_space<vmem_shared>>
      tpu.enqueue_dma source(%arg8 : memref<10240xi32, #tpu.memory_space<vmem>>) target(%dma_start3A_1316 : memref<10240xi32, #tpu.memory_space<vmem_shared>>) target_semaphore(%run_scoped3A : memref<!tpu.dma_semaphore, #tpu.memory_space<semaphore_mem>>)
      %dma_wait3A_1317 = arith.constant 0 : i32
      %dma_wait3A_1318 = tpu.memref_slice %arg16[%arg1, %dma_wait3A_1317] : memref<16x10240xi32, #tpu.memory_space<vmem_shared>> -> memref<1x10240xi32, #tpu.memory_space<vmem_shared>>
      %dma_wait3A_1319 = tpu.memref_squeeze %dma_wait3A_1318 : memref<1x10240xi32, #tpu.memory_space<vmem_shared>> -> memref<10240xi32, #tpu.memory_space<vmem_shared>>
      %dma_wait3A_1320 = arith.constant 0 : i32
      %dma_wait3A_1321 = tpu.memref_slice %arg16[%arg1, %dma_wait3A_1320] : memref<16x10240xi32, #tpu.memory_space<vmem_shared>> -> memref<1x10240xi32, #tpu.memory_space<vmem_shared>>
      %dma_wait3A_1322 = tpu.memref_squeeze %dma_wait3A_1321 : memref<1x10240xi32, #tpu.memory_space<vmem_shared>> -> memref<10240xi32, #tpu.memory_space<vmem_shared>>
      tpu.wait_dma2 semaphore(%run_scoped3A : memref<!tpu.dma_semaphore, #tpu.memory_space<semaphore_mem>>) src(%arg8 : memref<10240xi32, #tpu.memory_space<vmem>>) dst(%dma_wait3A_1322 : memref<10240xi32, #tpu.memory_space<vmem_shared>>)
      tpu.yield
    }) : () -> ()
    %barrier3A_39 = arith.constant 0 : index
    tpu.barrier barrier_id(%barrier3A_39)
    %dma_start3A_40 = arith.constant 0 : i32
    %dma_start3A_41 = arith.constant 0 : i32
    %dma_start3A_42 = arith.constant 0 : i32
    %dma_start3A_43 = tpu.memref_slice %arg9[%dma_start3A_41, %dma_start3A_42] : memref<16x640xi32, #tpu.memory_space<vmem>> -> memref<1x640xi32, #tpu.memory_space<vmem>>
    %dma_start3A_44 = tpu.memref_squeeze %dma_start3A_43 : memref<1x640xi32, #tpu.memory_space<vmem>> -> memref<640xi32, #tpu.memory_space<vmem>>
    %dma_start3A_45 = tpu.memref_slice %arg16[%dma_start3A_40, %multiple_of3A] : memref<16x10240xi32, #tpu.memory_space<vmem_shared>> -> memref<1x640xi32, #tpu.memory_space<vmem_shared>>
    %dma_start3A_46 = tpu.memref_squeeze %dma_start3A_45 : memref<1x640xi32, #tpu.memory_space<vmem_shared>> -> memref<640xi32, #tpu.memory_space<vmem_shared>>
    %dma_start3A_47 = arith.constant 0 : i32
    %dma_start3A_48 = tpu.memref_slice %arg9[%dma_start3A_41, %dma_start3A_47] : memref<16x640xi32, #tpu.memory_space<vmem>> -> memref<1x640xi32, #tpu.memory_space<vmem>>
    %dma_start3A_49 = tpu.memref_squeeze %dma_start3A_48 : memref<1x640xi32, #tpu.memory_space<vmem>> -> memref<640xi32, #tpu.memory_space<vmem>>
    %dma_start3A_50 = tpu.memref_slice %arg16[%dma_start3A_40, %multiple_of3A] : memref<16x10240xi32, #tpu.memory_space<vmem_shared>> -> memref<1x640xi32, #tpu.memory_space<vmem_shared>>
    %dma_start3A_51 = tpu.memref_squeeze %dma_start3A_50 : memref<1x640xi32, #tpu.memory_space<vmem_shared>> -> memref<640xi32, #tpu.memory_space<vmem_shared>>
    tpu.enqueue_dma source(%dma_start3A_51 : memref<640xi32, #tpu.memory_space<vmem_shared>>) target(%dma_start3A_49 : memref<640xi32, #tpu.memory_space<vmem>>) target_semaphore(%arg21 : memref<!tpu.dma_semaphore, #tpu.memory_space<semaphore_mem>>)
    %dma_start3A_52 = arith.constant 1 : i32
    %dma_start3A_53 = arith.constant 1 : i32
    %dma_start3A_54 = arith.constant 0 : i32
    %dma_start3A_55 = tpu.memref_slice %arg9[%dma_start3A_53, %dma_start3A_54] : memref<16x640xi32, #tpu.memory_space<vmem>> -> memref<1x640xi32, #tpu.memory_space<vmem>>
    %dma_start3A_56 = tpu.memref_squeeze %dma_start3A_55 : memref<1x640xi32, #tpu.memory_space<vmem>> -> memref<640xi32, #tpu.memory_space<vmem>>
    %dma_start3A_57 = tpu.memref_slice %arg16[%dma_start3A_52, %multiple_of3A] : memref<16x10240xi32, #tpu.memory_space<vmem_shared>> -> memref<1x640xi32, #tpu.memory_space<vmem_shared>>
    %dma_start3A_58 = tpu.memref_squeeze %dma_start3A_57 : memref<1x640xi32, #tpu.memory_space<vmem_shared>> -> memref<640xi32, #tpu.memory_space<vmem_shared>>
    %dma_start3A_59 = arith.constant 0 : i32
    %dma_start3A_60 = tpu.memref_slice %arg9[%dma_start3A_53, %dma_start3A_59] : memref<16x640xi32, #tpu.memory_space<vmem>> -> memref<1x640xi32, #tpu.memory_space<vmem>>
    %dma_start3A_61 = tpu.memref_squeeze %dma_start3A_60 : memref<1x640xi32, #tpu.memory_space<vmem>> -> memref<640xi32, #tpu.memory_space<vmem>>
    %dma_start3A_62 = tpu.memref_slice %arg16[%dma_start3A_52, %multiple_of3A] : memref<16x10240xi32, #tpu.memory_space<vmem_shared>> -> memref<1x640xi32, #tpu.memory_space<vmem_shared>>
    %dma_start3A_63 = tpu.memref_squeeze %dma_start3A_62 : memref<1x640xi32, #tpu.memory_space<vmem_shared>> -> memref<640xi32, #tpu.memory_space<vmem_shared>>
    tpu.enqueue_dma source(%dma_start3A_63 : memref<640xi32, #tpu.memory_space<vmem_shared>>) target(%dma_start3A_61 : memref<640xi32, #tpu.memory_space<vmem>>) target_semaphore(%arg21 : memref<!tpu.dma_semaphore, #tpu.memory_space<semaphore_mem>>)
    %dma_start3A_64 = arith.constant 2 : i32
    %dma_start3A_65 = arith.constant 2 : i32
    %dma_start3A_66 = arith.constant 0 : i32
    %dma_start3A_67 = tpu.memref_slice %arg9[%dma_start3A_65, %dma_start3A_66] : memref<16x640xi32, #tpu.memory_space<vmem>> -> memref<1x640xi32, #tpu.memory_space<vmem>>
    %dma_start3A_68 = tpu.memref_squeeze %dma_start3A_67 : memref<1x640xi32, #tpu.memory_space<vmem>> -> memref<640xi32, #tpu.memory_space<vmem>>
    %dma_start3A_69 = tpu.memref_slice %arg16[%dma_start3A_64, %multiple_of3A] : memref<16x10240xi32, #tpu.memory_space<vmem_shared>> -> memref<1x640xi32, #tpu.memory_space<vmem_shared>>
    %dma_start3A_70 = tpu.memref_squeeze %dma_start3A_69 : memref<1x640xi32, #tpu.memory_space<vmem_shared>> -> memref<640xi32, #tpu.memory_space<vmem_shared>>
    %dma_start3A_71 = arith.constant 0 : i32
    %dma_start3A_72 = tpu.memref_slice %arg9[%dma_start3A_65, %dma_start3A_71] : memref<16x640xi32, #tpu.memory_space<vmem>> -> memref<1x640xi32, #tpu.memory_space<vmem>>
    %dma_start3A_73 = tpu.memref_squeeze %dma_start3A_72 : memref<1x640xi32, #tpu.memory_space<vmem>> -> memref<640xi32, #tpu.memory_space<vmem>>
    %dma_start3A_74 = tpu.memref_slice %arg16[%dma_start3A_64, %multiple_of3A] : memref<16x10240xi32, #tpu.memory_space<vmem_shared>> -> memref<1x640xi32, #tpu.memory_space<vmem_shared>>
    %dma_start3A_75 = tpu.memref_squeeze %dma_start3A_74 : memref<1x640xi32, #tpu.memory_space<vmem_shared>> -> memref<640xi32, #tpu.memory_space<vmem_shared>>
    tpu.enqueue_dma source(%dma_start3A_75 : memref<640xi32, #tpu.memory_space<vmem_shared>>) target(%dma_start3A_73 : memref<640xi32, #tpu.memory_space<vmem>>) target_semaphore(%arg21 : memref<!tpu.dma_semaphore, #tpu.memory_space<semaphore_mem>>)
    %dma_start3A_76 = arith.constant 3 : i32
    %dma_start3A_77 = arith.constant 3 : i32
    %dma_start3A_78 = arith.constant 0 : i32
    %dma_start3A_79 = tpu.memref_slice %arg9[%dma_start3A_77, %dma_start3A_78] : memref<16x640xi32, #tpu.memory_space<vmem>> -> memref<1x640xi32, #tpu.memory_space<vmem>>
    %dma_start3A_80 = tpu.memref_squeeze %dma_start3A_79 : memref<1x640xi32, #tpu.memory_space<vmem>> -> memref<640xi32, #tpu.memory_space<vmem>>
    %dma_start3A_81 = tpu.memref_slice %arg16[%dma_start3A_76, %multiple_of3A] : memref<16x10240xi32, #tpu.memory_space<vmem_shared>> -> memref<1x640xi32, #tpu.memory_space<vmem_shared>>
    %dma_start3A_82 = tpu.memref_squeeze %dma_start3A_81 : memref<1x640xi32, #tpu.memory_space<vmem_shared>> -> memref<640xi32, #tpu.memory_space<vmem_shared>>
    %dma_start3A_83 = arith.constant 0 : i32
    %dma_start3A_84 = tpu.memref_slice %arg9[%dma_start3A_77, %dma_start3A_83] : memref<16x640xi32, #tpu.memory_space<vmem>> -> memref<1x640xi32, #tpu.memory_space<vmem>>
    %dma_start3A_85 = tpu.memref_squeeze %dma_start3A_84 : memref<1x640xi32, #tpu.memory_space<vmem>> -> memref<640xi32, #tpu.memory_space<vmem>>
    %dma_start3A_86 = tpu.memref_slice %arg16[%dma_start3A_76, %multiple_of3A] : memref<16x10240xi32, #tpu.memory_space<vmem_shared>> -> memref<1x640xi32, #tpu.memory_space<vmem_shared>>
    %dma_start3A_87 = tpu.memref_squeeze %dma_start3A_86 : memref<1x640xi32, #tpu.memory_space<vmem_shared>> -> memref<640xi32, #tpu.memory_space<vmem_shared>>
    tpu.enqueue_dma source(%dma_start3A_87 : memref<640xi32, #tpu.memory_space<vmem_shared>>) target(%dma_start3A_85 : memref<640xi32, #tpu.memory_space<vmem>>) target_semaphore(%arg21 : memref<!tpu.dma_semaphore, #tpu.memory_space<semaphore_mem>>)
    %dma_start3A_88 = arith.constant 4 : i32
    %dma_start3A_89 = arith.constant 4 : i32
    %dma_start3A_90 = arith.constant 0 : i32
    %dma_start3A_91 = tpu.memref_slice %arg9[%dma_start3A_89, %dma_start3A_90] : memref<16x640xi32, #tpu.memory_space<vmem>> -> memref<1x640xi32, #tpu.memory_space<vmem>>
    %dma_start3A_92 = tpu.memref_squeeze %dma_start3A_91 : memref<1x640xi32, #tpu.memory_space<vmem>> -> memref<640xi32, #tpu.memory_space<vmem>>
    %dma_start3A_93 = tpu.memref_slice %arg16[%dma_start3A_88, %multiple_of3A] : memref<16x10240xi32, #tpu.memory_space<vmem_shared>> -> memref<1x640xi32, #tpu.memory_space<vmem_shared>>
    %dma_start3A_94 = tpu.memref_squeeze %dma_start3A_93 : memref<1x640xi32, #tpu.memory_space<vmem_shared>> -> memref<640xi32, #tpu.memory_space<vmem_shared>>
    %dma_start3A_95 = arith.constant 0 : i32
    %dma_start3A_96 = tpu.memref_slice %arg9[%dma_start3A_89, %dma_start3A_95] : memref<16x640xi32, #tpu.memory_space<vmem>> -> memref<1x640xi32, #tpu.memory_space<vmem>>
    %dma_start3A_97 = tpu.memref_squeeze %dma_start3A_96 : memref<1x640xi32, #tpu.memory_space<vmem>> -> memref<640xi32, #tpu.memory_space<vmem>>
    %dma_start3A_98 = tpu.memref_slice %arg16[%dma_start3A_88, %multiple_of3A] : memref<16x10240xi32, #tpu.memory_space<vmem_shared>> -> memref<1x640xi32, #tpu.memory_space<vmem_shared>>
    %dma_start3A_99 = tpu.memref_squeeze %dma_start3A_98 : memref<1x640xi32, #tpu.memory_space<vmem_shared>> -> memref<640xi32, #tpu.memory_space<vmem_shared>>
    tpu.enqueue_dma source(%dma_start3A_99 : memref<640xi32, #tpu.memory_space<vmem_shared>>) target(%dma_start3A_97 : memref<640xi32, #tpu.memory_space<vmem>>) target_semaphore(%arg21 : memref<!tpu.dma_semaphore, #tpu.memory_space<semaphore_mem>>)
    %dma_start3A_100 = arith.constant 5 : i32
    %dma_start3A_101 = arith.constant 5 : i32
    %dma_start3A_102 = arith.constant 0 : i32
    %dma_start3A_103 = tpu.memref_slice %arg9[%dma_start3A_101, %dma_start3A_102] : memref<16x640xi32, #tpu.memory_space<vmem>> -> memref<1x640xi32, #tpu.memory_space<vmem>>
    %dma_start3A_104 = tpu.memref_squeeze %dma_start3A_103 : memref<1x640xi32, #tpu.memory_space<vmem>> -> memref<640xi32, #tpu.memory_space<vmem>>
    %dma_start3A_105 = tpu.memref_slice %arg16[%dma_start3A_100, %multiple_of3A] : memref<16x10240xi32, #tpu.memory_space<vmem_shared>> -> memref<1x640xi32, #tpu.memory_space<vmem_shared>>
    %dma_start3A_106 = tpu.memref_squeeze %dma_start3A_105 : memref<1x640xi32, #tpu.memory_space<vmem_shared>> -> memref<640xi32, #tpu.memory_space<vmem_shared>>
    %dma_start3A_107 = arith.constant 0 : i32
    %dma_start3A_108 = tpu.memref_slice %arg9[%dma_start3A_101, %dma_start3A_107] : memref<16x640xi32, #tpu.memory_space<vmem>> -> memref<1x640xi32, #tpu.memory_space<vmem>>
    %dma_start3A_109 = tpu.memref_squeeze %dma_start3A_108 : memref<1x640xi32, #tpu.memory_space<vmem>> -> memref<640xi32, #tpu.memory_space<vmem>>
    %dma_start3A_110 = tpu.memref_slice %arg16[%dma_start3A_100, %multiple_of3A] : memref<16x10240xi32, #tpu.memory_space<vmem_shared>> -> memref<1x640xi32, #tpu.memory_space<vmem_shared>>
    %dma_start3A_111 = tpu.memref_squeeze %dma_start3A_110 : memref<1x640xi32, #tpu.memory_space<vmem_shared>> -> memref<640xi32, #tpu.memory_space<vmem_shared>>
    tpu.enqueue_dma source(%dma_start3A_111 : memref<640xi32, #tpu.memory_space<vmem_shared>>) target(%dma_start3A_109 : memref<640xi32, #tpu.memory_space<vmem>>) target_semaphore(%arg21 : memref<!tpu.dma_semaphore, #tpu.memory_space<semaphore_mem>>)
    %dma_start3A_112 = arith.constant 6 : i32
    %dma_start3A_113 = arith.constant 6 : i32
    %dma_start3A_114 = arith.constant 0 : i32
    %dma_start3A_115 = tpu.memref_slice %arg9[%dma_start3A_113, %dma_start3A_114] : memref<16x640xi32, #tpu.memory_space<vmem>> -> memref<1x640xi32, #tpu.memory_space<vmem>>
    %dma_start3A_116 = tpu.memref_squeeze %dma_start3A_115 : memref<1x640xi32, #tpu.memory_space<vmem>> -> memref<640xi32, #tpu.memory_space<vmem>>
    %dma_start3A_117 = tpu.memref_slice %arg16[%dma_start3A_112, %multiple_of3A] : memref<16x10240xi32, #tpu.memory_space<vmem_shared>> -> memref<1x640xi32, #tpu.memory_space<vmem_shared>>
    %dma_start3A_118 = tpu.memref_squeeze %dma_start3A_117 : memref<1x640xi32, #tpu.memory_space<vmem_shared>> -> memref<640xi32, #tpu.memory_space<vmem_shared>>
    %dma_start3A_119 = arith.constant 0 : i32
    %dma_start3A_120 = tpu.memref_slice %arg9[%dma_start3A_113, %dma_start3A_119] : memref<16x640xi32, #tpu.memory_space<vmem>> -> memref<1x640xi32, #tpu.memory_space<vmem>>
    %dma_start3A_121 = tpu.memref_squeeze %dma_start3A_120 : memref<1x640xi32, #tpu.memory_space<vmem>> -> memref<640xi32, #tpu.memory_space<vmem>>
    %dma_start3A_122 = tpu.memref_slice %arg16[%dma_start3A_112, %multiple_of3A] : memref<16x10240xi32, #tpu.memory_space<vmem_shared>> -> memref<1x640xi32, #tpu.memory_space<vmem_shared>>
    %dma_start3A_123 = tpu.memref_squeeze %dma_start3A_122 : memref<1x640xi32, #tpu.memory_space<vmem_shared>> -> memref<640xi32, #tpu.memory_space<vmem_shared>>
    tpu.enqueue_dma source(%dma_start3A_123 : memref<640xi32, #tpu.memory_space<vmem_shared>>) target(%dma_start3A_121 : memref<640xi32, #tpu.memory_space<vmem>>) target_semaphore(%arg21 : memref<!tpu.dma_semaphore, #tpu.memory_space<semaphore_mem>>)
    %dma_start3A_124 = arith.constant 7 : i32
    %dma_start3A_125 = arith.constant 7 : i32
    %dma_start3A_126 = arith.constant 0 : i32
    %dma_start3A_127 = tpu.memref_slice %arg9[%dma_start3A_125, %dma_start3A_126] : memref<16x640xi32, #tpu.memory_space<vmem>> -> memref<1x640xi32, #tpu.memory_space<vmem>>
    %dma_start3A_128 = tpu.memref_squeeze %dma_start3A_127 : memref<1x640xi32, #tpu.memory_space<vmem>> -> memref<640xi32, #tpu.memory_space<vmem>>
    %dma_start3A_129 = tpu.memref_slice %arg16[%dma_start3A_124, %multiple_of3A] : memref<16x10240xi32, #tpu.memory_space<vmem_shared>> -> memref<1x640xi32, #tpu.memory_space<vmem_shared>>
    %dma_start3A_130 = tpu.memref_squeeze %dma_start3A_129 : memref<1x640xi32, #tpu.memory_space<vmem_shared>> -> memref<640xi32, #tpu.memory_space<vmem_shared>>
    %dma_start3A_131 = arith.constant 0 : i32
    %dma_start3A_132 = tpu.memref_slice %arg9[%dma_start3A_125, %dma_start3A_131] : memref<16x640xi32, #tpu.memory_space<vmem>> -> memref<1x640xi32, #tpu.memory_space<vmem>>
    %dma_start3A_133 = tpu.memref_squeeze %dma_start3A_132 : memref<1x640xi32, #tpu.memory_space<vmem>> -> memref<640xi32, #tpu.memory_space<vmem>>
    %dma_start3A_134 = tpu.memref_slice %arg16[%dma_start3A_124, %multiple_of3A] : memref<16x10240xi32, #tpu.memory_space<vmem_shared>> -> memref<1x640xi32, #tpu.memory_space<vmem_shared>>
    %dma_start3A_135 = tpu.memref_squeeze %dma_start3A_134 : memref<1x640xi32, #tpu.memory_space<vmem_shared>> -> memref<640xi32, #tpu.memory_space<vmem_shared>>
    tpu.enqueue_dma source(%dma_start3A_135 : memref<640xi32, #tpu.memory_space<vmem_shared>>) target(%dma_start3A_133 : memref<640xi32, #tpu.memory_space<vmem>>) target_semaphore(%arg21 : memref<!tpu.dma_semaphore, #tpu.memory_space<semaphore_mem>>)
    %dma_start3A_136 = arith.constant 8 : i32
    %dma_start3A_137 = arith.constant 8 : i32
    %dma_start3A_138 = arith.constant 0 : i32
    %dma_start3A_139 = tpu.memref_slice %arg9[%dma_start3A_137, %dma_start3A_138] : memref<16x640xi32, #tpu.memory_space<vmem>> -> memref<1x640xi32, #tpu.memory_space<vmem>>
    %dma_start3A_140 = tpu.memref_squeeze %dma_start3A_139 : memref<1x640xi32, #tpu.memory_space<vmem>> -> memref<640xi32, #tpu.memory_space<vmem>>
    %dma_start3A_141 = tpu.memref_slice %arg16[%dma_start3A_136, %multiple_of3A] : memref<16x10240xi32, #tpu.memory_space<vmem_shared>> -> memref<1x640xi32, #tpu.memory_space<vmem_shared>>
    %dma_start3A_142 = tpu.memref_squeeze %dma_start3A_141 : memref<1x640xi32, #tpu.memory_space<vmem_shared>> -> memref<640xi32, #tpu.memory_space<vmem_shared>>
    %dma_start3A_143 = arith.constant 0 : i32
    %dma_start3A_144 = tpu.memref_slice %arg9[%dma_start3A_137, %dma_start3A_143] : memref<16x640xi32, #tpu.memory_space<vmem>> -> memref<1x640xi32, #tpu.memory_space<vmem>>
    %dma_start3A_145 = tpu.memref_squeeze %dma_start3A_144 : memref<1x640xi32, #tpu.memory_space<vmem>> -> memref<640xi32, #tpu.memory_space<vmem>>
    %dma_start3A_146 = tpu.memref_slice %arg16[%dma_start3A_136, %multiple_of3A] : memref<16x10240xi32, #tpu.memory_space<vmem_shared>> -> memref<1x640xi32, #tpu.memory_space<vmem_shared>>
    %dma_start3A_147 = tpu.memref_squeeze %dma_start3A_146 : memref<1x640xi32, #tpu.memory_space<vmem_shared>> -> memref<640xi32, #tpu.memory_space<vmem_shared>>
    tpu.enqueue_dma source(%dma_start3A_147 : memref<640xi32, #tpu.memory_space<vmem_shared>>) target(%dma_start3A_145 : memref<640xi32, #tpu.memory_space<vmem>>) target_semaphore(%arg21 : memref<!tpu.dma_semaphore, #tpu.memory_space<semaphore_mem>>)
    %dma_start3A_148 = arith.constant 9 : i32
    %dma_start3A_149 = arith.constant 9 : i32
    %dma_start3A_150 = arith.constant 0 : i32
    %dma_start3A_151 = tpu.memref_slice %arg9[%dma_start3A_149, %dma_start3A_150] : memref<16x640xi32, #tpu.memory_space<vmem>> -> memref<1x640xi32, #tpu.memory_space<vmem>>
    %dma_start3A_152 = tpu.memref_squeeze %dma_start3A_151 : memref<1x640xi32, #tpu.memory_space<vmem>> -> memref<640xi32, #tpu.memory_space<vmem>>
    %dma_start3A_153 = tpu.memref_slice %arg16[%dma_start3A_148, %multiple_of3A] : memref<16x10240xi32, #tpu.memory_space<vmem_shared>> -> memref<1x640xi32, #tpu.memory_space<vmem_shared>>
    %dma_start3A_154 = tpu.memref_squeeze %dma_start3A_153 : memref<1x640xi32, #tpu.memory_space<vmem_shared>> -> memref<640xi32, #tpu.memory_space<vmem_shared>>
    %dma_start3A_155 = arith.constant 0 : i32
    %dma_start3A_156 = tpu.memref_slice %arg9[%dma_start3A_149, %dma_start3A_155] : memref<16x640xi32, #tpu.memory_space<vmem>> -> memref<1x640xi32, #tpu.memory_space<vmem>>
    %dma_start3A_157 = tpu.memref_squeeze %dma_start3A_156 : memref<1x640xi32, #tpu.memory_space<vmem>> -> memref<640xi32, #tpu.memory_space<vmem>>
    %dma_start3A_158 = tpu.memref_slice %arg16[%dma_start3A_148, %multiple_of3A] : memref<16x10240xi32, #tpu.memory_space<vmem_shared>> -> memref<1x640xi32, #tpu.memory_space<vmem_shared>>
    %dma_start3A_159 = tpu.memref_squeeze %dma_start3A_158 : memref<1x640xi32, #tpu.memory_space<vmem_shared>> -> memref<640xi32, #tpu.memory_space<vmem_shared>>
    tpu.enqueue_dma source(%dma_start3A_159 : memref<640xi32, #tpu.memory_space<vmem_shared>>) target(%dma_start3A_157 : memref<640xi32, #tpu.memory_space<vmem>>) target_semaphore(%arg21 : memref<!tpu.dma_semaphore, #tpu.memory_space<semaphore_mem>>)
    %dma_start3A_160 = arith.constant 10 : i32
    %dma_start3A_161 = arith.constant 10 : i32
    %dma_start3A_162 = arith.constant 0 : i32
    %dma_start3A_163 = tpu.memref_slice %arg9[%dma_start3A_161, %dma_start3A_162] : memref<16x640xi32, #tpu.memory_space<vmem>> -> memref<1x640xi32, #tpu.memory_space<vmem>>
    %dma_start3A_164 = tpu.memref_squeeze %dma_start3A_163 : memref<1x640xi32, #tpu.memory_space<vmem>> -> memref<640xi32, #tpu.memory_space<vmem>>
    %dma_start3A_165 = tpu.memref_slice %arg16[%dma_start3A_160, %multiple_of3A] : memref<16x10240xi32, #tpu.memory_space<vmem_shared>> -> memref<1x640xi32, #tpu.memory_space<vmem_shared>>
    %dma_start3A_166 = tpu.memref_squeeze %dma_start3A_165 : memref<1x640xi32, #tpu.memory_space<vmem_shared>> -> memref<640xi32, #tpu.memory_space<vmem_shared>>
    %dma_start3A_167 = arith.constant 0 : i32
    %dma_start3A_168 = tpu.memref_slice %arg9[%dma_start3A_161, %dma_start3A_167] : memref<16x640xi32, #tpu.memory_space<vmem>> -> memref<1x640xi32, #tpu.memory_space<vmem>>
    %dma_start3A_169 = tpu.memref_squeeze %dma_start3A_168 : memref<1x640xi32, #tpu.memory_space<vmem>> -> memref<640xi32, #tpu.memory_space<vmem>>
    %dma_start3A_170 = tpu.memref_slice %arg16[%dma_start3A_160, %multiple_of3A] : memref<16x10240xi32, #tpu.memory_space<vmem_shared>> -> memref<1x640xi32, #tpu.memory_space<vmem_shared>>
    %dma_start3A_171 = tpu.memref_squeeze %dma_start3A_170 : memref<1x640xi32, #tpu.memory_space<vmem_shared>> -> memref<640xi32, #tpu.memory_space<vmem_shared>>
    tpu.enqueue_dma source(%dma_start3A_171 : memref<640xi32, #tpu.memory_space<vmem_shared>>) target(%dma_start3A_169 : memref<640xi32, #tpu.memory_space<vmem>>) target_semaphore(%arg21 : memref<!tpu.dma_semaphore, #tpu.memory_space<semaphore_mem>>)
    %dma_start3A_172 = arith.constant 11 : i32
    %dma_start3A_173 = arith.constant 11 : i32
    %dma_start3A_174 = arith.constant 0 : i32
    %dma_start3A_175 = tpu.memref_slice %arg9[%dma_start3A_173, %dma_start3A_174] : memref<16x640xi32, #tpu.memory_space<vmem>> -> memref<1x640xi32, #tpu.memory_space<vmem>>
    %dma_start3A_176 = tpu.memref_squeeze %dma_start3A_175 : memref<1x640xi32, #tpu.memory_space<vmem>> -> memref<640xi32, #tpu.memory_space<vmem>>
    %dma_start3A_177 = tpu.memref_slice %arg16[%dma_start3A_172, %multiple_of3A] : memref<16x10240xi32, #tpu.memory_space<vmem_shared>> -> memref<1x640xi32, #tpu.memory_space<vmem_shared>>
    %dma_start3A_178 = tpu.memref_squeeze %dma_start3A_177 : memref<1x640xi32, #tpu.memory_space<vmem_shared>> -> memref<640xi32, #tpu.memory_space<vmem_shared>>
    %dma_start3A_179 = arith.constant 0 : i32
    %dma_start3A_180 = tpu.memref_slice %arg9[%dma_start3A_173, %dma_start3A_179] : memref<16x640xi32, #tpu.memory_space<vmem>> -> memref<1x640xi32, #tpu.memory_space<vmem>>
    %dma_start3A_181 = tpu.memref_squeeze %dma_start3A_180 : memref<1x640xi32, #tpu.memory_space<vmem>> -> memref<640xi32, #tpu.memory_space<vmem>>
    %dma_start3A_182 = tpu.memref_slice %arg16[%dma_start3A_172, %multiple_of3A] : memref<16x10240xi32, #tpu.memory_space<vmem_shared>> -> memref<1x640xi32, #tpu.memory_space<vmem_shared>>
    %dma_start3A_183 = tpu.memref_squeeze %dma_start3A_182 : memref<1x640xi32, #tpu.memory_space<vmem_shared>> -> memref<640xi32, #tpu.memory_space<vmem_shared>>
    tpu.enqueue_dma source(%dma_start3A_183 : memref<640xi32, #tpu.memory_space<vmem_shared>>) target(%dma_start3A_181 : memref<640xi32, #tpu.memory_space<vmem>>) target_semaphore(%arg21 : memref<!tpu.dma_semaphore, #tpu.memory_space<semaphore_mem>>)
    %dma_start3A_184 = arith.constant 12 : i32
    %dma_start3A_185 = arith.constant 12 : i32
    %dma_start3A_186 = arith.constant 0 : i32
    %dma_start3A_187 = tpu.memref_slice %arg9[%dma_start3A_185, %dma_start3A_186] : memref<16x640xi32, #tpu.memory_space<vmem>> -> memref<1x640xi32, #tpu.memory_space<vmem>>
    %dma_start3A_188 = tpu.memref_squeeze %dma_start3A_187 : memref<1x640xi32, #tpu.memory_space<vmem>> -> memref<640xi32, #tpu.memory_space<vmem>>
    %dma_start3A_189 = tpu.memref_slice %arg16[%dma_start3A_184, %multiple_of3A] : memref<16x10240xi32, #tpu.memory_space<vmem_shared>> -> memref<1x640xi32, #tpu.memory_space<vmem_shared>>
    %dma_start3A_190 = tpu.memref_squeeze %dma_start3A_189 : memref<1x640xi32, #tpu.memory_space<vmem_shared>> -> memref<640xi32, #tpu.memory_space<vmem_shared>>
    %dma_start3A_191 = arith.constant 0 : i32
    %dma_start3A_192 = tpu.memref_slice %arg9[%dma_start3A_185, %dma_start3A_191] : memref<16x640xi32, #tpu.memory_space<vmem>> -> memref<1x640xi32, #tpu.memory_space<vmem>>
    %dma_start3A_193 = tpu.memref_squeeze %dma_start3A_192 : memref<1x640xi32, #tpu.memory_space<vmem>> -> memref<640xi32, #tpu.memory_space<vmem>>
    %dma_start3A_194 = tpu.memref_slice %arg16[%dma_start3A_184, %multiple_of3A] : memref<16x10240xi32, #tpu.memory_space<vmem_shared>> -> memref<1x640xi32, #tpu.memory_space<vmem_shared>>
    %dma_start3A_195 = tpu.memref_squeeze %dma_start3A_194 : memref<1x640xi32, #tpu.memory_space<vmem_shared>> -> memref<640xi32, #tpu.memory_space<vmem_shared>>
    tpu.enqueue_dma source(%dma_start3A_195 : memref<640xi32, #tpu.memory_space<vmem_shared>>) target(%dma_start3A_193 : memref<640xi32, #tpu.memory_space<vmem>>) target_semaphore(%arg21 : memref<!tpu.dma_semaphore, #tpu.memory_space<semaphore_mem>>)
    %dma_start3A_196 = arith.constant 13 : i32
    %dma_start3A_197 = arith.constant 13 : i32
    %dma_start3A_198 = arith.constant 0 : i32
    %dma_start3A_199 = tpu.memref_slice %arg9[%dma_start3A_197, %dma_start3A_198] : memref<16x640xi32, #tpu.memory_space<vmem>> -> memref<1x640xi32, #tpu.memory_space<vmem>>
    %dma_start3A_200 = tpu.memref_squeeze %dma_start3A_199 : memref<1x640xi32, #tpu.memory_space<vmem>> -> memref<640xi32, #tpu.memory_space<vmem>>
    %dma_start3A_201 = tpu.memref_slice %arg16[%dma_start3A_196, %multiple_of3A] : memref<16x10240xi32, #tpu.memory_space<vmem_shared>> -> memref<1x640xi32, #tpu.memory_space<vmem_shared>>
    %dma_start3A_202 = tpu.memref_squeeze %dma_start3A_201 : memref<1x640xi32, #tpu.memory_space<vmem_shared>> -> memref<640xi32, #tpu.memory_space<vmem_shared>>
    %dma_start3A_203 = arith.constant 0 : i32
    %dma_start3A_204 = tpu.memref_slice %arg9[%dma_start3A_197, %dma_start3A_203] : memref<16x640xi32, #tpu.memory_space<vmem>> -> memref<1x640xi32, #tpu.memory_space<vmem>>
    %dma_start3A_205 = tpu.memref_squeeze %dma_start3A_204 : memref<1x640xi32, #tpu.memory_space<vmem>> -> memref<640xi32, #tpu.memory_space<vmem>>
    %dma_start3A_206 = tpu.memref_slice %arg16[%dma_start3A_196, %multiple_of3A] : memref<16x10240xi32, #tpu.memory_space<vmem_shared>> -> memref<1x640xi32, #tpu.memory_space<vmem_shared>>
    %dma_start3A_207 = tpu.memref_squeeze %dma_start3A_206 : memref<1x640xi32, #tpu.memory_space<vmem_shared>> -> memref<640xi32, #tpu.memory_space<vmem_shared>>
    tpu.enqueue_dma source(%dma_start3A_207 : memref<640xi32, #tpu.memory_space<vmem_shared>>) target(%dma_start3A_205 : memref<640xi32, #tpu.memory_space<vmem>>) target_semaphore(%arg21 : memref<!tpu.dma_semaphore, #tpu.memory_space<semaphore_mem>>)
    %dma_start3A_208 = arith.constant 14 : i32
    %dma_start3A_209 = arith.constant 14 : i32
    %dma_start3A_210 = arith.constant 0 : i32
    %dma_start3A_211 = tpu.memref_slice %arg9[%dma_start3A_209, %dma_start3A_210] : memref<16x640xi32, #tpu.memory_space<vmem>> -> memref<1x640xi32, #tpu.memory_space<vmem>>
    %dma_start3A_212 = tpu.memref_squeeze %dma_start3A_211 : memref<1x640xi32, #tpu.memory_space<vmem>> -> memref<640xi32, #tpu.memory_space<vmem>>
    %dma_start3A_213 = tpu.memref_slice %arg16[%dma_start3A_208, %multiple_of3A] : memref<16x10240xi32, #tpu.memory_space<vmem_shared>> -> memref<1x640xi32, #tpu.memory_space<vmem_shared>>
    %dma_start3A_214 = tpu.memref_squeeze %dma_start3A_213 : memref<1x640xi32, #tpu.memory_space<vmem_shared>> -> memref<640xi32, #tpu.memory_space<vmem_shared>>
    %dma_start3A_215 = arith.constant 0 : i32
    %dma_start3A_216 = tpu.memref_slice %arg9[%dma_start3A_209, %dma_start3A_215] : memref<16x640xi32, #tpu.memory_space<vmem>> -> memref<1x640xi32, #tpu.memory_space<vmem>>
    %dma_start3A_217 = tpu.memref_squeeze %dma_start3A_216 : memref<1x640xi32, #tpu.memory_space<vmem>> -> memref<640xi32, #tpu.memory_space<vmem>>
    %dma_start3A_218 = tpu.memref_slice %arg16[%dma_start3A_208, %multiple_of3A] : memref<16x10240xi32, #tpu.memory_space<vmem_shared>> -> memref<1x640xi32, #tpu.memory_space<vmem_shared>>
    %dma_start3A_219 = tpu.memref_squeeze %dma_start3A_218 : memref<1x640xi32, #tpu.memory_space<vmem_shared>> -> memref<640xi32, #tpu.memory_space<vmem_shared>>
    tpu.enqueue_dma source(%dma_start3A_219 : memref<640xi32, #tpu.memory_space<vmem_shared>>) target(%dma_start3A_217 : memref<640xi32, #tpu.memory_space<vmem>>) target_semaphore(%arg21 : memref<!tpu.dma_semaphore, #tpu.memory_space<semaphore_mem>>)
    %dma_start3A_220 = arith.constant 15 : i32
    %dma_start3A_221 = arith.constant 15 : i32
    %dma_start3A_222 = arith.constant 0 : i32
    %dma_start3A_223 = tpu.memref_slice %arg9[%dma_start3A_221, %dma_start3A_222] : memref<16x640xi32, #tpu.memory_space<vmem>> -> memref<1x640xi32, #tpu.memory_space<vmem>>
    %dma_start3A_224 = tpu.memref_squeeze %dma_start3A_223 : memref<1x640xi32, #tpu.memory_space<vmem>> -> memref<640xi32, #tpu.memory_space<vmem>>
    %dma_start3A_225 = tpu.memref_slice %arg16[%dma_start3A_220, %multiple_of3A] : memref<16x10240xi32, #tpu.memory_space<vmem_shared>> -> memref<1x640xi32, #tpu.memory_space<vmem_shared>>
    %dma_start3A_226 = tpu.memref_squeeze %dma_start3A_225 : memref<1x640xi32, #tpu.memory_space<vmem_shared>> -> memref<640xi32, #tpu.memory_space<vmem_shared>>
    %dma_start3A_227 = arith.constant 0 : i32
    %dma_start3A_228 = tpu.memref_slice %arg9[%dma_start3A_221, %dma_start3A_227] : memref<16x640xi32, #tpu.memory_space<vmem>> -> memref<1x640xi32, #tpu.memory_space<vmem>>
    %dma_start3A_229 = tpu.memref_squeeze %dma_start3A_228 : memref<1x640xi32, #tpu.memory_space<vmem>> -> memref<640xi32, #tpu.memory_space<vmem>>
    %dma_start3A_230 = tpu.memref_slice %arg16[%dma_start3A_220, %multiple_of3A] : memref<16x10240xi32, #tpu.memory_space<vmem_shared>> -> memref<1x640xi32, #tpu.memory_space<vmem_shared>>
    %dma_start3A_231 = tpu.memref_squeeze %dma_start3A_230 : memref<1x640xi32, #tpu.memory_space<vmem_shared>> -> memref<640xi32, #tpu.memory_space<vmem_shared>>
    tpu.enqueue_dma source(%dma_start3A_231 : memref<640xi32, #tpu.memory_space<vmem_shared>>) target(%dma_start3A_229 : memref<640xi32, #tpu.memory_space<vmem>>) target_semaphore(%arg21 : memref<!tpu.dma_semaphore, #tpu.memory_space<semaphore_mem>>)
    %dma_wait3A_232 = arith.constant 0 : i32
    %dma_wait3A_233 = arith.constant 0 : i32
    %dma_wait3A_234 = arith.constant 0 : i32
    %dma_wait3A_235 = tpu.memref_slice %arg9[%dma_wait3A_233, %dma_wait3A_234] : memref<16x640xi32, #tpu.memory_space<vmem>> -> memref<1x640xi32, #tpu.memory_space<vmem>>
    %dma_wait3A_236 = tpu.memref_squeeze %dma_wait3A_235 : memref<1x640xi32, #tpu.memory_space<vmem>> -> memref<640xi32, #tpu.memory_space<vmem>>
    %dma_wait3A_237 = tpu.memref_slice %arg16[%dma_wait3A_232, %multiple_of3A] : memref<16x10240xi32, #tpu.memory_space<vmem_shared>> -> memref<1x640xi32, #tpu.memory_space<vmem_shared>>
    %dma_wait3A_238 = tpu.memref_squeeze %dma_wait3A_237 : memref<1x640xi32, #tpu.memory_space<vmem_shared>> -> memref<640xi32, #tpu.memory_space<vmem_shared>>
    %dma_wait3A_239 = arith.constant 0 : i32
    %dma_wait3A_240 = tpu.memref_slice %arg9[%dma_wait3A_233, %dma_wait3A_239] : memref<16x640xi32, #tpu.memory_space<vmem>> -> memref<1x640xi32, #tpu.memory_space<vmem>>
    %dma_wait3A_241 = tpu.memref_squeeze %dma_wait3A_240 : memref<1x640xi32, #tpu.memory_space<vmem>> -> memref<640xi32, #tpu.memory_space<vmem>>
    %dma_wait3A_242 = tpu.memref_slice %arg16[%dma_wait3A_232, %multiple_of3A] : memref<16x10240xi32, #tpu.memory_space<vmem_shared>> -> memref<1x640xi32, #tpu.memory_space<vmem_shared>>
    %dma_wait3A_243 = tpu.memref_squeeze %dma_wait3A_242 : memref<1x640xi32, #tpu.memory_space<vmem_shared>> -> memref<640xi32, #tpu.memory_space<vmem_shared>>
    tpu.wait_dma2 semaphore(%arg21 : memref<!tpu.dma_semaphore, #tpu.memory_space<semaphore_mem>>) src(%dma_wait3A_243 : memref<640xi32, #tpu.memory_space<vmem_shared>>) dst(%dma_wait3A_241 : memref<640xi32, #tpu.memory_space<vmem>>)
    %dma_wait3A_244 = arith.constant 1 : i32
    %dma_wait3A_245 = arith.constant 1 : i32
    %dma_wait3A_246 = arith.constant 0 : i32
    %dma_wait3A_247 = tpu.memref_slice %arg9[%dma_wait3A_245, %dma_wait3A_246] : memref<16x640xi32, #tpu.memory_space<vmem>> -> memref<1x640xi32, #tpu.memory_space<vmem>>
    %dma_wait3A_248 = tpu.memref_squeeze %dma_wait3A_247 : memref<1x640xi32, #tpu.memory_space<vmem>> -> memref<640xi32, #tpu.memory_space<vmem>>
    %dma_wait3A_249 = tpu.memref_slice %arg16[%dma_wait3A_244, %multiple_of3A] : memref<16x10240xi32, #tpu.memory_space<vmem_shared>> -> memref<1x640xi32, #tpu.memory_space<vmem_shared>>
    %dma_wait3A_250 = tpu.memref_squeeze %dma_wait3A_249 : memref<1x640xi32, #tpu.memory_space<vmem_shared>> -> memref<640xi32, #tpu.memory_space<vmem_shared>>
    %dma_wait3A_251 = arith.constant 0 : i32
    %dma_wait3A_252 = tpu.memref_slice %arg9[%dma_wait3A_245, %dma_wait3A_251] : memref<16x640xi32, #tpu.memory_space<vmem>> -> memref<1x640xi32, #tpu.memory_space<vmem>>
    %dma_wait3A_253 = tpu.memref_squeeze %dma_wait3A_252 : memref<1x640xi32, #tpu.memory_space<vmem>> -> memref<640xi32, #tpu.memory_space<vmem>>
    %dma_wait3A_254 = tpu.memref_slice %arg16[%dma_wait3A_244, %multiple_of3A] : memref<16x10240xi32, #tpu.memory_space<vmem_shared>> -> memref<1x640xi32, #tpu.memory_space<vmem_shared>>
    %dma_wait3A_255 = tpu.memref_squeeze %dma_wait3A_254 : memref<1x640xi32, #tpu.memory_space<vmem_shared>> -> memref<640xi32, #tpu.memory_space<vmem_shared>>
    tpu.wait_dma2 semaphore(%arg21 : memref<!tpu.dma_semaphore, #tpu.memory_space<semaphore_mem>>) src(%dma_wait3A_255 : memref<640xi32, #tpu.memory_space<vmem_shared>>) dst(%dma_wait3A_253 : memref<640xi32, #tpu.memory_space<vmem>>)
    %dma_wait3A_256 = arith.constant 2 : i32
    %dma_wait3A_257 = arith.constant 2 : i32
    %dma_wait3A_258 = arith.constant 0 : i32
    %dma_wait3A_259 = tpu.memref_slice %arg9[%dma_wait3A_257, %dma_wait3A_258] : memref<16x640xi32, #tpu.memory_space<vmem>> -> memref<1x640xi32, #tpu.memory_space<vmem>>
    %dma_wait3A_260 = tpu.memref_squeeze %dma_wait3A_259 : memref<1x640xi32, #tpu.memory_space<vmem>> -> memref<640xi32, #tpu.memory_space<vmem>>
    %dma_wait3A_261 = tpu.memref_slice %arg16[%dma_wait3A_256, %multiple_of3A] : memref<16x10240xi32, #tpu.memory_space<vmem_shared>> -> memref<1x640xi32, #tpu.memory_space<vmem_shared>>
    %dma_wait3A_262 = tpu.memref_squeeze %dma_wait3A_261 : memref<1x640xi32, #tpu.memory_space<vmem_shared>> -> memref<640xi32, #tpu.memory_space<vmem_shared>>
    %dma_wait3A_263 = arith.constant 0 : i32
    %dma_wait3A_264 = tpu.memref_slice %arg9[%dma_wait3A_257, %dma_wait3A_263] : memref<16x640xi32, #tpu.memory_space<vmem>> -> memref<1x640xi32, #tpu.memory_space<vmem>>
    %dma_wait3A_265 = tpu.memref_squeeze %dma_wait3A_264 : memref<1x640xi32, #tpu.memory_space<vmem>> -> memref<640xi32, #tpu.memory_space<vmem>>
    %dma_wait3A_266 = tpu.memref_slice %arg16[%dma_wait3A_256, %multiple_of3A] : memref<16x10240xi32, #tpu.memory_space<vmem_shared>> -> memref<1x640xi32, #tpu.memory_space<vmem_shared>>
    %dma_wait3A_267 = tpu.memref_squeeze %dma_wait3A_266 : memref<1x640xi32, #tpu.memory_space<vmem_shared>> -> memref<640xi32, #tpu.memory_space<vmem_shared>>
    tpu.wait_dma2 semaphore(%arg21 : memref<!tpu.dma_semaphore, #tpu.memory_space<semaphore_mem>>) src(%dma_wait3A_267 : memref<640xi32, #tpu.memory_space<vmem_shared>>) dst(%dma_wait3A_265 : memref<640xi32, #tpu.memory_space<vmem>>)
    %dma_wait3A_268 = arith.constant 3 : i32
    %dma_wait3A_269 = arith.constant 3 : i32
    %dma_wait3A_270 = arith.constant 0 : i32
    %dma_wait3A_271 = tpu.memref_slice %arg9[%dma_wait3A_269, %dma_wait3A_270] : memref<16x640xi32, #tpu.memory_space<vmem>> -> memref<1x640xi32, #tpu.memory_space<vmem>>
    %dma_wait3A_272 = tpu.memref_squeeze %dma_wait3A_271 : memref<1x640xi32, #tpu.memory_space<vmem>> -> memref<640xi32, #tpu.memory_space<vmem>>
    %dma_wait3A_273 = tpu.memref_slice %arg16[%dma_wait3A_268, %multiple_of3A] : memref<16x10240xi32, #tpu.memory_space<vmem_shared>> -> memref<1x640xi32, #tpu.memory_space<vmem_shared>>
    %dma_wait3A_274 = tpu.memref_squeeze %dma_wait3A_273 : memref<1x640xi32, #tpu.memory_space<vmem_shared>> -> memref<640xi32, #tpu.memory_space<vmem_shared>>
    %dma_wait3A_275 = arith.constant 0 : i32
    %dma_wait3A_276 = tpu.memref_slice %arg9[%dma_wait3A_269, %dma_wait3A_275] : memref<16x640xi32, #tpu.memory_space<vmem>> -> memref<1x640xi32, #tpu.memory_space<vmem>>
    %dma_wait3A_277 = tpu.memref_squeeze %dma_wait3A_276 : memref<1x640xi32, #tpu.memory_space<vmem>> -> memref<640xi32, #tpu.memory_space<vmem>>
    %dma_wait3A_278 = tpu.memref_slice %arg16[%dma_wait3A_268, %multiple_of3A] : memref<16x10240xi32, #tpu.memory_space<vmem_shared>> -> memref<1x640xi32, #tpu.memory_space<vmem_shared>>
    %dma_wait3A_279 = tpu.memref_squeeze %dma_wait3A_278 : memref<1x640xi32, #tpu.memory_space<vmem_shared>> -> memref<640xi32, #tpu.memory_space<vmem_shared>>
    tpu.wait_dma2 semaphore(%arg21 : memref<!tpu.dma_semaphore, #tpu.memory_space<semaphore_mem>>) src(%dma_wait3A_279 : memref<640xi32, #tpu.memory_space<vmem_shared>>) dst(%dma_wait3A_277 : memref<640xi32, #tpu.memory_space<vmem>>)
    %dma_wait3A_280 = arith.constant 4 : i32
    %dma_wait3A_281 = arith.constant 4 : i32
    %dma_wait3A_282 = arith.constant 0 : i32
    %dma_wait3A_283 = tpu.memref_slice %arg9[%dma_wait3A_281, %dma_wait3A_282] : memref<16x640xi32, #tpu.memory_space<vmem>> -> memref<1x640xi32, #tpu.memory_space<vmem>>
    %dma_wait3A_284 = tpu.memref_squeeze %dma_wait3A_283 : memref<1x640xi32, #tpu.memory_space<vmem>> -> memref<640xi32, #tpu.memory_space<vmem>>
    %dma_wait3A_285 = tpu.memref_slice %arg16[%dma_wait3A_280, %multiple_of3A] : memref<16x10240xi32, #tpu.memory_space<vmem_shared>> -> memref<1x640xi32, #tpu.memory_space<vmem_shared>>
    %dma_wait3A_286 = tpu.memref_squeeze %dma_wait3A_285 : memref<1x640xi32, #tpu.memory_space<vmem_shared>> -> memref<640xi32, #tpu.memory_space<vmem_shared>>
    %dma_wait3A_287 = arith.constant 0 : i32
    %dma_wait3A_288 = tpu.memref_slice %arg9[%dma_wait3A_281, %dma_wait3A_287] : memref<16x640xi32, #tpu.memory_space<vmem>> -> memref<1x640xi32, #tpu.memory_space<vmem>>
    %dma_wait3A_289 = tpu.memref_squeeze %dma_wait3A_288 : memref<1x640xi32, #tpu.memory_space<vmem>> -> memref<640xi32, #tpu.memory_space<vmem>>
    %dma_wait3A_290 = tpu.memref_slice %arg16[%dma_wait3A_280, %multiple_of3A] : memref<16x10240xi32, #tpu.memory_space<vmem_shared>> -> memref<1x640xi32, #tpu.memory_space<vmem_shared>>
    %dma_wait3A_291 = tpu.memref_squeeze %dma_wait3A_290 : memref<1x640xi32, #tpu.memory_space<vmem_shared>> -> memref<640xi32, #tpu.memory_space<vmem_shared>>
    tpu.wait_dma2 semaphore(%arg21 : memref<!tpu.dma_semaphore, #tpu.memory_space<semaphore_mem>>) src(%dma_wait3A_291 : memref<640xi32, #tpu.memory_space<vmem_shared>>) dst(%dma_wait3A_289 : memref<640xi32, #tpu.memory_space<vmem>>)
    %dma_wait3A_292 = arith.constant 5 : i32
    %dma_wait3A_293 = arith.constant 5 : i32
    %dma_wait3A_294 = arith.constant 0 : i32
    %dma_wait3A_295 = tpu.memref_slice %arg9[%dma_wait3A_293, %dma_wait3A_294] : memref<16x640xi32, #tpu.memory_space<vmem>> -> memref<1x640xi32, #tpu.memory_space<vmem>>
    %dma_wait3A_296 = tpu.memref_squeeze %dma_wait3A_295 : memref<1x640xi32, #tpu.memory_space<vmem>> -> memref<640xi32, #tpu.memory_space<vmem>>
    %dma_wait3A_297 = tpu.memref_slice %arg16[%dma_wait3A_292, %multiple_of3A] : memref<16x10240xi32, #tpu.memory_space<vmem_shared>> -> memref<1x640xi32, #tpu.memory_space<vmem_shared>>
    %dma_wait3A_298 = tpu.memref_squeeze %dma_wait3A_297 : memref<1x640xi32, #tpu.memory_space<vmem_shared>> -> memref<640xi32, #tpu.memory_space<vmem_shared>>
    %dma_wait3A_299 = arith.constant 0 : i32
    %dma_wait3A_300 = tpu.memref_slice %arg9[%dma_wait3A_293, %dma_wait3A_299] : memref<16x640xi32, #tpu.memory_space<vmem>> -> memref<1x640xi32, #tpu.memory_space<vmem>>
    %dma_wait3A_301 = tpu.memref_squeeze %dma_wait3A_300 : memref<1x640xi32, #tpu.memory_space<vmem>> -> memref<640xi32, #tpu.memory_space<vmem>>
    %dma_wait3A_302 = tpu.memref_slice %arg16[%dma_wait3A_292, %multiple_of3A] : memref<16x10240xi32, #tpu.memory_space<vmem_shared>> -> memref<1x640xi32, #tpu.memory_space<vmem_shared>>
    %dma_wait3A_303 = tpu.memref_squeeze %dma_wait3A_302 : memref<1x640xi32, #tpu.memory_space<vmem_shared>> -> memref<640xi32, #tpu.memory_space<vmem_shared>>
    tpu.wait_dma2 semaphore(%arg21 : memref<!tpu.dma_semaphore, #tpu.memory_space<semaphore_mem>>) src(%dma_wait3A_303 : memref<640xi32, #tpu.memory_space<vmem_shared>>) dst(%dma_wait3A_301 : memref<640xi32, #tpu.memory_space<vmem>>)
    %dma_wait3A_304 = arith.constant 6 : i32
    %dma_wait3A_305 = arith.constant 6 : i32
    %dma_wait3A_306 = arith.constant 0 : i32
    %dma_wait3A_307 = tpu.memref_slice %arg9[%dma_wait3A_305, %dma_wait3A_306] : memref<16x640xi32, #tpu.memory_space<vmem>> -> memref<1x640xi32, #tpu.memory_space<vmem>>
    %dma_wait3A_308 = tpu.memref_squeeze %dma_wait3A_307 : memref<1x640xi32, #tpu.memory_space<vmem>> -> memref<640xi32, #tpu.memory_space<vmem>>
    %dma_wait3A_309 = tpu.memref_slice %arg16[%dma_wait3A_304, %multiple_of3A] : memref<16x10240xi32, #tpu.memory_space<vmem_shared>> -> memref<1x640xi32, #tpu.memory_space<vmem_shared>>
    %dma_wait3A_310 = tpu.memref_squeeze %dma_wait3A_309 : memref<1x640xi32, #tpu.memory_space<vmem_shared>> -> memref<640xi32, #tpu.memory_space<vmem_shared>>
    %dma_wait3A_311 = arith.constant 0 : i32
    %dma_wait3A_312 = tpu.memref_slice %arg9[%dma_wait3A_305, %dma_wait3A_311] : memref<16x640xi32, #tpu.memory_space<vmem>> -> memref<1x640xi32, #tpu.memory_space<vmem>>
    %dma_wait3A_313 = tpu.memref_squeeze %dma_wait3A_312 : memref<1x640xi32, #tpu.memory_space<vmem>> -> memref<640xi32, #tpu.memory_space<vmem>>
    %dma_wait3A_314 = tpu.memref_slice %arg16[%dma_wait3A_304, %multiple_of3A] : memref<16x10240xi32, #tpu.memory_space<vmem_shared>> -> memref<1x640xi32, #tpu.memory_space<vmem_shared>>
    %dma_wait3A_315 = tpu.memref_squeeze %dma_wait3A_314 : memref<1x640xi32, #tpu.memory_space<vmem_shared>> -> memref<640xi32, #tpu.memory_space<vmem_shared>>
    tpu.wait_dma2 semaphore(%arg21 : memref<!tpu.dma_semaphore, #tpu.memory_space<semaphore_mem>>) src(%dma_wait3A_315 : memref<640xi32, #tpu.memory_space<vmem_shared>>) dst(%dma_wait3A_313 : memref<640xi32, #tpu.memory_space<vmem>>)
    %dma_wait3A_316 = arith.constant 7 : i32
    %dma_wait3A_317 = arith.constant 7 : i32
    %dma_wait3A_318 = arith.constant 0 : i32
    %dma_wait3A_319 = tpu.memref_slice %arg9[%dma_wait3A_317, %dma_wait3A_318] : memref<16x640xi32, #tpu.memory_space<vmem>> -> memref<1x640xi32, #tpu.memory_space<vmem>>
    %dma_wait3A_320 = tpu.memref_squeeze %dma_wait3A_319 : memref<1x640xi32, #tpu.memory_space<vmem>> -> memref<640xi32, #tpu.memory_space<vmem>>
    %dma_wait3A_321 = tpu.memref_slice %arg16[%dma_wait3A_316, %multiple_of3A] : memref<16x10240xi32, #tpu.memory_space<vmem_shared>> -> memref<1x640xi32, #tpu.memory_space<vmem_shared>>
    %dma_wait3A_322 = tpu.memref_squeeze %dma_wait3A_321 : memref<1x640xi32, #tpu.memory_space<vmem_shared>> -> memref<640xi32, #tpu.memory_space<vmem_shared>>
    %dma_wait3A_323 = arith.constant 0 : i32
    %dma_wait3A_324 = tpu.memref_slice %arg9[%dma_wait3A_317, %dma_wait3A_323] : memref<16x640xi32, #tpu.memory_space<vmem>> -> memref<1x640xi32, #tpu.memory_space<vmem>>
    %dma_wait3A_325 = tpu.memref_squeeze %dma_wait3A_324 : memref<1x640xi32, #tpu.memory_space<vmem>> -> memref<640xi32, #tpu.memory_space<vmem>>
    %dma_wait3A_326 = tpu.memref_slice %arg16[%dma_wait3A_316, %multiple_of3A] : memref<16x10240xi32, #tpu.memory_space<vmem_shared>> -> memref<1x640xi32, #tpu.memory_space<vmem_shared>>
    %dma_wait3A_327 = tpu.memref_squeeze %dma_wait3A_326 : memref<1x640xi32, #tpu.memory_space<vmem_shared>> -> memref<640xi32, #tpu.memory_space<vmem_shared>>
    tpu.wait_dma2 semaphore(%arg21 : memref<!tpu.dma_semaphore, #tpu.memory_space<semaphore_mem>>) src(%dma_wait3A_327 : memref<640xi32, #tpu.memory_space<vmem_shared>>) dst(%dma_wait3A_325 : memref<640xi32, #tpu.memory_space<vmem>>)
    %dma_wait3A_328 = arith.constant 8 : i32
    %dma_wait3A_329 = arith.constant 8 : i32
    %dma_wait3A_330 = arith.constant 0 : i32
    %dma_wait3A_331 = tpu.memref_slice %arg9[%dma_wait3A_329, %dma_wait3A_330] : memref<16x640xi32, #tpu.memory_space<vmem>> -> memref<1x640xi32, #tpu.memory_space<vmem>>
    %dma_wait3A_332 = tpu.memref_squeeze %dma_wait3A_331 : memref<1x640xi32, #tpu.memory_space<vmem>> -> memref<640xi32, #tpu.memory_space<vmem>>
    %dma_wait3A_333 = tpu.memref_slice %arg16[%dma_wait3A_328, %multiple_of3A] : memref<16x10240xi32, #tpu.memory_space<vmem_shared>> -> memref<1x640xi32, #tpu.memory_space<vmem_shared>>
    %dma_wait3A_334 = tpu.memref_squeeze %dma_wait3A_333 : memref<1x640xi32, #tpu.memory_space<vmem_shared>> -> memref<640xi32, #tpu.memory_space<vmem_shared>>
    %dma_wait3A_335 = arith.constant 0 : i32
    %dma_wait3A_336 = tpu.memref_slice %arg9[%dma_wait3A_329, %dma_wait3A_335] : memref<16x640xi32, #tpu.memory_space<vmem>> -> memref<1x640xi32, #tpu.memory_space<vmem>>
    %dma_wait3A_337 = tpu.memref_squeeze %dma_wait3A_336 : memref<1x640xi32, #tpu.memory_space<vmem>> -> memref<640xi32, #tpu.memory_space<vmem>>
    %dma_wait3A_338 = tpu.memref_slice %arg16[%dma_wait3A_328, %multiple_of3A] : memref<16x10240xi32, #tpu.memory_space<vmem_shared>> -> memref<1x640xi32, #tpu.memory_space<vmem_shared>>
    %dma_wait3A_339 = tpu.memref_squeeze %dma_wait3A_338 : memref<1x640xi32, #tpu.memory_space<vmem_shared>> -> memref<640xi32, #tpu.memory_space<vmem_shared>>
    tpu.wait_dma2 semaphore(%arg21 : memref<!tpu.dma_semaphore, #tpu.memory_space<semaphore_mem>>) src(%dma_wait3A_339 : memref<640xi32, #tpu.memory_space<vmem_shared>>) dst(%dma_wait3A_337 : memref<640xi32, #tpu.memory_space<vmem>>)
    %dma_wait3A_340 = arith.constant 9 : i32
    %dma_wait3A_341 = arith.constant 9 : i32
    %dma_wait3A_342 = arith.constant 0 : i32
    %dma_wait3A_343 = tpu.memref_slice %arg9[%dma_wait3A_341, %dma_wait3A_342] : memref<16x640xi32, #tpu.memory_space<vmem>> -> memref<1x640xi32, #tpu.memory_space<vmem>>
    %dma_wait3A_344 = tpu.memref_squeeze %dma_wait3A_343 : memref<1x640xi32, #tpu.memory_space<vmem>> -> memref<640xi32, #tpu.memory_space<vmem>>
    %dma_wait3A_345 = tpu.memref_slice %arg16[%dma_wait3A_340, %multiple_of3A] : memref<16x10240xi32, #tpu.memory_space<vmem_shared>> -> memref<1x640xi32, #tpu.memory_space<vmem_shared>>
    %dma_wait3A_346 = tpu.memref_squeeze %dma_wait3A_345 : memref<1x640xi32, #tpu.memory_space<vmem_shared>> -> memref<640xi32, #tpu.memory_space<vmem_shared>>
    %dma_wait3A_347 = arith.constant 0 : i32
    %dma_wait3A_348 = tpu.memref_slice %arg9[%dma_wait3A_341, %dma_wait3A_347] : memref<16x640xi32, #tpu.memory_space<vmem>> -> memref<1x640xi32, #tpu.memory_space<vmem>>
    %dma_wait3A_349 = tpu.memref_squeeze %dma_wait3A_348 : memref<1x640xi32, #tpu.memory_space<vmem>> -> memref<640xi32, #tpu.memory_space<vmem>>
    %dma_wait3A_350 = tpu.memref_slice %arg16[%dma_wait3A_340, %multiple_of3A] : memref<16x10240xi32, #tpu.memory_space<vmem_shared>> -> memref<1x640xi32, #tpu.memory_space<vmem_shared>>
    %dma_wait3A_351 = tpu.memref_squeeze %dma_wait3A_350 : memref<1x640xi32, #tpu.memory_space<vmem_shared>> -> memref<640xi32, #tpu.memory_space<vmem_shared>>
    tpu.wait_dma2 semaphore(%arg21 : memref<!tpu.dma_semaphore, #tpu.memory_space<semaphore_mem>>) src(%dma_wait3A_351 : memref<640xi32, #tpu.memory_space<vmem_shared>>) dst(%dma_wait3A_349 : memref<640xi32, #tpu.memory_space<vmem>>)
    %dma_wait3A_352 = arith.constant 10 : i32
    %dma_wait3A_353 = arith.constant 10 : i32
    %dma_wait3A_354 = arith.constant 0 : i32
    %dma_wait3A_355 = tpu.memref_slice %arg9[%dma_wait3A_353, %dma_wait3A_354] : memref<16x640xi32, #tpu.memory_space<vmem>> -> memref<1x640xi32, #tpu.memory_space<vmem>>
    %dma_wait3A_356 = tpu.memref_squeeze %dma_wait3A_355 : memref<1x640xi32, #tpu.memory_space<vmem>> -> memref<640xi32, #tpu.memory_space<vmem>>
    %dma_wait3A_357 = tpu.memref_slice %arg16[%dma_wait3A_352, %multiple_of3A] : memref<16x10240xi32, #tpu.memory_space<vmem_shared>> -> memref<1x640xi32, #tpu.memory_space<vmem_shared>>
    %dma_wait3A_358 = tpu.memref_squeeze %dma_wait3A_357 : memref<1x640xi32, #tpu.memory_space<vmem_shared>> -> memref<640xi32, #tpu.memory_space<vmem_shared>>
    %dma_wait3A_359 = arith.constant 0 : i32
    %dma_wait3A_360 = tpu.memref_slice %arg9[%dma_wait3A_353, %dma_wait3A_359] : memref<16x640xi32, #tpu.memory_space<vmem>> -> memref<1x640xi32, #tpu.memory_space<vmem>>
    %dma_wait3A_361 = tpu.memref_squeeze %dma_wait3A_360 : memref<1x640xi32, #tpu.memory_space<vmem>> -> memref<640xi32, #tpu.memory_space<vmem>>
    %dma_wait3A_362 = tpu.memref_slice %arg16[%dma_wait3A_352, %multiple_of3A] : memref<16x10240xi32, #tpu.memory_space<vmem_shared>> -> memref<1x640xi32, #tpu.memory_space<vmem_shared>>
    %dma_wait3A_363 = tpu.memref_squeeze %dma_wait3A_362 : memref<1x640xi32, #tpu.memory_space<vmem_shared>> -> memref<640xi32, #tpu.memory_space<vmem_shared>>
    tpu.wait_dma2 semaphore(%arg21 : memref<!tpu.dma_semaphore, #tpu.memory_space<semaphore_mem>>) src(%dma_wait3A_363 : memref<640xi32, #tpu.memory_space<vmem_shared>>) dst(%dma_wait3A_361 : memref<640xi32, #tpu.memory_space<vmem>>)
    %dma_wait3A_364 = arith.constant 11 : i32
    %dma_wait3A_365 = arith.constant 11 : i32
    %dma_wait3A_366 = arith.constant 0 : i32
    %dma_wait3A_367 = tpu.memref_slice %arg9[%dma_wait3A_365, %dma_wait3A_366] : memref<16x640xi32, #tpu.memory_space<vmem>> -> memref<1x640xi32, #tpu.memory_space<vmem>>
    %dma_wait3A_368 = tpu.memref_squeeze %dma_wait3A_367 : memref<1x640xi32, #tpu.memory_space<vmem>> -> memref<640xi32, #tpu.memory_space<vmem>>
    %dma_wait3A_369 = tpu.memref_slice %arg16[%dma_wait3A_364, %multiple_of3A] : memref<16x10240xi32, #tpu.memory_space<vmem_shared>> -> memref<1x640xi32, #tpu.memory_space<vmem_shared>>
    %dma_wait3A_370 = tpu.memref_squeeze %dma_wait3A_369 : memref<1x640xi32, #tpu.memory_space<vmem_shared>> -> memref<640xi32, #tpu.memory_space<vmem_shared>>
    %dma_wait3A_371 = arith.constant 0 : i32
    %dma_wait3A_372 = tpu.memref_slice %arg9[%dma_wait3A_365, %dma_wait3A_371] : memref<16x640xi32, #tpu.memory_space<vmem>> -> memref<1x640xi32, #tpu.memory_space<vmem>>
    %dma_wait3A_373 = tpu.memref_squeeze %dma_wait3A_372 : memref<1x640xi32, #tpu.memory_space<vmem>> -> memref<640xi32, #tpu.memory_space<vmem>>
    %dma_wait3A_374 = tpu.memref_slice %arg16[%dma_wait3A_364, %multiple_of3A] : memref<16x10240xi32, #tpu.memory_space<vmem_shared>> -> memref<1x640xi32, #tpu.memory_space<vmem_shared>>
    %dma_wait3A_375 = tpu.memref_squeeze %dma_wait3A_374 : memref<1x640xi32, #tpu.memory_space<vmem_shared>> -> memref<640xi32, #tpu.memory_space<vmem_shared>>
    tpu.wait_dma2 semaphore(%arg21 : memref<!tpu.dma_semaphore, #tpu.memory_space<semaphore_mem>>) src(%dma_wait3A_375 : memref<640xi32, #tpu.memory_space<vmem_shared>>) dst(%dma_wait3A_373 : memref<640xi32, #tpu.memory_space<vmem>>)
    %dma_wait3A_376 = arith.constant 12 : i32
    %dma_wait3A_377 = arith.constant 12 : i32
    %dma_wait3A_378 = arith.constant 0 : i32
    %dma_wait3A_379 = tpu.memref_slice %arg9[%dma_wait3A_377, %dma_wait3A_378] : memref<16x640xi32, #tpu.memory_space<vmem>> -> memref<1x640xi32, #tpu.memory_space<vmem>>
    %dma_wait3A_380 = tpu.memref_squeeze %dma_wait3A_379 : memref<1x640xi32, #tpu.memory_space<vmem>> -> memref<640xi32, #tpu.memory_space<vmem>>
    %dma_wait3A_381 = tpu.memref_slice %arg16[%dma_wait3A_376, %multiple_of3A] : memref<16x10240xi32, #tpu.memory_space<vmem_shared>> -> memref<1x640xi32, #tpu.memory_space<vmem_shared>>
    %dma_wait3A_382 = tpu.memref_squeeze %dma_wait3A_381 : memref<1x640xi32, #tpu.memory_space<vmem_shared>> -> memref<640xi32, #tpu.memory_space<vmem_shared>>
    %dma_wait3A_383 = arith.constant 0 : i32
    %dma_wait3A_384 = tpu.memref_slice %arg9[%dma_wait3A_377, %dma_wait3A_383] : memref<16x640xi32, #tpu.memory_space<vmem>> -> memref<1x640xi32, #tpu.memory_space<vmem>>
    %dma_wait3A_385 = tpu.memref_squeeze %dma_wait3A_384 : memref<1x640xi32, #tpu.memory_space<vmem>> -> memref<640xi32, #tpu.memory_space<vmem>>
    %dma_wait3A_386 = tpu.memref_slice %arg16[%dma_wait3A_376, %multiple_of3A] : memref<16x10240xi32, #tpu.memory_space<vmem_shared>> -> memref<1x640xi32, #tpu.memory_space<vmem_shared>>
    %dma_wait3A_387 = tpu.memref_squeeze %dma_wait3A_386 : memref<1x640xi32, #tpu.memory_space<vmem_shared>> -> memref<640xi32, #tpu.memory_space<vmem_shared>>
    tpu.wait_dma2 semaphore(%arg21 : memref<!tpu.dma_semaphore, #tpu.memory_space<semaphore_mem>>) src(%dma_wait3A_387 : memref<640xi32, #tpu.memory_space<vmem_shared>>) dst(%dma_wait3A_385 : memref<640xi32, #tpu.memory_space<vmem>>)
    %dma_wait3A_388 = arith.constant 13 : i32
    %dma_wait3A_389 = arith.constant 13 : i32
    %dma_wait3A_390 = arith.constant 0 : i32
    %dma_wait3A_391 = tpu.memref_slice %arg9[%dma_wait3A_389, %dma_wait3A_390] : memref<16x640xi32, #tpu.memory_space<vmem>> -> memref<1x640xi32, #tpu.memory_space<vmem>>
    %dma_wait3A_392 = tpu.memref_squeeze %dma_wait3A_391 : memref<1x640xi32, #tpu.memory_space<vmem>> -> memref<640xi32, #tpu.memory_space<vmem>>
    %dma_wait3A_393 = tpu.memref_slice %arg16[%dma_wait3A_388, %multiple_of3A] : memref<16x10240xi32, #tpu.memory_space<vmem_shared>> -> memref<1x640xi32, #tpu.memory_space<vmem_shared>>
    %dma_wait3A_394 = tpu.memref_squeeze %dma_wait3A_393 : memref<1x640xi32, #tpu.memory_space<vmem_shared>> -> memref<640xi32, #tpu.memory_space<vmem_shared>>
    %dma_wait3A_395 = arith.constant 0 : i32
    %dma_wait3A_396 = tpu.memref_slice %arg9[%dma_wait3A_389, %dma_wait3A_395] : memref<16x640xi32, #tpu.memory_space<vmem>> -> memref<1x640xi32, #tpu.memory_space<vmem>>
    %dma_wait3A_397 = tpu.memref_squeeze %dma_wait3A_396 : memref<1x640xi32, #tpu.memory_space<vmem>> -> memref<640xi32, #tpu.memory_space<vmem>>
    %dma_wait3A_398 = tpu.memref_slice %arg16[%dma_wait3A_388, %multiple_of3A] : memref<16x10240xi32, #tpu.memory_space<vmem_shared>> -> memref<1x640xi32, #tpu.memory_space<vmem_shared>>
    %dma_wait3A_399 = tpu.memref_squeeze %dma_wait3A_398 : memref<1x640xi32, #tpu.memory_space<vmem_shared>> -> memref<640xi32, #tpu.memory_space<vmem_shared>>
    tpu.wait_dma2 semaphore(%arg21 : memref<!tpu.dma_semaphore, #tpu.memory_space<semaphore_mem>>) src(%dma_wait3A_399 : memref<640xi32, #tpu.memory_space<vmem_shared>>) dst(%dma_wait3A_397 : memref<640xi32, #tpu.memory_space<vmem>>)
    %dma_wait3A_400 = arith.constant 14 : i32
    %dma_wait3A_401 = arith.constant 14 : i32
    %dma_wait3A_402 = arith.constant 0 : i32
    %dma_wait3A_403 = tpu.memref_slice %arg9[%dma_wait3A_401, %dma_wait3A_402] : memref<16x640xi32, #tpu.memory_space<vmem>> -> memref<1x640xi32, #tpu.memory_space<vmem>>
    %dma_wait3A_404 = tpu.memref_squeeze %dma_wait3A_403 : memref<1x640xi32, #tpu.memory_space<vmem>> -> memref<640xi32, #tpu.memory_space<vmem>>
    %dma_wait3A_405 = tpu.memref_slice %arg16[%dma_wait3A_400, %multiple_of3A] : memref<16x10240xi32, #tpu.memory_space<vmem_shared>> -> memref<1x640xi32, #tpu.memory_space<vmem_shared>>
    %dma_wait3A_406 = tpu.memref_squeeze %dma_wait3A_405 : memref<1x640xi32, #tpu.memory_space<vmem_shared>> -> memref<640xi32, #tpu.memory_space<vmem_shared>>
    %dma_wait3A_407 = arith.constant 0 : i32
    %dma_wait3A_408 = tpu.memref_slice %arg9[%dma_wait3A_401, %dma_wait3A_407] : memref<16x640xi32, #tpu.memory_space<vmem>> -> memref<1x640xi32, #tpu.memory_space<vmem>>
    %dma_wait3A_409 = tpu.memref_squeeze %dma_wait3A_408 : memref<1x640xi32, #tpu.memory_space<vmem>> -> memref<640xi32, #tpu.memory_space<vmem>>
    %dma_wait3A_410 = tpu.memref_slice %arg16[%dma_wait3A_400, %multiple_of3A] : memref<16x10240xi32, #tpu.memory_space<vmem_shared>> -> memref<1x640xi32, #tpu.memory_space<vmem_shared>>
    %dma_wait3A_411 = tpu.memref_squeeze %dma_wait3A_410 : memref<1x640xi32, #tpu.memory_space<vmem_shared>> -> memref<640xi32, #tpu.memory_space<vmem_shared>>
    tpu.wait_dma2 semaphore(%arg21 : memref<!tpu.dma_semaphore, #tpu.memory_space<semaphore_mem>>) src(%dma_wait3A_411 : memref<640xi32, #tpu.memory_space<vmem_shared>>) dst(%dma_wait3A_409 : memref<640xi32, #tpu.memory_space<vmem>>)
    %dma_wait3A_412 = arith.constant 15 : i32
    %dma_wait3A_413 = arith.constant 15 : i32
    %dma_wait3A_414 = arith.constant 0 : i32
    %dma_wait3A_415 = tpu.memref_slice %arg9[%dma_wait3A_413, %dma_wait3A_414] : memref<16x640xi32, #tpu.memory_space<vmem>> -> memref<1x640xi32, #tpu.memory_space<vmem>>
    %dma_wait3A_416 = tpu.memref_squeeze %dma_wait3A_415 : memref<1x640xi32, #tpu.memory_space<vmem>> -> memref<640xi32, #tpu.memory_space<vmem>>
    %dma_wait3A_417 = tpu.memref_slice %arg16[%dma_wait3A_412, %multiple_of3A] : memref<16x10240xi32, #tpu.memory_space<vmem_shared>> -> memref<1x640xi32, #tpu.memory_space<vmem_shared>>
    %dma_wait3A_418 = tpu.memref_squeeze %dma_wait3A_417 : memref<1x640xi32, #tpu.memory_space<vmem_shared>> -> memref<640xi32, #tpu.memory_space<vmem_shared>>
    %dma_wait3A_419 = arith.constant 0 : i32
    %dma_wait3A_420 = tpu.memref_slice %arg9[%dma_wait3A_413, %dma_wait3A_419] : memref<16x640xi32, #tpu.memory_space<vmem>> -> memref<1x640xi32, #tpu.memory_space<vmem>>
    %dma_wait3A_421 = tpu.memref_squeeze %dma_wait3A_420 : memref<1x640xi32, #tpu.memory_space<vmem>> -> memref<640xi32, #tpu.memory_space<vmem>>
    %dma_wait3A_422 = tpu.memref_slice %arg16[%dma_wait3A_412, %multiple_of3A] : memref<16x10240xi32, #tpu.memory_space<vmem_shared>> -> memref<1x640xi32, #tpu.memory_space<vmem_shared>>
    %dma_wait3A_423 = tpu.memref_squeeze %dma_wait3A_422 : memref<1x640xi32, #tpu.memory_space<vmem_shared>> -> memref<640xi32, #tpu.memory_space<vmem_shared>>
    tpu.wait_dma2 semaphore(%arg21 : memref<!tpu.dma_semaphore, #tpu.memory_space<semaphore_mem>>) src(%dma_wait3A_423 : memref<640xi32, #tpu.memory_space<vmem_shared>>) dst(%dma_wait3A_421 : memref<640xi32, #tpu.memory_space<vmem>>)
    %parallel_loop3A_424 = arith.constant 0 : i32
    %parallel_loop3A_425 = arith.constant 40 : i32
    %parallel_loop3A_426 = arith.constant 1 : i32
    scf.for %parallel_loop3A_1311 = %parallel_loop3A_424 to %parallel_loop3A_425 step %parallel_loop3A_426  : i32 {
      %parallel_loop3A_1312 = arith.constant 16 : i32
      %parallel_loop3A_1313 = arith.muli %parallel_loop3A_1311, %parallel_loop3A_1312 : i32
      %parallel_loop3A_1314 = tpu.assume_multiple %parallel_loop3A_1313, 16 : i32
      %parallel_loop3A_1315 = arith.constant 0 : i32
      %parallel_loop3A_1316 = arith.index_cast %parallel_loop3A_1315 : i32 to index
      %parallel_loop3A_1317 = arith.index_cast %parallel_loop3A_1314 : i32 to index
      %parallel_loop3A_1318 = tpu.vector_load %arg9[%parallel_loop3A_1316, %parallel_loop3A_1317] {strides = array<i32>} : memref<16x640xi32, #tpu.memory_space<vmem>>, vector<16xi32>,
      %parallel_loop3A_1319 = arith.constant 1 : i32
      %parallel_loop3A_1320 = arith.index_cast %parallel_loop3A_1319 : i32 to index
      %parallel_loop3A_1321 = arith.index_cast %parallel_loop3A_1314 : i32 to index
      %parallel_loop3A_1322 = tpu.vector_load %arg9[%parallel_loop3A_1320, %parallel_loop3A_1321] {strides = array<i32>} : memref<16x640xi32, #tpu.memory_space<vmem>>, vector<16xi32>,
      %parallel_loop3A_1323 = arith.addi %parallel_loop3A_1318, %parallel_loop3A_1322 : vector<16xi32>
      %parallel_loop3A_1324 = arith.constant 2 : i32
      %parallel_loop3A_1325 = arith.index_cast %parallel_loop3A_1324 : i32 to index
      %parallel_loop3A_1326 = arith.index_cast %parallel_loop3A_1314 : i32 to index
      %parallel_loop3A_1327 = tpu.vector_load %arg9[%parallel_loop3A_1325, %parallel_loop3A_1326] {strides = array<i32>} : memref<16x640xi32, #tpu.memory_space<vmem>>, vector<16xi32>,
      %parallel_loop3A_1328 = arith.addi %parallel_loop3A_1323, %parallel_loop3A_1327 : vector<16xi32>
      %parallel_loop3A_1329 = arith.constant 3 : i32
      %parallel_loop3A_1330 = arith.index_cast %parallel_loop3A_1329 : i32 to index
      %parallel_loop3A_1331 = arith.index_cast %parallel_loop3A_1314 : i32 to index
      %parallel_loop3A_1332 = tpu.vector_load %arg9[%parallel_loop3A_1330, %parallel_loop3A_1331] {strides = array<i32>} : memref<16x640xi32, #tpu.memory_space<vmem>>, vector<16xi32>,
      %parallel_loop3A_1333 = arith.addi %parallel_loop3A_1328, %parallel_loop3A_1332 : vector<16xi32>
      %parallel_loop3A_1334 = arith.constant 4 : i32
      %parallel_loop3A_1335 = arith.index_cast %parallel_loop3A_1334 : i32 to index
      %parallel_loop3A_1336 = arith.index_cast %parallel_loop3A_1314 : i32 to index
      %parallel_loop3A_1337 = tpu.vector_load %arg9[%parallel_loop3A_1335, %parallel_loop3A_1336] {strides = array<i32>} : memref<16x640xi32, #tpu.memory_space<vmem>>, vector<16xi32>,
      %parallel_loop3A_1338 = arith.addi %parallel_loop3A_1333, %parallel_loop3A_1337 : vector<16xi32>
      %parallel_loop3A_1339 = arith.constant 5 : i32
      %parallel_loop3A_1340 = arith.index_cast %parallel_loop3A_1339 : i32 to index
      %parallel_loop3A_1341 = arith.index_cast %parallel_loop3A_1314 : i32 to index
      %parallel_loop3A_1342 = tpu.vector_load %arg9[%parallel_loop3A_1340, %parallel_loop3A_1341] {strides = array<i32>} : memref<16x640xi32, #tpu.memory_space<vmem>>, vector<16xi32>,
      %parallel_loop3A_1343 = arith.addi %parallel_loop3A_1338, %parallel_loop3A_1342 : vector<16xi32>
      %parallel_loop3A_1344 = arith.constant 6 : i32
      %parallel_loop3A_1345 = arith.index_cast %parallel_loop3A_1344 : i32 to index
      %parallel_loop3A_1346 = arith.index_cast %parallel_loop3A_1314 : i32 to index
      %parallel_loop3A_1347 = tpu.vector_load %arg9[%parallel_loop3A_1345, %parallel_loop3A_1346] {strides = array<i32>} : memref<16x640xi32, #tpu.memory_space<vmem>>, vector<16xi32>,
      %parallel_loop3A_1348 = arith.addi %parallel_loop3A_1343, %parallel_loop3A_1347 : vector<16xi32>
      %parallel_loop3A_1349 = arith.constant 7 : i32
      %parallel_loop3A_1350 = arith.index_cast %parallel_loop3A_1349 : i32 to index
      %parallel_loop3A_1351 = arith.index_cast %parallel_loop3A_1314 : i32 to index
      %parallel_loop3A_1352 = tpu.vector_load %arg9[%parallel_loop3A_1350, %parallel_loop3A_1351] {strides = array<i32>} : memref<16x640xi32, #tpu.memory_space<vmem>>, vector<16xi32>,
      %parallel_loop3A_1353 = arith.addi %parallel_loop3A_1348, %parallel_loop3A_1352 : vector<16xi32>
      %parallel_loop3A_1354 = arith.constant 8 : i32
      %parallel_loop3A_1355 = arith.index_cast %parallel_loop3A_1354 : i32 to index
      %parallel_loop3A_1356 = arith.index_cast %parallel_loop3A_1314 : i32 to index
      %parallel_loop3A_1357 = tpu.vector_load %arg9[%parallel_loop3A_1355, %parallel_loop3A_1356] {strides = array<i32>} : memref<16x640xi32, #tpu.memory_space<vmem>>, vector<16xi32>,
      %parallel_loop3A_1358 = arith.addi %parallel_loop3A_1353, %parallel_loop3A_1357 : vector<16xi32>
      %parallel_loop3A_1359 = arith.constant 9 : i32
      %parallel_loop3A_1360 = arith.index_cast %parallel_loop3A_1359 : i32 to index
      %parallel_loop3A_1361 = arith.index_cast %parallel_loop3A_1314 : i32 to index
      %parallel_loop3A_1362 = tpu.vector_load %arg9[%parallel_loop3A_1360, %parallel_loop3A_1361] {strides = array<i32>} : memref<16x640xi32, #tpu.memory_space<vmem>>, vector<16xi32>,
      %parallel_loop3A_1363 = arith.addi %parallel_loop3A_1358, %parallel_loop3A_1362 : vector<16xi32>
      %parallel_loop3A_1364 = arith.constant 10 : i32
      %parallel_loop3A_1365 = arith.index_cast %parallel_loop3A_1364 : i32 to index
      %parallel_loop3A_1366 = arith.index_cast %parallel_loop3A_1314 : i32 to index
      %parallel_loop3A_1367 = tpu.vector_load %arg9[%parallel_loop3A_1365, %parallel_loop3A_1366] {strides = array<i32>} : memref<16x640xi32, #tpu.memory_space<vmem>>, vector<16xi32>,
      %parallel_loop3A_1368 = arith.addi %parallel_loop3A_1363, %parallel_loop3A_1367 : vector<16xi32>
      %parallel_loop3A_1369 = arith.constant 11 : i32
      %parallel_loop3A_1370 = arith.index_cast %parallel_loop3A_1369 : i32 to index
      %parallel_loop3A_1371 = arith.index_cast %parallel_loop3A_1314 : i32 to index
      %parallel_loop3A_1372 = tpu.vector_load %arg9[%parallel_loop3A_1370, %parallel_loop3A_1371] {strides = array<i32>} : memref<16x640xi32, #tpu.memory_space<vmem>>, vector<16xi32>,
      %parallel_loop3A_1373 = arith.addi %parallel_loop3A_1368, %parallel_loop3A_1372 : vector<16xi32>
      %parallel_loop3A_1374 = arith.constant 12 : i32
      %parallel_loop3A_1375 = arith.index_cast %parallel_loop3A_1374 : i32 to index
      %parallel_loop3A_1376 = arith.index_cast %parallel_loop3A_1314 : i32 to index
      %parallel_loop3A_1377 = tpu.vector_load %arg9[%parallel_loop3A_1375, %parallel_loop3A_1376] {strides = array<i32>} : memref<16x640xi32, #tpu.memory_space<vmem>>, vector<16xi32>,
      %parallel_loop3A_1378 = arith.addi %parallel_loop3A_1373, %parallel_loop3A_1377 : vector<16xi32>
      %parallel_loop3A_1379 = arith.constant 13 : i32
      %parallel_loop3A_1380 = arith.index_cast %parallel_loop3A_1379 : i32 to index
      %parallel_loop3A_1381 = arith.index_cast %parallel_loop3A_1314 : i32 to index
      %parallel_loop3A_1382 = tpu.vector_load %arg9[%parallel_loop3A_1380, %parallel_loop3A_1381] {strides = array<i32>} : memref<16x640xi32, #tpu.memory_space<vmem>>, vector<16xi32>,
      %parallel_loop3A_1383 = arith.addi %parallel_loop3A_1378, %parallel_loop3A_1382 : vector<16xi32>
      %parallel_loop3A_1384 = arith.constant 14 : i32
      %parallel_loop3A_1385 = arith.index_cast %parallel_loop3A_1384 : i32 to index
      %parallel_loop3A_1386 = arith.index_cast %parallel_loop3A_1314 : i32 to index
      %parallel_loop3A_1387 = tpu.vector_load %arg9[%parallel_loop3A_1385, %parallel_loop3A_1386] {strides = array<i32>} : memref<16x640xi32, #tpu.memory_space<vmem>>, vector<16xi32>,
      %parallel_loop3A_1388 = arith.addi %parallel_loop3A_1383, %parallel_loop3A_1387 : vector<16xi32>
      %parallel_loop3A_1389 = arith.constant 15 : i32
      %parallel_loop3A_1390 = arith.index_cast %parallel_loop3A_1389 : i32 to index
      %parallel_loop3A_1391 = arith.index_cast %parallel_loop3A_1314 : i32 to index
      %parallel_loop3A_1392 = tpu.vector_load %arg9[%parallel_loop3A_1390, %parallel_loop3A_1391] {strides = array<i32>} : memref<16x640xi32, #tpu.memory_space<vmem>>, vector<16xi32>,
      %parallel_loop3A_1393 = arith.addi %parallel_loop3A_1388, %parallel_loop3A_1392 : vector<16xi32>
      %parallel_loop3A_1394 = arith.index_cast %parallel_loop3A_1314 : i32 to index
      %parallel_loop3A_1395 = tpu.vector_load %arg6[%parallel_loop3A_1394] {strides = array<i32>} : memref<640xi32, #tpu.memory_space<vmem>>, vector<16xi32>,
      %parallel_loop3A_1396 = arith.constant -1640531535 : i32
      %parallel_loop3A_1397 = vector.broadcast %parallel_loop3A_1396 : i32 to vector<16xi32>
      %parallel_loop3A_1398 = arith.muli %parallel_loop3A_1395, %parallel_loop3A_1397 : vector<16xi32>
      %parallel_loop3A_1399 = arith.xori %parallel_loop3A_1398, %parallel_loop3A_1393 : vector<16xi32>
      %parallel_loop3A_1400 = arith.constant -2048144789 : i32
      %parallel_loop3A_1401 = vector.broadcast %parallel_loop3A_1400 : i32 to vector<16xi32>
      %parallel_loop3A_1402 = arith.muli %parallel_loop3A_1399, %parallel_loop3A_1401 : vector<16xi32>
      %parallel_loop3A_1403 = arith.constant 13 : i32
      %parallel_loop3A_1404 = vector.broadcast %parallel_loop3A_1403 : i32 to vector<16xi32>
      %parallel_loop3A_1405 = arith.shrui %parallel_loop3A_1402, %parallel_loop3A_1404 : vector<16xi32>
      %parallel_loop3A_1406 = arith.xori %parallel_loop3A_1402, %parallel_loop3A_1405 : vector<16xi32>
      %parallel_loop3A_1407 = arith.constant -1028477387 : i32
      %parallel_loop3A_1408 = vector.broadcast %parallel_loop3A_1407 : i32 to vector<16xi32>
      %parallel_loop3A_1409 = arith.muli %parallel_loop3A_1406, %parallel_loop3A_1408 : vector<16xi32>
      %parallel_loop3A_1410 = arith.constant 16 : i32
      %parallel_loop3A_1411 = vector.broadcast %parallel_loop3A_1410 : i32 to vector<16xi32>
      %parallel_loop3A_1412 = arith.shrui %parallel_loop3A_1409, %parallel_loop3A_1411 : vector<16xi32>
      %parallel_loop3A_1413 = arith.xori %parallel_loop3A_1409, %parallel_loop3A_1412 : vector<16xi32>
      %parallel_loop3A_1414 = arith.index_cast %parallel_loop3A_1314 : i32 to index
      %parallel_loop3A_1415 = tpu.vector_load %arg6[%parallel_loop3A_1414] {strides = array<i32>} : memref<640xi32, #tpu.memory_space<vmem>>, vector<16xi32>,
      tpu.vector_store %arg6[%parallel_loop3A_1414], %parallel_loop3A_1413 {strides = array<i32>} : memref<640xi32, #tpu.memory_space<vmem>>, vector<16xi32>,
    } {sc.loop_unroll_factor = 4 : i64, sc.parallel_access}
    %parallel_loop3A_427 = arith.constant 0 : i32
    %parallel_loop3A_428 = arith.constant 40 : i32
    %parallel_loop3A_429 = arith.constant 1 : i32
    "tpu.trace_stop"() : () -> ()
    "tpu.trace_start"() <{level = 10 : i32, message = "mixshare"}> : () -> ()
    scf.for %parallel_loop3A_1311 = %parallel_loop3A_427 to %parallel_loop3A_428 step %parallel_loop3A_429  : i32 {
      %parallel_loop3A_1312 = arith.constant 16 : i32
      %parallel_loop3A_1313 = arith.muli %parallel_loop3A_1311, %parallel_loop3A_1312 : i32
      %parallel_loop3A_1314 = tpu.assume_multiple %parallel_loop3A_1313, 16 : i32
      %parallel_loop3A_1315 = arith.index_cast %parallel_loop3A_1314 : i32 to index
      %parallel_loop3A_1316 = tpu.vector_load %arg6[%parallel_loop3A_1315] {strides = array<i32>} : memref<640xi32, #tpu.memory_space<vmem>>, vector<16xi32>,
      %parallel_loop3A_1317 = arith.constant -2048144789 : i32
      %parallel_loop3A_1318 = vector.broadcast %parallel_loop3A_1317 : i32 to vector<16xi32>
      %parallel_loop3A_1319 = arith.muli %parallel_loop3A_1316, %parallel_loop3A_1318 : vector<16xi32>
      %parallel_loop3A_1320 = arith.constant 13 : i32
      %parallel_loop3A_1321 = vector.broadcast %parallel_loop3A_1320 : i32 to vector<16xi32>
      %parallel_loop3A_1322 = arith.shrui %parallel_loop3A_1319, %parallel_loop3A_1321 : vector<16xi32>
      %parallel_loop3A_1323 = arith.xori %parallel_loop3A_1319, %parallel_loop3A_1322 : vector<16xi32>
      %parallel_loop3A_1324 = arith.constant -1028477387 : i32
      %parallel_loop3A_1325 = vector.broadcast %parallel_loop3A_1324 : i32 to vector<16xi32>
      %parallel_loop3A_1326 = arith.muli %parallel_loop3A_1323, %parallel_loop3A_1325 : vector<16xi32>
      %parallel_loop3A_1327 = arith.constant 16 : i32
      %parallel_loop3A_1328 = vector.broadcast %parallel_loop3A_1327 : i32 to vector<16xi32>
      %parallel_loop3A_1329 = arith.shrui %parallel_loop3A_1326, %parallel_loop3A_1328 : vector<16xi32>
      %parallel_loop3A_1330 = arith.xori %parallel_loop3A_1326, %parallel_loop3A_1329 : vector<16xi32>
      %parallel_loop3A_1331 = arith.addi %multiple_of3A, %parallel_loop3A_1314 : i32
      %parallel_loop3A_1332 = arith.index_cast %parallel_loop3A_1331 : i32 to index
      %parallel_loop3A_1333 = tpu.vector_load %arg7[%parallel_loop3A_1332] {strides = array<i32>} : memref<10240xi32, #tpu.memory_space<vmem>>, vector<16xi32>,
      tpu.vector_store %arg7[%parallel_loop3A_1332], %parallel_loop3A_1330 {strides = array<i32>} : memref<10240xi32, #tpu.memory_space<vmem>>, vector<16xi32>,
    } {sc.loop_unroll_factor = 8 : i64, sc.parallel_access}
    "tpu.region"() ({
      %run_scoped3A = tpu.sem_alloc : memref<!tpu.dma_semaphore, #tpu.memory_space<semaphore_mem>>
      %dma_start3A_1311 = tpu.memref_slice %arg7[%multiple_of3A] : memref<10240xi32, #tpu.memory_space<vmem>> -> memref<640xi32, #tpu.memory_space<vmem>>
      %dma_start3A_1312 = tpu.memref_slice %arg17[%multiple_of3A] : memref<10240xi32, #tpu.memory_space<vmem_shared>> -> memref<640xi32, #tpu.memory_space<vmem_shared>>
      %dma_start3A_1313 = tpu.memref_slice %arg17[%multiple_of3A] : memref<10240xi32, #tpu.memory_space<vmem_shared>> -> memref<640xi32, #tpu.memory_space<vmem_shared>>
      %dma_start3A_1314 = tpu.memref_slice %arg7[%multiple_of3A] : memref<10240xi32, #tpu.memory_space<vmem>> -> memref<640xi32, #tpu.memory_space<vmem>>
      tpu.enqueue_dma source(%dma_start3A_1314 : memref<640xi32, #tpu.memory_space<vmem>>) target(%dma_start3A_1313 : memref<640xi32, #tpu.memory_space<vmem_shared>>) target_semaphore(%run_scoped3A : memref<!tpu.dma_semaphore, #tpu.memory_space<semaphore_mem>>)
      %dma_wait3A_1315 = tpu.memref_slice %arg7[%multiple_of3A] : memref<10240xi32, #tpu.memory_space<vmem>> -> memref<640xi32, #tpu.memory_space<vmem>>
      %dma_wait3A_1316 = tpu.memref_slice %arg17[%multiple_of3A] : memref<10240xi32, #tpu.memory_space<vmem_shared>> -> memref<640xi32, #tpu.memory_space<vmem_shared>>
      %dma_wait3A_1317 = tpu.memref_slice %arg17[%multiple_of3A] : memref<10240xi32, #tpu.memory_space<vmem_shared>> -> memref<640xi32, #tpu.memory_space<vmem_shared>>
      %dma_wait3A_1318 = tpu.memref_slice %arg7[%multiple_of3A] : memref<10240xi32, #tpu.memory_space<vmem>> -> memref<640xi32, #tpu.memory_space<vmem>>
      tpu.wait_dma2 semaphore(%run_scoped3A : memref<!tpu.dma_semaphore, #tpu.memory_space<semaphore_mem>>) src(%dma_wait3A_1318 : memref<640xi32, #tpu.memory_space<vmem>>) dst(%dma_wait3A_1317 : memref<640xi32, #tpu.memory_space<vmem_shared>>)
      tpu.yield
    }) : () -> ()
    %barrier3A_430 = arith.constant 0 : index
    tpu.barrier barrier_id(%barrier3A_430)
    "tpu.region"() ({
      %run_scoped3A = tpu.sem_alloc : memref<!tpu.dma_semaphore, #tpu.memory_space<semaphore_mem>>
      tpu.enqueue_dma source(%arg17 : memref<10240xi32, #tpu.memory_space<vmem_shared>>) target(%arg7 : memref<10240xi32, #tpu.memory_space<vmem>>) target_semaphore(%run_scoped3A : memref<!tpu.dma_semaphore, #tpu.memory_space<semaphore_mem>>)
      tpu.wait_dma2 semaphore(%run_scoped3A : memref<!tpu.dma_semaphore, #tpu.memory_space<semaphore_mem>>) src(%arg17 : memref<10240xi32, #tpu.memory_space<vmem_shared>>) dst(%arg7 : memref<10240xi32, #tpu.memory_space<vmem>>)
      tpu.yield
    }) : () -> ()
    %parallel_loop3A_431 = arith.constant 0 : i32
    %parallel_loop3A_432 = arith.constant 640 : i32
    %parallel_loop3A_433 = arith.constant 1 : i32
    "tpu.trace_stop"() : () -> ()
    "tpu.trace_start"() <{level = 10 : i32, message = "zero"}> : () -> ()
    scf.for %parallel_loop3A_1311 = %parallel_loop3A_431 to %parallel_loop3A_432 step %parallel_loop3A_433  : i32 {
      %parallel_loop3A_1312 = arith.constant 16 : i32
      %parallel_loop3A_1313 = arith.muli %parallel_loop3A_1311, %parallel_loop3A_1312 : i32
      %parallel_loop3A_1314 = tpu.assume_multiple %parallel_loop3A_1313, 16 : i32
      %parallel_loop3A_1315 = arith.constant 0 : i32
      %parallel_loop3A_1316 = vector.broadcast %parallel_loop3A_1315 : i32 to vector<16xi32>
      %parallel_loop3A_1317 = arith.index_cast %parallel_loop3A_1314 : i32 to index
      %parallel_loop3A_1318 = tpu.vector_load %arg8[%parallel_loop3A_1317] {strides = array<i32>} : memref<10240xi32, #tpu.memory_space<vmem>>, vector<16xi32>,
      tpu.vector_store %arg8[%parallel_loop3A_1317], %parallel_loop3A_1316 {strides = array<i32>} : memref<10240xi32, #tpu.memory_space<vmem>>, vector<16xi32>,
    } {sc.loop_unroll_factor = 8 : i64, sc.parallel_access}
    %parallel_loop3A_434 = arith.constant 0 : i32
    %parallel_loop3A_435 = arith.constant 1250 : i32
    %parallel_loop3A_436 = arith.constant 1 : i32
    "tpu.trace_stop"() : () -> ()
    "tpu.trace_start"() <{level = 10 : i32, message = "edges"}> : () -> ()
    scf.for %parallel_loop3A_1311 = %parallel_loop3A_434 to %parallel_loop3A_435 step %parallel_loop3A_436  : i32 {
      %parallel_loop3A_1312 = arith.constant 16 : i32
      %parallel_loop3A_1313 = arith.muli %parallel_loop3A_1311, %parallel_loop3A_1312 : i32
      %parallel_loop3A_1314 = tpu.assume_multiple %parallel_loop3A_1313, 16 : i32
      %parallel_loop3A_1315 = arith.index_cast %parallel_loop3A_1314 : i32 to index
      %parallel_loop3A_1316 = tpu.vector_load %arg10[%parallel_loop3A_1315] {strides = array<i32>} : memref<20000xi32, #tpu.memory_space<vmem>>, vector<16xi32>,
      %parallel_loop3A_1317 = arith.index_cast %parallel_loop3A_1314 : i32 to index
      %parallel_loop3A_1318 = tpu.vector_load %arg11[%parallel_loop3A_1317] {strides = array<i32>} : memref<20000xi32, #tpu.memory_space<vmem>>, vector<16xi32>,
      %parallel_loop3A_1319 = tpu.vector_load_idx %arg7[%parallel_loop3A_1316] : memref<10240xi32, #tpu.memory_space<vmem>>[vector<16xi32>], vector<16xi32>,
      tpu.vector_store_idx %arg8[%parallel_loop3A_1318], %parallel_loop3A_1319 {add = true} : memref<10240xi32, #tpu.memory_space<vmem>>[vector<16xi32>], vector<16xi32>,
    } {sc.loop_unroll_factor = 16 : i64, sc.parallel_access}
    "tpu.trace_stop"() : () -> ()
    "tpu.trace_start"() <{level = 10 : i32, message = "reduce"}> : () -> ()
    "tpu.region"() ({
      %run_scoped3A = tpu.sem_alloc : memref<!tpu.dma_semaphore, #tpu.memory_space<semaphore_mem>>
      %dma_start3A_1311 = arith.constant 0 : i32
      %dma_start3A_1312 = tpu.memref_slice %arg16[%arg1, %dma_start3A_1311] : memref<16x10240xi32, #tpu.memory_space<vmem_shared>> -> memref<1x10240xi32, #tpu.memory_space<vmem_shared>>
      %dma_start3A_1313 = tpu.memref_squeeze %dma_start3A_1312 : memref<1x10240xi32, #tpu.memory_space<vmem_shared>> -> memref<10240xi32, #tpu.memory_space<vmem_shared>>
      %dma_start3A_1314 = arith.constant 0 : i32
      %dma_start3A_1315 = tpu.memref_slice %arg16[%arg1, %dma_start3A_1314] : memref<16x10240xi32, #tpu.memory_space<vmem_shared>> -> memref<1x10240xi32, #tpu.memory_space<vmem_shared>>
      %dma_start3A_1316 = tpu.memref_squeeze %dma_start3A_1315 : memref<1x10240xi32, #tpu.memory_space<vmem_shared>> -> memref<10240xi32, #tpu.memory_space<vmem_shared>>
      tpu.enqueue_dma source(%arg8 : memref<10240xi32, #tpu.memory_space<vmem>>) target(%dma_start3A_1316 : memref<10240xi32, #tpu.memory_space<vmem_shared>>) target_semaphore(%run_scoped3A : memref<!tpu.dma_semaphore, #tpu.memory_space<semaphore_mem>>)
      %dma_wait3A_1317 = arith.constant 0 : i32
      %dma_wait3A_1318 = tpu.memref_slice %arg16[%arg1, %dma_wait3A_1317] : memref<16x10240xi32, #tpu.memory_space<vmem_shared>> -> memref<1x10240xi32, #tpu.memory_space<vmem_shared>>
      %dma_wait3A_1319 = tpu.memref_squeeze %dma_wait3A_1318 : memref<1x10240xi32, #tpu.memory_space<vmem_shared>> -> memref<10240xi32, #tpu.memory_space<vmem_shared>>
      %dma_wait3A_1320 = arith.constant 0 : i32
      %dma_wait3A_1321 = tpu.memref_slice %arg16[%arg1, %dma_wait3A_1320] : memref<16x10240xi32, #tpu.memory_space<vmem_shared>> -> memref<1x10240xi32, #tpu.memory_space<vmem_shared>>
      %dma_wait3A_1322 = tpu.memref_squeeze %dma_wait3A_1321 : memref<1x10240xi32, #tpu.memory_space<vmem_shared>> -> memref<10240xi32, #tpu.memory_space<vmem_shared>>
      tpu.wait_dma2 semaphore(%run_scoped3A : memref<!tpu.dma_semaphore, #tpu.memory_space<semaphore_mem>>) src(%arg8 : memref<10240xi32, #tpu.memory_space<vmem>>) dst(%dma_wait3A_1322 : memref<10240xi32, #tpu.memory_space<vmem_shared>>)
      tpu.yield
    }) : () -> ()
    %barrier3A_437 = arith.constant 0 : index
    tpu.barrier barrier_id(%barrier3A_437)
    %dma_start3A_438 = arith.constant 0 : i32
    %dma_start3A_439 = arith.constant 0 : i32
    %dma_start3A_440 = arith.constant 0 : i32
    %dma_start3A_441 = tpu.memref_slice %arg9[%dma_start3A_439, %dma_start3A_440] : memref<16x640xi32, #tpu.memory_space<vmem>> -> memref<1x640xi32, #tpu.memory_space<vmem>>
    %dma_start3A_442 = tpu.memref_squeeze %dma_start3A_441 : memref<1x640xi32, #tpu.memory_space<vmem>> -> memref<640xi32, #tpu.memory_space<vmem>>
    %dma_start3A_443 = tpu.memref_slice %arg16[%dma_start3A_438, %multiple_of3A] : memref<16x10240xi32, #tpu.memory_space<vmem_shared>> -> memref<1x640xi32, #tpu.memory_space<vmem_shared>>
    %dma_start3A_444 = tpu.memref_squeeze %dma_start3A_443 : memref<1x640xi32, #tpu.memory_space<vmem_shared>> -> memref<640xi32, #tpu.memory_space<vmem_shared>>
    %dma_start3A_445 = arith.constant 0 : i32
    %dma_start3A_446 = tpu.memref_slice %arg9[%dma_start3A_439, %dma_start3A_445] : memref<16x640xi32, #tpu.memory_space<vmem>> -> memref<1x640xi32, #tpu.memory_space<vmem>>
    %dma_start3A_447 = tpu.memref_squeeze %dma_start3A_446 : memref<1x640xi32, #tpu.memory_space<vmem>> -> memref<640xi32, #tpu.memory_space<vmem>>
    %dma_start3A_448 = tpu.memref_slice %arg16[%dma_start3A_438, %multiple_of3A] : memref<16x10240xi32, #tpu.memory_space<vmem_shared>> -> memref<1x640xi32, #tpu.memory_space<vmem_shared>>
    %dma_start3A_449 = tpu.memref_squeeze %dma_start3A_448 : memref<1x640xi32, #tpu.memory_space<vmem_shared>> -> memref<640xi32, #tpu.memory_space<vmem_shared>>
    tpu.enqueue_dma source(%dma_start3A_449 : memref<640xi32, #tpu.memory_space<vmem_shared>>) target(%dma_start3A_447 : memref<640xi32, #tpu.memory_space<vmem>>) target_semaphore(%arg21 : memref<!tpu.dma_semaphore, #tpu.memory_space<semaphore_mem>>)
    %dma_start3A_450 = arith.constant 1 : i32
    %dma_start3A_451 = arith.constant 1 : i32
    %dma_start3A_452 = arith.constant 0 : i32
    %dma_start3A_453 = tpu.memref_slice %arg9[%dma_start3A_451, %dma_start3A_452] : memref<16x640xi32, #tpu.memory_space<vmem>> -> memref<1x640xi32, #tpu.memory_space<vmem>>
    %dma_start3A_454 = tpu.memref_squeeze %dma_start3A_453 : memref<1x640xi32, #tpu.memory_space<vmem>> -> memref<640xi32, #tpu.memory_space<vmem>>
    %dma_start3A_455 = tpu.memref_slice %arg16[%dma_start3A_450, %multiple_of3A] : memref<16x10240xi32, #tpu.memory_space<vmem_shared>> -> memref<1x640xi32, #tpu.memory_space<vmem_shared>>
    %dma_start3A_456 = tpu.memref_squeeze %dma_start3A_455 : memref<1x640xi32, #tpu.memory_space<vmem_shared>> -> memref<640xi32, #tpu.memory_space<vmem_shared>>
    %dma_start3A_457 = arith.constant 0 : i32
    %dma_start3A_458 = tpu.memref_slice %arg9[%dma_start3A_451, %dma_start3A_457] : memref<16x640xi32, #tpu.memory_space<vmem>> -> memref<1x640xi32, #tpu.memory_space<vmem>>
    %dma_start3A_459 = tpu.memref_squeeze %dma_start3A_458 : memref<1x640xi32, #tpu.memory_space<vmem>> -> memref<640xi32, #tpu.memory_space<vmem>>
    %dma_start3A_460 = tpu.memref_slice %arg16[%dma_start3A_450, %multiple_of3A] : memref<16x10240xi32, #tpu.memory_space<vmem_shared>> -> memref<1x640xi32, #tpu.memory_space<vmem_shared>>
    %dma_start3A_461 = tpu.memref_squeeze %dma_start3A_460 : memref<1x640xi32, #tpu.memory_space<vmem_shared>> -> memref<640xi32, #tpu.memory_space<vmem_shared>>
    tpu.enqueue_dma source(%dma_start3A_461 : memref<640xi32, #tpu.memory_space<vmem_shared>>) target(%dma_start3A_459 : memref<640xi32, #tpu.memory_space<vmem>>) target_semaphore(%arg21 : memref<!tpu.dma_semaphore, #tpu.memory_space<semaphore_mem>>)
    %dma_start3A_462 = arith.constant 2 : i32
    %dma_start3A_463 = arith.constant 2 : i32
    %dma_start3A_464 = arith.constant 0 : i32
    %dma_start3A_465 = tpu.memref_slice %arg9[%dma_start3A_463, %dma_start3A_464] : memref<16x640xi32, #tpu.memory_space<vmem>> -> memref<1x640xi32, #tpu.memory_space<vmem>>
    %dma_start3A_466 = tpu.memref_squeeze %dma_start3A_465 : memref<1x640xi32, #tpu.memory_space<vmem>> -> memref<640xi32, #tpu.memory_space<vmem>>
    %dma_start3A_467 = tpu.memref_slice %arg16[%dma_start3A_462, %multiple_of3A] : memref<16x10240xi32, #tpu.memory_space<vmem_shared>> -> memref<1x640xi32, #tpu.memory_space<vmem_shared>>
    %dma_start3A_468 = tpu.memref_squeeze %dma_start3A_467 : memref<1x640xi32, #tpu.memory_space<vmem_shared>> -> memref<640xi32, #tpu.memory_space<vmem_shared>>
    %dma_start3A_469 = arith.constant 0 : i32
    %dma_start3A_470 = tpu.memref_slice %arg9[%dma_start3A_463, %dma_start3A_469] : memref<16x640xi32, #tpu.memory_space<vmem>> -> memref<1x640xi32, #tpu.memory_space<vmem>>
    %dma_start3A_471 = tpu.memref_squeeze %dma_start3A_470 : memref<1x640xi32, #tpu.memory_space<vmem>> -> memref<640xi32, #tpu.memory_space<vmem>>
    %dma_start3A_472 = tpu.memref_slice %arg16[%dma_start3A_462, %multiple_of3A] : memref<16x10240xi32, #tpu.memory_space<vmem_shared>> -> memref<1x640xi32, #tpu.memory_space<vmem_shared>>
    %dma_start3A_473 = tpu.memref_squeeze %dma_start3A_472 : memref<1x640xi32, #tpu.memory_space<vmem_shared>> -> memref<640xi32, #tpu.memory_space<vmem_shared>>
    tpu.enqueue_dma source(%dma_start3A_473 : memref<640xi32, #tpu.memory_space<vmem_shared>>) target(%dma_start3A_471 : memref<640xi32, #tpu.memory_space<vmem>>) target_semaphore(%arg21 : memref<!tpu.dma_semaphore, #tpu.memory_space<semaphore_mem>>)
    %dma_start3A_474 = arith.constant 3 : i32
    %dma_start3A_475 = arith.constant 3 : i32
    %dma_start3A_476 = arith.constant 0 : i32
    %dma_start3A_477 = tpu.memref_slice %arg9[%dma_start3A_475, %dma_start3A_476] : memref<16x640xi32, #tpu.memory_space<vmem>> -> memref<1x640xi32, #tpu.memory_space<vmem>>
    %dma_start3A_478 = tpu.memref_squeeze %dma_start3A_477 : memref<1x640xi32, #tpu.memory_space<vmem>> -> memref<640xi32, #tpu.memory_space<vmem>>
    %dma_start3A_479 = tpu.memref_slice %arg16[%dma_start3A_474, %multiple_of3A] : memref<16x10240xi32, #tpu.memory_space<vmem_shared>> -> memref<1x640xi32, #tpu.memory_space<vmem_shared>>
    %dma_start3A_480 = tpu.memref_squeeze %dma_start3A_479 : memref<1x640xi32, #tpu.memory_space<vmem_shared>> -> memref<640xi32, #tpu.memory_space<vmem_shared>>
    %dma_start3A_481 = arith.constant 0 : i32
    %dma_start3A_482 = tpu.memref_slice %arg9[%dma_start3A_475, %dma_start3A_481] : memref<16x640xi32, #tpu.memory_space<vmem>> -> memref<1x640xi32, #tpu.memory_space<vmem>>
    %dma_start3A_483 = tpu.memref_squeeze %dma_start3A_482 : memref<1x640xi32, #tpu.memory_space<vmem>> -> memref<640xi32, #tpu.memory_space<vmem>>
    %dma_start3A_484 = tpu.memref_slice %arg16[%dma_start3A_474, %multiple_of3A] : memref<16x10240xi32, #tpu.memory_space<vmem_shared>> -> memref<1x640xi32, #tpu.memory_space<vmem_shared>>
    %dma_start3A_485 = tpu.memref_squeeze %dma_start3A_484 : memref<1x640xi32, #tpu.memory_space<vmem_shared>> -> memref<640xi32, #tpu.memory_space<vmem_shared>>
    tpu.enqueue_dma source(%dma_start3A_485 : memref<640xi32, #tpu.memory_space<vmem_shared>>) target(%dma_start3A_483 : memref<640xi32, #tpu.memory_space<vmem>>) target_semaphore(%arg21 : memref<!tpu.dma_semaphore, #tpu.memory_space<semaphore_mem>>)
    %dma_start3A_486 = arith.constant 4 : i32
    %dma_start3A_487 = arith.constant 4 : i32
    %dma_start3A_488 = arith.constant 0 : i32
    %dma_start3A_489 = tpu.memref_slice %arg9[%dma_start3A_487, %dma_start3A_488] : memref<16x640xi32, #tpu.memory_space<vmem>> -> memref<1x640xi32, #tpu.memory_space<vmem>>
    %dma_start3A_490 = tpu.memref_squeeze %dma_start3A_489 : memref<1x640xi32, #tpu.memory_space<vmem>> -> memref<640xi32, #tpu.memory_space<vmem>>
    %dma_start3A_491 = tpu.memref_slice %arg16[%dma_start3A_486, %multiple_of3A] : memref<16x10240xi32, #tpu.memory_space<vmem_shared>> -> memref<1x640xi32, #tpu.memory_space<vmem_shared>>
    %dma_start3A_492 = tpu.memref_squeeze %dma_start3A_491 : memref<1x640xi32, #tpu.memory_space<vmem_shared>> -> memref<640xi32, #tpu.memory_space<vmem_shared>>
    %dma_start3A_493 = arith.constant 0 : i32
    %dma_start3A_494 = tpu.memref_slice %arg9[%dma_start3A_487, %dma_start3A_493] : memref<16x640xi32, #tpu.memory_space<vmem>> -> memref<1x640xi32, #tpu.memory_space<vmem>>
    %dma_start3A_495 = tpu.memref_squeeze %dma_start3A_494 : memref<1x640xi32, #tpu.memory_space<vmem>> -> memref<640xi32, #tpu.memory_space<vmem>>
    %dma_start3A_496 = tpu.memref_slice %arg16[%dma_start3A_486, %multiple_of3A] : memref<16x10240xi32, #tpu.memory_space<vmem_shared>> -> memref<1x640xi32, #tpu.memory_space<vmem_shared>>
    %dma_start3A_497 = tpu.memref_squeeze %dma_start3A_496 : memref<1x640xi32, #tpu.memory_space<vmem_shared>> -> memref<640xi32, #tpu.memory_space<vmem_shared>>
    tpu.enqueue_dma source(%dma_start3A_497 : memref<640xi32, #tpu.memory_space<vmem_shared>>) target(%dma_start3A_495 : memref<640xi32, #tpu.memory_space<vmem>>) target_semaphore(%arg21 : memref<!tpu.dma_semaphore, #tpu.memory_space<semaphore_mem>>)
    %dma_start3A_498 = arith.constant 5 : i32
    %dma_start3A_499 = arith.constant 5 : i32
    %dma_start3A_500 = arith.constant 0 : i32
    %dma_start3A_501 = tpu.memref_slice %arg9[%dma_start3A_499, %dma_start3A_500] : memref<16x640xi32, #tpu.memory_space<vmem>> -> memref<1x640xi32, #tpu.memory_space<vmem>>
    %dma_start3A_502 = tpu.memref_squeeze %dma_start3A_501 : memref<1x640xi32, #tpu.memory_space<vmem>> -> memref<640xi32, #tpu.memory_space<vmem>>
    %dma_start3A_503 = tpu.memref_slice %arg16[%dma_start3A_498, %multiple_of3A] : memref<16x10240xi32, #tpu.memory_space<vmem_shared>> -> memref<1x640xi32, #tpu.memory_space<vmem_shared>>
    %dma_start3A_504 = tpu.memref_squeeze %dma_start3A_503 : memref<1x640xi32, #tpu.memory_space<vmem_shared>> -> memref<640xi32, #tpu.memory_space<vmem_shared>>
    %dma_start3A_505 = arith.constant 0 : i32
    %dma_start3A_506 = tpu.memref_slice %arg9[%dma_start3A_499, %dma_start3A_505] : memref<16x640xi32, #tpu.memory_space<vmem>> -> memref<1x640xi32, #tpu.memory_space<vmem>>
    %dma_start3A_507 = tpu.memref_squeeze %dma_start3A_506 : memref<1x640xi32, #tpu.memory_space<vmem>> -> memref<640xi32, #tpu.memory_space<vmem>>
    %dma_start3A_508 = tpu.memref_slice %arg16[%dma_start3A_498, %multiple_of3A] : memref<16x10240xi32, #tpu.memory_space<vmem_shared>> -> memref<1x640xi32, #tpu.memory_space<vmem_shared>>
    %dma_start3A_509 = tpu.memref_squeeze %dma_start3A_508 : memref<1x640xi32, #tpu.memory_space<vmem_shared>> -> memref<640xi32, #tpu.memory_space<vmem_shared>>
    tpu.enqueue_dma source(%dma_start3A_509 : memref<640xi32, #tpu.memory_space<vmem_shared>>) target(%dma_start3A_507 : memref<640xi32, #tpu.memory_space<vmem>>) target_semaphore(%arg21 : memref<!tpu.dma_semaphore, #tpu.memory_space<semaphore_mem>>)
    %dma_start3A_510 = arith.constant 6 : i32
    %dma_start3A_511 = arith.constant 6 : i32
    %dma_start3A_512 = arith.constant 0 : i32
    %dma_start3A_513 = tpu.memref_slice %arg9[%dma_start3A_511, %dma_start3A_512] : memref<16x640xi32, #tpu.memory_space<vmem>> -> memref<1x640xi32, #tpu.memory_space<vmem>>
    %dma_start3A_514 = tpu.memref_squeeze %dma_start3A_513 : memref<1x640xi32, #tpu.memory_space<vmem>> -> memref<640xi32, #tpu.memory_space<vmem>>
    %dma_start3A_515 = tpu.memref_slice %arg16[%dma_start3A_510, %multiple_of3A] : memref<16x10240xi32, #tpu.memory_space<vmem_shared>> -> memref<1x640xi32, #tpu.memory_space<vmem_shared>>
    %dma_start3A_516 = tpu.memref_squeeze %dma_start3A_515 : memref<1x640xi32, #tpu.memory_space<vmem_shared>> -> memref<640xi32, #tpu.memory_space<vmem_shared>>
    %dma_start3A_517 = arith.constant 0 : i32
    %dma_start3A_518 = tpu.memref_slice %arg9[%dma_start3A_511, %dma_start3A_517] : memref<16x640xi32, #tpu.memory_space<vmem>> -> memref<1x640xi32, #tpu.memory_space<vmem>>
    %dma_start3A_519 = tpu.memref_squeeze %dma_start3A_518 : memref<1x640xi32, #tpu.memory_space<vmem>> -> memref<640xi32, #tpu.memory_space<vmem>>
    %dma_start3A_520 = tpu.memref_slice %arg16[%dma_start3A_510, %multiple_of3A] : memref<16x10240xi32, #tpu.memory_space<vmem_shared>> -> memref<1x640xi32, #tpu.memory_space<vmem_shared>>
    %dma_start3A_521 = tpu.memref_squeeze %dma_start3A_520 : memref<1x640xi32, #tpu.memory_space<vmem_shared>> -> memref<640xi32, #tpu.memory_space<vmem_shared>>
    tpu.enqueue_dma source(%dma_start3A_521 : memref<640xi32, #tpu.memory_space<vmem_shared>>) target(%dma_start3A_519 : memref<640xi32, #tpu.memory_space<vmem>>) target_semaphore(%arg21 : memref<!tpu.dma_semaphore, #tpu.memory_space<semaphore_mem>>)
    %dma_start3A_522 = arith.constant 7 : i32
    %dma_start3A_523 = arith.constant 7 : i32
    %dma_start3A_524 = arith.constant 0 : i32
    %dma_start3A_525 = tpu.memref_slice %arg9[%dma_start3A_523, %dma_start3A_524] : memref<16x640xi32, #tpu.memory_space<vmem>> -> memref<1x640xi32, #tpu.memory_space<vmem>>
    %dma_start3A_526 = tpu.memref_squeeze %dma_start3A_525 : memref<1x640xi32, #tpu.memory_space<vmem>> -> memref<640xi32, #tpu.memory_space<vmem>>
    %dma_start3A_527 = tpu.memref_slice %arg16[%dma_start3A_522, %multiple_of3A] : memref<16x10240xi32, #tpu.memory_space<vmem_shared>> -> memref<1x640xi32, #tpu.memory_space<vmem_shared>>
    %dma_start3A_528 = tpu.memref_squeeze %dma_start3A_527 : memref<1x640xi32, #tpu.memory_space<vmem_shared>> -> memref<640xi32, #tpu.memory_space<vmem_shared>>
    %dma_start3A_529 = arith.constant 0 : i32
    %dma_start3A_530 = tpu.memref_slice %arg9[%dma_start3A_523, %dma_start3A_529] : memref<16x640xi32, #tpu.memory_space<vmem>> -> memref<1x640xi32, #tpu.memory_space<vmem>>
    %dma_start3A_531 = tpu.memref_squeeze %dma_start3A_530 : memref<1x640xi32, #tpu.memory_space<vmem>> -> memref<640xi32, #tpu.memory_space<vmem>>
    %dma_start3A_532 = tpu.memref_slice %arg16[%dma_start3A_522, %multiple_of3A] : memref<16x10240xi32, #tpu.memory_space<vmem_shared>> -> memref<1x640xi32, #tpu.memory_space<vmem_shared>>
    %dma_start3A_533 = tpu.memref_squeeze %dma_start3A_532 : memref<1x640xi32, #tpu.memory_space<vmem_shared>> -> memref<640xi32, #tpu.memory_space<vmem_shared>>
    tpu.enqueue_dma source(%dma_start3A_533 : memref<640xi32, #tpu.memory_space<vmem_shared>>) target(%dma_start3A_531 : memref<640xi32, #tpu.memory_space<vmem>>) target_semaphore(%arg21 : memref<!tpu.dma_semaphore, #tpu.memory_space<semaphore_mem>>)
    %dma_start3A_534 = arith.constant 8 : i32
    %dma_start3A_535 = arith.constant 8 : i32
    %dma_start3A_536 = arith.constant 0 : i32
    %dma_start3A_537 = tpu.memref_slice %arg9[%dma_start3A_535, %dma_start3A_536] : memref<16x640xi32, #tpu.memory_space<vmem>> -> memref<1x640xi32, #tpu.memory_space<vmem>>
    %dma_start3A_538 = tpu.memref_squeeze %dma_start3A_537 : memref<1x640xi32, #tpu.memory_space<vmem>> -> memref<640xi32, #tpu.memory_space<vmem>>
    %dma_start3A_539 = tpu.memref_slice %arg16[%dma_start3A_534, %multiple_of3A] : memref<16x10240xi32, #tpu.memory_space<vmem_shared>> -> memref<1x640xi32, #tpu.memory_space<vmem_shared>>
    %dma_start3A_540 = tpu.memref_squeeze %dma_start3A_539 : memref<1x640xi32, #tpu.memory_space<vmem_shared>> -> memref<640xi32, #tpu.memory_space<vmem_shared>>
    %dma_start3A_541 = arith.constant 0 : i32
    %dma_start3A_542 = tpu.memref_slice %arg9[%dma_start3A_535, %dma_start3A_541] : memref<16x640xi32, #tpu.memory_space<vmem>> -> memref<1x640xi32, #tpu.memory_space<vmem>>
    %dma_start3A_543 = tpu.memref_squeeze %dma_start3A_542 : memref<1x640xi32, #tpu.memory_space<vmem>> -> memref<640xi32, #tpu.memory_space<vmem>>
    %dma_start3A_544 = tpu.memref_slice %arg16[%dma_start3A_534, %multiple_of3A] : memref<16x10240xi32, #tpu.memory_space<vmem_shared>> -> memref<1x640xi32, #tpu.memory_space<vmem_shared>>
    %dma_start3A_545 = tpu.memref_squeeze %dma_start3A_544 : memref<1x640xi32, #tpu.memory_space<vmem_shared>> -> memref<640xi32, #tpu.memory_space<vmem_shared>>
    tpu.enqueue_dma source(%dma_start3A_545 : memref<640xi32, #tpu.memory_space<vmem_shared>>) target(%dma_start3A_543 : memref<640xi32, #tpu.memory_space<vmem>>) target_semaphore(%arg21 : memref<!tpu.dma_semaphore, #tpu.memory_space<semaphore_mem>>)
    %dma_start3A_546 = arith.constant 9 : i32
    %dma_start3A_547 = arith.constant 9 : i32
    %dma_start3A_548 = arith.constant 0 : i32
    %dma_start3A_549 = tpu.memref_slice %arg9[%dma_start3A_547, %dma_start3A_548] : memref<16x640xi32, #tpu.memory_space<vmem>> -> memref<1x640xi32, #tpu.memory_space<vmem>>
    %dma_start3A_550 = tpu.memref_squeeze %dma_start3A_549 : memref<1x640xi32, #tpu.memory_space<vmem>> -> memref<640xi32, #tpu.memory_space<vmem>>
    %dma_start3A_551 = tpu.memref_slice %arg16[%dma_start3A_546, %multiple_of3A] : memref<16x10240xi32, #tpu.memory_space<vmem_shared>> -> memref<1x640xi32, #tpu.memory_space<vmem_shared>>
    %dma_start3A_552 = tpu.memref_squeeze %dma_start3A_551 : memref<1x640xi32, #tpu.memory_space<vmem_shared>> -> memref<640xi32, #tpu.memory_space<vmem_shared>>
    %dma_start3A_553 = arith.constant 0 : i32
    %dma_start3A_554 = tpu.memref_slice %arg9[%dma_start3A_547, %dma_start3A_553] : memref<16x640xi32, #tpu.memory_space<vmem>> -> memref<1x640xi32, #tpu.memory_space<vmem>>
    %dma_start3A_555 = tpu.memref_squeeze %dma_start3A_554 : memref<1x640xi32, #tpu.memory_space<vmem>> -> memref<640xi32, #tpu.memory_space<vmem>>
    %dma_start3A_556 = tpu.memref_slice %arg16[%dma_start3A_546, %multiple_of3A] : memref<16x10240xi32, #tpu.memory_space<vmem_shared>> -> memref<1x640xi32, #tpu.memory_space<vmem_shared>>
    %dma_start3A_557 = tpu.memref_squeeze %dma_start3A_556 : memref<1x640xi32, #tpu.memory_space<vmem_shared>> -> memref<640xi32, #tpu.memory_space<vmem_shared>>
    tpu.enqueue_dma source(%dma_start3A_557 : memref<640xi32, #tpu.memory_space<vmem_shared>>) target(%dma_start3A_555 : memref<640xi32, #tpu.memory_space<vmem>>) target_semaphore(%arg21 : memref<!tpu.dma_semaphore, #tpu.memory_space<semaphore_mem>>)
    %dma_start3A_558 = arith.constant 10 : i32
    %dma_start3A_559 = arith.constant 10 : i32
    %dma_start3A_560 = arith.constant 0 : i32
    %dma_start3A_561 = tpu.memref_slice %arg9[%dma_start3A_559, %dma_start3A_560] : memref<16x640xi32, #tpu.memory_space<vmem>> -> memref<1x640xi32, #tpu.memory_space<vmem>>
    %dma_start3A_562 = tpu.memref_squeeze %dma_start3A_561 : memref<1x640xi32, #tpu.memory_space<vmem>> -> memref<640xi32, #tpu.memory_space<vmem>>
    %dma_start3A_563 = tpu.memref_slice %arg16[%dma_start3A_558, %multiple_of3A] : memref<16x10240xi32, #tpu.memory_space<vmem_shared>> -> memref<1x640xi32, #tpu.memory_space<vmem_shared>>
    %dma_start3A_564 = tpu.memref_squeeze %dma_start3A_563 : memref<1x640xi32, #tpu.memory_space<vmem_shared>> -> memref<640xi32, #tpu.memory_space<vmem_shared>>
    %dma_start3A_565 = arith.constant 0 : i32
    %dma_start3A_566 = tpu.memref_slice %arg9[%dma_start3A_559, %dma_start3A_565] : memref<16x640xi32, #tpu.memory_space<vmem>> -> memref<1x640xi32, #tpu.memory_space<vmem>>
    %dma_start3A_567 = tpu.memref_squeeze %dma_start3A_566 : memref<1x640xi32, #tpu.memory_space<vmem>> -> memref<640xi32, #tpu.memory_space<vmem>>
    %dma_start3A_568 = tpu.memref_slice %arg16[%dma_start3A_558, %multiple_of3A] : memref<16x10240xi32, #tpu.memory_space<vmem_shared>> -> memref<1x640xi32, #tpu.memory_space<vmem_shared>>
    %dma_start3A_569 = tpu.memref_squeeze %dma_start3A_568 : memref<1x640xi32, #tpu.memory_space<vmem_shared>> -> memref<640xi32, #tpu.memory_space<vmem_shared>>
    tpu.enqueue_dma source(%dma_start3A_569 : memref<640xi32, #tpu.memory_space<vmem_shared>>) target(%dma_start3A_567 : memref<640xi32, #tpu.memory_space<vmem>>) target_semaphore(%arg21 : memref<!tpu.dma_semaphore, #tpu.memory_space<semaphore_mem>>)
    %dma_start3A_570 = arith.constant 11 : i32
    %dma_start3A_571 = arith.constant 11 : i32
    %dma_start3A_572 = arith.constant 0 : i32
    %dma_start3A_573 = tpu.memref_slice %arg9[%dma_start3A_571, %dma_start3A_572] : memref<16x640xi32, #tpu.memory_space<vmem>> -> memref<1x640xi32, #tpu.memory_space<vmem>>
    %dma_start3A_574 = tpu.memref_squeeze %dma_start3A_573 : memref<1x640xi32, #tpu.memory_space<vmem>> -> memref<640xi32, #tpu.memory_space<vmem>>
    %dma_start3A_575 = tpu.memref_slice %arg16[%dma_start3A_570, %multiple_of3A] : memref<16x10240xi32, #tpu.memory_space<vmem_shared>> -> memref<1x640xi32, #tpu.memory_space<vmem_shared>>
    %dma_start3A_576 = tpu.memref_squeeze %dma_start3A_575 : memref<1x640xi32, #tpu.memory_space<vmem_shared>> -> memref<640xi32, #tpu.memory_space<vmem_shared>>
    %dma_start3A_577 = arith.constant 0 : i32
    %dma_start3A_578 = tpu.memref_slice %arg9[%dma_start3A_571, %dma_start3A_577] : memref<16x640xi32, #tpu.memory_space<vmem>> -> memref<1x640xi32, #tpu.memory_space<vmem>>
    %dma_start3A_579 = tpu.memref_squeeze %dma_start3A_578 : memref<1x640xi32, #tpu.memory_space<vmem>> -> memref<640xi32, #tpu.memory_space<vmem>>
    %dma_start3A_580 = tpu.memref_slice %arg16[%dma_start3A_570, %multiple_of3A] : memref<16x10240xi32, #tpu.memory_space<vmem_shared>> -> memref<1x640xi32, #tpu.memory_space<vmem_shared>>
    %dma_start3A_581 = tpu.memref_squeeze %dma_start3A_580 : memref<1x640xi32, #tpu.memory_space<vmem_shared>> -> memref<640xi32, #tpu.memory_space<vmem_shared>>
    tpu.enqueue_dma source(%dma_start3A_581 : memref<640xi32, #tpu.memory_space<vmem_shared>>) target(%dma_start3A_579 : memref<640xi32, #tpu.memory_space<vmem>>) target_semaphore(%arg21 : memref<!tpu.dma_semaphore, #tpu.memory_space<semaphore_mem>>)
    %dma_start3A_582 = arith.constant 12 : i32
    %dma_start3A_583 = arith.constant 12 : i32
    %dma_start3A_584 = arith.constant 0 : i32
    %dma_start3A_585 = tpu.memref_slice %arg9[%dma_start3A_583, %dma_start3A_584] : memref<16x640xi32, #tpu.memory_space<vmem>> -> memref<1x640xi32, #tpu.memory_space<vmem>>
    %dma_start3A_586 = tpu.memref_squeeze %dma_start3A_585 : memref<1x640xi32, #tpu.memory_space<vmem>> -> memref<640xi32, #tpu.memory_space<vmem>>
    %dma_start3A_587 = tpu.memref_slice %arg16[%dma_start3A_582, %multiple_of3A] : memref<16x10240xi32, #tpu.memory_space<vmem_shared>> -> memref<1x640xi32, #tpu.memory_space<vmem_shared>>
    %dma_start3A_588 = tpu.memref_squeeze %dma_start3A_587 : memref<1x640xi32, #tpu.memory_space<vmem_shared>> -> memref<640xi32, #tpu.memory_space<vmem_shared>>
    %dma_start3A_589 = arith.constant 0 : i32
    %dma_start3A_590 = tpu.memref_slice %arg9[%dma_start3A_583, %dma_start3A_589] : memref<16x640xi32, #tpu.memory_space<vmem>> -> memref<1x640xi32, #tpu.memory_space<vmem>>
    %dma_start3A_591 = tpu.memref_squeeze %dma_start3A_590 : memref<1x640xi32, #tpu.memory_space<vmem>> -> memref<640xi32, #tpu.memory_space<vmem>>
    %dma_start3A_592 = tpu.memref_slice %arg16[%dma_start3A_582, %multiple_of3A] : memref<16x10240xi32, #tpu.memory_space<vmem_shared>> -> memref<1x640xi32, #tpu.memory_space<vmem_shared>>
    %dma_start3A_593 = tpu.memref_squeeze %dma_start3A_592 : memref<1x640xi32, #tpu.memory_space<vmem_shared>> -> memref<640xi32, #tpu.memory_space<vmem_shared>>
    tpu.enqueue_dma source(%dma_start3A_593 : memref<640xi32, #tpu.memory_space<vmem_shared>>) target(%dma_start3A_591 : memref<640xi32, #tpu.memory_space<vmem>>) target_semaphore(%arg21 : memref<!tpu.dma_semaphore, #tpu.memory_space<semaphore_mem>>)
    %dma_start3A_594 = arith.constant 13 : i32
    %dma_start3A_595 = arith.constant 13 : i32
    %dma_start3A_596 = arith.constant 0 : i32
    %dma_start3A_597 = tpu.memref_slice %arg9[%dma_start3A_595, %dma_start3A_596] : memref<16x640xi32, #tpu.memory_space<vmem>> -> memref<1x640xi32, #tpu.memory_space<vmem>>
    %dma_start3A_598 = tpu.memref_squeeze %dma_start3A_597 : memref<1x640xi32, #tpu.memory_space<vmem>> -> memref<640xi32, #tpu.memory_space<vmem>>
    %dma_start3A_599 = tpu.memref_slice %arg16[%dma_start3A_594, %multiple_of3A] : memref<16x10240xi32, #tpu.memory_space<vmem_shared>> -> memref<1x640xi32, #tpu.memory_space<vmem_shared>>
    %dma_start3A_600 = tpu.memref_squeeze %dma_start3A_599 : memref<1x640xi32, #tpu.memory_space<vmem_shared>> -> memref<640xi32, #tpu.memory_space<vmem_shared>>
    %dma_start3A_601 = arith.constant 0 : i32
    %dma_start3A_602 = tpu.memref_slice %arg9[%dma_start3A_595, %dma_start3A_601] : memref<16x640xi32, #tpu.memory_space<vmem>> -> memref<1x640xi32, #tpu.memory_space<vmem>>
    %dma_start3A_603 = tpu.memref_squeeze %dma_start3A_602 : memref<1x640xi32, #tpu.memory_space<vmem>> -> memref<640xi32, #tpu.memory_space<vmem>>
    %dma_start3A_604 = tpu.memref_slice %arg16[%dma_start3A_594, %multiple_of3A] : memref<16x10240xi32, #tpu.memory_space<vmem_shared>> -> memref<1x640xi32, #tpu.memory_space<vmem_shared>>
    %dma_start3A_605 = tpu.memref_squeeze %dma_start3A_604 : memref<1x640xi32, #tpu.memory_space<vmem_shared>> -> memref<640xi32, #tpu.memory_space<vmem_shared>>
    tpu.enqueue_dma source(%dma_start3A_605 : memref<640xi32, #tpu.memory_space<vmem_shared>>) target(%dma_start3A_603 : memref<640xi32, #tpu.memory_space<vmem>>) target_semaphore(%arg21 : memref<!tpu.dma_semaphore, #tpu.memory_space<semaphore_mem>>)
    %dma_start3A_606 = arith.constant 14 : i32
    %dma_start3A_607 = arith.constant 14 : i32
    %dma_start3A_608 = arith.constant 0 : i32
    %dma_start3A_609 = tpu.memref_slice %arg9[%dma_start3A_607, %dma_start3A_608] : memref<16x640xi32, #tpu.memory_space<vmem>> -> memref<1x640xi32, #tpu.memory_space<vmem>>
    %dma_start3A_610 = tpu.memref_squeeze %dma_start3A_609 : memref<1x640xi32, #tpu.memory_space<vmem>> -> memref<640xi32, #tpu.memory_space<vmem>>
    %dma_start3A_611 = tpu.memref_slice %arg16[%dma_start3A_606, %multiple_of3A] : memref<16x10240xi32, #tpu.memory_space<vmem_shared>> -> memref<1x640xi32, #tpu.memory_space<vmem_shared>>
    %dma_start3A_612 = tpu.memref_squeeze %dma_start3A_611 : memref<1x640xi32, #tpu.memory_space<vmem_shared>> -> memref<640xi32, #tpu.memory_space<vmem_shared>>
    %dma_start3A_613 = arith.constant 0 : i32
    %dma_start3A_614 = tpu.memref_slice %arg9[%dma_start3A_607, %dma_start3A_613] : memref<16x640xi32, #tpu.memory_space<vmem>> -> memref<1x640xi32, #tpu.memory_space<vmem>>
    %dma_start3A_615 = tpu.memref_squeeze %dma_start3A_614 : memref<1x640xi32, #tpu.memory_space<vmem>> -> memref<640xi32, #tpu.memory_space<vmem>>
    %dma_start3A_616 = tpu.memref_slice %arg16[%dma_start3A_606, %multiple_of3A] : memref<16x10240xi32, #tpu.memory_space<vmem_shared>> -> memref<1x640xi32, #tpu.memory_space<vmem_shared>>
    %dma_start3A_617 = tpu.memref_squeeze %dma_start3A_616 : memref<1x640xi32, #tpu.memory_space<vmem_shared>> -> memref<640xi32, #tpu.memory_space<vmem_shared>>
    tpu.enqueue_dma source(%dma_start3A_617 : memref<640xi32, #tpu.memory_space<vmem_shared>>) target(%dma_start3A_615 : memref<640xi32, #tpu.memory_space<vmem>>) target_semaphore(%arg21 : memref<!tpu.dma_semaphore, #tpu.memory_space<semaphore_mem>>)
    %dma_start3A_618 = arith.constant 15 : i32
    %dma_start3A_619 = arith.constant 15 : i32
    %dma_start3A_620 = arith.constant 0 : i32
    %dma_start3A_621 = tpu.memref_slice %arg9[%dma_start3A_619, %dma_start3A_620] : memref<16x640xi32, #tpu.memory_space<vmem>> -> memref<1x640xi32, #tpu.memory_space<vmem>>
    %dma_start3A_622 = tpu.memref_squeeze %dma_start3A_621 : memref<1x640xi32, #tpu.memory_space<vmem>> -> memref<640xi32, #tpu.memory_space<vmem>>
    %dma_start3A_623 = tpu.memref_slice %arg16[%dma_start3A_618, %multiple_of3A] : memref<16x10240xi32, #tpu.memory_space<vmem_shared>> -> memref<1x640xi32, #tpu.memory_space<vmem_shared>>
    %dma_start3A_624 = tpu.memref_squeeze %dma_start3A_623 : memref<1x640xi32, #tpu.memory_space<vmem_shared>> -> memref<640xi32, #tpu.memory_space<vmem_shared>>
    %dma_start3A_625 = arith.constant 0 : i32
    %dma_start3A_626 = tpu.memref_slice %arg9[%dma_start3A_619, %dma_start3A_625] : memref<16x640xi32, #tpu.memory_space<vmem>> -> memref<1x640xi32, #tpu.memory_space<vmem>>
    %dma_start3A_627 = tpu.memref_squeeze %dma_start3A_626 : memref<1x640xi32, #tpu.memory_space<vmem>> -> memref<640xi32, #tpu.memory_space<vmem>>
    %dma_start3A_628 = tpu.memref_slice %arg16[%dma_start3A_618, %multiple_of3A] : memref<16x10240xi32, #tpu.memory_space<vmem_shared>> -> memref<1x640xi32, #tpu.memory_space<vmem_shared>>
    %dma_start3A_629 = tpu.memref_squeeze %dma_start3A_628 : memref<1x640xi32, #tpu.memory_space<vmem_shared>> -> memref<640xi32, #tpu.memory_space<vmem_shared>>
    tpu.enqueue_dma source(%dma_start3A_629 : memref<640xi32, #tpu.memory_space<vmem_shared>>) target(%dma_start3A_627 : memref<640xi32, #tpu.memory_space<vmem>>) target_semaphore(%arg21 : memref<!tpu.dma_semaphore, #tpu.memory_space<semaphore_mem>>)
    %dma_wait3A_630 = arith.constant 0 : i32
    %dma_wait3A_631 = arith.constant 0 : i32
    %dma_wait3A_632 = arith.constant 0 : i32
    %dma_wait3A_633 = tpu.memref_slice %arg9[%dma_wait3A_631, %dma_wait3A_632] : memref<16x640xi32, #tpu.memory_space<vmem>> -> memref<1x640xi32, #tpu.memory_space<vmem>>
    %dma_wait3A_634 = tpu.memref_squeeze %dma_wait3A_633 : memref<1x640xi32, #tpu.memory_space<vmem>> -> memref<640xi32, #tpu.memory_space<vmem>>
    %dma_wait3A_635 = tpu.memref_slice %arg16[%dma_wait3A_630, %multiple_of3A] : memref<16x10240xi32, #tpu.memory_space<vmem_shared>> -> memref<1x640xi32, #tpu.memory_space<vmem_shared>>
    %dma_wait3A_636 = tpu.memref_squeeze %dma_wait3A_635 : memref<1x640xi32, #tpu.memory_space<vmem_shared>> -> memref<640xi32, #tpu.memory_space<vmem_shared>>
    %dma_wait3A_637 = arith.constant 0 : i32
    %dma_wait3A_638 = tpu.memref_slice %arg9[%dma_wait3A_631, %dma_wait3A_637] : memref<16x640xi32, #tpu.memory_space<vmem>> -> memref<1x640xi32, #tpu.memory_space<vmem>>
    %dma_wait3A_639 = tpu.memref_squeeze %dma_wait3A_638 : memref<1x640xi32, #tpu.memory_space<vmem>> -> memref<640xi32, #tpu.memory_space<vmem>>
    %dma_wait3A_640 = tpu.memref_slice %arg16[%dma_wait3A_630, %multiple_of3A] : memref<16x10240xi32, #tpu.memory_space<vmem_shared>> -> memref<1x640xi32, #tpu.memory_space<vmem_shared>>
    %dma_wait3A_641 = tpu.memref_squeeze %dma_wait3A_640 : memref<1x640xi32, #tpu.memory_space<vmem_shared>> -> memref<640xi32, #tpu.memory_space<vmem_shared>>
    tpu.wait_dma2 semaphore(%arg21 : memref<!tpu.dma_semaphore, #tpu.memory_space<semaphore_mem>>) src(%dma_wait3A_641 : memref<640xi32, #tpu.memory_space<vmem_shared>>) dst(%dma_wait3A_639 : memref<640xi32, #tpu.memory_space<vmem>>)
    %dma_wait3A_642 = arith.constant 1 : i32
    %dma_wait3A_643 = arith.constant 1 : i32
    %dma_wait3A_644 = arith.constant 0 : i32
    %dma_wait3A_645 = tpu.memref_slice %arg9[%dma_wait3A_643, %dma_wait3A_644] : memref<16x640xi32, #tpu.memory_space<vmem>> -> memref<1x640xi32, #tpu.memory_space<vmem>>
    %dma_wait3A_646 = tpu.memref_squeeze %dma_wait3A_645 : memref<1x640xi32, #tpu.memory_space<vmem>> -> memref<640xi32, #tpu.memory_space<vmem>>
    %dma_wait3A_647 = tpu.memref_slice %arg16[%dma_wait3A_642, %multiple_of3A] : memref<16x10240xi32, #tpu.memory_space<vmem_shared>> -> memref<1x640xi32, #tpu.memory_space<vmem_shared>>
    %dma_wait3A_648 = tpu.memref_squeeze %dma_wait3A_647 : memref<1x640xi32, #tpu.memory_space<vmem_shared>> -> memref<640xi32, #tpu.memory_space<vmem_shared>>
    %dma_wait3A_649 = arith.constant 0 : i32
    %dma_wait3A_650 = tpu.memref_slice %arg9[%dma_wait3A_643, %dma_wait3A_649] : memref<16x640xi32, #tpu.memory_space<vmem>> -> memref<1x640xi32, #tpu.memory_space<vmem>>
    %dma_wait3A_651 = tpu.memref_squeeze %dma_wait3A_650 : memref<1x640xi32, #tpu.memory_space<vmem>> -> memref<640xi32, #tpu.memory_space<vmem>>
    %dma_wait3A_652 = tpu.memref_slice %arg16[%dma_wait3A_642, %multiple_of3A] : memref<16x10240xi32, #tpu.memory_space<vmem_shared>> -> memref<1x640xi32, #tpu.memory_space<vmem_shared>>
    %dma_wait3A_653 = tpu.memref_squeeze %dma_wait3A_652 : memref<1x640xi32, #tpu.memory_space<vmem_shared>> -> memref<640xi32, #tpu.memory_space<vmem_shared>>
    tpu.wait_dma2 semaphore(%arg21 : memref<!tpu.dma_semaphore, #tpu.memory_space<semaphore_mem>>) src(%dma_wait3A_653 : memref<640xi32, #tpu.memory_space<vmem_shared>>) dst(%dma_wait3A_651 : memref<640xi32, #tpu.memory_space<vmem>>)
    %dma_wait3A_654 = arith.constant 2 : i32
    %dma_wait3A_655 = arith.constant 2 : i32
    %dma_wait3A_656 = arith.constant 0 : i32
    %dma_wait3A_657 = tpu.memref_slice %arg9[%dma_wait3A_655, %dma_wait3A_656] : memref<16x640xi32, #tpu.memory_space<vmem>> -> memref<1x640xi32, #tpu.memory_space<vmem>>
    %dma_wait3A_658 = tpu.memref_squeeze %dma_wait3A_657 : memref<1x640xi32, #tpu.memory_space<vmem>> -> memref<640xi32, #tpu.memory_space<vmem>>
    %dma_wait3A_659 = tpu.memref_slice %arg16[%dma_wait3A_654, %multiple_of3A] : memref<16x10240xi32, #tpu.memory_space<vmem_shared>> -> memref<1x640xi32, #tpu.memory_space<vmem_shared>>
    %dma_wait3A_660 = tpu.memref_squeeze %dma_wait3A_659 : memref<1x640xi32, #tpu.memory_space<vmem_shared>> -> memref<640xi32, #tpu.memory_space<vmem_shared>>
    %dma_wait3A_661 = arith.constant 0 : i32
    %dma_wait3A_662 = tpu.memref_slice %arg9[%dma_wait3A_655, %dma_wait3A_661] : memref<16x640xi32, #tpu.memory_space<vmem>> -> memref<1x640xi32, #tpu.memory_space<vmem>>
    %dma_wait3A_663 = tpu.memref_squeeze %dma_wait3A_662 : memref<1x640xi32, #tpu.memory_space<vmem>> -> memref<640xi32, #tpu.memory_space<vmem>>
    %dma_wait3A_664 = tpu.memref_slice %arg16[%dma_wait3A_654, %multiple_of3A] : memref<16x10240xi32, #tpu.memory_space<vmem_shared>> -> memref<1x640xi32, #tpu.memory_space<vmem_shared>>
    %dma_wait3A_665 = tpu.memref_squeeze %dma_wait3A_664 : memref<1x640xi32, #tpu.memory_space<vmem_shared>> -> memref<640xi32, #tpu.memory_space<vmem_shared>>
    tpu.wait_dma2 semaphore(%arg21 : memref<!tpu.dma_semaphore, #tpu.memory_space<semaphore_mem>>) src(%dma_wait3A_665 : memref<640xi32, #tpu.memory_space<vmem_shared>>) dst(%dma_wait3A_663 : memref<640xi32, #tpu.memory_space<vmem>>)
    %dma_wait3A_666 = arith.constant 3 : i32
    %dma_wait3A_667 = arith.constant 3 : i32
    %dma_wait3A_668 = arith.constant 0 : i32
    %dma_wait3A_669 = tpu.memref_slice %arg9[%dma_wait3A_667, %dma_wait3A_668] : memref<16x640xi32, #tpu.memory_space<vmem>> -> memref<1x640xi32, #tpu.memory_space<vmem>>
    %dma_wait3A_670 = tpu.memref_squeeze %dma_wait3A_669 : memref<1x640xi32, #tpu.memory_space<vmem>> -> memref<640xi32, #tpu.memory_space<vmem>>
    %dma_wait3A_671 = tpu.memref_slice %arg16[%dma_wait3A_666, %multiple_of3A] : memref<16x10240xi32, #tpu.memory_space<vmem_shared>> -> memref<1x640xi32, #tpu.memory_space<vmem_shared>>
    %dma_wait3A_672 = tpu.memref_squeeze %dma_wait3A_671 : memref<1x640xi32, #tpu.memory_space<vmem_shared>> -> memref<640xi32, #tpu.memory_space<vmem_shared>>
    %dma_wait3A_673 = arith.constant 0 : i32
    %dma_wait3A_674 = tpu.memref_slice %arg9[%dma_wait3A_667, %dma_wait3A_673] : memref<16x640xi32, #tpu.memory_space<vmem>> -> memref<1x640xi32, #tpu.memory_space<vmem>>
    %dma_wait3A_675 = tpu.memref_squeeze %dma_wait3A_674 : memref<1x640xi32, #tpu.memory_space<vmem>> -> memref<640xi32, #tpu.memory_space<vmem>>
    %dma_wait3A_676 = tpu.memref_slice %arg16[%dma_wait3A_666, %multiple_of3A] : memref<16x10240xi32, #tpu.memory_space<vmem_shared>> -> memref<1x640xi32, #tpu.memory_space<vmem_shared>>
    %dma_wait3A_677 = tpu.memref_squeeze %dma_wait3A_676 : memref<1x640xi32, #tpu.memory_space<vmem_shared>> -> memref<640xi32, #tpu.memory_space<vmem_shared>>
    tpu.wait_dma2 semaphore(%arg21 : memref<!tpu.dma_semaphore, #tpu.memory_space<semaphore_mem>>) src(%dma_wait3A_677 : memref<640xi32, #tpu.memory_space<vmem_shared>>) dst(%dma_wait3A_675 : memref<640xi32, #tpu.memory_space<vmem>>)
    %dma_wait3A_678 = arith.constant 4 : i32
    %dma_wait3A_679 = arith.constant 4 : i32
    %dma_wait3A_680 = arith.constant 0 : i32
    %dma_wait3A_681 = tpu.memref_slice %arg9[%dma_wait3A_679, %dma_wait3A_680] : memref<16x640xi32, #tpu.memory_space<vmem>> -> memref<1x640xi32, #tpu.memory_space<vmem>>
    %dma_wait3A_682 = tpu.memref_squeeze %dma_wait3A_681 : memref<1x640xi32, #tpu.memory_space<vmem>> -> memref<640xi32, #tpu.memory_space<vmem>>
    %dma_wait3A_683 = tpu.memref_slice %arg16[%dma_wait3A_678, %multiple_of3A] : memref<16x10240xi32, #tpu.memory_space<vmem_shared>> -> memref<1x640xi32, #tpu.memory_space<vmem_shared>>
    %dma_wait3A_684 = tpu.memref_squeeze %dma_wait3A_683 : memref<1x640xi32, #tpu.memory_space<vmem_shared>> -> memref<640xi32, #tpu.memory_space<vmem_shared>>
    %dma_wait3A_685 = arith.constant 0 : i32
    %dma_wait3A_686 = tpu.memref_slice %arg9[%dma_wait3A_679, %dma_wait3A_685] : memref<16x640xi32, #tpu.memory_space<vmem>> -> memref<1x640xi32, #tpu.memory_space<vmem>>
    %dma_wait3A_687 = tpu.memref_squeeze %dma_wait3A_686 : memref<1x640xi32, #tpu.memory_space<vmem>> -> memref<640xi32, #tpu.memory_space<vmem>>
    %dma_wait3A_688 = tpu.memref_slice %arg16[%dma_wait3A_678, %multiple_of3A] : memref<16x10240xi32, #tpu.memory_space<vmem_shared>> -> memref<1x640xi32, #tpu.memory_space<vmem_shared>>
    %dma_wait3A_689 = tpu.memref_squeeze %dma_wait3A_688 : memref<1x640xi32, #tpu.memory_space<vmem_shared>> -> memref<640xi32, #tpu.memory_space<vmem_shared>>
    tpu.wait_dma2 semaphore(%arg21 : memref<!tpu.dma_semaphore, #tpu.memory_space<semaphore_mem>>) src(%dma_wait3A_689 : memref<640xi32, #tpu.memory_space<vmem_shared>>) dst(%dma_wait3A_687 : memref<640xi32, #tpu.memory_space<vmem>>)
    %dma_wait3A_690 = arith.constant 5 : i32
    %dma_wait3A_691 = arith.constant 5 : i32
    %dma_wait3A_692 = arith.constant 0 : i32
    %dma_wait3A_693 = tpu.memref_slice %arg9[%dma_wait3A_691, %dma_wait3A_692] : memref<16x640xi32, #tpu.memory_space<vmem>> -> memref<1x640xi32, #tpu.memory_space<vmem>>
    %dma_wait3A_694 = tpu.memref_squeeze %dma_wait3A_693 : memref<1x640xi32, #tpu.memory_space<vmem>> -> memref<640xi32, #tpu.memory_space<vmem>>
    %dma_wait3A_695 = tpu.memref_slice %arg16[%dma_wait3A_690, %multiple_of3A] : memref<16x10240xi32, #tpu.memory_space<vmem_shared>> -> memref<1x640xi32, #tpu.memory_space<vmem_shared>>
    %dma_wait3A_696 = tpu.memref_squeeze %dma_wait3A_695 : memref<1x640xi32, #tpu.memory_space<vmem_shared>> -> memref<640xi32, #tpu.memory_space<vmem_shared>>
    %dma_wait3A_697 = arith.constant 0 : i32
    %dma_wait3A_698 = tpu.memref_slice %arg9[%dma_wait3A_691, %dma_wait3A_697] : memref<16x640xi32, #tpu.memory_space<vmem>> -> memref<1x640xi32, #tpu.memory_space<vmem>>
    %dma_wait3A_699 = tpu.memref_squeeze %dma_wait3A_698 : memref<1x640xi32, #tpu.memory_space<vmem>> -> memref<640xi32, #tpu.memory_space<vmem>>
    %dma_wait3A_700 = tpu.memref_slice %arg16[%dma_wait3A_690, %multiple_of3A] : memref<16x10240xi32, #tpu.memory_space<vmem_shared>> -> memref<1x640xi32, #tpu.memory_space<vmem_shared>>
    %dma_wait3A_701 = tpu.memref_squeeze %dma_wait3A_700 : memref<1x640xi32, #tpu.memory_space<vmem_shared>> -> memref<640xi32, #tpu.memory_space<vmem_shared>>
    tpu.wait_dma2 semaphore(%arg21 : memref<!tpu.dma_semaphore, #tpu.memory_space<semaphore_mem>>) src(%dma_wait3A_701 : memref<640xi32, #tpu.memory_space<vmem_shared>>) dst(%dma_wait3A_699 : memref<640xi32, #tpu.memory_space<vmem>>)
    %dma_wait3A_702 = arith.constant 6 : i32
    %dma_wait3A_703 = arith.constant 6 : i32
    %dma_wait3A_704 = arith.constant 0 : i32
    %dma_wait3A_705 = tpu.memref_slice %arg9[%dma_wait3A_703, %dma_wait3A_704] : memref<16x640xi32, #tpu.memory_space<vmem>> -> memref<1x640xi32, #tpu.memory_space<vmem>>
    %dma_wait3A_706 = tpu.memref_squeeze %dma_wait3A_705 : memref<1x640xi32, #tpu.memory_space<vmem>> -> memref<640xi32, #tpu.memory_space<vmem>>
    %dma_wait3A_707 = tpu.memref_slice %arg16[%dma_wait3A_702, %multiple_of3A] : memref<16x10240xi32, #tpu.memory_space<vmem_shared>> -> memref<1x640xi32, #tpu.memory_space<vmem_shared>>
    %dma_wait3A_708 = tpu.memref_squeeze %dma_wait3A_707 : memref<1x640xi32, #tpu.memory_space<vmem_shared>> -> memref<640xi32, #tpu.memory_space<vmem_shared>>
    %dma_wait3A_709 = arith.constant 0 : i32
    %dma_wait3A_710 = tpu.memref_slice %arg9[%dma_wait3A_703, %dma_wait3A_709] : memref<16x640xi32, #tpu.memory_space<vmem>> -> memref<1x640xi32, #tpu.memory_space<vmem>>
    %dma_wait3A_711 = tpu.memref_squeeze %dma_wait3A_710 : memref<1x640xi32, #tpu.memory_space<vmem>> -> memref<640xi32, #tpu.memory_space<vmem>>
    %dma_wait3A_712 = tpu.memref_slice %arg16[%dma_wait3A_702, %multiple_of3A] : memref<16x10240xi32, #tpu.memory_space<vmem_shared>> -> memref<1x640xi32, #tpu.memory_space<vmem_shared>>
    %dma_wait3A_713 = tpu.memref_squeeze %dma_wait3A_712 : memref<1x640xi32, #tpu.memory_space<vmem_shared>> -> memref<640xi32, #tpu.memory_space<vmem_shared>>
    tpu.wait_dma2 semaphore(%arg21 : memref<!tpu.dma_semaphore, #tpu.memory_space<semaphore_mem>>) src(%dma_wait3A_713 : memref<640xi32, #tpu.memory_space<vmem_shared>>) dst(%dma_wait3A_711 : memref<640xi32, #tpu.memory_space<vmem>>)
    %dma_wait3A_714 = arith.constant 7 : i32
    %dma_wait3A_715 = arith.constant 7 : i32
    %dma_wait3A_716 = arith.constant 0 : i32
    %dma_wait3A_717 = tpu.memref_slice %arg9[%dma_wait3A_715, %dma_wait3A_716] : memref<16x640xi32, #tpu.memory_space<vmem>> -> memref<1x640xi32, #tpu.memory_space<vmem>>
    %dma_wait3A_718 = tpu.memref_squeeze %dma_wait3A_717 : memref<1x640xi32, #tpu.memory_space<vmem>> -> memref<640xi32, #tpu.memory_space<vmem>>
    %dma_wait3A_719 = tpu.memref_slice %arg16[%dma_wait3A_714, %multiple_of3A] : memref<16x10240xi32, #tpu.memory_space<vmem_shared>> -> memref<1x640xi32, #tpu.memory_space<vmem_shared>>
    %dma_wait3A_720 = tpu.memref_squeeze %dma_wait3A_719 : memref<1x640xi32, #tpu.memory_space<vmem_shared>> -> memref<640xi32, #tpu.memory_space<vmem_shared>>
    %dma_wait3A_721 = arith.constant 0 : i32
    %dma_wait3A_722 = tpu.memref_slice %arg9[%dma_wait3A_715, %dma_wait3A_721] : memref<16x640xi32, #tpu.memory_space<vmem>> -> memref<1x640xi32, #tpu.memory_space<vmem>>
    %dma_wait3A_723 = tpu.memref_squeeze %dma_wait3A_722 : memref<1x640xi32, #tpu.memory_space<vmem>> -> memref<640xi32, #tpu.memory_space<vmem>>
    %dma_wait3A_724 = tpu.memref_slice %arg16[%dma_wait3A_714, %multiple_of3A] : memref<16x10240xi32, #tpu.memory_space<vmem_shared>> -> memref<1x640xi32, #tpu.memory_space<vmem_shared>>
    %dma_wait3A_725 = tpu.memref_squeeze %dma_wait3A_724 : memref<1x640xi32, #tpu.memory_space<vmem_shared>> -> memref<640xi32, #tpu.memory_space<vmem_shared>>
    tpu.wait_dma2 semaphore(%arg21 : memref<!tpu.dma_semaphore, #tpu.memory_space<semaphore_mem>>) src(%dma_wait3A_725 : memref<640xi32, #tpu.memory_space<vmem_shared>>) dst(%dma_wait3A_723 : memref<640xi32, #tpu.memory_space<vmem>>)
    %dma_wait3A_726 = arith.constant 8 : i32
    %dma_wait3A_727 = arith.constant 8 : i32
    %dma_wait3A_728 = arith.constant 0 : i32
    %dma_wait3A_729 = tpu.memref_slice %arg9[%dma_wait3A_727, %dma_wait3A_728] : memref<16x640xi32, #tpu.memory_space<vmem>> -> memref<1x640xi32, #tpu.memory_space<vmem>>
    %dma_wait3A_730 = tpu.memref_squeeze %dma_wait3A_729 : memref<1x640xi32, #tpu.memory_space<vmem>> -> memref<640xi32, #tpu.memory_space<vmem>>
    %dma_wait3A_731 = tpu.memref_slice %arg16[%dma_wait3A_726, %multiple_of3A] : memref<16x10240xi32, #tpu.memory_space<vmem_shared>> -> memref<1x640xi32, #tpu.memory_space<vmem_shared>>
    %dma_wait3A_732 = tpu.memref_squeeze %dma_wait3A_731 : memref<1x640xi32, #tpu.memory_space<vmem_shared>> -> memref<640xi32, #tpu.memory_space<vmem_shared>>
    %dma_wait3A_733 = arith.constant 0 : i32
    %dma_wait3A_734 = tpu.memref_slice %arg9[%dma_wait3A_727, %dma_wait3A_733] : memref<16x640xi32, #tpu.memory_space<vmem>> -> memref<1x640xi32, #tpu.memory_space<vmem>>
    %dma_wait3A_735 = tpu.memref_squeeze %dma_wait3A_734 : memref<1x640xi32, #tpu.memory_space<vmem>> -> memref<640xi32, #tpu.memory_space<vmem>>
    %dma_wait3A_736 = tpu.memref_slice %arg16[%dma_wait3A_726, %multiple_of3A] : memref<16x10240xi32, #tpu.memory_space<vmem_shared>> -> memref<1x640xi32, #tpu.memory_space<vmem_shared>>
    %dma_wait3A_737 = tpu.memref_squeeze %dma_wait3A_736 : memref<1x640xi32, #tpu.memory_space<vmem_shared>> -> memref<640xi32, #tpu.memory_space<vmem_shared>>
    tpu.wait_dma2 semaphore(%arg21 : memref<!tpu.dma_semaphore, #tpu.memory_space<semaphore_mem>>) src(%dma_wait3A_737 : memref<640xi32, #tpu.memory_space<vmem_shared>>) dst(%dma_wait3A_735 : memref<640xi32, #tpu.memory_space<vmem>>)
    %dma_wait3A_738 = arith.constant 9 : i32
    %dma_wait3A_739 = arith.constant 9 : i32
    %dma_wait3A_740 = arith.constant 0 : i32
    %dma_wait3A_741 = tpu.memref_slice %arg9[%dma_wait3A_739, %dma_wait3A_740] : memref<16x640xi32, #tpu.memory_space<vmem>> -> memref<1x640xi32, #tpu.memory_space<vmem>>
    %dma_wait3A_742 = tpu.memref_squeeze %dma_wait3A_741 : memref<1x640xi32, #tpu.memory_space<vmem>> -> memref<640xi32, #tpu.memory_space<vmem>>
    %dma_wait3A_743 = tpu.memref_slice %arg16[%dma_wait3A_738, %multiple_of3A] : memref<16x10240xi32, #tpu.memory_space<vmem_shared>> -> memref<1x640xi32, #tpu.memory_space<vmem_shared>>
    %dma_wait3A_744 = tpu.memref_squeeze %dma_wait3A_743 : memref<1x640xi32, #tpu.memory_space<vmem_shared>> -> memref<640xi32, #tpu.memory_space<vmem_shared>>
    %dma_wait3A_745 = arith.constant 0 : i32
    %dma_wait3A_746 = tpu.memref_slice %arg9[%dma_wait3A_739, %dma_wait3A_745] : memref<16x640xi32, #tpu.memory_space<vmem>> -> memref<1x640xi32, #tpu.memory_space<vmem>>
    %dma_wait3A_747 = tpu.memref_squeeze %dma_wait3A_746 : memref<1x640xi32, #tpu.memory_space<vmem>> -> memref<640xi32, #tpu.memory_space<vmem>>
    %dma_wait3A_748 = tpu.memref_slice %arg16[%dma_wait3A_738, %multiple_of3A] : memref<16x10240xi32, #tpu.memory_space<vmem_shared>> -> memref<1x640xi32, #tpu.memory_space<vmem_shared>>
    %dma_wait3A_749 = tpu.memref_squeeze %dma_wait3A_748 : memref<1x640xi32, #tpu.memory_space<vmem_shared>> -> memref<640xi32, #tpu.memory_space<vmem_shared>>
    tpu.wait_dma2 semaphore(%arg21 : memref<!tpu.dma_semaphore, #tpu.memory_space<semaphore_mem>>) src(%dma_wait3A_749 : memref<640xi32, #tpu.memory_space<vmem_shared>>) dst(%dma_wait3A_747 : memref<640xi32, #tpu.memory_space<vmem>>)
    %dma_wait3A_750 = arith.constant 10 : i32
    %dma_wait3A_751 = arith.constant 10 : i32
    %dma_wait3A_752 = arith.constant 0 : i32
    %dma_wait3A_753 = tpu.memref_slice %arg9[%dma_wait3A_751, %dma_wait3A_752] : memref<16x640xi32, #tpu.memory_space<vmem>> -> memref<1x640xi32, #tpu.memory_space<vmem>>
    %dma_wait3A_754 = tpu.memref_squeeze %dma_wait3A_753 : memref<1x640xi32, #tpu.memory_space<vmem>> -> memref<640xi32, #tpu.memory_space<vmem>>
    %dma_wait3A_755 = tpu.memref_slice %arg16[%dma_wait3A_750, %multiple_of3A] : memref<16x10240xi32, #tpu.memory_space<vmem_shared>> -> memref<1x640xi32, #tpu.memory_space<vmem_shared>>
    %dma_wait3A_756 = tpu.memref_squeeze %dma_wait3A_755 : memref<1x640xi32, #tpu.memory_space<vmem_shared>> -> memref<640xi32, #tpu.memory_space<vmem_shared>>
    %dma_wait3A_757 = arith.constant 0 : i32
    %dma_wait3A_758 = tpu.memref_slice %arg9[%dma_wait3A_751, %dma_wait3A_757] : memref<16x640xi32, #tpu.memory_space<vmem>> -> memref<1x640xi32, #tpu.memory_space<vmem>>
    %dma_wait3A_759 = tpu.memref_squeeze %dma_wait3A_758 : memref<1x640xi32, #tpu.memory_space<vmem>> -> memref<640xi32, #tpu.memory_space<vmem>>
    %dma_wait3A_760 = tpu.memref_slice %arg16[%dma_wait3A_750, %multiple_of3A] : memref<16x10240xi32, #tpu.memory_space<vmem_shared>> -> memref<1x640xi32, #tpu.memory_space<vmem_shared>>
    %dma_wait3A_761 = tpu.memref_squeeze %dma_wait3A_760 : memref<1x640xi32, #tpu.memory_space<vmem_shared>> -> memref<640xi32, #tpu.memory_space<vmem_shared>>
    tpu.wait_dma2 semaphore(%arg21 : memref<!tpu.dma_semaphore, #tpu.memory_space<semaphore_mem>>) src(%dma_wait3A_761 : memref<640xi32, #tpu.memory_space<vmem_shared>>) dst(%dma_wait3A_759 : memref<640xi32, #tpu.memory_space<vmem>>)
    %dma_wait3A_762 = arith.constant 11 : i32
    %dma_wait3A_763 = arith.constant 11 : i32
    %dma_wait3A_764 = arith.constant 0 : i32
    %dma_wait3A_765 = tpu.memref_slice %arg9[%dma_wait3A_763, %dma_wait3A_764] : memref<16x640xi32, #tpu.memory_space<vmem>> -> memref<1x640xi32, #tpu.memory_space<vmem>>
    %dma_wait3A_766 = tpu.memref_squeeze %dma_wait3A_765 : memref<1x640xi32, #tpu.memory_space<vmem>> -> memref<640xi32, #tpu.memory_space<vmem>>
    %dma_wait3A_767 = tpu.memref_slice %arg16[%dma_wait3A_762, %multiple_of3A] : memref<16x10240xi32, #tpu.memory_space<vmem_shared>> -> memref<1x640xi32, #tpu.memory_space<vmem_shared>>
    %dma_wait3A_768 = tpu.memref_squeeze %dma_wait3A_767 : memref<1x640xi32, #tpu.memory_space<vmem_shared>> -> memref<640xi32, #tpu.memory_space<vmem_shared>>
    %dma_wait3A_769 = arith.constant 0 : i32
    %dma_wait3A_770 = tpu.memref_slice %arg9[%dma_wait3A_763, %dma_wait3A_769] : memref<16x640xi32, #tpu.memory_space<vmem>> -> memref<1x640xi32, #tpu.memory_space<vmem>>
    %dma_wait3A_771 = tpu.memref_squeeze %dma_wait3A_770 : memref<1x640xi32, #tpu.memory_space<vmem>> -> memref<640xi32, #tpu.memory_space<vmem>>
    %dma_wait3A_772 = tpu.memref_slice %arg16[%dma_wait3A_762, %multiple_of3A] : memref<16x10240xi32, #tpu.memory_space<vmem_shared>> -> memref<1x640xi32, #tpu.memory_space<vmem_shared>>
    %dma_wait3A_773 = tpu.memref_squeeze %dma_wait3A_772 : memref<1x640xi32, #tpu.memory_space<vmem_shared>> -> memref<640xi32, #tpu.memory_space<vmem_shared>>
    tpu.wait_dma2 semaphore(%arg21 : memref<!tpu.dma_semaphore, #tpu.memory_space<semaphore_mem>>) src(%dma_wait3A_773 : memref<640xi32, #tpu.memory_space<vmem_shared>>) dst(%dma_wait3A_771 : memref<640xi32, #tpu.memory_space<vmem>>)
    %dma_wait3A_774 = arith.constant 12 : i32
    %dma_wait3A_775 = arith.constant 12 : i32
    %dma_wait3A_776 = arith.constant 0 : i32
    %dma_wait3A_777 = tpu.memref_slice %arg9[%dma_wait3A_775, %dma_wait3A_776] : memref<16x640xi32, #tpu.memory_space<vmem>> -> memref<1x640xi32, #tpu.memory_space<vmem>>
    %dma_wait3A_778 = tpu.memref_squeeze %dma_wait3A_777 : memref<1x640xi32, #tpu.memory_space<vmem>> -> memref<640xi32, #tpu.memory_space<vmem>>
    %dma_wait3A_779 = tpu.memref_slice %arg16[%dma_wait3A_774, %multiple_of3A] : memref<16x10240xi32, #tpu.memory_space<vmem_shared>> -> memref<1x640xi32, #tpu.memory_space<vmem_shared>>
    %dma_wait3A_780 = tpu.memref_squeeze %dma_wait3A_779 : memref<1x640xi32, #tpu.memory_space<vmem_shared>> -> memref<640xi32, #tpu.memory_space<vmem_shared>>
    %dma_wait3A_781 = arith.constant 0 : i32
    %dma_wait3A_782 = tpu.memref_slice %arg9[%dma_wait3A_775, %dma_wait3A_781] : memref<16x640xi32, #tpu.memory_space<vmem>> -> memref<1x640xi32, #tpu.memory_space<vmem>>
    %dma_wait3A_783 = tpu.memref_squeeze %dma_wait3A_782 : memref<1x640xi32, #tpu.memory_space<vmem>> -> memref<640xi32, #tpu.memory_space<vmem>>
    %dma_wait3A_784 = tpu.memref_slice %arg16[%dma_wait3A_774, %multiple_of3A] : memref<16x10240xi32, #tpu.memory_space<vmem_shared>> -> memref<1x640xi32, #tpu.memory_space<vmem_shared>>
    %dma_wait3A_785 = tpu.memref_squeeze %dma_wait3A_784 : memref<1x640xi32, #tpu.memory_space<vmem_shared>> -> memref<640xi32, #tpu.memory_space<vmem_shared>>
    tpu.wait_dma2 semaphore(%arg21 : memref<!tpu.dma_semaphore, #tpu.memory_space<semaphore_mem>>) src(%dma_wait3A_785 : memref<640xi32, #tpu.memory_space<vmem_shared>>) dst(%dma_wait3A_783 : memref<640xi32, #tpu.memory_space<vmem>>)
    %dma_wait3A_786 = arith.constant 13 : i32
    %dma_wait3A_787 = arith.constant 13 : i32
    %dma_wait3A_788 = arith.constant 0 : i32
    %dma_wait3A_789 = tpu.memref_slice %arg9[%dma_wait3A_787, %dma_wait3A_788] : memref<16x640xi32, #tpu.memory_space<vmem>> -> memref<1x640xi32, #tpu.memory_space<vmem>>
    %dma_wait3A_790 = tpu.memref_squeeze %dma_wait3A_789 : memref<1x640xi32, #tpu.memory_space<vmem>> -> memref<640xi32, #tpu.memory_space<vmem>>
    %dma_wait3A_791 = tpu.memref_slice %arg16[%dma_wait3A_786, %multiple_of3A] : memref<16x10240xi32, #tpu.memory_space<vmem_shared>> -> memref<1x640xi32, #tpu.memory_space<vmem_shared>>
    %dma_wait3A_792 = tpu.memref_squeeze %dma_wait3A_791 : memref<1x640xi32, #tpu.memory_space<vmem_shared>> -> memref<640xi32, #tpu.memory_space<vmem_shared>>
    %dma_wait3A_793 = arith.constant 0 : i32
    %dma_wait3A_794 = tpu.memref_slice %arg9[%dma_wait3A_787, %dma_wait3A_793] : memref<16x640xi32, #tpu.memory_space<vmem>> -> memref<1x640xi32, #tpu.memory_space<vmem>>
    %dma_wait3A_795 = tpu.memref_squeeze %dma_wait3A_794 : memref<1x640xi32, #tpu.memory_space<vmem>> -> memref<640xi32, #tpu.memory_space<vmem>>
    %dma_wait3A_796 = tpu.memref_slice %arg16[%dma_wait3A_786, %multiple_of3A] : memref<16x10240xi32, #tpu.memory_space<vmem_shared>> -> memref<1x640xi32, #tpu.memory_space<vmem_shared>>
    %dma_wait3A_797 = tpu.memref_squeeze %dma_wait3A_796 : memref<1x640xi32, #tpu.memory_space<vmem_shared>> -> memref<640xi32, #tpu.memory_space<vmem_shared>>
    tpu.wait_dma2 semaphore(%arg21 : memref<!tpu.dma_semaphore, #tpu.memory_space<semaphore_mem>>) src(%dma_wait3A_797 : memref<640xi32, #tpu.memory_space<vmem_shared>>) dst(%dma_wait3A_795 : memref<640xi32, #tpu.memory_space<vmem>>)
    %dma_wait3A_798 = arith.constant 14 : i32
    %dma_wait3A_799 = arith.constant 14 : i32
    %dma_wait3A_800 = arith.constant 0 : i32
    %dma_wait3A_801 = tpu.memref_slice %arg9[%dma_wait3A_799, %dma_wait3A_800] : memref<16x640xi32, #tpu.memory_space<vmem>> -> memref<1x640xi32, #tpu.memory_space<vmem>>
    %dma_wait3A_802 = tpu.memref_squeeze %dma_wait3A_801 : memref<1x640xi32, #tpu.memory_space<vmem>> -> memref<640xi32, #tpu.memory_space<vmem>>
    %dma_wait3A_803 = tpu.memref_slice %arg16[%dma_wait3A_798, %multiple_of3A] : memref<16x10240xi32, #tpu.memory_space<vmem_shared>> -> memref<1x640xi32, #tpu.memory_space<vmem_shared>>
    %dma_wait3A_804 = tpu.memref_squeeze %dma_wait3A_803 : memref<1x640xi32, #tpu.memory_space<vmem_shared>> -> memref<640xi32, #tpu.memory_space<vmem_shared>>
    %dma_wait3A_805 = arith.constant 0 : i32
    %dma_wait3A_806 = tpu.memref_slice %arg9[%dma_wait3A_799, %dma_wait3A_805] : memref<16x640xi32, #tpu.memory_space<vmem>> -> memref<1x640xi32, #tpu.memory_space<vmem>>
    %dma_wait3A_807 = tpu.memref_squeeze %dma_wait3A_806 : memref<1x640xi32, #tpu.memory_space<vmem>> -> memref<640xi32, #tpu.memory_space<vmem>>
    %dma_wait3A_808 = tpu.memref_slice %arg16[%dma_wait3A_798, %multiple_of3A] : memref<16x10240xi32, #tpu.memory_space<vmem_shared>> -> memref<1x640xi32, #tpu.memory_space<vmem_shared>>
    %dma_wait3A_809 = tpu.memref_squeeze %dma_wait3A_808 : memref<1x640xi32, #tpu.memory_space<vmem_shared>> -> memref<640xi32, #tpu.memory_space<vmem_shared>>
    tpu.wait_dma2 semaphore(%arg21 : memref<!tpu.dma_semaphore, #tpu.memory_space<semaphore_mem>>) src(%dma_wait3A_809 : memref<640xi32, #tpu.memory_space<vmem_shared>>) dst(%dma_wait3A_807 : memref<640xi32, #tpu.memory_space<vmem>>)
    %dma_wait3A_810 = arith.constant 15 : i32
    %dma_wait3A_811 = arith.constant 15 : i32
    %dma_wait3A_812 = arith.constant 0 : i32
    %dma_wait3A_813 = tpu.memref_slice %arg9[%dma_wait3A_811, %dma_wait3A_812] : memref<16x640xi32, #tpu.memory_space<vmem>> -> memref<1x640xi32, #tpu.memory_space<vmem>>
    %dma_wait3A_814 = tpu.memref_squeeze %dma_wait3A_813 : memref<1x640xi32, #tpu.memory_space<vmem>> -> memref<640xi32, #tpu.memory_space<vmem>>
    %dma_wait3A_815 = tpu.memref_slice %arg16[%dma_wait3A_810, %multiple_of3A] : memref<16x10240xi32, #tpu.memory_space<vmem_shared>> -> memref<1x640xi32, #tpu.memory_space<vmem_shared>>
    %dma_wait3A_816 = tpu.memref_squeeze %dma_wait3A_815 : memref<1x640xi32, #tpu.memory_space<vmem_shared>> -> memref<640xi32, #tpu.memory_space<vmem_shared>>
    %dma_wait3A_817 = arith.constant 0 : i32
    %dma_wait3A_818 = tpu.memref_slice %arg9[%dma_wait3A_811, %dma_wait3A_817] : memref<16x640xi32, #tpu.memory_space<vmem>> -> memref<1x640xi32, #tpu.memory_space<vmem>>
    %dma_wait3A_819 = tpu.memref_squeeze %dma_wait3A_818 : memref<1x640xi32, #tpu.memory_space<vmem>> -> memref<640xi32, #tpu.memory_space<vmem>>
    %dma_wait3A_820 = tpu.memref_slice %arg16[%dma_wait3A_810, %multiple_of3A] : memref<16x10240xi32, #tpu.memory_space<vmem_shared>> -> memref<1x640xi32, #tpu.memory_space<vmem_shared>>
    %dma_wait3A_821 = tpu.memref_squeeze %dma_wait3A_820 : memref<1x640xi32, #tpu.memory_space<vmem_shared>> -> memref<640xi32, #tpu.memory_space<vmem_shared>>
    tpu.wait_dma2 semaphore(%arg21 : memref<!tpu.dma_semaphore, #tpu.memory_space<semaphore_mem>>) src(%dma_wait3A_821 : memref<640xi32, #tpu.memory_space<vmem_shared>>) dst(%dma_wait3A_819 : memref<640xi32, #tpu.memory_space<vmem>>)
    %parallel_loop3A_822 = arith.constant 0 : i32
    %parallel_loop3A_823 = arith.constant 40 : i32
    %parallel_loop3A_824 = arith.constant 1 : i32
    scf.for %parallel_loop3A_1311 = %parallel_loop3A_822 to %parallel_loop3A_823 step %parallel_loop3A_824  : i32 {
      %parallel_loop3A_1312 = arith.constant 16 : i32
      %parallel_loop3A_1313 = arith.muli %parallel_loop3A_1311, %parallel_loop3A_1312 : i32
      %parallel_loop3A_1314 = tpu.assume_multiple %parallel_loop3A_1313, 16 : i32
      %parallel_loop3A_1315 = arith.constant 0 : i32
      %parallel_loop3A_1316 = arith.index_cast %parallel_loop3A_1315 : i32 to index
      %parallel_loop3A_1317 = arith.index_cast %parallel_loop3A_1314 : i32 to index
      %parallel_loop3A_1318 = tpu.vector_load %arg9[%parallel_loop3A_1316, %parallel_loop3A_1317] {strides = array<i32>} : memref<16x640xi32, #tpu.memory_space<vmem>>, vector<16xi32>,
      %parallel_loop3A_1319 = arith.constant 1 : i32
      %parallel_loop3A_1320 = arith.index_cast %parallel_loop3A_1319 : i32 to index
      %parallel_loop3A_1321 = arith.index_cast %parallel_loop3A_1314 : i32 to index
      %parallel_loop3A_1322 = tpu.vector_load %arg9[%parallel_loop3A_1320, %parallel_loop3A_1321] {strides = array<i32>} : memref<16x640xi32, #tpu.memory_space<vmem>>, vector<16xi32>,
      %parallel_loop3A_1323 = arith.addi %parallel_loop3A_1318, %parallel_loop3A_1322 : vector<16xi32>
      %parallel_loop3A_1324 = arith.constant 2 : i32
      %parallel_loop3A_1325 = arith.index_cast %parallel_loop3A_1324 : i32 to index
      %parallel_loop3A_1326 = arith.index_cast %parallel_loop3A_1314 : i32 to index
      %parallel_loop3A_1327 = tpu.vector_load %arg9[%parallel_loop3A_1325, %parallel_loop3A_1326] {strides = array<i32>} : memref<16x640xi32, #tpu.memory_space<vmem>>, vector<16xi32>,
      %parallel_loop3A_1328 = arith.addi %parallel_loop3A_1323, %parallel_loop3A_1327 : vector<16xi32>
      %parallel_loop3A_1329 = arith.constant 3 : i32
      %parallel_loop3A_1330 = arith.index_cast %parallel_loop3A_1329 : i32 to index
      %parallel_loop3A_1331 = arith.index_cast %parallel_loop3A_1314 : i32 to index
      %parallel_loop3A_1332 = tpu.vector_load %arg9[%parallel_loop3A_1330, %parallel_loop3A_1331] {strides = array<i32>} : memref<16x640xi32, #tpu.memory_space<vmem>>, vector<16xi32>,
      %parallel_loop3A_1333 = arith.addi %parallel_loop3A_1328, %parallel_loop3A_1332 : vector<16xi32>
      %parallel_loop3A_1334 = arith.constant 4 : i32
      %parallel_loop3A_1335 = arith.index_cast %parallel_loop3A_1334 : i32 to index
      %parallel_loop3A_1336 = arith.index_cast %parallel_loop3A_1314 : i32 to index
      %parallel_loop3A_1337 = tpu.vector_load %arg9[%parallel_loop3A_1335, %parallel_loop3A_1336] {strides = array<i32>} : memref<16x640xi32, #tpu.memory_space<vmem>>, vector<16xi32>,
      %parallel_loop3A_1338 = arith.addi %parallel_loop3A_1333, %parallel_loop3A_1337 : vector<16xi32>
      %parallel_loop3A_1339 = arith.constant 5 : i32
      %parallel_loop3A_1340 = arith.index_cast %parallel_loop3A_1339 : i32 to index
      %parallel_loop3A_1341 = arith.index_cast %parallel_loop3A_1314 : i32 to index
      %parallel_loop3A_1342 = tpu.vector_load %arg9[%parallel_loop3A_1340, %parallel_loop3A_1341] {strides = array<i32>} : memref<16x640xi32, #tpu.memory_space<vmem>>, vector<16xi32>,
      %parallel_loop3A_1343 = arith.addi %parallel_loop3A_1338, %parallel_loop3A_1342 : vector<16xi32>
      %parallel_loop3A_1344 = arith.constant 6 : i32
      %parallel_loop3A_1345 = arith.index_cast %parallel_loop3A_1344 : i32 to index
      %parallel_loop3A_1346 = arith.index_cast %parallel_loop3A_1314 : i32 to index
      %parallel_loop3A_1347 = tpu.vector_load %arg9[%parallel_loop3A_1345, %parallel_loop3A_1346] {strides = array<i32>} : memref<16x640xi32, #tpu.memory_space<vmem>>, vector<16xi32>,
      %parallel_loop3A_1348 = arith.addi %parallel_loop3A_1343, %parallel_loop3A_1347 : vector<16xi32>
      %parallel_loop3A_1349 = arith.constant 7 : i32
      %parallel_loop3A_1350 = arith.index_cast %parallel_loop3A_1349 : i32 to index
      %parallel_loop3A_1351 = arith.index_cast %parallel_loop3A_1314 : i32 to index
      %parallel_loop3A_1352 = tpu.vector_load %arg9[%parallel_loop3A_1350, %parallel_loop3A_1351] {strides = array<i32>} : memref<16x640xi32, #tpu.memory_space<vmem>>, vector<16xi32>,
      %parallel_loop3A_1353 = arith.addi %parallel_loop3A_1348, %parallel_loop3A_1352 : vector<16xi32>
      %parallel_loop3A_1354 = arith.constant 8 : i32
      %parallel_loop3A_1355 = arith.index_cast %parallel_loop3A_1354 : i32 to index
      %parallel_loop3A_1356 = arith.index_cast %parallel_loop3A_1314 : i32 to index
      %parallel_loop3A_1357 = tpu.vector_load %arg9[%parallel_loop3A_1355, %parallel_loop3A_1356] {strides = array<i32>} : memref<16x640xi32, #tpu.memory_space<vmem>>, vector<16xi32>,
      %parallel_loop3A_1358 = arith.addi %parallel_loop3A_1353, %parallel_loop3A_1357 : vector<16xi32>
      %parallel_loop3A_1359 = arith.constant 9 : i32
      %parallel_loop3A_1360 = arith.index_cast %parallel_loop3A_1359 : i32 to index
      %parallel_loop3A_1361 = arith.index_cast %parallel_loop3A_1314 : i32 to index
      %parallel_loop3A_1362 = tpu.vector_load %arg9[%parallel_loop3A_1360, %parallel_loop3A_1361] {strides = array<i32>} : memref<16x640xi32, #tpu.memory_space<vmem>>, vector<16xi32>,
      %parallel_loop3A_1363 = arith.addi %parallel_loop3A_1358, %parallel_loop3A_1362 : vector<16xi32>
      %parallel_loop3A_1364 = arith.constant 10 : i32
      %parallel_loop3A_1365 = arith.index_cast %parallel_loop3A_1364 : i32 to index
      %parallel_loop3A_1366 = arith.index_cast %parallel_loop3A_1314 : i32 to index
      %parallel_loop3A_1367 = tpu.vector_load %arg9[%parallel_loop3A_1365, %parallel_loop3A_1366] {strides = array<i32>} : memref<16x640xi32, #tpu.memory_space<vmem>>, vector<16xi32>,
      %parallel_loop3A_1368 = arith.addi %parallel_loop3A_1363, %parallel_loop3A_1367 : vector<16xi32>
      %parallel_loop3A_1369 = arith.constant 11 : i32
      %parallel_loop3A_1370 = arith.index_cast %parallel_loop3A_1369 : i32 to index
      %parallel_loop3A_1371 = arith.index_cast %parallel_loop3A_1314 : i32 to index
      %parallel_loop3A_1372 = tpu.vector_load %arg9[%parallel_loop3A_1370, %parallel_loop3A_1371] {strides = array<i32>} : memref<16x640xi32, #tpu.memory_space<vmem>>, vector<16xi32>,
      %parallel_loop3A_1373 = arith.addi %parallel_loop3A_1368, %parallel_loop3A_1372 : vector<16xi32>
      %parallel_loop3A_1374 = arith.constant 12 : i32
      %parallel_loop3A_1375 = arith.index_cast %parallel_loop3A_1374 : i32 to index
      %parallel_loop3A_1376 = arith.index_cast %parallel_loop3A_1314 : i32 to index
      %parallel_loop3A_1377 = tpu.vector_load %arg9[%parallel_loop3A_1375, %parallel_loop3A_1376] {strides = array<i32>} : memref<16x640xi32, #tpu.memory_space<vmem>>, vector<16xi32>,
      %parallel_loop3A_1378 = arith.addi %parallel_loop3A_1373, %parallel_loop3A_1377 : vector<16xi32>
      %parallel_loop3A_1379 = arith.constant 13 : i32
      %parallel_loop3A_1380 = arith.index_cast %parallel_loop3A_1379 : i32 to index
      %parallel_loop3A_1381 = arith.index_cast %parallel_loop3A_1314 : i32 to index
      %parallel_loop3A_1382 = tpu.vector_load %arg9[%parallel_loop3A_1380, %parallel_loop3A_1381] {strides = array<i32>} : memref<16x640xi32, #tpu.memory_space<vmem>>, vector<16xi32>,
      %parallel_loop3A_1383 = arith.addi %parallel_loop3A_1378, %parallel_loop3A_1382 : vector<16xi32>
      %parallel_loop3A_1384 = arith.constant 14 : i32
      %parallel_loop3A_1385 = arith.index_cast %parallel_loop3A_1384 : i32 to index
      %parallel_loop3A_1386 = arith.index_cast %parallel_loop3A_1314 : i32 to index
      %parallel_loop3A_1387 = tpu.vector_load %arg9[%parallel_loop3A_1385, %parallel_loop3A_1386] {strides = array<i32>} : memref<16x640xi32, #tpu.memory_space<vmem>>, vector<16xi32>,
      %parallel_loop3A_1388 = arith.addi %parallel_loop3A_1383, %parallel_loop3A_1387 : vector<16xi32>
      %parallel_loop3A_1389 = arith.constant 15 : i32
      %parallel_loop3A_1390 = arith.index_cast %parallel_loop3A_1389 : i32 to index
      %parallel_loop3A_1391 = arith.index_cast %parallel_loop3A_1314 : i32 to index
      %parallel_loop3A_1392 = tpu.vector_load %arg9[%parallel_loop3A_1390, %parallel_loop3A_1391] {strides = array<i32>} : memref<16x640xi32, #tpu.memory_space<vmem>>, vector<16xi32>,
      %parallel_loop3A_1393 = arith.addi %parallel_loop3A_1388, %parallel_loop3A_1392 : vector<16xi32>
      %parallel_loop3A_1394 = arith.index_cast %parallel_loop3A_1314 : i32 to index
      %parallel_loop3A_1395 = tpu.vector_load %arg6[%parallel_loop3A_1394] {strides = array<i32>} : memref<640xi32, #tpu.memory_space<vmem>>, vector<16xi32>,
      %parallel_loop3A_1396 = arith.constant -1640531535 : i32
      %parallel_loop3A_1397 = vector.broadcast %parallel_loop3A_1396 : i32 to vector<16xi32>
      %parallel_loop3A_1398 = arith.muli %parallel_loop3A_1395, %parallel_loop3A_1397 : vector<16xi32>
      %parallel_loop3A_1399 = arith.xori %parallel_loop3A_1398, %parallel_loop3A_1393 : vector<16xi32>
      %parallel_loop3A_1400 = arith.constant -2048144789 : i32
      %parallel_loop3A_1401 = vector.broadcast %parallel_loop3A_1400 : i32 to vector<16xi32>
      %parallel_loop3A_1402 = arith.muli %parallel_loop3A_1399, %parallel_loop3A_1401 : vector<16xi32>
      %parallel_loop3A_1403 = arith.constant 13 : i32
      %parallel_loop3A_1404 = vector.broadcast %parallel_loop3A_1403 : i32 to vector<16xi32>
      %parallel_loop3A_1405 = arith.shrui %parallel_loop3A_1402, %parallel_loop3A_1404 : vector<16xi32>
      %parallel_loop3A_1406 = arith.xori %parallel_loop3A_1402, %parallel_loop3A_1405 : vector<16xi32>
      %parallel_loop3A_1407 = arith.constant -1028477387 : i32
      %parallel_loop3A_1408 = vector.broadcast %parallel_loop3A_1407 : i32 to vector<16xi32>
      %parallel_loop3A_1409 = arith.muli %parallel_loop3A_1406, %parallel_loop3A_1408 : vector<16xi32>
      %parallel_loop3A_1410 = arith.constant 16 : i32
      %parallel_loop3A_1411 = vector.broadcast %parallel_loop3A_1410 : i32 to vector<16xi32>
      %parallel_loop3A_1412 = arith.shrui %parallel_loop3A_1409, %parallel_loop3A_1411 : vector<16xi32>
      %parallel_loop3A_1413 = arith.xori %parallel_loop3A_1409, %parallel_loop3A_1412 : vector<16xi32>
      %parallel_loop3A_1414 = arith.index_cast %parallel_loop3A_1314 : i32 to index
      %parallel_loop3A_1415 = tpu.vector_load %arg6[%parallel_loop3A_1414] {strides = array<i32>} : memref<640xi32, #tpu.memory_space<vmem>>, vector<16xi32>,
      tpu.vector_store %arg6[%parallel_loop3A_1414], %parallel_loop3A_1413 {strides = array<i32>} : memref<640xi32, #tpu.memory_space<vmem>>, vector<16xi32>,
    } {sc.loop_unroll_factor = 4 : i64, sc.parallel_access}
    %parallel_loop3A_825 = arith.constant 0 : i32
    %parallel_loop3A_826 = arith.constant 32 : i32
    %parallel_loop3A_827 = arith.constant 1 : i32
    "tpu.trace_stop"() : () -> ()
    "tpu.trace_start"() <{level = 10 : i32, message = "bins"}> : () -> ()
    scf.for %parallel_loop3A_1311 = %parallel_loop3A_825 to %parallel_loop3A_826 step %parallel_loop3A_827  : i32 {
      %parallel_loop3A_1312 = arith.constant 16 : i32
      %parallel_loop3A_1313 = arith.muli %parallel_loop3A_1311, %parallel_loop3A_1312 : i32
      %parallel_loop3A_1314 = tpu.assume_multiple %parallel_loop3A_1313, 16 : i32
      %parallel_loop3A_1315 = arith.constant 0 : i32
      %parallel_loop3A_1316 = vector.broadcast %parallel_loop3A_1315 : i32 to vector<16xi32>
      %parallel_loop3A_1317 = arith.index_cast %parallel_loop3A_1314 : i32 to index
      %parallel_loop3A_1318 = tpu.vector_load %arg13[%parallel_loop3A_1317] {strides = array<i32>} : memref<512xi32, #tpu.memory_space<vmem>>, vector<16xi32>,
      tpu.vector_store %arg13[%parallel_loop3A_1317], %parallel_loop3A_1316 {strides = array<i32>} : memref<512xi32, #tpu.memory_space<vmem>>, vector<16xi32>,
    } {sc.loop_unroll_factor = 8 : i64, sc.parallel_access}
    %parallel_loop3A_828 = arith.constant 0 : i32
    %parallel_loop3A_829 = arith.constant 40 : i32
    %parallel_loop3A_830 = arith.constant 1 : i32
    scf.for %parallel_loop3A_1311 = %parallel_loop3A_828 to %parallel_loop3A_829 step %parallel_loop3A_830  : i32 {
      %parallel_loop3A_1312 = arith.constant 16 : i32
      %parallel_loop3A_1313 = arith.muli %parallel_loop3A_1311, %parallel_loop3A_1312 : i32
      %parallel_loop3A_1314 = tpu.assume_multiple %parallel_loop3A_1313, 16 : i32
      %parallel_loop3A_1315 = arith.index_cast %parallel_loop3A_1314 : i32 to index
      %parallel_loop3A_1316 = tpu.vector_load %arg6[%parallel_loop3A_1315] {strides = array<i32>} : memref<640xi32, #tpu.memory_space<vmem>>, vector<16xi32>,
      %parallel_loop3A_1317 = arith.index_cast %parallel_loop3A_1314 : i32 to index
      %parallel_loop3A_1318 = tpu.vector_load %arg12[%parallel_loop3A_1317] {strides = array<i32>} : memref<640xi32, #tpu.memory_space<vmem>>, vector<16xi32>,
      %parallel_loop3A_1319 = arith.constant -2048144789 : i32
      %parallel_loop3A_1320 = vector.broadcast %parallel_loop3A_1319 : i32 to vector<16xi32>
      %parallel_loop3A_1321 = arith.muli %parallel_loop3A_1316, %parallel_loop3A_1320 : vector<16xi32>
      %parallel_loop3A_1322 = arith.constant 13 : i32
      %parallel_loop3A_1323 = vector.broadcast %parallel_loop3A_1322 : i32 to vector<16xi32>
      %parallel_loop3A_1324 = arith.shrui %parallel_loop3A_1321, %parallel_loop3A_1323 : vector<16xi32>
      %parallel_loop3A_1325 = arith.xori %parallel_loop3A_1321, %parallel_loop3A_1324 : vector<16xi32>
      %parallel_loop3A_1326 = arith.constant -1028477387 : i32
      %parallel_loop3A_1327 = vector.broadcast %parallel_loop3A_1326 : i32 to vector<16xi32>
      %parallel_loop3A_1328 = arith.muli %parallel_loop3A_1325, %parallel_loop3A_1327 : vector<16xi32>
      %parallel_loop3A_1329 = arith.constant 16 : i32
      %parallel_loop3A_1330 = vector.broadcast %parallel_loop3A_1329 : i32 to vector<16xi32>
      %parallel_loop3A_1331 = arith.shrui %parallel_loop3A_1328, %parallel_loop3A_1330 : vector<16xi32>
      %parallel_loop3A_1332 = arith.xori %parallel_loop3A_1328, %parallel_loop3A_1331 : vector<16xi32>
      tpu.vector_store_idx %arg13[%parallel_loop3A_1318], %parallel_loop3A_1332 {add = true} : memref<512xi32, #tpu.memory_space<vmem>>[vector<16xi32>], vector<16xi32>,
    } {sc.loop_unroll_factor = 8 : i64, sc.parallel_access}
    "tpu.region"() ({
      %run_scoped3A = tpu.sem_alloc : memref<!tpu.dma_semaphore, #tpu.memory_space<semaphore_mem>>
      %dma_start3A_1311 = arith.constant 0 : i32
      %dma_start3A_1312 = tpu.memref_slice %arg18[%arg1, %dma_start3A_1311] : memref<16x512xi32, #tpu.memory_space<vmem_shared>> -> memref<1x512xi32, #tpu.memory_space<vmem_shared>>
      %dma_start3A_1313 = tpu.memref_squeeze %dma_start3A_1312 : memref<1x512xi32, #tpu.memory_space<vmem_shared>> -> memref<512xi32, #tpu.memory_space<vmem_shared>>
      %dma_start3A_1314 = arith.constant 0 : i32
      %dma_start3A_1315 = tpu.memref_slice %arg18[%arg1, %dma_start3A_1314] : memref<16x512xi32, #tpu.memory_space<vmem_shared>> -> memref<1x512xi32, #tpu.memory_space<vmem_shared>>
      %dma_start3A_1316 = tpu.memref_squeeze %dma_start3A_1315 : memref<1x512xi32, #tpu.memory_space<vmem_shared>> -> memref<512xi32, #tpu.memory_space<vmem_shared>>
      tpu.enqueue_dma source(%arg13 : memref<512xi32, #tpu.memory_space<vmem>>) target(%dma_start3A_1316 : memref<512xi32, #tpu.memory_space<vmem_shared>>) target_semaphore(%run_scoped3A : memref<!tpu.dma_semaphore, #tpu.memory_space<semaphore_mem>>)
      %dma_wait3A_1317 = arith.constant 0 : i32
      %dma_wait3A_1318 = tpu.memref_slice %arg18[%arg1, %dma_wait3A_1317] : memref<16x512xi32, #tpu.memory_space<vmem_shared>> -> memref<1x512xi32, #tpu.memory_space<vmem_shared>>
      %dma_wait3A_1319 = tpu.memref_squeeze %dma_wait3A_1318 : memref<1x512xi32, #tpu.memory_space<vmem_shared>> -> memref<512xi32, #tpu.memory_space<vmem_shared>>
      %dma_wait3A_1320 = arith.constant 0 : i32
      %dma_wait3A_1321 = tpu.memref_slice %arg18[%arg1, %dma_wait3A_1320] : memref<16x512xi32, #tpu.memory_space<vmem_shared>> -> memref<1x512xi32, #tpu.memory_space<vmem_shared>>
      %dma_wait3A_1322 = tpu.memref_squeeze %dma_wait3A_1321 : memref<1x512xi32, #tpu.memory_space<vmem_shared>> -> memref<512xi32, #tpu.memory_space<vmem_shared>>
      tpu.wait_dma2 semaphore(%run_scoped3A : memref<!tpu.dma_semaphore, #tpu.memory_space<semaphore_mem>>) src(%arg13 : memref<512xi32, #tpu.memory_space<vmem>>) dst(%dma_wait3A_1322 : memref<512xi32, #tpu.memory_space<vmem_shared>>)
      tpu.yield
    }) : () -> ()
    %barrier3A_831 = arith.constant 0 : index
    tpu.barrier barrier_id(%barrier3A_831)
    %dma_start3A_832 = arith.constant 0 : i32
    %dma_start3A_833 = arith.constant 0 : i32
    %dma_start3A_834 = arith.constant 0 : i32
    %dma_start3A_835 = tpu.memref_slice %arg14[%dma_start3A_833, %dma_start3A_834] : memref<16x16xi32, #tpu.memory_space<vmem>> -> memref<1x16xi32, #tpu.memory_space<vmem>>
    %dma_start3A_836 = tpu.memref_squeeze %dma_start3A_835 : memref<1x16xi32, #tpu.memory_space<vmem>> -> memref<16xi32, #tpu.memory_space<vmem>>
    %dma_start3A_837 = tpu.memref_slice %arg18[%dma_start3A_832, %multiple_of3A_6] : memref<16x512xi32, #tpu.memory_space<vmem_shared>> -> memref<1x16xi32, #tpu.memory_space<vmem_shared>>
    %dma_start3A_838 = tpu.memref_squeeze %dma_start3A_837 : memref<1x16xi32, #tpu.memory_space<vmem_shared>> -> memref<16xi32, #tpu.memory_space<vmem_shared>>
    %dma_start3A_839 = arith.constant 0 : i32
    %dma_start3A_840 = tpu.memref_slice %arg14[%dma_start3A_833, %dma_start3A_839] : memref<16x16xi32, #tpu.memory_space<vmem>> -> memref<1x16xi32, #tpu.memory_space<vmem>>
    %dma_start3A_841 = tpu.memref_squeeze %dma_start3A_840 : memref<1x16xi32, #tpu.memory_space<vmem>> -> memref<16xi32, #tpu.memory_space<vmem>>
    %dma_start3A_842 = tpu.memref_slice %arg18[%dma_start3A_832, %multiple_of3A_6] : memref<16x512xi32, #tpu.memory_space<vmem_shared>> -> memref<1x16xi32, #tpu.memory_space<vmem_shared>>
    %dma_start3A_843 = tpu.memref_squeeze %dma_start3A_842 : memref<1x16xi32, #tpu.memory_space<vmem_shared>> -> memref<16xi32, #tpu.memory_space<vmem_shared>>
    tpu.enqueue_dma source(%dma_start3A_843 : memref<16xi32, #tpu.memory_space<vmem_shared>>) target(%dma_start3A_841 : memref<16xi32, #tpu.memory_space<vmem>>) target_semaphore(%arg21 : memref<!tpu.dma_semaphore, #tpu.memory_space<semaphore_mem>>)
    %dma_start3A_844 = arith.constant 1 : i32
    %dma_start3A_845 = arith.constant 1 : i32
    %dma_start3A_846 = arith.constant 0 : i32
    %dma_start3A_847 = tpu.memref_slice %arg14[%dma_start3A_845, %dma_start3A_846] : memref<16x16xi32, #tpu.memory_space<vmem>> -> memref<1x16xi32, #tpu.memory_space<vmem>>
    %dma_start3A_848 = tpu.memref_squeeze %dma_start3A_847 : memref<1x16xi32, #tpu.memory_space<vmem>> -> memref<16xi32, #tpu.memory_space<vmem>>
    %dma_start3A_849 = tpu.memref_slice %arg18[%dma_start3A_844, %multiple_of3A_6] : memref<16x512xi32, #tpu.memory_space<vmem_shared>> -> memref<1x16xi32, #tpu.memory_space<vmem_shared>>
    %dma_start3A_850 = tpu.memref_squeeze %dma_start3A_849 : memref<1x16xi32, #tpu.memory_space<vmem_shared>> -> memref<16xi32, #tpu.memory_space<vmem_shared>>
    %dma_start3A_851 = arith.constant 0 : i32
    %dma_start3A_852 = tpu.memref_slice %arg14[%dma_start3A_845, %dma_start3A_851] : memref<16x16xi32, #tpu.memory_space<vmem>> -> memref<1x16xi32, #tpu.memory_space<vmem>>
    %dma_start3A_853 = tpu.memref_squeeze %dma_start3A_852 : memref<1x16xi32, #tpu.memory_space<vmem>> -> memref<16xi32, #tpu.memory_space<vmem>>
    %dma_start3A_854 = tpu.memref_slice %arg18[%dma_start3A_844, %multiple_of3A_6] : memref<16x512xi32, #tpu.memory_space<vmem_shared>> -> memref<1x16xi32, #tpu.memory_space<vmem_shared>>
    %dma_start3A_855 = tpu.memref_squeeze %dma_start3A_854 : memref<1x16xi32, #tpu.memory_space<vmem_shared>> -> memref<16xi32, #tpu.memory_space<vmem_shared>>
    tpu.enqueue_dma source(%dma_start3A_855 : memref<16xi32, #tpu.memory_space<vmem_shared>>) target(%dma_start3A_853 : memref<16xi32, #tpu.memory_space<vmem>>) target_semaphore(%arg21 : memref<!tpu.dma_semaphore, #tpu.memory_space<semaphore_mem>>)
    %dma_start3A_856 = arith.constant 2 : i32
    %dma_start3A_857 = arith.constant 2 : i32
    %dma_start3A_858 = arith.constant 0 : i32
    %dma_start3A_859 = tpu.memref_slice %arg14[%dma_start3A_857, %dma_start3A_858] : memref<16x16xi32, #tpu.memory_space<vmem>> -> memref<1x16xi32, #tpu.memory_space<vmem>>
    %dma_start3A_860 = tpu.memref_squeeze %dma_start3A_859 : memref<1x16xi32, #tpu.memory_space<vmem>> -> memref<16xi32, #tpu.memory_space<vmem>>
    %dma_start3A_861 = tpu.memref_slice %arg18[%dma_start3A_856, %multiple_of3A_6] : memref<16x512xi32, #tpu.memory_space<vmem_shared>> -> memref<1x16xi32, #tpu.memory_space<vmem_shared>>
    %dma_start3A_862 = tpu.memref_squeeze %dma_start3A_861 : memref<1x16xi32, #tpu.memory_space<vmem_shared>> -> memref<16xi32, #tpu.memory_space<vmem_shared>>
    %dma_start3A_863 = arith.constant 0 : i32
    %dma_start3A_864 = tpu.memref_slice %arg14[%dma_start3A_857, %dma_start3A_863] : memref<16x16xi32, #tpu.memory_space<vmem>> -> memref<1x16xi32, #tpu.memory_space<vmem>>
    %dma_start3A_865 = tpu.memref_squeeze %dma_start3A_864 : memref<1x16xi32, #tpu.memory_space<vmem>> -> memref<16xi32, #tpu.memory_space<vmem>>
    %dma_start3A_866 = tpu.memref_slice %arg18[%dma_start3A_856, %multiple_of3A_6] : memref<16x512xi32, #tpu.memory_space<vmem_shared>> -> memref<1x16xi32, #tpu.memory_space<vmem_shared>>
    %dma_start3A_867 = tpu.memref_squeeze %dma_start3A_866 : memref<1x16xi32, #tpu.memory_space<vmem_shared>> -> memref<16xi32, #tpu.memory_space<vmem_shared>>
    tpu.enqueue_dma source(%dma_start3A_867 : memref<16xi32, #tpu.memory_space<vmem_shared>>) target(%dma_start3A_865 : memref<16xi32, #tpu.memory_space<vmem>>) target_semaphore(%arg21 : memref<!tpu.dma_semaphore, #tpu.memory_space<semaphore_mem>>)
    %dma_start3A_868 = arith.constant 3 : i32
    %dma_start3A_869 = arith.constant 3 : i32
    %dma_start3A_870 = arith.constant 0 : i32
    %dma_start3A_871 = tpu.memref_slice %arg14[%dma_start3A_869, %dma_start3A_870] : memref<16x16xi32, #tpu.memory_space<vmem>> -> memref<1x16xi32, #tpu.memory_space<vmem>>
    %dma_start3A_872 = tpu.memref_squeeze %dma_start3A_871 : memref<1x16xi32, #tpu.memory_space<vmem>> -> memref<16xi32, #tpu.memory_space<vmem>>
    %dma_start3A_873 = tpu.memref_slice %arg18[%dma_start3A_868, %multiple_of3A_6] : memref<16x512xi32, #tpu.memory_space<vmem_shared>> -> memref<1x16xi32, #tpu.memory_space<vmem_shared>>
    %dma_start3A_874 = tpu.memref_squeeze %dma_start3A_873 : memref<1x16xi32, #tpu.memory_space<vmem_shared>> -> memref<16xi32, #tpu.memory_space<vmem_shared>>
    %dma_start3A_875 = arith.constant 0 : i32
    %dma_start3A_876 = tpu.memref_slice %arg14[%dma_start3A_869, %dma_start3A_875] : memref<16x16xi32, #tpu.memory_space<vmem>> -> memref<1x16xi32, #tpu.memory_space<vmem>>
    %dma_start3A_877 = tpu.memref_squeeze %dma_start3A_876 : memref<1x16xi32, #tpu.memory_space<vmem>> -> memref<16xi32, #tpu.memory_space<vmem>>
    %dma_start3A_878 = tpu.memref_slice %arg18[%dma_start3A_868, %multiple_of3A_6] : memref<16x512xi32, #tpu.memory_space<vmem_shared>> -> memref<1x16xi32, #tpu.memory_space<vmem_shared>>
    %dma_start3A_879 = tpu.memref_squeeze %dma_start3A_878 : memref<1x16xi32, #tpu.memory_space<vmem_shared>> -> memref<16xi32, #tpu.memory_space<vmem_shared>>
    tpu.enqueue_dma source(%dma_start3A_879 : memref<16xi32, #tpu.memory_space<vmem_shared>>) target(%dma_start3A_877 : memref<16xi32, #tpu.memory_space<vmem>>) target_semaphore(%arg21 : memref<!tpu.dma_semaphore, #tpu.memory_space<semaphore_mem>>)
    %dma_start3A_880 = arith.constant 4 : i32
    %dma_start3A_881 = arith.constant 4 : i32
    %dma_start3A_882 = arith.constant 0 : i32
    %dma_start3A_883 = tpu.memref_slice %arg14[%dma_start3A_881, %dma_start3A_882] : memref<16x16xi32, #tpu.memory_space<vmem>> -> memref<1x16xi32, #tpu.memory_space<vmem>>
    %dma_start3A_884 = tpu.memref_squeeze %dma_start3A_883 : memref<1x16xi32, #tpu.memory_space<vmem>> -> memref<16xi32, #tpu.memory_space<vmem>>
    %dma_start3A_885 = tpu.memref_slice %arg18[%dma_start3A_880, %multiple_of3A_6] : memref<16x512xi32, #tpu.memory_space<vmem_shared>> -> memref<1x16xi32, #tpu.memory_space<vmem_shared>>
    %dma_start3A_886 = tpu.memref_squeeze %dma_start3A_885 : memref<1x16xi32, #tpu.memory_space<vmem_shared>> -> memref<16xi32, #tpu.memory_space<vmem_shared>>
    %dma_start3A_887 = arith.constant 0 : i32
    %dma_start3A_888 = tpu.memref_slice %arg14[%dma_start3A_881, %dma_start3A_887] : memref<16x16xi32, #tpu.memory_space<vmem>> -> memref<1x16xi32, #tpu.memory_space<vmem>>
    %dma_start3A_889 = tpu.memref_squeeze %dma_start3A_888 : memref<1x16xi32, #tpu.memory_space<vmem>> -> memref<16xi32, #tpu.memory_space<vmem>>
    %dma_start3A_890 = tpu.memref_slice %arg18[%dma_start3A_880, %multiple_of3A_6] : memref<16x512xi32, #tpu.memory_space<vmem_shared>> -> memref<1x16xi32, #tpu.memory_space<vmem_shared>>
    %dma_start3A_891 = tpu.memref_squeeze %dma_start3A_890 : memref<1x16xi32, #tpu.memory_space<vmem_shared>> -> memref<16xi32, #tpu.memory_space<vmem_shared>>
    tpu.enqueue_dma source(%dma_start3A_891 : memref<16xi32, #tpu.memory_space<vmem_shared>>) target(%dma_start3A_889 : memref<16xi32, #tpu.memory_space<vmem>>) target_semaphore(%arg21 : memref<!tpu.dma_semaphore, #tpu.memory_space<semaphore_mem>>)
    %dma_start3A_892 = arith.constant 5 : i32
    %dma_start3A_893 = arith.constant 5 : i32
    %dma_start3A_894 = arith.constant 0 : i32
    %dma_start3A_895 = tpu.memref_slice %arg14[%dma_start3A_893, %dma_start3A_894] : memref<16x16xi32, #tpu.memory_space<vmem>> -> memref<1x16xi32, #tpu.memory_space<vmem>>
    %dma_start3A_896 = tpu.memref_squeeze %dma_start3A_895 : memref<1x16xi32, #tpu.memory_space<vmem>> -> memref<16xi32, #tpu.memory_space<vmem>>
    %dma_start3A_897 = tpu.memref_slice %arg18[%dma_start3A_892, %multiple_of3A_6] : memref<16x512xi32, #tpu.memory_space<vmem_shared>> -> memref<1x16xi32, #tpu.memory_space<vmem_shared>>
    %dma_start3A_898 = tpu.memref_squeeze %dma_start3A_897 : memref<1x16xi32, #tpu.memory_space<vmem_shared>> -> memref<16xi32, #tpu.memory_space<vmem_shared>>
    %dma_start3A_899 = arith.constant 0 : i32
    %dma_start3A_900 = tpu.memref_slice %arg14[%dma_start3A_893, %dma_start3A_899] : memref<16x16xi32, #tpu.memory_space<vmem>> -> memref<1x16xi32, #tpu.memory_space<vmem>>
    %dma_start3A_901 = tpu.memref_squeeze %dma_start3A_900 : memref<1x16xi32, #tpu.memory_space<vmem>> -> memref<16xi32, #tpu.memory_space<vmem>>
    %dma_start3A_902 = tpu.memref_slice %arg18[%dma_start3A_892, %multiple_of3A_6] : memref<16x512xi32, #tpu.memory_space<vmem_shared>> -> memref<1x16xi32, #tpu.memory_space<vmem_shared>>
    %dma_start3A_903 = tpu.memref_squeeze %dma_start3A_902 : memref<1x16xi32, #tpu.memory_space<vmem_shared>> -> memref<16xi32, #tpu.memory_space<vmem_shared>>
    tpu.enqueue_dma source(%dma_start3A_903 : memref<16xi32, #tpu.memory_space<vmem_shared>>) target(%dma_start3A_901 : memref<16xi32, #tpu.memory_space<vmem>>) target_semaphore(%arg21 : memref<!tpu.dma_semaphore, #tpu.memory_space<semaphore_mem>>)
    %dma_start3A_904 = arith.constant 6 : i32
    %dma_start3A_905 = arith.constant 6 : i32
    %dma_start3A_906 = arith.constant 0 : i32
    %dma_start3A_907 = tpu.memref_slice %arg14[%dma_start3A_905, %dma_start3A_906] : memref<16x16xi32, #tpu.memory_space<vmem>> -> memref<1x16xi32, #tpu.memory_space<vmem>>
    %dma_start3A_908 = tpu.memref_squeeze %dma_start3A_907 : memref<1x16xi32, #tpu.memory_space<vmem>> -> memref<16xi32, #tpu.memory_space<vmem>>
    %dma_start3A_909 = tpu.memref_slice %arg18[%dma_start3A_904, %multiple_of3A_6] : memref<16x512xi32, #tpu.memory_space<vmem_shared>> -> memref<1x16xi32, #tpu.memory_space<vmem_shared>>
    %dma_start3A_910 = tpu.memref_squeeze %dma_start3A_909 : memref<1x16xi32, #tpu.memory_space<vmem_shared>> -> memref<16xi32, #tpu.memory_space<vmem_shared>>
    %dma_start3A_911 = arith.constant 0 : i32
    %dma_start3A_912 = tpu.memref_slice %arg14[%dma_start3A_905, %dma_start3A_911] : memref<16x16xi32, #tpu.memory_space<vmem>> -> memref<1x16xi32, #tpu.memory_space<vmem>>
    %dma_start3A_913 = tpu.memref_squeeze %dma_start3A_912 : memref<1x16xi32, #tpu.memory_space<vmem>> -> memref<16xi32, #tpu.memory_space<vmem>>
    %dma_start3A_914 = tpu.memref_slice %arg18[%dma_start3A_904, %multiple_of3A_6] : memref<16x512xi32, #tpu.memory_space<vmem_shared>> -> memref<1x16xi32, #tpu.memory_space<vmem_shared>>
    %dma_start3A_915 = tpu.memref_squeeze %dma_start3A_914 : memref<1x16xi32, #tpu.memory_space<vmem_shared>> -> memref<16xi32, #tpu.memory_space<vmem_shared>>
    tpu.enqueue_dma source(%dma_start3A_915 : memref<16xi32, #tpu.memory_space<vmem_shared>>) target(%dma_start3A_913 : memref<16xi32, #tpu.memory_space<vmem>>) target_semaphore(%arg21 : memref<!tpu.dma_semaphore, #tpu.memory_space<semaphore_mem>>)
    %dma_start3A_916 = arith.constant 7 : i32
    %dma_start3A_917 = arith.constant 7 : i32
    %dma_start3A_918 = arith.constant 0 : i32
    %dma_start3A_919 = tpu.memref_slice %arg14[%dma_start3A_917, %dma_start3A_918] : memref<16x16xi32, #tpu.memory_space<vmem>> -> memref<1x16xi32, #tpu.memory_space<vmem>>
    %dma_start3A_920 = tpu.memref_squeeze %dma_start3A_919 : memref<1x16xi32, #tpu.memory_space<vmem>> -> memref<16xi32, #tpu.memory_space<vmem>>
    %dma_start3A_921 = tpu.memref_slice %arg18[%dma_start3A_916, %multiple_of3A_6] : memref<16x512xi32, #tpu.memory_space<vmem_shared>> -> memref<1x16xi32, #tpu.memory_space<vmem_shared>>
    %dma_start3A_922 = tpu.memref_squeeze %dma_start3A_921 : memref<1x16xi32, #tpu.memory_space<vmem_shared>> -> memref<16xi32, #tpu.memory_space<vmem_shared>>
    %dma_start3A_923 = arith.constant 0 : i32
    %dma_start3A_924 = tpu.memref_slice %arg14[%dma_start3A_917, %dma_start3A_923] : memref<16x16xi32, #tpu.memory_space<vmem>> -> memref<1x16xi32, #tpu.memory_space<vmem>>
    %dma_start3A_925 = tpu.memref_squeeze %dma_start3A_924 : memref<1x16xi32, #tpu.memory_space<vmem>> -> memref<16xi32, #tpu.memory_space<vmem>>
    %dma_start3A_926 = tpu.memref_slice %arg18[%dma_start3A_916, %multiple_of3A_6] : memref<16x512xi32, #tpu.memory_space<vmem_shared>> -> memref<1x16xi32, #tpu.memory_space<vmem_shared>>
    %dma_start3A_927 = tpu.memref_squeeze %dma_start3A_926 : memref<1x16xi32, #tpu.memory_space<vmem_shared>> -> memref<16xi32, #tpu.memory_space<vmem_shared>>
    tpu.enqueue_dma source(%dma_start3A_927 : memref<16xi32, #tpu.memory_space<vmem_shared>>) target(%dma_start3A_925 : memref<16xi32, #tpu.memory_space<vmem>>) target_semaphore(%arg21 : memref<!tpu.dma_semaphore, #tpu.memory_space<semaphore_mem>>)
    %dma_start3A_928 = arith.constant 8 : i32
    %dma_start3A_929 = arith.constant 8 : i32
    %dma_start3A_930 = arith.constant 0 : i32
    %dma_start3A_931 = tpu.memref_slice %arg14[%dma_start3A_929, %dma_start3A_930] : memref<16x16xi32, #tpu.memory_space<vmem>> -> memref<1x16xi32, #tpu.memory_space<vmem>>
    %dma_start3A_932 = tpu.memref_squeeze %dma_start3A_931 : memref<1x16xi32, #tpu.memory_space<vmem>> -> memref<16xi32, #tpu.memory_space<vmem>>
    %dma_start3A_933 = tpu.memref_slice %arg18[%dma_start3A_928, %multiple_of3A_6] : memref<16x512xi32, #tpu.memory_space<vmem_shared>> -> memref<1x16xi32, #tpu.memory_space<vmem_shared>>
    %dma_start3A_934 = tpu.memref_squeeze %dma_start3A_933 : memref<1x16xi32, #tpu.memory_space<vmem_shared>> -> memref<16xi32, #tpu.memory_space<vmem_shared>>
    %dma_start3A_935 = arith.constant 0 : i32
    %dma_start3A_936 = tpu.memref_slice %arg14[%dma_start3A_929, %dma_start3A_935] : memref<16x16xi32, #tpu.memory_space<vmem>> -> memref<1x16xi32, #tpu.memory_space<vmem>>
    %dma_start3A_937 = tpu.memref_squeeze %dma_start3A_936 : memref<1x16xi32, #tpu.memory_space<vmem>> -> memref<16xi32, #tpu.memory_space<vmem>>
    %dma_start3A_938 = tpu.memref_slice %arg18[%dma_start3A_928, %multiple_of3A_6] : memref<16x512xi32, #tpu.memory_space<vmem_shared>> -> memref<1x16xi32, #tpu.memory_space<vmem_shared>>
    %dma_start3A_939 = tpu.memref_squeeze %dma_start3A_938 : memref<1x16xi32, #tpu.memory_space<vmem_shared>> -> memref<16xi32, #tpu.memory_space<vmem_shared>>
    tpu.enqueue_dma source(%dma_start3A_939 : memref<16xi32, #tpu.memory_space<vmem_shared>>) target(%dma_start3A_937 : memref<16xi32, #tpu.memory_space<vmem>>) target_semaphore(%arg21 : memref<!tpu.dma_semaphore, #tpu.memory_space<semaphore_mem>>)
    %dma_start3A_940 = arith.constant 9 : i32
    %dma_start3A_941 = arith.constant 9 : i32
    %dma_start3A_942 = arith.constant 0 : i32
    %dma_start3A_943 = tpu.memref_slice %arg14[%dma_start3A_941, %dma_start3A_942] : memref<16x16xi32, #tpu.memory_space<vmem>> -> memref<1x16xi32, #tpu.memory_space<vmem>>
    %dma_start3A_944 = tpu.memref_squeeze %dma_start3A_943 : memref<1x16xi32, #tpu.memory_space<vmem>> -> memref<16xi32, #tpu.memory_space<vmem>>
    %dma_start3A_945 = tpu.memref_slice %arg18[%dma_start3A_940, %multiple_of3A_6] : memref<16x512xi32, #tpu.memory_space<vmem_shared>> -> memref<1x16xi32, #tpu.memory_space<vmem_shared>>
    %dma_start3A_946 = tpu.memref_squeeze %dma_start3A_945 : memref<1x16xi32, #tpu.memory_space<vmem_shared>> -> memref<16xi32, #tpu.memory_space<vmem_shared>>
    %dma_start3A_947 = arith.constant 0 : i32
    %dma_start3A_948 = tpu.memref_slice %arg14[%dma_start3A_941, %dma_start3A_947] : memref<16x16xi32, #tpu.memory_space<vmem>> -> memref<1x16xi32, #tpu.memory_space<vmem>>
    %dma_start3A_949 = tpu.memref_squeeze %dma_start3A_948 : memref<1x16xi32, #tpu.memory_space<vmem>> -> memref<16xi32, #tpu.memory_space<vmem>>
    %dma_start3A_950 = tpu.memref_slice %arg18[%dma_start3A_940, %multiple_of3A_6] : memref<16x512xi32, #tpu.memory_space<vmem_shared>> -> memref<1x16xi32, #tpu.memory_space<vmem_shared>>
    %dma_start3A_951 = tpu.memref_squeeze %dma_start3A_950 : memref<1x16xi32, #tpu.memory_space<vmem_shared>> -> memref<16xi32, #tpu.memory_space<vmem_shared>>
    tpu.enqueue_dma source(%dma_start3A_951 : memref<16xi32, #tpu.memory_space<vmem_shared>>) target(%dma_start3A_949 : memref<16xi32, #tpu.memory_space<vmem>>) target_semaphore(%arg21 : memref<!tpu.dma_semaphore, #tpu.memory_space<semaphore_mem>>)
    %dma_start3A_952 = arith.constant 10 : i32
    %dma_start3A_953 = arith.constant 10 : i32
    %dma_start3A_954 = arith.constant 0 : i32
    %dma_start3A_955 = tpu.memref_slice %arg14[%dma_start3A_953, %dma_start3A_954] : memref<16x16xi32, #tpu.memory_space<vmem>> -> memref<1x16xi32, #tpu.memory_space<vmem>>
    %dma_start3A_956 = tpu.memref_squeeze %dma_start3A_955 : memref<1x16xi32, #tpu.memory_space<vmem>> -> memref<16xi32, #tpu.memory_space<vmem>>
    %dma_start3A_957 = tpu.memref_slice %arg18[%dma_start3A_952, %multiple_of3A_6] : memref<16x512xi32, #tpu.memory_space<vmem_shared>> -> memref<1x16xi32, #tpu.memory_space<vmem_shared>>
    %dma_start3A_958 = tpu.memref_squeeze %dma_start3A_957 : memref<1x16xi32, #tpu.memory_space<vmem_shared>> -> memref<16xi32, #tpu.memory_space<vmem_shared>>
    %dma_start3A_959 = arith.constant 0 : i32
    %dma_start3A_960 = tpu.memref_slice %arg14[%dma_start3A_953, %dma_start3A_959] : memref<16x16xi32, #tpu.memory_space<vmem>> -> memref<1x16xi32, #tpu.memory_space<vmem>>
    %dma_start3A_961 = tpu.memref_squeeze %dma_start3A_960 : memref<1x16xi32, #tpu.memory_space<vmem>> -> memref<16xi32, #tpu.memory_space<vmem>>
    %dma_start3A_962 = tpu.memref_slice %arg18[%dma_start3A_952, %multiple_of3A_6] : memref<16x512xi32, #tpu.memory_space<vmem_shared>> -> memref<1x16xi32, #tpu.memory_space<vmem_shared>>
    %dma_start3A_963 = tpu.memref_squeeze %dma_start3A_962 : memref<1x16xi32, #tpu.memory_space<vmem_shared>> -> memref<16xi32, #tpu.memory_space<vmem_shared>>
    tpu.enqueue_dma source(%dma_start3A_963 : memref<16xi32, #tpu.memory_space<vmem_shared>>) target(%dma_start3A_961 : memref<16xi32, #tpu.memory_space<vmem>>) target_semaphore(%arg21 : memref<!tpu.dma_semaphore, #tpu.memory_space<semaphore_mem>>)
    %dma_start3A_964 = arith.constant 11 : i32
    %dma_start3A_965 = arith.constant 11 : i32
    %dma_start3A_966 = arith.constant 0 : i32
    %dma_start3A_967 = tpu.memref_slice %arg14[%dma_start3A_965, %dma_start3A_966] : memref<16x16xi32, #tpu.memory_space<vmem>> -> memref<1x16xi32, #tpu.memory_space<vmem>>
    %dma_start3A_968 = tpu.memref_squeeze %dma_start3A_967 : memref<1x16xi32, #tpu.memory_space<vmem>> -> memref<16xi32, #tpu.memory_space<vmem>>
    %dma_start3A_969 = tpu.memref_slice %arg18[%dma_start3A_964, %multiple_of3A_6] : memref<16x512xi32, #tpu.memory_space<vmem_shared>> -> memref<1x16xi32, #tpu.memory_space<vmem_shared>>
    %dma_start3A_970 = tpu.memref_squeeze %dma_start3A_969 : memref<1x16xi32, #tpu.memory_space<vmem_shared>> -> memref<16xi32, #tpu.memory_space<vmem_shared>>
    %dma_start3A_971 = arith.constant 0 : i32
    %dma_start3A_972 = tpu.memref_slice %arg14[%dma_start3A_965, %dma_start3A_971] : memref<16x16xi32, #tpu.memory_space<vmem>> -> memref<1x16xi32, #tpu.memory_space<vmem>>
    %dma_start3A_973 = tpu.memref_squeeze %dma_start3A_972 : memref<1x16xi32, #tpu.memory_space<vmem>> -> memref<16xi32, #tpu.memory_space<vmem>>
    %dma_start3A_974 = tpu.memref_slice %arg18[%dma_start3A_964, %multiple_of3A_6] : memref<16x512xi32, #tpu.memory_space<vmem_shared>> -> memref<1x16xi32, #tpu.memory_space<vmem_shared>>
    %dma_start3A_975 = tpu.memref_squeeze %dma_start3A_974 : memref<1x16xi32, #tpu.memory_space<vmem_shared>> -> memref<16xi32, #tpu.memory_space<vmem_shared>>
    tpu.enqueue_dma source(%dma_start3A_975 : memref<16xi32, #tpu.memory_space<vmem_shared>>) target(%dma_start3A_973 : memref<16xi32, #tpu.memory_space<vmem>>) target_semaphore(%arg21 : memref<!tpu.dma_semaphore, #tpu.memory_space<semaphore_mem>>)
    %dma_start3A_976 = arith.constant 12 : i32
    %dma_start3A_977 = arith.constant 12 : i32
    %dma_start3A_978 = arith.constant 0 : i32
    %dma_start3A_979 = tpu.memref_slice %arg14[%dma_start3A_977, %dma_start3A_978] : memref<16x16xi32, #tpu.memory_space<vmem>> -> memref<1x16xi32, #tpu.memory_space<vmem>>
    %dma_start3A_980 = tpu.memref_squeeze %dma_start3A_979 : memref<1x16xi32, #tpu.memory_space<vmem>> -> memref<16xi32, #tpu.memory_space<vmem>>
    %dma_start3A_981 = tpu.memref_slice %arg18[%dma_start3A_976, %multiple_of3A_6] : memref<16x512xi32, #tpu.memory_space<vmem_shared>> -> memref<1x16xi32, #tpu.memory_space<vmem_shared>>
    %dma_start3A_982 = tpu.memref_squeeze %dma_start3A_981 : memref<1x16xi32, #tpu.memory_space<vmem_shared>> -> memref<16xi32, #tpu.memory_space<vmem_shared>>
    %dma_start3A_983 = arith.constant 0 : i32
    %dma_start3A_984 = tpu.memref_slice %arg14[%dma_start3A_977, %dma_start3A_983] : memref<16x16xi32, #tpu.memory_space<vmem>> -> memref<1x16xi32, #tpu.memory_space<vmem>>
    %dma_start3A_985 = tpu.memref_squeeze %dma_start3A_984 : memref<1x16xi32, #tpu.memory_space<vmem>> -> memref<16xi32, #tpu.memory_space<vmem>>
    %dma_start3A_986 = tpu.memref_slice %arg18[%dma_start3A_976, %multiple_of3A_6] : memref<16x512xi32, #tpu.memory_space<vmem_shared>> -> memref<1x16xi32, #tpu.memory_space<vmem_shared>>
    %dma_start3A_987 = tpu.memref_squeeze %dma_start3A_986 : memref<1x16xi32, #tpu.memory_space<vmem_shared>> -> memref<16xi32, #tpu.memory_space<vmem_shared>>
    tpu.enqueue_dma source(%dma_start3A_987 : memref<16xi32, #tpu.memory_space<vmem_shared>>) target(%dma_start3A_985 : memref<16xi32, #tpu.memory_space<vmem>>) target_semaphore(%arg21 : memref<!tpu.dma_semaphore, #tpu.memory_space<semaphore_mem>>)
    %dma_start3A_988 = arith.constant 13 : i32
    %dma_start3A_989 = arith.constant 13 : i32
    %dma_start3A_990 = arith.constant 0 : i32
    %dma_start3A_991 = tpu.memref_slice %arg14[%dma_start3A_989, %dma_start3A_990] : memref<16x16xi32, #tpu.memory_space<vmem>> -> memref<1x16xi32, #tpu.memory_space<vmem>>
    %dma_start3A_992 = tpu.memref_squeeze %dma_start3A_991 : memref<1x16xi32, #tpu.memory_space<vmem>> -> memref<16xi32, #tpu.memory_space<vmem>>
    %dma_start3A_993 = tpu.memref_slice %arg18[%dma_start3A_988, %multiple_of3A_6] : memref<16x512xi32, #tpu.memory_space<vmem_shared>> -> memref<1x16xi32, #tpu.memory_space<vmem_shared>>
    %dma_start3A_994 = tpu.memref_squeeze %dma_start3A_993 : memref<1x16xi32, #tpu.memory_space<vmem_shared>> -> memref<16xi32, #tpu.memory_space<vmem_shared>>
    %dma_start3A_995 = arith.constant 0 : i32
    %dma_start3A_996 = tpu.memref_slice %arg14[%dma_start3A_989, %dma_start3A_995] : memref<16x16xi32, #tpu.memory_space<vmem>> -> memref<1x16xi32, #tpu.memory_space<vmem>>
    %dma_start3A_997 = tpu.memref_squeeze %dma_start3A_996 : memref<1x16xi32, #tpu.memory_space<vmem>> -> memref<16xi32, #tpu.memory_space<vmem>>
    %dma_start3A_998 = tpu.memref_slice %arg18[%dma_start3A_988, %multiple_of3A_6] : memref<16x512xi32, #tpu.memory_space<vmem_shared>> -> memref<1x16xi32, #tpu.memory_space<vmem_shared>>
    %dma_start3A_999 = tpu.memref_squeeze %dma_start3A_998 : memref<1x16xi32, #tpu.memory_space<vmem_shared>> -> memref<16xi32, #tpu.memory_space<vmem_shared>>
    tpu.enqueue_dma source(%dma_start3A_999 : memref<16xi32, #tpu.memory_space<vmem_shared>>) target(%dma_start3A_997 : memref<16xi32, #tpu.memory_space<vmem>>) target_semaphore(%arg21 : memref<!tpu.dma_semaphore, #tpu.memory_space<semaphore_mem>>)
    %dma_start3A_1000 = arith.constant 14 : i32
    %dma_start3A_1001 = arith.constant 14 : i32
    %dma_start3A_1002 = arith.constant 0 : i32
    %dma_start3A_1003 = tpu.memref_slice %arg14[%dma_start3A_1001, %dma_start3A_1002] : memref<16x16xi32, #tpu.memory_space<vmem>> -> memref<1x16xi32, #tpu.memory_space<vmem>>
    %dma_start3A_1004 = tpu.memref_squeeze %dma_start3A_1003 : memref<1x16xi32, #tpu.memory_space<vmem>> -> memref<16xi32, #tpu.memory_space<vmem>>
    %dma_start3A_1005 = tpu.memref_slice %arg18[%dma_start3A_1000, %multiple_of3A_6] : memref<16x512xi32, #tpu.memory_space<vmem_shared>> -> memref<1x16xi32, #tpu.memory_space<vmem_shared>>
    %dma_start3A_1006 = tpu.memref_squeeze %dma_start3A_1005 : memref<1x16xi32, #tpu.memory_space<vmem_shared>> -> memref<16xi32, #tpu.memory_space<vmem_shared>>
    %dma_start3A_1007 = arith.constant 0 : i32
    %dma_start3A_1008 = tpu.memref_slice %arg14[%dma_start3A_1001, %dma_start3A_1007] : memref<16x16xi32, #tpu.memory_space<vmem>> -> memref<1x16xi32, #tpu.memory_space<vmem>>
    %dma_start3A_1009 = tpu.memref_squeeze %dma_start3A_1008 : memref<1x16xi32, #tpu.memory_space<vmem>> -> memref<16xi32, #tpu.memory_space<vmem>>
    %dma_start3A_1010 = tpu.memref_slice %arg18[%dma_start3A_1000, %multiple_of3A_6] : memref<16x512xi32, #tpu.memory_space<vmem_shared>> -> memref<1x16xi32, #tpu.memory_space<vmem_shared>>
    %dma_start3A_1011 = tpu.memref_squeeze %dma_start3A_1010 : memref<1x16xi32, #tpu.memory_space<vmem_shared>> -> memref<16xi32, #tpu.memory_space<vmem_shared>>
    tpu.enqueue_dma source(%dma_start3A_1011 : memref<16xi32, #tpu.memory_space<vmem_shared>>) target(%dma_start3A_1009 : memref<16xi32, #tpu.memory_space<vmem>>) target_semaphore(%arg21 : memref<!tpu.dma_semaphore, #tpu.memory_space<semaphore_mem>>)
    %dma_start3A_1012 = arith.constant 15 : i32
    %dma_start3A_1013 = arith.constant 15 : i32
    %dma_start3A_1014 = arith.constant 0 : i32
    %dma_start3A_1015 = tpu.memref_slice %arg14[%dma_start3A_1013, %dma_start3A_1014] : memref<16x16xi32, #tpu.memory_space<vmem>> -> memref<1x16xi32, #tpu.memory_space<vmem>>
    %dma_start3A_1016 = tpu.memref_squeeze %dma_start3A_1015 : memref<1x16xi32, #tpu.memory_space<vmem>> -> memref<16xi32, #tpu.memory_space<vmem>>
    %dma_start3A_1017 = tpu.memref_slice %arg18[%dma_start3A_1012, %multiple_of3A_6] : memref<16x512xi32, #tpu.memory_space<vmem_shared>> -> memref<1x16xi32, #tpu.memory_space<vmem_shared>>
    %dma_start3A_1018 = tpu.memref_squeeze %dma_start3A_1017 : memref<1x16xi32, #tpu.memory_space<vmem_shared>> -> memref<16xi32, #tpu.memory_space<vmem_shared>>
    %dma_start3A_1019 = arith.constant 0 : i32
    %dma_start3A_1020 = tpu.memref_slice %arg14[%dma_start3A_1013, %dma_start3A_1019] : memref<16x16xi32, #tpu.memory_space<vmem>> -> memref<1x16xi32, #tpu.memory_space<vmem>>
    %dma_start3A_1021 = tpu.memref_squeeze %dma_start3A_1020 : memref<1x16xi32, #tpu.memory_space<vmem>> -> memref<16xi32, #tpu.memory_space<vmem>>
    %dma_start3A_1022 = tpu.memref_slice %arg18[%dma_start3A_1012, %multiple_of3A_6] : memref<16x512xi32, #tpu.memory_space<vmem_shared>> -> memref<1x16xi32, #tpu.memory_space<vmem_shared>>
    %dma_start3A_1023 = tpu.memref_squeeze %dma_start3A_1022 : memref<1x16xi32, #tpu.memory_space<vmem_shared>> -> memref<16xi32, #tpu.memory_space<vmem_shared>>
    tpu.enqueue_dma source(%dma_start3A_1023 : memref<16xi32, #tpu.memory_space<vmem_shared>>) target(%dma_start3A_1021 : memref<16xi32, #tpu.memory_space<vmem>>) target_semaphore(%arg21 : memref<!tpu.dma_semaphore, #tpu.memory_space<semaphore_mem>>)
    %dma_wait3A_1024 = arith.constant 0 : i32
    %dma_wait3A_1025 = arith.constant 0 : i32
    %dma_wait3A_1026 = arith.constant 0 : i32
    %dma_wait3A_1027 = tpu.memref_slice %arg14[%dma_wait3A_1025, %dma_wait3A_1026] : memref<16x16xi32, #tpu.memory_space<vmem>> -> memref<1x16xi32, #tpu.memory_space<vmem>>
    %dma_wait3A_1028 = tpu.memref_squeeze %dma_wait3A_1027 : memref<1x16xi32, #tpu.memory_space<vmem>> -> memref<16xi32, #tpu.memory_space<vmem>>
    %dma_wait3A_1029 = tpu.memref_slice %arg18[%dma_wait3A_1024, %multiple_of3A_6] : memref<16x512xi32, #tpu.memory_space<vmem_shared>> -> memref<1x16xi32, #tpu.memory_space<vmem_shared>>
    %dma_wait3A_1030 = tpu.memref_squeeze %dma_wait3A_1029 : memref<1x16xi32, #tpu.memory_space<vmem_shared>> -> memref<16xi32, #tpu.memory_space<vmem_shared>>
    %dma_wait3A_1031 = arith.constant 0 : i32
    %dma_wait3A_1032 = tpu.memref_slice %arg14[%dma_wait3A_1025, %dma_wait3A_1031] : memref<16x16xi32, #tpu.memory_space<vmem>> -> memref<1x16xi32, #tpu.memory_space<vmem>>
    %dma_wait3A_1033 = tpu.memref_squeeze %dma_wait3A_1032 : memref<1x16xi32, #tpu.memory_space<vmem>> -> memref<16xi32, #tpu.memory_space<vmem>>
    %dma_wait3A_1034 = tpu.memref_slice %arg18[%dma_wait3A_1024, %multiple_of3A_6] : memref<16x512xi32, #tpu.memory_space<vmem_shared>> -> memref<1x16xi32, #tpu.memory_space<vmem_shared>>
    %dma_wait3A_1035 = tpu.memref_squeeze %dma_wait3A_1034 : memref<1x16xi32, #tpu.memory_space<vmem_shared>> -> memref<16xi32, #tpu.memory_space<vmem_shared>>
    tpu.wait_dma2 semaphore(%arg21 : memref<!tpu.dma_semaphore, #tpu.memory_space<semaphore_mem>>) src(%dma_wait3A_1035 : memref<16xi32, #tpu.memory_space<vmem_shared>>) dst(%dma_wait3A_1033 : memref<16xi32, #tpu.memory_space<vmem>>)
    %dma_wait3A_1036 = arith.constant 1 : i32
    %dma_wait3A_1037 = arith.constant 1 : i32
    %dma_wait3A_1038 = arith.constant 0 : i32
    %dma_wait3A_1039 = tpu.memref_slice %arg14[%dma_wait3A_1037, %dma_wait3A_1038] : memref<16x16xi32, #tpu.memory_space<vmem>> -> memref<1x16xi32, #tpu.memory_space<vmem>>
    %dma_wait3A_1040 = tpu.memref_squeeze %dma_wait3A_1039 : memref<1x16xi32, #tpu.memory_space<vmem>> -> memref<16xi32, #tpu.memory_space<vmem>>
    %dma_wait3A_1041 = tpu.memref_slice %arg18[%dma_wait3A_1036, %multiple_of3A_6] : memref<16x512xi32, #tpu.memory_space<vmem_shared>> -> memref<1x16xi32, #tpu.memory_space<vmem_shared>>
    %dma_wait3A_1042 = tpu.memref_squeeze %dma_wait3A_1041 : memref<1x16xi32, #tpu.memory_space<vmem_shared>> -> memref<16xi32, #tpu.memory_space<vmem_shared>>
    %dma_wait3A_1043 = arith.constant 0 : i32
    %dma_wait3A_1044 = tpu.memref_slice %arg14[%dma_wait3A_1037, %dma_wait3A_1043] : memref<16x16xi32, #tpu.memory_space<vmem>> -> memref<1x16xi32, #tpu.memory_space<vmem>>
    %dma_wait3A_1045 = tpu.memref_squeeze %dma_wait3A_1044 : memref<1x16xi32, #tpu.memory_space<vmem>> -> memref<16xi32, #tpu.memory_space<vmem>>
    %dma_wait3A_1046 = tpu.memref_slice %arg18[%dma_wait3A_1036, %multiple_of3A_6] : memref<16x512xi32, #tpu.memory_space<vmem_shared>> -> memref<1x16xi32, #tpu.memory_space<vmem_shared>>
    %dma_wait3A_1047 = tpu.memref_squeeze %dma_wait3A_1046 : memref<1x16xi32, #tpu.memory_space<vmem_shared>> -> memref<16xi32, #tpu.memory_space<vmem_shared>>
    tpu.wait_dma2 semaphore(%arg21 : memref<!tpu.dma_semaphore, #tpu.memory_space<semaphore_mem>>) src(%dma_wait3A_1047 : memref<16xi32, #tpu.memory_space<vmem_shared>>) dst(%dma_wait3A_1045 : memref<16xi32, #tpu.memory_space<vmem>>)
    %dma_wait3A_1048 = arith.constant 2 : i32
    %dma_wait3A_1049 = arith.constant 2 : i32
    %dma_wait3A_1050 = arith.constant 0 : i32
    %dma_wait3A_1051 = tpu.memref_slice %arg14[%dma_wait3A_1049, %dma_wait3A_1050] : memref<16x16xi32, #tpu.memory_space<vmem>> -> memref<1x16xi32, #tpu.memory_space<vmem>>
    %dma_wait3A_1052 = tpu.memref_squeeze %dma_wait3A_1051 : memref<1x16xi32, #tpu.memory_space<vmem>> -> memref<16xi32, #tpu.memory_space<vmem>>
    %dma_wait3A_1053 = tpu.memref_slice %arg18[%dma_wait3A_1048, %multiple_of3A_6] : memref<16x512xi32, #tpu.memory_space<vmem_shared>> -> memref<1x16xi32, #tpu.memory_space<vmem_shared>>
    %dma_wait3A_1054 = tpu.memref_squeeze %dma_wait3A_1053 : memref<1x16xi32, #tpu.memory_space<vmem_shared>> -> memref<16xi32, #tpu.memory_space<vmem_shared>>
    %dma_wait3A_1055 = arith.constant 0 : i32
    %dma_wait3A_1056 = tpu.memref_slice %arg14[%dma_wait3A_1049, %dma_wait3A_1055] : memref<16x16xi32, #tpu.memory_space<vmem>> -> memref<1x16xi32, #tpu.memory_space<vmem>>
    %dma_wait3A_1057 = tpu.memref_squeeze %dma_wait3A_1056 : memref<1x16xi32, #tpu.memory_space<vmem>> -> memref<16xi32, #tpu.memory_space<vmem>>
    %dma_wait3A_1058 = tpu.memref_slice %arg18[%dma_wait3A_1048, %multiple_of3A_6] : memref<16x512xi32, #tpu.memory_space<vmem_shared>> -> memref<1x16xi32, #tpu.memory_space<vmem_shared>>
    %dma_wait3A_1059 = tpu.memref_squeeze %dma_wait3A_1058 : memref<1x16xi32, #tpu.memory_space<vmem_shared>> -> memref<16xi32, #tpu.memory_space<vmem_shared>>
    tpu.wait_dma2 semaphore(%arg21 : memref<!tpu.dma_semaphore, #tpu.memory_space<semaphore_mem>>) src(%dma_wait3A_1059 : memref<16xi32, #tpu.memory_space<vmem_shared>>) dst(%dma_wait3A_1057 : memref<16xi32, #tpu.memory_space<vmem>>)
    %dma_wait3A_1060 = arith.constant 3 : i32
    %dma_wait3A_1061 = arith.constant 3 : i32
    %dma_wait3A_1062 = arith.constant 0 : i32
    %dma_wait3A_1063 = tpu.memref_slice %arg14[%dma_wait3A_1061, %dma_wait3A_1062] : memref<16x16xi32, #tpu.memory_space<vmem>> -> memref<1x16xi32, #tpu.memory_space<vmem>>
    %dma_wait3A_1064 = tpu.memref_squeeze %dma_wait3A_1063 : memref<1x16xi32, #tpu.memory_space<vmem>> -> memref<16xi32, #tpu.memory_space<vmem>>
    %dma_wait3A_1065 = tpu.memref_slice %arg18[%dma_wait3A_1060, %multiple_of3A_6] : memref<16x512xi32, #tpu.memory_space<vmem_shared>> -> memref<1x16xi32, #tpu.memory_space<vmem_shared>>
    %dma_wait3A_1066 = tpu.memref_squeeze %dma_wait3A_1065 : memref<1x16xi32, #tpu.memory_space<vmem_shared>> -> memref<16xi32, #tpu.memory_space<vmem_shared>>
    %dma_wait3A_1067 = arith.constant 0 : i32
    %dma_wait3A_1068 = tpu.memref_slice %arg14[%dma_wait3A_1061, %dma_wait3A_1067] : memref<16x16xi32, #tpu.memory_space<vmem>> -> memref<1x16xi32, #tpu.memory_space<vmem>>
    %dma_wait3A_1069 = tpu.memref_squeeze %dma_wait3A_1068 : memref<1x16xi32, #tpu.memory_space<vmem>> -> memref<16xi32, #tpu.memory_space<vmem>>
    %dma_wait3A_1070 = tpu.memref_slice %arg18[%dma_wait3A_1060, %multiple_of3A_6] : memref<16x512xi32, #tpu.memory_space<vmem_shared>> -> memref<1x16xi32, #tpu.memory_space<vmem_shared>>
    %dma_wait3A_1071 = tpu.memref_squeeze %dma_wait3A_1070 : memref<1x16xi32, #tpu.memory_space<vmem_shared>> -> memref<16xi32, #tpu.memory_space<vmem_shared>>
    tpu.wait_dma2 semaphore(%arg21 : memref<!tpu.dma_semaphore, #tpu.memory_space<semaphore_mem>>) src(%dma_wait3A_1071 : memref<16xi32, #tpu.memory_space<vmem_shared>>) dst(%dma_wait3A_1069 : memref<16xi32, #tpu.memory_space<vmem>>)
    %dma_wait3A_1072 = arith.constant 4 : i32
    %dma_wait3A_1073 = arith.constant 4 : i32
    %dma_wait3A_1074 = arith.constant 0 : i32
    %dma_wait3A_1075 = tpu.memref_slice %arg14[%dma_wait3A_1073, %dma_wait3A_1074] : memref<16x16xi32, #tpu.memory_space<vmem>> -> memref<1x16xi32, #tpu.memory_space<vmem>>
    %dma_wait3A_1076 = tpu.memref_squeeze %dma_wait3A_1075 : memref<1x16xi32, #tpu.memory_space<vmem>> -> memref<16xi32, #tpu.memory_space<vmem>>
    %dma_wait3A_1077 = tpu.memref_slice %arg18[%dma_wait3A_1072, %multiple_of3A_6] : memref<16x512xi32, #tpu.memory_space<vmem_shared>> -> memref<1x16xi32, #tpu.memory_space<vmem_shared>>
    %dma_wait3A_1078 = tpu.memref_squeeze %dma_wait3A_1077 : memref<1x16xi32, #tpu.memory_space<vmem_shared>> -> memref<16xi32, #tpu.memory_space<vmem_shared>>
    %dma_wait3A_1079 = arith.constant 0 : i32
    %dma_wait3A_1080 = tpu.memref_slice %arg14[%dma_wait3A_1073, %dma_wait3A_1079] : memref<16x16xi32, #tpu.memory_space<vmem>> -> memref<1x16xi32, #tpu.memory_space<vmem>>
    %dma_wait3A_1081 = tpu.memref_squeeze %dma_wait3A_1080 : memref<1x16xi32, #tpu.memory_space<vmem>> -> memref<16xi32, #tpu.memory_space<vmem>>
    %dma_wait3A_1082 = tpu.memref_slice %arg18[%dma_wait3A_1072, %multiple_of3A_6] : memref<16x512xi32, #tpu.memory_space<vmem_shared>> -> memref<1x16xi32, #tpu.memory_space<vmem_shared>>
    %dma_wait3A_1083 = tpu.memref_squeeze %dma_wait3A_1082 : memref<1x16xi32, #tpu.memory_space<vmem_shared>> -> memref<16xi32, #tpu.memory_space<vmem_shared>>
    tpu.wait_dma2 semaphore(%arg21 : memref<!tpu.dma_semaphore, #tpu.memory_space<semaphore_mem>>) src(%dma_wait3A_1083 : memref<16xi32, #tpu.memory_space<vmem_shared>>) dst(%dma_wait3A_1081 : memref<16xi32, #tpu.memory_space<vmem>>)
    %dma_wait3A_1084 = arith.constant 5 : i32
    %dma_wait3A_1085 = arith.constant 5 : i32
    %dma_wait3A_1086 = arith.constant 0 : i32
    %dma_wait3A_1087 = tpu.memref_slice %arg14[%dma_wait3A_1085, %dma_wait3A_1086] : memref<16x16xi32, #tpu.memory_space<vmem>> -> memref<1x16xi32, #tpu.memory_space<vmem>>
    %dma_wait3A_1088 = tpu.memref_squeeze %dma_wait3A_1087 : memref<1x16xi32, #tpu.memory_space<vmem>> -> memref<16xi32, #tpu.memory_space<vmem>>
    %dma_wait3A_1089 = tpu.memref_slice %arg18[%dma_wait3A_1084, %multiple_of3A_6] : memref<16x512xi32, #tpu.memory_space<vmem_shared>> -> memref<1x16xi32, #tpu.memory_space<vmem_shared>>
    %dma_wait3A_1090 = tpu.memref_squeeze %dma_wait3A_1089 : memref<1x16xi32, #tpu.memory_space<vmem_shared>> -> memref<16xi32, #tpu.memory_space<vmem_shared>>
    %dma_wait3A_1091 = arith.constant 0 : i32
    %dma_wait3A_1092 = tpu.memref_slice %arg14[%dma_wait3A_1085, %dma_wait3A_1091] : memref<16x16xi32, #tpu.memory_space<vmem>> -> memref<1x16xi32, #tpu.memory_space<vmem>>
    %dma_wait3A_1093 = tpu.memref_squeeze %dma_wait3A_1092 : memref<1x16xi32, #tpu.memory_space<vmem>> -> memref<16xi32, #tpu.memory_space<vmem>>
    %dma_wait3A_1094 = tpu.memref_slice %arg18[%dma_wait3A_1084, %multiple_of3A_6] : memref<16x512xi32, #tpu.memory_space<vmem_shared>> -> memref<1x16xi32, #tpu.memory_space<vmem_shared>>
    %dma_wait3A_1095 = tpu.memref_squeeze %dma_wait3A_1094 : memref<1x16xi32, #tpu.memory_space<vmem_shared>> -> memref<16xi32, #tpu.memory_space<vmem_shared>>
    tpu.wait_dma2 semaphore(%arg21 : memref<!tpu.dma_semaphore, #tpu.memory_space<semaphore_mem>>) src(%dma_wait3A_1095 : memref<16xi32, #tpu.memory_space<vmem_shared>>) dst(%dma_wait3A_1093 : memref<16xi32, #tpu.memory_space<vmem>>)
    %dma_wait3A_1096 = arith.constant 6 : i32
    %dma_wait3A_1097 = arith.constant 6 : i32
    %dma_wait3A_1098 = arith.constant 0 : i32
    %dma_wait3A_1099 = tpu.memref_slice %arg14[%dma_wait3A_1097, %dma_wait3A_1098] : memref<16x16xi32, #tpu.memory_space<vmem>> -> memref<1x16xi32, #tpu.memory_space<vmem>>
    %dma_wait3A_1100 = tpu.memref_squeeze %dma_wait3A_1099 : memref<1x16xi32, #tpu.memory_space<vmem>> -> memref<16xi32, #tpu.memory_space<vmem>>
    %dma_wait3A_1101 = tpu.memref_slice %arg18[%dma_wait3A_1096, %multiple_of3A_6] : memref<16x512xi32, #tpu.memory_space<vmem_shared>> -> memref<1x16xi32, #tpu.memory_space<vmem_shared>>
    %dma_wait3A_1102 = tpu.memref_squeeze %dma_wait3A_1101 : memref<1x16xi32, #tpu.memory_space<vmem_shared>> -> memref<16xi32, #tpu.memory_space<vmem_shared>>
    %dma_wait3A_1103 = arith.constant 0 : i32
    %dma_wait3A_1104 = tpu.memref_slice %arg14[%dma_wait3A_1097, %dma_wait3A_1103] : memref<16x16xi32, #tpu.memory_space<vmem>> -> memref<1x16xi32, #tpu.memory_space<vmem>>
    %dma_wait3A_1105 = tpu.memref_squeeze %dma_wait3A_1104 : memref<1x16xi32, #tpu.memory_space<vmem>> -> memref<16xi32, #tpu.memory_space<vmem>>
    %dma_wait3A_1106 = tpu.memref_slice %arg18[%dma_wait3A_1096, %multiple_of3A_6] : memref<16x512xi32, #tpu.memory_space<vmem_shared>> -> memref<1x16xi32, #tpu.memory_space<vmem_shared>>
    %dma_wait3A_1107 = tpu.memref_squeeze %dma_wait3A_1106 : memref<1x16xi32, #tpu.memory_space<vmem_shared>> -> memref<16xi32, #tpu.memory_space<vmem_shared>>
    tpu.wait_dma2 semaphore(%arg21 : memref<!tpu.dma_semaphore, #tpu.memory_space<semaphore_mem>>) src(%dma_wait3A_1107 : memref<16xi32, #tpu.memory_space<vmem_shared>>) dst(%dma_wait3A_1105 : memref<16xi32, #tpu.memory_space<vmem>>)
    %dma_wait3A_1108 = arith.constant 7 : i32
    %dma_wait3A_1109 = arith.constant 7 : i32
    %dma_wait3A_1110 = arith.constant 0 : i32
    %dma_wait3A_1111 = tpu.memref_slice %arg14[%dma_wait3A_1109, %dma_wait3A_1110] : memref<16x16xi32, #tpu.memory_space<vmem>> -> memref<1x16xi32, #tpu.memory_space<vmem>>
    %dma_wait3A_1112 = tpu.memref_squeeze %dma_wait3A_1111 : memref<1x16xi32, #tpu.memory_space<vmem>> -> memref<16xi32, #tpu.memory_space<vmem>>
    %dma_wait3A_1113 = tpu.memref_slice %arg18[%dma_wait3A_1108, %multiple_of3A_6] : memref<16x512xi32, #tpu.memory_space<vmem_shared>> -> memref<1x16xi32, #tpu.memory_space<vmem_shared>>
    %dma_wait3A_1114 = tpu.memref_squeeze %dma_wait3A_1113 : memref<1x16xi32, #tpu.memory_space<vmem_shared>> -> memref<16xi32, #tpu.memory_space<vmem_shared>>
    %dma_wait3A_1115 = arith.constant 0 : i32
    %dma_wait3A_1116 = tpu.memref_slice %arg14[%dma_wait3A_1109, %dma_wait3A_1115] : memref<16x16xi32, #tpu.memory_space<vmem>> -> memref<1x16xi32, #tpu.memory_space<vmem>>
    %dma_wait3A_1117 = tpu.memref_squeeze %dma_wait3A_1116 : memref<1x16xi32, #tpu.memory_space<vmem>> -> memref<16xi32, #tpu.memory_space<vmem>>
    %dma_wait3A_1118 = tpu.memref_slice %arg18[%dma_wait3A_1108, %multiple_of3A_6] : memref<16x512xi32, #tpu.memory_space<vmem_shared>> -> memref<1x16xi32, #tpu.memory_space<vmem_shared>>
    %dma_wait3A_1119 = tpu.memref_squeeze %dma_wait3A_1118 : memref<1x16xi32, #tpu.memory_space<vmem_shared>> -> memref<16xi32, #tpu.memory_space<vmem_shared>>
    tpu.wait_dma2 semaphore(%arg21 : memref<!tpu.dma_semaphore, #tpu.memory_space<semaphore_mem>>) src(%dma_wait3A_1119 : memref<16xi32, #tpu.memory_space<vmem_shared>>) dst(%dma_wait3A_1117 : memref<16xi32, #tpu.memory_space<vmem>>)
    %dma_wait3A_1120 = arith.constant 8 : i32
    %dma_wait3A_1121 = arith.constant 8 : i32
    %dma_wait3A_1122 = arith.constant 0 : i32
    %dma_wait3A_1123 = tpu.memref_slice %arg14[%dma_wait3A_1121, %dma_wait3A_1122] : memref<16x16xi32, #tpu.memory_space<vmem>> -> memref<1x16xi32, #tpu.memory_space<vmem>>
    %dma_wait3A_1124 = tpu.memref_squeeze %dma_wait3A_1123 : memref<1x16xi32, #tpu.memory_space<vmem>> -> memref<16xi32, #tpu.memory_space<vmem>>
    %dma_wait3A_1125 = tpu.memref_slice %arg18[%dma_wait3A_1120, %multiple_of3A_6] : memref<16x512xi32, #tpu.memory_space<vmem_shared>> -> memref<1x16xi32, #tpu.memory_space<vmem_shared>>
    %dma_wait3A_1126 = tpu.memref_squeeze %dma_wait3A_1125 : memref<1x16xi32, #tpu.memory_space<vmem_shared>> -> memref<16xi32, #tpu.memory_space<vmem_shared>>
    %dma_wait3A_1127 = arith.constant 0 : i32
    %dma_wait3A_1128 = tpu.memref_slice %arg14[%dma_wait3A_1121, %dma_wait3A_1127] : memref<16x16xi32, #tpu.memory_space<vmem>> -> memref<1x16xi32, #tpu.memory_space<vmem>>
    %dma_wait3A_1129 = tpu.memref_squeeze %dma_wait3A_1128 : memref<1x16xi32, #tpu.memory_space<vmem>> -> memref<16xi32, #tpu.memory_space<vmem>>
    %dma_wait3A_1130 = tpu.memref_slice %arg18[%dma_wait3A_1120, %multiple_of3A_6] : memref<16x512xi32, #tpu.memory_space<vmem_shared>> -> memref<1x16xi32, #tpu.memory_space<vmem_shared>>
    %dma_wait3A_1131 = tpu.memref_squeeze %dma_wait3A_1130 : memref<1x16xi32, #tpu.memory_space<vmem_shared>> -> memref<16xi32, #tpu.memory_space<vmem_shared>>
    tpu.wait_dma2 semaphore(%arg21 : memref<!tpu.dma_semaphore, #tpu.memory_space<semaphore_mem>>) src(%dma_wait3A_1131 : memref<16xi32, #tpu.memory_space<vmem_shared>>) dst(%dma_wait3A_1129 : memref<16xi32, #tpu.memory_space<vmem>>)
    %dma_wait3A_1132 = arith.constant 9 : i32
    %dma_wait3A_1133 = arith.constant 9 : i32
    %dma_wait3A_1134 = arith.constant 0 : i32
    %dma_wait3A_1135 = tpu.memref_slice %arg14[%dma_wait3A_1133, %dma_wait3A_1134] : memref<16x16xi32, #tpu.memory_space<vmem>> -> memref<1x16xi32, #tpu.memory_space<vmem>>
    %dma_wait3A_1136 = tpu.memref_squeeze %dma_wait3A_1135 : memref<1x16xi32, #tpu.memory_space<vmem>> -> memref<16xi32, #tpu.memory_space<vmem>>
    %dma_wait3A_1137 = tpu.memref_slice %arg18[%dma_wait3A_1132, %multiple_of3A_6] : memref<16x512xi32, #tpu.memory_space<vmem_shared>> -> memref<1x16xi32, #tpu.memory_space<vmem_shared>>
    %dma_wait3A_1138 = tpu.memref_squeeze %dma_wait3A_1137 : memref<1x16xi32, #tpu.memory_space<vmem_shared>> -> memref<16xi32, #tpu.memory_space<vmem_shared>>
    %dma_wait3A_1139 = arith.constant 0 : i32
    %dma_wait3A_1140 = tpu.memref_slice %arg14[%dma_wait3A_1133, %dma_wait3A_1139] : memref<16x16xi32, #tpu.memory_space<vmem>> -> memref<1x16xi32, #tpu.memory_space<vmem>>
    %dma_wait3A_1141 = tpu.memref_squeeze %dma_wait3A_1140 : memref<1x16xi32, #tpu.memory_space<vmem>> -> memref<16xi32, #tpu.memory_space<vmem>>
    %dma_wait3A_1142 = tpu.memref_slice %arg18[%dma_wait3A_1132, %multiple_of3A_6] : memref<16x512xi32, #tpu.memory_space<vmem_shared>> -> memref<1x16xi32, #tpu.memory_space<vmem_shared>>
    %dma_wait3A_1143 = tpu.memref_squeeze %dma_wait3A_1142 : memref<1x16xi32, #tpu.memory_space<vmem_shared>> -> memref<16xi32, #tpu.memory_space<vmem_shared>>
    tpu.wait_dma2 semaphore(%arg21 : memref<!tpu.dma_semaphore, #tpu.memory_space<semaphore_mem>>) src(%dma_wait3A_1143 : memref<16xi32, #tpu.memory_space<vmem_shared>>) dst(%dma_wait3A_1141 : memref<16xi32, #tpu.memory_space<vmem>>)
    %dma_wait3A_1144 = arith.constant 10 : i32
    %dma_wait3A_1145 = arith.constant 10 : i32
    %dma_wait3A_1146 = arith.constant 0 : i32
    %dma_wait3A_1147 = tpu.memref_slice %arg14[%dma_wait3A_1145, %dma_wait3A_1146] : memref<16x16xi32, #tpu.memory_space<vmem>> -> memref<1x16xi32, #tpu.memory_space<vmem>>
    %dma_wait3A_1148 = tpu.memref_squeeze %dma_wait3A_1147 : memref<1x16xi32, #tpu.memory_space<vmem>> -> memref<16xi32, #tpu.memory_space<vmem>>
    %dma_wait3A_1149 = tpu.memref_slice %arg18[%dma_wait3A_1144, %multiple_of3A_6] : memref<16x512xi32, #tpu.memory_space<vmem_shared>> -> memref<1x16xi32, #tpu.memory_space<vmem_shared>>
    %dma_wait3A_1150 = tpu.memref_squeeze %dma_wait3A_1149 : memref<1x16xi32, #tpu.memory_space<vmem_shared>> -> memref<16xi32, #tpu.memory_space<vmem_shared>>
    %dma_wait3A_1151 = arith.constant 0 : i32
    %dma_wait3A_1152 = tpu.memref_slice %arg14[%dma_wait3A_1145, %dma_wait3A_1151] : memref<16x16xi32, #tpu.memory_space<vmem>> -> memref<1x16xi32, #tpu.memory_space<vmem>>
    %dma_wait3A_1153 = tpu.memref_squeeze %dma_wait3A_1152 : memref<1x16xi32, #tpu.memory_space<vmem>> -> memref<16xi32, #tpu.memory_space<vmem>>
    %dma_wait3A_1154 = tpu.memref_slice %arg18[%dma_wait3A_1144, %multiple_of3A_6] : memref<16x512xi32, #tpu.memory_space<vmem_shared>> -> memref<1x16xi32, #tpu.memory_space<vmem_shared>>
    %dma_wait3A_1155 = tpu.memref_squeeze %dma_wait3A_1154 : memref<1x16xi32, #tpu.memory_space<vmem_shared>> -> memref<16xi32, #tpu.memory_space<vmem_shared>>
    tpu.wait_dma2 semaphore(%arg21 : memref<!tpu.dma_semaphore, #tpu.memory_space<semaphore_mem>>) src(%dma_wait3A_1155 : memref<16xi32, #tpu.memory_space<vmem_shared>>) dst(%dma_wait3A_1153 : memref<16xi32, #tpu.memory_space<vmem>>)
    %dma_wait3A_1156 = arith.constant 11 : i32
    %dma_wait3A_1157 = arith.constant 11 : i32
    %dma_wait3A_1158 = arith.constant 0 : i32
    %dma_wait3A_1159 = tpu.memref_slice %arg14[%dma_wait3A_1157, %dma_wait3A_1158] : memref<16x16xi32, #tpu.memory_space<vmem>> -> memref<1x16xi32, #tpu.memory_space<vmem>>
    %dma_wait3A_1160 = tpu.memref_squeeze %dma_wait3A_1159 : memref<1x16xi32, #tpu.memory_space<vmem>> -> memref<16xi32, #tpu.memory_space<vmem>>
    %dma_wait3A_1161 = tpu.memref_slice %arg18[%dma_wait3A_1156, %multiple_of3A_6] : memref<16x512xi32, #tpu.memory_space<vmem_shared>> -> memref<1x16xi32, #tpu.memory_space<vmem_shared>>
    %dma_wait3A_1162 = tpu.memref_squeeze %dma_wait3A_1161 : memref<1x16xi32, #tpu.memory_space<vmem_shared>> -> memref<16xi32, #tpu.memory_space<vmem_shared>>
    %dma_wait3A_1163 = arith.constant 0 : i32
    %dma_wait3A_1164 = tpu.memref_slice %arg14[%dma_wait3A_1157, %dma_wait3A_1163] : memref<16x16xi32, #tpu.memory_space<vmem>> -> memref<1x16xi32, #tpu.memory_space<vmem>>
    %dma_wait3A_1165 = tpu.memref_squeeze %dma_wait3A_1164 : memref<1x16xi32, #tpu.memory_space<vmem>> -> memref<16xi32, #tpu.memory_space<vmem>>
    %dma_wait3A_1166 = tpu.memref_slice %arg18[%dma_wait3A_1156, %multiple_of3A_6] : memref<16x512xi32, #tpu.memory_space<vmem_shared>> -> memref<1x16xi32, #tpu.memory_space<vmem_shared>>
    %dma_wait3A_1167 = tpu.memref_squeeze %dma_wait3A_1166 : memref<1x16xi32, #tpu.memory_space<vmem_shared>> -> memref<16xi32, #tpu.memory_space<vmem_shared>>
    tpu.wait_dma2 semaphore(%arg21 : memref<!tpu.dma_semaphore, #tpu.memory_space<semaphore_mem>>) src(%dma_wait3A_1167 : memref<16xi32, #tpu.memory_space<vmem_shared>>) dst(%dma_wait3A_1165 : memref<16xi32, #tpu.memory_space<vmem>>)
    %dma_wait3A_1168 = arith.constant 12 : i32
    %dma_wait3A_1169 = arith.constant 12 : i32
    %dma_wait3A_1170 = arith.constant 0 : i32
    %dma_wait3A_1171 = tpu.memref_slice %arg14[%dma_wait3A_1169, %dma_wait3A_1170] : memref<16x16xi32, #tpu.memory_space<vmem>> -> memref<1x16xi32, #tpu.memory_space<vmem>>
    %dma_wait3A_1172 = tpu.memref_squeeze %dma_wait3A_1171 : memref<1x16xi32, #tpu.memory_space<vmem>> -> memref<16xi32, #tpu.memory_space<vmem>>
    %dma_wait3A_1173 = tpu.memref_slice %arg18[%dma_wait3A_1168, %multiple_of3A_6] : memref<16x512xi32, #tpu.memory_space<vmem_shared>> -> memref<1x16xi32, #tpu.memory_space<vmem_shared>>
    %dma_wait3A_1174 = tpu.memref_squeeze %dma_wait3A_1173 : memref<1x16xi32, #tpu.memory_space<vmem_shared>> -> memref<16xi32, #tpu.memory_space<vmem_shared>>
    %dma_wait3A_1175 = arith.constant 0 : i32
    %dma_wait3A_1176 = tpu.memref_slice %arg14[%dma_wait3A_1169, %dma_wait3A_1175] : memref<16x16xi32, #tpu.memory_space<vmem>> -> memref<1x16xi32, #tpu.memory_space<vmem>>
    %dma_wait3A_1177 = tpu.memref_squeeze %dma_wait3A_1176 : memref<1x16xi32, #tpu.memory_space<vmem>> -> memref<16xi32, #tpu.memory_space<vmem>>
    %dma_wait3A_1178 = tpu.memref_slice %arg18[%dma_wait3A_1168, %multiple_of3A_6] : memref<16x512xi32, #tpu.memory_space<vmem_shared>> -> memref<1x16xi32, #tpu.memory_space<vmem_shared>>
    %dma_wait3A_1179 = tpu.memref_squeeze %dma_wait3A_1178 : memref<1x16xi32, #tpu.memory_space<vmem_shared>> -> memref<16xi32, #tpu.memory_space<vmem_shared>>
    tpu.wait_dma2 semaphore(%arg21 : memref<!tpu.dma_semaphore, #tpu.memory_space<semaphore_mem>>) src(%dma_wait3A_1179 : memref<16xi32, #tpu.memory_space<vmem_shared>>) dst(%dma_wait3A_1177 : memref<16xi32, #tpu.memory_space<vmem>>)
    %dma_wait3A_1180 = arith.constant 13 : i32
    %dma_wait3A_1181 = arith.constant 13 : i32
    %dma_wait3A_1182 = arith.constant 0 : i32
    %dma_wait3A_1183 = tpu.memref_slice %arg14[%dma_wait3A_1181, %dma_wait3A_1182] : memref<16x16xi32, #tpu.memory_space<vmem>> -> memref<1x16xi32, #tpu.memory_space<vmem>>
    %dma_wait3A_1184 = tpu.memref_squeeze %dma_wait3A_1183 : memref<1x16xi32, #tpu.memory_space<vmem>> -> memref<16xi32, #tpu.memory_space<vmem>>
    %dma_wait3A_1185 = tpu.memref_slice %arg18[%dma_wait3A_1180, %multiple_of3A_6] : memref<16x512xi32, #tpu.memory_space<vmem_shared>> -> memref<1x16xi32, #tpu.memory_space<vmem_shared>>
    %dma_wait3A_1186 = tpu.memref_squeeze %dma_wait3A_1185 : memref<1x16xi32, #tpu.memory_space<vmem_shared>> -> memref<16xi32, #tpu.memory_space<vmem_shared>>
    %dma_wait3A_1187 = arith.constant 0 : i32
    %dma_wait3A_1188 = tpu.memref_slice %arg14[%dma_wait3A_1181, %dma_wait3A_1187] : memref<16x16xi32, #tpu.memory_space<vmem>> -> memref<1x16xi32, #tpu.memory_space<vmem>>
    %dma_wait3A_1189 = tpu.memref_squeeze %dma_wait3A_1188 : memref<1x16xi32, #tpu.memory_space<vmem>> -> memref<16xi32, #tpu.memory_space<vmem>>
    %dma_wait3A_1190 = tpu.memref_slice %arg18[%dma_wait3A_1180, %multiple_of3A_6] : memref<16x512xi32, #tpu.memory_space<vmem_shared>> -> memref<1x16xi32, #tpu.memory_space<vmem_shared>>
    %dma_wait3A_1191 = tpu.memref_squeeze %dma_wait3A_1190 : memref<1x16xi32, #tpu.memory_space<vmem_shared>> -> memref<16xi32, #tpu.memory_space<vmem_shared>>
    tpu.wait_dma2 semaphore(%arg21 : memref<!tpu.dma_semaphore, #tpu.memory_space<semaphore_mem>>) src(%dma_wait3A_1191 : memref<16xi32, #tpu.memory_space<vmem_shared>>) dst(%dma_wait3A_1189 : memref<16xi32, #tpu.memory_space<vmem>>)
    %dma_wait3A_1192 = arith.constant 14 : i32
    %dma_wait3A_1193 = arith.constant 14 : i32
    %dma_wait3A_1194 = arith.constant 0 : i32
    %dma_wait3A_1195 = tpu.memref_slice %arg14[%dma_wait3A_1193, %dma_wait3A_1194] : memref<16x16xi32, #tpu.memory_space<vmem>> -> memref<1x16xi32, #tpu.memory_space<vmem>>
    %dma_wait3A_1196 = tpu.memref_squeeze %dma_wait3A_1195 : memref<1x16xi32, #tpu.memory_space<vmem>> -> memref<16xi32, #tpu.memory_space<vmem>>
    %dma_wait3A_1197 = tpu.memref_slice %arg18[%dma_wait3A_1192, %multiple_of3A_6] : memref<16x512xi32, #tpu.memory_space<vmem_shared>> -> memref<1x16xi32, #tpu.memory_space<vmem_shared>>
    %dma_wait3A_1198 = tpu.memref_squeeze %dma_wait3A_1197 : memref<1x16xi32, #tpu.memory_space<vmem_shared>> -> memref<16xi32, #tpu.memory_space<vmem_shared>>
    %dma_wait3A_1199 = arith.constant 0 : i32
    %dma_wait3A_1200 = tpu.memref_slice %arg14[%dma_wait3A_1193, %dma_wait3A_1199] : memref<16x16xi32, #tpu.memory_space<vmem>> -> memref<1x16xi32, #tpu.memory_space<vmem>>
    %dma_wait3A_1201 = tpu.memref_squeeze %dma_wait3A_1200 : memref<1x16xi32, #tpu.memory_space<vmem>> -> memref<16xi32, #tpu.memory_space<vmem>>
    %dma_wait3A_1202 = tpu.memref_slice %arg18[%dma_wait3A_1192, %multiple_of3A_6] : memref<16x512xi32, #tpu.memory_space<vmem_shared>> -> memref<1x16xi32, #tpu.memory_space<vmem_shared>>
    %dma_wait3A_1203 = tpu.memref_squeeze %dma_wait3A_1202 : memref<1x16xi32, #tpu.memory_space<vmem_shared>> -> memref<16xi32, #tpu.memory_space<vmem_shared>>
    tpu.wait_dma2 semaphore(%arg21 : memref<!tpu.dma_semaphore, #tpu.memory_space<semaphore_mem>>) src(%dma_wait3A_1203 : memref<16xi32, #tpu.memory_space<vmem_shared>>) dst(%dma_wait3A_1201 : memref<16xi32, #tpu.memory_space<vmem>>)
    %dma_wait3A_1204 = arith.constant 15 : i32
    %dma_wait3A_1205 = arith.constant 15 : i32
    %dma_wait3A_1206 = arith.constant 0 : i32
    %dma_wait3A_1207 = tpu.memref_slice %arg14[%dma_wait3A_1205, %dma_wait3A_1206] : memref<16x16xi32, #tpu.memory_space<vmem>> -> memref<1x16xi32, #tpu.memory_space<vmem>>
    %dma_wait3A_1208 = tpu.memref_squeeze %dma_wait3A_1207 : memref<1x16xi32, #tpu.memory_space<vmem>> -> memref<16xi32, #tpu.memory_space<vmem>>
    %dma_wait3A_1209 = tpu.memref_slice %arg18[%dma_wait3A_1204, %multiple_of3A_6] : memref<16x512xi32, #tpu.memory_space<vmem_shared>> -> memref<1x16xi32, #tpu.memory_space<vmem_shared>>
    %dma_wait3A_1210 = tpu.memref_squeeze %dma_wait3A_1209 : memref<1x16xi32, #tpu.memory_space<vmem_shared>> -> memref<16xi32, #tpu.memory_space<vmem_shared>>
    %dma_wait3A_1211 = arith.constant 0 : i32
    %dma_wait3A_1212 = tpu.memref_slice %arg14[%dma_wait3A_1205, %dma_wait3A_1211] : memref<16x16xi32, #tpu.memory_space<vmem>> -> memref<1x16xi32, #tpu.memory_space<vmem>>
    %dma_wait3A_1213 = tpu.memref_squeeze %dma_wait3A_1212 : memref<1x16xi32, #tpu.memory_space<vmem>> -> memref<16xi32, #tpu.memory_space<vmem>>
    %dma_wait3A_1214 = tpu.memref_slice %arg18[%dma_wait3A_1204, %multiple_of3A_6] : memref<16x512xi32, #tpu.memory_space<vmem_shared>> -> memref<1x16xi32, #tpu.memory_space<vmem_shared>>
    %dma_wait3A_1215 = tpu.memref_squeeze %dma_wait3A_1214 : memref<1x16xi32, #tpu.memory_space<vmem_shared>> -> memref<16xi32, #tpu.memory_space<vmem_shared>>
    tpu.wait_dma2 semaphore(%arg21 : memref<!tpu.dma_semaphore, #tpu.memory_space<semaphore_mem>>) src(%dma_wait3A_1215 : memref<16xi32, #tpu.memory_space<vmem_shared>>) dst(%dma_wait3A_1213 : memref<16xi32, #tpu.memory_space<vmem>>)
    %get3A = arith.constant 0 : i32
    %get3A_1216 = arith.index_cast %get3A : i32 to index
    %get3A_1217 = arith.constant 0 : index
    %get3A_1218 = tpu.vector_load %arg14[%get3A_1216, %get3A_1217] {strides = array<i32>} : memref<16x16xi32, #tpu.memory_space<vmem>>, vector<16xi32>,
    %get3A_1219 = arith.constant 1 : i32
    %get3A_1220 = arith.index_cast %get3A_1219 : i32 to index
    %get3A_1221 = arith.constant 0 : index
    %get3A_1222 = tpu.vector_load %arg14[%get3A_1220, %get3A_1221] {strides = array<i32>} : memref<16x16xi32, #tpu.memory_space<vmem>>, vector<16xi32>,
    %add3A = arith.addi %get3A_1218, %get3A_1222 : vector<16xi32>
    %get3A_1223 = arith.constant 2 : i32
    %get3A_1224 = arith.index_cast %get3A_1223 : i32 to index
    %get3A_1225 = arith.constant 0 : index
    %get3A_1226 = tpu.vector_load %arg14[%get3A_1224, %get3A_1225] {strides = array<i32>} : memref<16x16xi32, #tpu.memory_space<vmem>>, vector<16xi32>,
    %add3A_1227 = arith.addi %add3A, %get3A_1226 : vector<16xi32>
    %get3A_1228 = arith.constant 3 : i32
    %get3A_1229 = arith.index_cast %get3A_1228 : i32 to index
    %get3A_1230 = arith.constant 0 : index
    %get3A_1231 = tpu.vector_load %arg14[%get3A_1229, %get3A_1230] {strides = array<i32>} : memref<16x16xi32, #tpu.memory_space<vmem>>, vector<16xi32>,
    %add3A_1232 = arith.addi %add3A_1227, %get3A_1231 : vector<16xi32>
    %get3A_1233 = arith.constant 4 : i32
    %get3A_1234 = arith.index_cast %get3A_1233 : i32 to index
    %get3A_1235 = arith.constant 0 : index
    %get3A_1236 = tpu.vector_load %arg14[%get3A_1234, %get3A_1235] {strides = array<i32>} : memref<16x16xi32, #tpu.memory_space<vmem>>, vector<16xi32>,
    %add3A_1237 = arith.addi %add3A_1232, %get3A_1236 : vector<16xi32>
    %get3A_1238 = arith.constant 5 : i32
    %get3A_1239 = arith.index_cast %get3A_1238 : i32 to index
    %get3A_1240 = arith.constant 0 : index
    %get3A_1241 = tpu.vector_load %arg14[%get3A_1239, %get3A_1240] {strides = array<i32>} : memref<16x16xi32, #tpu.memory_space<vmem>>, vector<16xi32>,
    %add3A_1242 = arith.addi %add3A_1237, %get3A_1241 : vector<16xi32>
    %get3A_1243 = arith.constant 6 : i32
    %get3A_1244 = arith.index_cast %get3A_1243 : i32 to index
    %get3A_1245 = arith.constant 0 : index
    %get3A_1246 = tpu.vector_load %arg14[%get3A_1244, %get3A_1245] {strides = array<i32>} : memref<16x16xi32, #tpu.memory_space<vmem>>, vector<16xi32>,
    %add3A_1247 = arith.addi %add3A_1242, %get3A_1246 : vector<16xi32>
    %get3A_1248 = arith.constant 7 : i32
    %get3A_1249 = arith.index_cast %get3A_1248 : i32 to index
    %get3A_1250 = arith.constant 0 : index
    %get3A_1251 = tpu.vector_load %arg14[%get3A_1249, %get3A_1250] {strides = array<i32>} : memref<16x16xi32, #tpu.memory_space<vmem>>, vector<16xi32>,
    %add3A_1252 = arith.addi %add3A_1247, %get3A_1251 : vector<16xi32>
    %get3A_1253 = arith.constant 8 : i32
    %get3A_1254 = arith.index_cast %get3A_1253 : i32 to index
    %get3A_1255 = arith.constant 0 : index
    %get3A_1256 = tpu.vector_load %arg14[%get3A_1254, %get3A_1255] {strides = array<i32>} : memref<16x16xi32, #tpu.memory_space<vmem>>, vector<16xi32>,
    %add3A_1257 = arith.addi %add3A_1252, %get3A_1256 : vector<16xi32>
    %get3A_1258 = arith.constant 9 : i32
    %get3A_1259 = arith.index_cast %get3A_1258 : i32 to index
    %get3A_1260 = arith.constant 0 : index
    %get3A_1261 = tpu.vector_load %arg14[%get3A_1259, %get3A_1260] {strides = array<i32>} : memref<16x16xi32, #tpu.memory_space<vmem>>, vector<16xi32>,
    %add3A_1262 = arith.addi %add3A_1257, %get3A_1261 : vector<16xi32>
    %get3A_1263 = arith.constant 10 : i32
    %get3A_1264 = arith.index_cast %get3A_1263 : i32 to index
    %get3A_1265 = arith.constant 0 : index
    %get3A_1266 = tpu.vector_load %arg14[%get3A_1264, %get3A_1265] {strides = array<i32>} : memref<16x16xi32, #tpu.memory_space<vmem>>, vector<16xi32>,
    %add3A_1267 = arith.addi %add3A_1262, %get3A_1266 : vector<16xi32>
    %get3A_1268 = arith.constant 11 : i32
    %get3A_1269 = arith.index_cast %get3A_1268 : i32 to index
    %get3A_1270 = arith.constant 0 : index
    %get3A_1271 = tpu.vector_load %arg14[%get3A_1269, %get3A_1270] {strides = array<i32>} : memref<16x16xi32, #tpu.memory_space<vmem>>, vector<16xi32>,
    %add3A_1272 = arith.addi %add3A_1267, %get3A_1271 : vector<16xi32>
    %get3A_1273 = arith.constant 12 : i32
    %get3A_1274 = arith.index_cast %get3A_1273 : i32 to index
    %get3A_1275 = arith.constant 0 : index
    %get3A_1276 = tpu.vector_load %arg14[%get3A_1274, %get3A_1275] {strides = array<i32>} : memref<16x16xi32, #tpu.memory_space<vmem>>, vector<16xi32>,
    %add3A_1277 = arith.addi %add3A_1272, %get3A_1276 : vector<16xi32>
    %get3A_1278 = arith.constant 13 : i32
    %get3A_1279 = arith.index_cast %get3A_1278 : i32 to index
    %get3A_1280 = arith.constant 0 : index
    %get3A_1281 = tpu.vector_load %arg14[%get3A_1279, %get3A_1280] {strides = array<i32>} : memref<16x16xi32, #tpu.memory_space<vmem>>, vector<16xi32>,
    %add3A_1282 = arith.addi %add3A_1277, %get3A_1281 : vector<16xi32>
    %get3A_1283 = arith.constant 14 : i32
    %get3A_1284 = arith.index_cast %get3A_1283 : i32 to index
    %get3A_1285 = arith.constant 0 : index
    %get3A_1286 = tpu.vector_load %arg14[%get3A_1284, %get3A_1285] {strides = array<i32>} : memref<16x16xi32, #tpu.memory_space<vmem>>, vector<16xi32>,
    %add3A_1287 = arith.addi %add3A_1282, %get3A_1286 : vector<16xi32>
    %get3A_1288 = arith.constant 15 : i32
    %get3A_1289 = arith.index_cast %get3A_1288 : i32 to index
    %get3A_1290 = arith.constant 0 : index
    %get3A_1291 = tpu.vector_load %arg14[%get3A_1289, %get3A_1290] {strides = array<i32>} : memref<16x16xi32, #tpu.memory_space<vmem>>, vector<16xi32>,
    %add3A_1292 = arith.addi %add3A_1287, %get3A_1291 : vector<16xi32>
    %bitcast3A = vector.bitcast %add3A_1292 : vector<16xi32> to vector<16xi32>
    %jit3A = arith.constant 5000 : i32
    %eq3A_1293 = arith.constant 0 : i32
    %eq3A_1294 = arith.cmpi eq, %jit3A, %eq3A_1293 : i32
    %jit3A_1295 = arith.constant 1 : i32
    %select_n3A = arith.select %eq3A_1294, %jit3A_1295, %jit3A : i32
    %rem3A = vector.broadcast %select_n3A : i32 to vector<16xi32>
    %rem3A_1296 = arith.remui %bitcast3A, %rem3A : vector<16xi32>
    %ne3A = arith.constant 0 : i32
    %ne3A_1297 = vector.broadcast %ne3A : i32 to vector<16xi32>
    %ne3A_1298 = arith.cmpi ne, %rem3A_1296, %ne3A_1297 : vector<16xi32>
    %lt3A_1299 = arith.constant 0 : i32
    %lt3A_1300 = vector.broadcast %lt3A_1299 : i32 to vector<16xi32>
    %lt3A_1301 = arith.cmpi ult, %rem3A_1296, %lt3A_1300 : vector<16xi32>
    %lt3A_1302 = arith.constant 0 : i32
    %lt3A_1303 = arith.cmpi ult, %select_n3A, %lt3A_1302 : i32
    %ne3A_1304 = vector.broadcast %lt3A_1303 : i1 to vector<16xi1>
    %ne3A_1305 = vector.broadcast %ne3A_1304 : vector<16xi1> to vector<16xi1>
    %ne3A_1306 = arith.xori %lt3A_1301, %ne3A_1305 : vector<16xi1>
    %and3A = arith.andi %ne3A_1306, %ne3A_1298 : vector<16xi1>
    %add3A_1307 = vector.broadcast %select_n3A : i32 to vector<16xi32>
    %add3A_1308 = arith.addi %rem3A_1296, %add3A_1307 : vector<16xi32>
    %select_n3A_1309 = arith.select %and3A, %add3A_1308, %rem3A_1296 : vector<16xi1>, vector<16xi32>
    %swap3A = arith.constant 0 : index
    %swap3A_1310 = tpu.vector_load %arg15[%swap3A] {strides = array<i32>} : memref<16xi32, #tpu.memory_space<vmem>>, vector<16xi32>,
    tpu.vector_store %arg15[%swap3A], %select_n3A_1309 {strides = array<i32>} : memref<16xi32, #tpu.memory_space<vmem>>, vector<16xi32>,
    "tpu.region"() ({
      %run_scoped3A = tpu.sem_alloc : memref<!tpu.dma_semaphore, #tpu.memory_space<semaphore_mem>>
      %dma_start3A_1311 = tpu.memref_slice %arg5[%multiple_of3A_6] : memref<256xi32, #tpu.memory_space<hbm>> -> memref<16xi32, #tpu.memory_space<hbm>>
      %dma_start3A_1312 = tpu.memref_slice %arg5[%multiple_of3A_6] : memref<256xi32, #tpu.memory_space<hbm>> -> memref<16xi32, #tpu.memory_space<hbm>>
      tpu.enqueue_dma source(%arg15 : memref<16xi32, #tpu.memory_space<vmem>>) target(%dma_start3A_1312 : memref<16xi32, #tpu.memory_space<hbm>>) target_semaphore(%run_scoped3A : memref<!tpu.dma_semaphore, #tpu.memory_space<semaphore_mem>>)
      %dma_wait3A_1313 = tpu.memref_slice %arg5[%multiple_of3A_6] : memref<256xi32, #tpu.memory_space<hbm>> -> memref<16xi32, #tpu.memory_space<hbm>>
      %dma_wait3A_1314 = tpu.memref_slice %arg5[%multiple_of3A_6] : memref<256xi32, #tpu.memory_space<hbm>> -> memref<16xi32, #tpu.memory_space<hbm>>
      tpu.wait_dma2 semaphore(%run_scoped3A : memref<!tpu.dma_semaphore, #tpu.memory_space<semaphore_mem>>) src(%arg15 : memref<16xi32, #tpu.memory_space<vmem>>) dst(%dma_wait3A_1314 : memref<16xi32, #tpu.memory_space<hbm>>)
      tpu.yield
    }) : () -> ()
    "tpu.trace_stop"() : () -> ()
    return
  }
}

module attributes {stable_mosaic.version = 14 : i64} {
  func.func @_argmax_body(%arg0: memref<10000x128xf32, #tpu.memory_space<vmem>>, %arg1: memref<10240xi32, #tpu.memory_space<vmem>>) attributes {dimension_semantics = [], scalar_prefetch = 0 : i64, scratch_operands = 0 : i64, tpu.core_type = #tpu.core_type<tc>} {
    %get3A = arith.constant 0 : index
    %get3A_0 = arith.constant 0 : index
    %get3A_1 = vector.load %arg0[%get3A, %get3A_0] : memref<10000x128xf32, #tpu.memory_space<vmem>>, vector<10000x128xf32>
    %reduce_max3A = arith.constant dense<0xFF800000> : vector<10000xf32>
    %reduce_max3A_2 = vector.multi_reduction <maximumf>, %get3A_1, %reduce_max3A [1] : vector<10000x128xf32> to vector<10000xf32>
    %broadcast_in_dim3A = vector.shape_cast %reduce_max3A_2 : vector<10000xf32> to vector<10000x1xf32>
    %iota3A = tpu.iota {dimensions = array<i32: 1>} : vector<10000x128xi32>
    %eq3A = vector.broadcast %broadcast_in_dim3A : vector<10000x1xf32> to vector<10000x128xf32>
    %eq3A_3 = arith.cmpf oeq, %get3A_1, %eq3A : vector<10000x128xf32>
    %jit3A = arith.constant 128 : i32
    %broadcast_in_dim3A_4 = vector.broadcast %jit3A : i32 to vector<10000x128xi32>
    %select_n3A = arith.select %eq3A_3, %iota3A, %broadcast_in_dim3A_4 : vector<10000x128xi1>, vector<10000x128xi32>
    %reduce_min3A = arith.constant dense<2147483647> : vector<10000xi32>
    %reduce_min3A_5 = vector.multi_reduction <minsi>, %select_n3A, %reduce_min3A [1] : vector<10000x128xi32> to vector<10000xi32>
    %broadcast_in_dim3A_6 = arith.constant 0 : i32
    %broadcast_in_dim3A_7 = vector.broadcast %broadcast_in_dim3A_6 : i32 to vector<240xi32>
    %concatenate3A = tpu.concatenate %reduce_min3A_5, %broadcast_in_dim3A_7 in 0 : vector<10000xi32>, vector<240xi32> -> vector<10240xi32>
    %swap3A = arith.constant 0 : index
    %swap3A_8 = vector.load %arg1[%swap3A] : memref<10240xi32, #tpu.memory_space<vmem>>, vector<10240xi32>
    tpu.vector_store %arg1[%swap3A], %concatenate3A {strides = array<i32>} : memref<10240xi32, #tpu.memory_space<vmem>>, vector<10240xi32>,
    return
  }
}

module attributes {stable_mosaic.version = 14 : i64} {
  func.func @_mlp_body(%arg0: memref<256xi32, #tpu.memory_space<vmem>>, %arg1: memref<5000x32xf32, #tpu.memory_space<vmem>>, %arg2: memref<32x64xf32, #tpu.memory_space<vmem>>, %arg3: memref<64xf32, #tpu.memory_space<vmem>>, %arg4: memref<64x10xf32, #tpu.memory_space<vmem>>, %arg5: memref<10xf32, #tpu.memory_space<vmem>>, %arg6: memref<256x10xf32, #tpu.memory_space<vmem>>) attributes {dimension_semantics = [], scalar_prefetch = 0 : i64, scratch_operands = 0 : i64, tpu.core_type = #tpu.core_type<tc>} {
    %iota3A = tpu.iota {dimensions = array<i32: 1>} : vector<256x5000xi32>
    %get3A = arith.constant 0 : index
    %get3A_0 = vector.load %arg0[%get3A] : memref<256xi32, #tpu.memory_space<vmem>>, vector<256xi32>
    %broadcast_in_dim3A = vector.shape_cast %get3A_0 : vector<256xi32> to vector<256x1xi32>
    %eq3A = vector.broadcast %broadcast_in_dim3A : vector<256x1xi32> to vector<256x5000xi32>
    %eq3A_1 = arith.cmpi eq, %iota3A, %eq3A : vector<256x5000xi32>
    %convert_element_type3A = arith.extui %eq3A_1 : vector<256x5000xi1> to vector<256x5000xi32>
    %convert_element_type3A_2 = arith.sitofp %convert_element_type3A : vector<256x5000xi32> to vector<256x5000xf32>
    %get3A_3 = arith.constant 0 : index
    %get3A_4 = arith.constant 0 : index
    %get3A_5 = vector.load %arg1[%get3A_3, %get3A_4] : memref<5000x32xf32, #tpu.memory_space<vmem>>, vector<5000x32xf32>
    %dot_general3A = arith.constant dense<0.000000e+00> : vector<256x32xf32>
    %dot_general3A_6 = tpu.matmul %convert_element_type3A_2, %get3A_5, %dot_general3A {dimension_numbers = #tpu.dot_dimension_numbers<[1], [0], [0], [1], [0, 0, 1, 1], [], []>, transpose_lhs_hint = false} : vector<256x5000xf32>, vector<5000x32xf32>, vector<256x32xf32> -> vector<256x32xf32>
    %get3A_7 = arith.constant 0 : index
    %get3A_8 = arith.constant 0 : index
    %get3A_9 = vector.load %arg2[%get3A_7, %get3A_8] : memref<32x64xf32, #tpu.memory_space<vmem>>, vector<32x64xf32>
    %dot_general3A_10 = arith.constant dense<0.000000e+00> : vector<256x64xf32>
    %dot_general3A_11 = tpu.matmul %dot_general3A_6, %get3A_9, %dot_general3A_10 {dimension_numbers = #tpu.dot_dimension_numbers<[1], [0], [0], [1], [0, 0, 1, 1], [], []>, transpose_lhs_hint = false} : vector<256x32xf32>, vector<32x64xf32>, vector<256x64xf32> -> vector<256x64xf32>
    %get3A_12 = arith.constant 0 : index
    %get3A_13 = vector.load %arg3[%get3A_12] : memref<64xf32, #tpu.memory_space<vmem>>, vector<64xf32>
    %broadcast_in_dim3A_14 = vector.shape_cast %get3A_13 : vector<64xf32> to vector<1x64xf32>
    %add3A = vector.broadcast %broadcast_in_dim3A_14 : vector<1x64xf32> to vector<256x64xf32>
    %add3A_15 = arith.addf %dot_general3A_11, %add3A : vector<256x64xf32>
    %gt3A = arith.constant 0.000000e+00 : f32
    %gt3A_16 = vector.broadcast %gt3A : f32 to vector<256x64xf32>
    %gt3A_17 = arith.cmpf ogt, %add3A_15, %gt3A_16 : vector<256x64xf32>
    %mul3A = arith.constant 0.00999999977 : f32
    %mul3A_18 = vector.broadcast %mul3A : f32 to vector<256x64xf32>
    %mul3A_19 = arith.mulf %mul3A_18, %add3A_15 : vector<256x64xf32>
    %select_n3A = arith.select %gt3A_17, %add3A_15, %mul3A_19 : vector<256x64xi1>, vector<256x64xf32>
    %get3A_20 = arith.constant 0 : index
    %get3A_21 = arith.constant 0 : index
    %get3A_22 = vector.load %arg4[%get3A_20, %get3A_21] : memref<64x10xf32, #tpu.memory_space<vmem>>, vector<64x10xf32>
    %dot_general3A_23 = arith.constant dense<0.000000e+00> : vector<256x10xf32>
    %dot_general3A_24 = tpu.matmul %select_n3A, %get3A_22, %dot_general3A_23 {dimension_numbers = #tpu.dot_dimension_numbers<[1], [0], [0], [1], [0, 0, 1, 1], [], []>, transpose_lhs_hint = false} : vector<256x64xf32>, vector<64x10xf32>, vector<256x10xf32> -> vector<256x10xf32>
    %get3A_25 = arith.constant 0 : index
    %get3A_26 = vector.load %arg5[%get3A_25] : memref<10xf32, #tpu.memory_space<vmem>>, vector<10xf32>
    %broadcast_in_dim3A_27 = vector.shape_cast %get3A_26 : vector<10xf32> to vector<1x10xf32>
    %add3A_28 = vector.broadcast %broadcast_in_dim3A_27 : vector<1x10xf32> to vector<256x10xf32>
    %add3A_29 = arith.addf %dot_general3A_24, %add3A_28 : vector<256x10xf32>
    %reduce_max3A = arith.constant dense<0xFF800000> : vector<256xf32>
    %reduce_max3A_30 = vector.multi_reduction <maximumf>, %add3A_29, %reduce_max3A [1] : vector<256x10xf32> to vector<256xf32>
    %broadcast_in_dim3A_31 = vector.shape_cast %reduce_max3A_30 : vector<256xf32> to vector<256x1xf32>
    %sub3A = vector.broadcast %broadcast_in_dim3A_31 : vector<256x1xf32> to vector<256x10xf32>
    %sub3A_32 = arith.subf %add3A_29, %sub3A : vector<256x10xf32>
    %exp3A = math.exp %sub3A_32 : vector<256x10xf32>
    %reduce_sum3A = arith.constant dense<0.000000e+00> : vector<256xf32>
    %reduce_sum3A_33 = vector.multi_reduction <add>, %exp3A, %reduce_sum3A [1] : vector<256x10xf32> to vector<256xf32>
    %broadcast_in_dim3A_34 = vector.shape_cast %reduce_sum3A_33 : vector<256xf32> to vector<256x1xf32>
    %log3A = math.log %broadcast_in_dim3A_34 : vector<256x1xf32>
    %sub3A_35 = vector.broadcast %log3A : vector<256x1xf32> to vector<256x10xf32>
    %sub3A_36 = arith.subf %sub3A_32, %sub3A_35 : vector<256x10xf32>
    %swap3A = arith.constant 0 : index
    %swap3A_37 = arith.constant 0 : index
    %swap3A_38 = vector.load %arg6[%swap3A, %swap3A_37] : memref<256x10xf32, #tpu.memory_space<vmem>>, vector<256x10xf32>
    tpu.vector_store %arg6[%swap3A, %swap3A_37], %sub3A_36 {strides = array<i32>} : memref<256x10xf32, #tpu.memory_space<vmem>>, vector<256x10xf32>,
    return
  }
}

</mosaic_0001>

<sc_bundles>
// kernel: kernel.5.cloned.1.call-start
scs
__scs_entry_jumppad:
0x0: {  	(pc) =	sbr.rel $0x88, $3  }
0x1: {  	(tag) =	ssettag $0x0;
	lr =	simm.s32 $0x1  }
0x2: {  	[smem:$0x3F99] =	sst lr;
	_ =	strace $0xD0000000  }
0x3: {  	_ = 	snop  }
0x4: {  	_ = 	snop  }
0x5: {  	_ = 	snop  }
0x6: {  	_ = 	snop  }
0x7: {  	_ = 	snop  }
__scs_overlays_trampoline_lowered:
0x8: {  	[smem:$0x3FA8] =	sst s0  }
0x9: {  	[smem:$0x3FA9] =	sst s1  }
0xa: {  	[smem:$0x3FAA] =	sst s2  }
0xb: {  	[smem:$0x3FAB] =	sst s3  }
0xc: {  	[smem:$0x3FAC] =	sst s4  }
0xd: {  	[smem:$0x3FAD] =	sst s5  }
0xe: {  	[smem:$0x3FAE] =	sst s6  }
0xf: {  	[smem:$0x3FAF] =	sst s7  }
0x10: {  	[smem:$0x3FB0] =	sst s8  }
0x11: {  	[smem:$0x3FB1] =	sst s9;
	s0 =	simm.s32 @!p0 $0x0  }
0x12: {  	s1 =	sld [smem:$0x3F97];
	s0 =	simm.s32 @p0 $0x1  }
0x13: {  	[smem:$0x3FB2] =	sst s0;
	s0 =	simm.s32 @!p1 $0x0  }
0x14: {  	s2 =	sld [smem:$0x3F96];
	s0 =	simm.s32 @p1 $0x1  }
0x15: {  	[smem:$0x3FB3] =	sst s0;
	s0 =	simm.s32 @!p2 $0x0  }
0x16: {  	s3 =	sld [smem:$0x3FDB];
	s0 =	simm.s32 @p2 $0x1  }
0x17: {  	s4 =	simm.s32 $0x1BF5;
	[smem:$0x3FB5] =	sst s0  }
0x18: {  	s0 =	sld [smem:$0x3F98];
	_ =	swait.ge [sflag:s4], $0x0  }
0x19: {  	s7 =	sld [smem:$0x3F99]  }
0x1a: {  	s8 =	sadd.s32 $0xFFFFE003, lr  }
0x1b: {  	s9 =	sadd.s32 $0xFFFFFEF7, lr;
	s5 =	simm.s32 $0xFFFFFFFF;
	p2 =	slt.u32 s8, $0xFFFFF086  }
0x1c: {  	p1 =	slt.u32 s9, $0xF7A;
	s5 =	simm.s32 @!p2 $0x0  }
0x1d: {  	s5 =	simm.s32 @p1 $0x1;
	p0 =	seq.s32 s7, s2  }
0x1e: {  	s7 =	smul.u32 @!p0 $0xF7A, s2;
	p2 =	seq.s32 @!p0 s5, $0x0  }
0x1f: {  	s9 =	smul.u32 $0xF7A, s1;
	s8 =	simm.s32 @!p0 $0x1BF5;
	p2 =	por !p2, p0  }
0x20: {  	[sflag:s8] =	ssyncset.s32 @!p0 $0xFFFFF086;
	s6 =	sadd.s32 @!p0 s3, s7;
	s7 =	simm.s32 @!p0 $0x108  }
0x21: {  	s3 =	sadd.s32 s3, s9;
	s6 =	sadd.s32 @!p0 $0x88, s6;
	s7 =	simm.s32 @p2 $0x1082  }
0x22: {  	[simem:s7], [sflag:s8] =	dma.local @!p0 [hbm:s6], $0xF7A  }
0x23: {  	s9 =	sor.u32 $0xD0000000, s2;
	s6 =	simm.s32 $0x108;
	_ =	swait.ge @!p0 [sflag:s8], $0x0  }
0x24: {  	s3 =	sadd.s32 $0x88, s3;
	s6 =	simm.s32 @!p1 $0x1082;
	[sflag:s4] =	ssyncset.s32 $0xFFFFF086  }
0x25: {  	[simem:s6], [sflag:s4] =	dma.local [hbm:s3], $0xF7A  }
0x26: {  	[smem:$0x3F99] =	sst s1;
	(tag) =	ssettag s2;
	_ =	strace s9  }
0x27: {  	s1 =	sld [smem:$0x3FA9]  }
0x28: {  	s2 =	sld [smem:$0x3FAA]  }
0x29: {  	s4 =	sld [smem:$0x3FAC]  }
0x2a: {  	p0 =	seq.s32 s5, $0x0;
	s5 =	sld [smem:$0x3FAD]  }
0x2b: {  	s6 =	sld [smem:$0x3FAE]  }
0x2c: {  	s7 =	sld [smem:$0x3FAF]  }
0x2d: {  	s3 =	simm.s32 $0x108;
	s8 =	sld [smem:$0x3FB0]  }
0x2e: {  	s3 =	simm.s32 @!p0 $0x1082;
	s9 =	sld [smem:$0x3FB1]  }
0x2f: {  	lr =	sadd.s32 s0, s3;
	s0 =	sld [smem:$0x3FA8]  }
0x30: {  	s3 =	sld [smem:$0x3FAB]  }
0x31: {  	[smem:$0x3FB4] =	sst s10  }
0x32: {  	s10 =	sld [smem:$0x3FB2];
	_ =	sdelay $0x3  }
0x33: {  	p0 =	seq.s32 s10, $0x1;
	s10 =	sld [smem:$0x3FB4];
	_ =	sdelay $0x3  }
0x34: {  	[smem:$0x3FB4] =	sst s10  }
0x35: {  	s10 =	sld [smem:$0x3FB3];
	_ =	sdelay $0x3  }
0x36: {  	p1 =	seq.s32 s10, $0x1;
	s10 =	sld [smem:$0x3FB4];
	_ =	sdelay $0x3  }
0x37: {  	[smem:$0x3FB4] =	sst s10  }
0x38: {  	s10 =	sld [smem:$0x3FB5]  }
0x39: {  	_ = 	snop;
	(pc) =	sbr.ind lr, $3  }
0x3a: {  	_ = 	snop  }
0x3b: {  	_ = 	snop  }
0x3c: {  	p2 =	seq.s32 s10, $0x1;
	s10 =	sld [smem:$0x3FB4]  }
0x3d: {  	_ =	shalt  }
0x3e: {  	_ =	shalt  }
0x3f: {  	_ =	shalt  }
0x40: {  	_ =	shalt  }
0x41: {  	_ =	shalt  }
0x42: {  	_ =	shalt  }
0x43: {  	_ =	shalt  }
0x44: {  	_ =	shalt  }
0x45: {  	_ =	shalt  }
0x46: {  	_ =	shalt  }
0x47: {  	_ =	shalt  }
0x48: {  	_ =	shalt  }
0x49: {  	_ =	shalt  }
0x4a: {  	_ =	shalt  }
0x4b: {  	_ =	shalt  }
0x4c: {  	_ =	shalt  }
0x4d: {  	_ =	shalt  }
0x4e: {  	_ =	shalt  }
0x4f: {  	_ =	shalt  }
0x50: {  	_ =	shalt  }
0x51: {  	_ =	shalt  }
0x52: {  	_ =	shalt  }
0x53: {  	_ =	shalt  }
0x54: {  	_ =	shalt  }
0x55: {  	_ =	shalt  }
0x56: {  	_ =	shalt  }
0x57: {  	_ =	shalt  }
0x58: {  	_ =	shalt  }
0x59: {  	_ =	shalt  }
0x5a: {  	_ =	shalt  }
0x5b: {  	_ =	shalt  }
0x5c: {  	_ =	shalt  }
0x5d: {  	_ =	shalt  }
0x5e: {  	_ =	shalt  }
0x5f: {  	_ =	shalt  }
0x60: {  	_ =	shalt  }
0x61: {  	_ =	shalt  }
0x62: {  	_ =	shalt  }
0x63: {  	_ =	shalt  }
0x64: {  	_ =	shalt  }
0x65: {  	_ =	shalt  }
0x66: {  	_ =	shalt  }
0x67: {  	_ =	shalt  }
0x68: {  	_ =	shalt  }
0x69: {  	_ =	shalt  }
0x6a: {  	_ =	shalt  }
0x6b: {  	_ =	shalt  }
0x6c: {  	_ =	shalt  }
0x6d: {  	_ =	shalt  }
0x6e: {  	_ =	shalt  }
0x6f: {  	_ =	shalt  }
0x70: {  	_ =	shalt  }
0x71: {  	_ =	shalt  }
0x72: {  	_ =	shalt  }
0x73: {  	_ =	shalt  }
0x74: {  	_ =	shalt  }
0x75: {  	_ =	shalt  }
0x76: {  	_ =	shalt  }
0x77: {  	_ =	shalt  }
0x78: {  	_ =	shalt  }
0x79: {  	_ =	shalt  }
0x7a: {  	_ =	shalt  }
0x7b: {  	_ =	shalt  }
0x7c: {  	_ =	shalt  }
0x7d: {  	_ =	shalt  }
0x7e: {  	_ =	shalt  }
0x7f: {  	_ =	shalt  }
0x80: {  	_ =	shalt  }
0x81: {  	_ =	shalt  }
0x82: {  	_ =	shalt  }
0x83: {  	_ =	shalt  }
0x84: {  	_ =	shalt  }
0x85: {  	_ =	shalt  }
0x86: {  	_ =	shalt  }
0x87: {  	_ =	shalt  }
.Lfunc_end0:
.L_simem_size_0:
called_computation_lowered:
.L_overlay_start_0:
0x88: {  	s0 =	sld [smem:$0x3FD9]  }
0x89: {  	s1 =	sld [smem:$0x3FFE];
	_ =	sdelay $0x3  }
0x8a: {  	s0 =	sadd.s32 s1, s0  }
0x8b: {  	[smem:$0x3FC0] =	sst s0  }
0x8c: {  	_ = 	snop  }
0x8d: {  	s0 =	sld [smem:$0x3FC7]  }
0x8e: {  	s16 =	sld [smem:$0x3FD0];
	(tm) =	ssettm $0x1  }
0x8f: {  	s2 =	sld [smem:$0x3FFB];
	_ =	sdelay $0x3  }
0x90: {  	_ =	strace s2  }
0x91: {  	s2 =	sld [smem:$0x3FFC];
	_ =	sdelay $0x3  }
0x92: {  	_ =	strace s2  }
0x93: {  	s2 =	sld [smem:$0x3FFD];
	_ =	sdelay $0x3  }
0x94: {  	_ =	strace s2  }
0x95: {  	_ =	strace $0x8FFFFFFF  }
0x96: {  	s17 =	sld [smem:$0x3FDB];
	_ =	sdelay $0x1  }
0x97: {  	s3 =	simm.s32 $_scs_section_size  }
0x98: {  	s4 =	simm.s32 $_size__tile_overlayer_lowered;
	s5 =	simm.s32 $_tile_overlayer_lowered  }
0x99: {  	s20 =	simm.s32 $0x1BFF;
	s19 =	sshll.u32 s5, $0x1;
	s2 =	sadd.s32 s3, s17  }
0x9a: {  	s6 =	simm.s32 $0x0;
	s18 =	sshll.u32 s4, $0x1;
	s4 =	sadd.s32 s19, s2  }
0x9b: {  	[timem:s6], [sflag:s20] =	dma.local [hbm:s4], s18  }
0x9c: {  	_ =	swait.ge [sflag:s20], s18  }
0x9d: {  	s3 =	ssub.s32 $0x0, s18;
	[sflag:s20] =	ssyncset.done $0x0  }
0x9e: {  	[sflag:s20] =	ssyncadd.s32 s3;
	_ =	sdelay $0x1  }
0x9f: {  	s21 =	simm.s32 $0x1B8B  }
0xa0: {  	_ =	swait.ge [sflag:s21], $0x1  }
0xa1: {  	[sflag:s21] =	ssyncset.done $0x0  }
0xa2: {  	s23 =	simm.s32 $0x1B8E;
	s22 =	sld [smem:$0x3FFE];
	[sflag:s21] =	ssyncadd.s32 $0xFFFFFFFF  }
0xa3: {  	s24 =	simm.s32 $execute0_lowered;
	[smem:$0x3FD2] =	sst s23  }
0xa4: {  	s4 =	sshll.u32 s24, $0x1;
	_ =	strace $0x80000046;
	[dreg:$0x1] =	wrdreg $0xFFFFFFFF  }
0xa5: {  	s25 =	simm.s32 $_size_execute0_lowered;
	s2 =	sadd.s32 s2, s4;
	[dreg:$0x0] =	wrdreg $0x0  }
0xa6: {  	s4 =	sshll.u32 s25, $0x1;
	[dreg:$0x2] =	wrdreg s2  }
0xa7: {  	[dreg:$0x3] =	wrdreg s4  }
0xa8: {  	[dreg:$0x4] =	wrdreg $0xC0  }
0xa9: {  	_ =	task [dreg:s6], $0x5FFFF  }
0xaa: {  	[dreg:$0x1] =	wrdreg $0xFFFFFFFF  }
0xab: {  	[dreg:$0x0] =	wrdreg $0x60  }
0xac: {  	[dreg:$0x2] =	wrdreg s22  }
0xad: {  	[dreg:$0x3] =	wrdreg s0  }
0xae: {  	[dreg:$0x4] =	wrdreg s16  }
0xaf: {  	[dreg:$0x5] =	wrdreg $0x144500  }
0xb0: {  	[dreg:$0x6] =	wrdreg $0x11C500  }
0xb1: {  	[dreg:$0x7] =	wrdreg $0x146D00  }
0xb2: {  	[dreg:$0x8] =	wrdreg $0x9  }
0xb3: {  	_ =	task.clear_ibuf [dreg:s6], $0x9FFFF;
	_ =	strace $0x90000046  }
0xb4: {  	s26 =	simm.s32 $0x9;
	_ =	strace $0x80000051  }
0xb5: {  	_ =	swait.ge [sflag:s26], $0x1  }
0xb6: {  	[sflag:s26] =	ssyncadd.s32 $0xFFFFFFFF  }
0xb7: {  	_ =	strace $0x90000051  }
0xb8: {  	_ =	sfence  }
0xb9: {  	s28 =	sld [smem:$0x0];
	_ =	sdelay $0x1  }
0xba: {  	s29 =	srdreg.scid  }
0xbb: {  	s30 =	sshll.u32 s29, $0xD;
	s31 =	sshrl.u32 s29, $0x2  }
0xbc: {  	s1 =	sand.u32 $0x1, s29;
	s2 =	sand.u32 $0x4000, s30;
	s0 =	sadd.s32 s31, s28  }
0xbd: {  	s1 =	sor.u32 s2, s1;
	s0 =	sshll.u32 s0, $0x11  }
0xbe: {  	s0 =	sor.u32 s0, s1  }
0xbf: {  	s0 =	sadd.s32 $0x8F2B, s0  }
0xc0: {  	[sflag:s0] =	ssyncadd.remote.s32 $0x1  }
0xc1: {  	_ =	sfence.sel $0xFFFF  }
0xc2: {  	[dreg:$0x0] =	wrdreg $0xFFFFFFFF;
	(pc) =	sbr.abs _section_cstart, $3  }
0xc3: {  	[dreg:$0x1] =	wrdreg $0xFFFFFFFF  }
0xc4: {  	_ =	task.clear_ibuf [dreg:s6], $0x2FFFF;
	_ =	strace $0x9FFFFFFF  }
0xc5: {  	(tm) =	ssettm $0x7FFFFFFF  }
tec
execute0_lowered:
.L_overlay_start_1:
0x0: {  	(tag) =	ssettag $0x1  }
0x1: {  	s1 =	rddreg [dreg:$0x0]  }
0x2: {  	s2 =	rddreg [dreg:$0x1]  }
0x3: {  	s6 =	rddreg [dreg:$0x2];
	s0 =	stileid.u32  }
0x4: {  	s8 =	rddreg [dreg:$0x3];
	s4 =	smul.u32 $0x4E20, s0  }
0x5: {  	s7 =	rddreg [dreg:$0x4]  }
0x6: {  	s3 =	rddreg [dreg:$0x5];
	s5 =	simm.s32 $0x0;
	s4 =	sshrl.u32 s4, $0x3  }
0x7: {  	[smem:$0x7FF] =	sst s5;
	s4 =	sadd.s32 s4, s1  }
0x8: {  	s10 =	simm.s32 $0x7A80;
	_ =	strace $0x80000047;
	s9 =	sadd.s32 $0x1C00, s4  }
0x9: {  	[tilespmem:s10], [sflag:$0x1] =	stream.linear.gather [hbm4b:s9+s5], $0x4E20, $0x38;
	[tilespmem:$0x148D0] =	vst v63  }
0xa: {  	s14 =	simm.s32 $0xC8A0;
	p0 =	seq.s32 s0, $0xF;
	s4 =	sadd.s32 $0xB840, s4  }
0xb: {  	[tilespmem:s14], [sflag:$0x2] =	stream.linear.gather [hbm4b:s4+s5], $0x4E20, $0x38;
	[tilespmem:$0x148D0] =	vst v63  }
0xc: {  	s9 =	simm.s32 @p0 $0x0;
	s10 =	simm.s32 @p0 $0x116C0;
	s4 =	sadd.s32 @p0 $0x4B0, s2  }
0xd: {  	[tilespmem:s10], [sflag:$0x4] =	stream.linear.gather @p0 [hbm4b:s4+s9], $0x190, $0x38;
	[tilespmem:$0x148D0] =	vst v63  }
0xe: {  	s4 =	simm.s32 @p0 $0x4  }
0xf: {  	_ =	swait.ge @p0 [sflag:s4], $0x190  }
0x10: {  	[sflag:s4] =	ssyncset.done @p0 $0x0  }
0x11: {  	v0 =	vimm.s32 @p0 $0x100;
	[sflag:s4] =	ssyncadd.s32 @p0 $0xFFFFFE70  }
0x12: {  	[tilespmem:$0x11850] =	vst @p0 v0  }
0x13: {  	[tilespmem:$0x11860] =	vst @p0 v0  }
0x14: {  	[tilespmem:$0x11870] =	vst @p0 v0  }
0x15: {  	[tilespmem:$0x11880] =	vst @p0 v0  }
0x16: {  	[tilespmem:$0x11890] =	vst @p0 v0  }
0x17: {  	[tilespmem:$0x118A0] =	vst @p0 v0  }
0x18: {  	[tilespmem:$0x118B0] =	vst @p0 v0  }
0x19: {  	[tilespmem:$0x118C0] =	vst @p0 v0  }
0x1a: {  	[tilespmem:$0x118D0] =	vst @p0 v0  }
0x1b: {  	[tilespmem:$0x118E0] =	vst @p0 v0  }
0x1c: {  	[tilespmem:$0x118F0] =	vst @p0 v0  }
0x1d: {  	s15 =	smul.u32 $0x280, s0;
	[tilespmem:$0x11900] =	vst @p0 v0  }
0x1e: {  	[tilespmem:$0x11910] =	vst @p0 v0  }
0x1f: {  	s9 =	sshrl.u32 s15, $0x3;
	[tilespmem:$0x11920] =	vst @p0 v0  }
0x20: {  	s11 =	simm.s32 @!p0 $0x116C0;
	s10 =	simm.s32 @!p0 $0x0;
	s2 =	sadd.s32 @!p0 s2, s9;
	[tilespmem:$0x11930] =	vst @p0 v0  }
0x21: {  	[tilespmem:s11], [sflag:$0x4] =	stream.linear.gather @!p0 [hbm4b:s2+s10], $0x280, $0x38;
	[tilespmem:$0x148D0] =	vst v63  }
0x22: {  	s2 =	simm.s32 @!p0 $0x4  }
0x23: {  	_ =	swait.ge @!p0 [sflag:s2], $0x280  }
0x24: {  	s1 =	sadd.s32 s9, s1;
	[sflag:s2] =	ssyncset.done @!p0 $0x0  }
0x25: {  	s16 =	simm.s32 $0x4;
	s1 =	sadd.s32 $0x1600, s1;
	[sflag:s2] =	ssyncadd.s32 @!p0 $0xFFFFFD80  }
0x26: {  	[tilespmem:s5], [sflag:$0x4] =	stream.linear.gather [hbm4b:s1+s5], $0x280, $0x38;
	[tilespmem:$0x148D0] =	vst v63  }
0x27: {  	_ =	swait.ge [sflag:s16], $0x280  }
0x28: {  	[sflag:s16] =	ssyncset.done $0x0  }
0x29: {  	[sflag:s16] =	ssyncadd.s32 $0xFFFFFD80  }
0x2a: {  	s17 =	simm.s32 $0x40;
	_ =	strace $0x80000048  }
0x2b: {  	v0 =	vld [tilespmem:s17+$0x30]  }
0x2c: {  	s12 =	smul.u32 $0xA000, s0;
	v1 =	vld [tilespmem:s17+$0xFFFFFFD0]  }
0x2d: {  	s18 =	sshll.u32 s0, $0x9;
	s19 =	sshll.u32 s0, $0x4;
	s30 =	sadd.s32 s15, s7;
	v2 =	vld [tilespmem:s17+$0xFFFFFFE0]  }
0x2e: {  	s13 =	smul.u32 $0xA00, s0;
	s12 =	sshrl.u32 s12, $0x2;
	s31 =	sadd.s32 $0xA000, s30;
	v3 =	vld [tilespmem:s17+$0xFFFFFFF0]  }
0x2f: {  	s29 =	sadd.s32 $0xF000, s30;
	s25 =	sadd.s32 $0x11800, s30;
	s26 =	sadd.s32 $0x14000, s30;
	v4 =	vld [tilespmem:s17+$0x0]  }
0x30: {  	s22 =	sadd.s32 $0x16800, s30;
	s20 =	sadd.s32 $0x19000, s30;
	s23 =	sadd.s32 $0x1B800, s30;
	v5 =	vld [tilespmem:s17+$0x10]  }
0x31: {  	s7 =	sadd.s32 s12, s7;
	s14 =	sshll.u32 s0, $0x1;
	s11 =	sadd.s32 s18, s3;
	v6 =	vld [tilespmem:s17+$0x20]  }
0x32: {  	s6 =	sadd.s32 s6, s14;
	s3 =	sadd.s32 s19, s3;
	v7 =	vld [tilespmem:s17+$0xFFFFFFC0];
	[dreg:$0x8] =	wrdreg s11  }
0x33: {  	s9 =	sadd.s32 $0x280, s15;
	s12 =	sadd.s32 $0x200, s3;
	[dreg:$0x7] =	wrdreg s6  }
0x34: {  	s10 =	sadd.s32 s15, s8;
	s15 =	sadd.s32 $0x400, s3;
	[dreg:$0x12] =	wrdreg s12  }
0x35: {  	s21 =	sadd.s32 $0x1E000, s30;
	s16 =	sadd.s32 $0x600, s3;
	[dreg:$0xd] =	wrdreg s15  }
0x36: {  	s28 =	sadd.s32 $0x20800, s30;
	s18 =	sadd.s32 $0xA00, s3;
	[dreg:$0x9] =	wrdreg s16  }
0x37: {  	s24 =	sadd.s32 $0x23000, s30;
	s19 =	sadd.s32 $0xC00, s3;
	[dreg:$0xe] =	wrdreg s18;
	v0 =	vmul.u32 $0x85EBCA6B, v0  }
0x38: {  	s4 =	sadd.s32 $0x2800, s30;
	s14 =	sadd.s32 $0x1000, s3;
	[dreg:$0xa] =	wrdreg s19;
	v1 =	vmul.u32 $0x85EBCA6B, v1;
	v2 =	vmul.u32 $0x85EBCA6B, v2;
	v3 =	vmul.u32 $0x85EBCA6B, v3  }
0x39: {  	s2 =	sadd.s32 $0x7800, s30;
	s17 =	sadd.s32 $0x800, s3;
	[dreg:$0xf] =	wrdreg s14;
	v4 =	vmul.u32 $0x85EBCA6B, v4;
	v5 =	vmul.u32 $0x85EBCA6B, v5;
	v10 =	vmul.u32 $0x85EBCA6B, v6  }
0x3a: {  	s11 =	sshrl.u32 s13, $0x2;
	s13 =	sadd.s32 $0xE00, s3;
	[dreg:$0x13] =	wrdreg s17;
	v7 =	vmul.u32 $0x85EBCA6B, v7;
	v8 =	vshrl.u32 v0, $0xD;
	v9 =	vshrl.u32 v1, $0xD  }
0x3b: {  	s5 =	sadd.s32 $0x5000, s30;
	s15 =	sadd.s32 $0x1200, s3;
	[dreg:$0x14] =	wrdreg s13;
	v11 =	vshrl.u32 v4, $0xD;
	v12 =	vshrl.u32 v5, $0xD;
	v0 =	vxor.u32 v0, v8  }
0x3c: {  	s1 =	sadd.s32 $0xC800, s30;
	s16 =	sadd.s32 $0x1600, s3;
	[dreg:$0xb] =	wrdreg s15;
	v8 =	vshrl.u32 v2, $0xD;
	v9 =	vxor.u32 v1, v9;
	v0 =	vmul.u32 $0xC2B2AE35, v0  }
0x3d: {  	s6 =	sadd.s32 $0x25800, s30;
	s18 =	sadd.s32 $0x1800, s3;
	[dreg:$0x10] =	wrdreg s16;
	v1 =	vshrl.u32 v3, $0xD;
	v4 =	vxor.u32 v4, v11;
	v2 =	vxor.u32 v2, v8  }
0x3e: {  	s19 =	sadd.s32 $0x1C00, s3;
	s14 =	simm.s32 $0xC0;
	[dreg:$0xc] =	wrdreg s18;
	v1 =	vxor.u32 v3, v1;
	v8 =	vshrl.u32 v10, $0xD;
	v6 =	vshrl.u32 v0, $0x10  }
0x3f: {  	s17 =	sadd.s32 $0x1400, s3;
	[dreg:$0x11] =	wrdreg s19;
	s12 =	sadd.s32 $0x2C0, s11;
	v3 =	vxor.u32 v5, v12;
	v0 =	vxor.u32 v0, v6;
	v6 =	vshrl.u32 v7, $0xD  }
0x40: {  	s18 =	sadd.s32 $0x1A00, s3;
	s19 =	sadd.s32 $0x1E00, s3;
	s13 =	simm.s32 $0x0;
	v5 =	vxor.u32 v10, v8;
	[tilespmem:s12+$0x30] =	vst v0;
	v6 =	vxor.u32 v7, v6;
	v0 =	vmul.u32 $0xC2B2AE35, v9  }
.LBB2_1:
0x41: {  	v7 =	vld [tilespmem:s14+$0x30];
	s13 =	sadd.s32 $0x8, s13;
	v6 =	vmul.u32 $0xC2B2AE35, v6;
	v2 =	vmul.u32 $0xC2B2AE35, v2;
	v1 =	vmul.u32 $0xC2B2AE35, v1  }
0x42: {  	v4 =	vmul.u32 $0xC2B2AE35, v4;
	v3 =	vmul.u32 $0xC2B2AE35, v3;
	v5 =	vmul.u32 $0xC2B2AE35, v5;
	v8 =	vld [tilespmem:s14+$0xFFFFFFD0];
	p0 =	slt.u32 s13, $0x20  }
0x43: {  	v11 =	vshrl.u32 v0, $0x10;
	v9 =	vld [tilespmem:s14+$0xFFFFFFE0];
	v10 =	vshrl.u32 v6, $0x10;
	v12 =	vshrl.u32 v2, $0x10  }
0x44: {  	v14 =	vshrl.u32 v1, $0x10;
	v15 =	vshrl.u32 v4, $0x10;
	v16 =	vshrl.u32 v3, $0x10;
	v13 =	vld [tilespmem:s14+$0xFFFFFFF0]  }
0x45: {  	v0 =	vxor.u32 v0, v11;
	v6 =	vxor.u32 v6, v10;
	v10 =	vshrl.u32 v5, $0x10;
	v17 =	vld [tilespmem:s14+$0x0]  }
0x46: {  	v2 =	vxor.u32 v2, v12;
	v1 =	vxor.u32 v1, v14;
	v11 =	vld [tilespmem:s14+$0x10];
	v7 =	vmul.u32 $0x85EBCA6B, v7;
	[tilespmem:s12+$0xFFFFFFC0] =	vst v6  }
0x47: {  	v3 =	vxor.u32 v3, v16;
	v6 =	vmul.u32 $0x85EBCA6B, v8;
	v8 =	vld [tilespmem:s14+$0x20];
	[tilespmem:s12+$0xFFFFFFD0] =	vst v0;
	v0 =	vxor.u32 v4, v15  }
0x48: {  	v4 =	vld [tilespmem:s14+$0xFFFFFFC0];
	v9 =	vmul.u32 $0x85EBCA6B, v9;
	v12 =	vshrl.u32 v7, $0xD;
	[tilespmem:s12+$0xFFFFFFE0] =	vst v2;
	v2 =	vxor.u32 v5, v10  }
0x49: {  	v5 =	vshrl.u32 v6, $0xD;
	v10 =	vmul.u32 $0x85EBCA6B, v13;
	v7 =	vxor.u32 v7, v12;
	[tilespmem:s12+$0xFFFFFFF0] =	vst v1  }
0x4a: {  	v1 =	vshrl.u32 v9, $0xD;
	v12 =	vmul.u32 $0x85EBCA6B, v17;
	v7 =	vmul.u32 $0xC2B2AE35, v7;
	[tilespmem:s12+$0x0] =	vst v0  }
0x4b: {  	v0 =	vxor.u32 v6, v5;
	v5 =	vshrl.u32 v10, $0xD;
	v6 =	vmul.u32 $0x85EBCA6B, v11;
	[tilespmem:s12+$0x10] =	vst v3  }
.Ltmp0:
0x4c: {  	v3 =	vshrl.u32 v12, $0xD;
	v8 =	vmul.u32 $0x85EBCA6B, v8;
	v11 =	vshrl.u32 v7, $0x10;
	[tilespmem:s12+$0x20] =	vst v2;
	(pc) =	sbr.rel @p0 .LBB2_1-.Ltmp0, $4  }
0x4d: {  	s12 =	sadd.s32 $0x80, s12;
	v13 =	vmul.u32 $0x85EBCA6B, v4;
	v14 =	vshrl.u32 v6, $0xD;
	v4 =	vxor.u32 v7, v11  }
0x4e: {  	v2 =	vxor.u32 v9, v1;
	v1 =	vxor.u32 v10, v5;
	v5 =	vshrl.u32 v8, $0xD;
	[tilespmem:s12+$0x30] =	vst v4  }
0x4f: {  	v4 =	vxor.u32 v12, v3;
	v3 =	vxor.u32 v6, v14;
	v7 =	vshrl.u32 v13, $0xD  }
0x50: {  	s14 =	sadd.s32 $0x80, s14;
	v0 =	vmul.u32 $0xC2B2AE35, v0;
	v5 =	vxor.u32 v8, v5;
	v6 =	vxor.u32 v13, v7  }
0x51: {  	v6 =	vmul.u32 $0xC2B2AE35, v6  }
0x52: {  	v2 =	vmul.u32 $0xC2B2AE35, v2;
	v8 =	vshrl.u32 v0, $0x10  }
0x53: {  	v1 =	vmul.u32 $0xC2B2AE35, v1;
	v7 =	vshrl.u32 v6, $0x10;
	v0 =	vxor.u32 v0, v8  }
0x54: {  	v4 =	vmul.u32 $0xC2B2AE35, v4;
	v61 =	vshrl.u32 v2, $0x10;
	v6 =	vxor.u32 v6, v7;
	[tilespmem:s12+$0xFFFFFFD0] =	vst v0  }
0x55: {  	v3 =	vmul.u32 $0xC2B2AE35, v3;
	v62 =	vshrl.u32 v1, $0x10;
	v2 =	vxor.u32 v2, v61;
	[tilespmem:s12+$0xFFFFFFC0] =	vst v6  }
0x56: {  	v63 =	vshrl.u32 v4, $0x10;
	v0 =	vmul.u32 $0xC2B2AE35, v5;
	v1 =	vxor.u32 v1, v62;
	[tilespmem:s12+$0xFFFFFFE0] =	vst v2  }
0x57: {  	v4 =	vxor.u32 v4, v63;
	v2 =	vshrl.u32 v3, $0x10;
	[tilespmem:s12+$0xFFFFFFF0] =	vst v1  }
0x58: {  	[tilespmem:s12+$0x0] =	vst v4;
	v1 =	vshrl.u32 v0, $0x10;
	v2 =	vxor.u32 v3, v2  }
0x59: {  	v0 =	vxor.u32 v0, v1;
	[tilespmem:s12+$0x10] =	vst v2  }
0x5a: {  	s16 =	simm.s32 $0x4;
	[tilespmem:s12+$0x20] =	vst v0  }
0x5b: {  	[spmem:s10] =	stream.linear.scatter [tilespmem:s9], [sflag:$0x4], $0x280, $0x200038;
	[tilespmem:$0x148D0] =	vst v63  }
0x5c: {  	_ =	swait.ge [sflag:s16], $0x280  }
0x5d: {  	[sflag:s16] =	ssyncset.done $0x0  }
0x5e: {  	[sflag:s16] =	ssyncadd.s32 $0xFFFFFD80  }
0x5f: {  	s13 =	simm.s32 $0x280;
	[bflag:$0x0] =	sbarrier.arrive $0xFFFF  }
0x60: {  	[tilespmem:s13], [sflag:$0x4] =	stream.linear.gather [spmem:s8], $0x2800, $0x200038;
	[tilespmem:$0x148D0] =	vst v63  }
0x61: {  	_ =	swait.ge [sflag:s16], $0x2800  }
0x62: {  	[sflag:s16] =	ssyncset.done $0x0  }
0x63: {  	[sflag:s16] =	ssyncadd.s32 $0xFFFFD800  }
0x64: {  	s12 =	simm.s32 $0x2AC0;
	v0 =	vimm.s32 $0x0;
	_ =	strace $0x90000048  }
0x65: {  	_ =	strace $0x80000049;
	[tilespmem:s12+$0xFFFFFFC0] =	vst v0  }
0x66: {  	[tilespmem:s12+$0x30] =	vst v0  }
0x67: {  	[tilespmem:s12+$0x20] =	vst v0  }
0x68: {  	[tilespmem:s12+$0x10] =	vst v0  }
0x69: {  	[tilespmem:s12+$0x0] =	vst v0  }
0x6a: {  	[tilespmem:s12+$0xFFFFFFF0] =	vst v0  }
0x6b: {  	s13 =	simm.s32 $0x0;
	[tilespmem:s12+$0xFFFFFFE0] =	vst v0  }
.LBB2_3:
0x6c: {  	s13 =	sadd.s32 $0x8, s13;
	[tilespmem:s12+$0xFFFFFFD0] =	vst v0;
	s12 =	sadd.s32 $0x80, s12  }
0x6d: {  	[tilespmem:s12+$0xFFFFFFC0] =	vst v0;
	p0 =	slt.u32 s13, $0x278  }
0x6e: {  	[tilespmem:s12+$0x30] =	vst v0  }
.Ltmp1:
0x6f: {  	[tilespmem:s12+$0x20] =	vst v0;
	(pc) =	sbr.rel @p0 .LBB2_3-.Ltmp1, $4  }
0x70: {  	[tilespmem:s12+$0x10] =	vst v0  }
0x71: {  	[tilespmem:s12+$0x0] =	vst v0  }
0x72: {  	[tilespmem:s12+$0xFFFFFFF0] =	vst v0  }
0x73: {  	[tilespmem:s12+$0xFFFFFFE0] =	vst v0  }
0x74: {  	[tilespmem:s12+$0xFFFFFFD0] =	vst v0  }
0x75: {  	s15 =	simm.s32 $0x1;
	_ =	strace $0x90000049  }
0x76: {  	_ =	swait.ge [sflag:s15], $0x4E20  }
0x77: {  	[sflag:s15] =	ssyncset.done $0x0  }
0x78: {  	s16 =	simm.s32 $0x2;
	[sflag:s15] =	ssyncadd.s32 $0xFFFFB1E0  }
0x79: {  	_ =	swait.ge [sflag:s16], $0x4E20  }
0x7a: {  	[sflag:s16] =	ssyncset.done $0x0  }
0x7b: {  	[sflag:s16] =	ssyncadd.s32 $0xFFFFB1E0  }
0x7c: {  	s15 =	simm.s32 $0x7B00;
	_ =	strace $0x8000004A  }
0x7d: {  	v61 =	vld [tilespmem:s15+$0x70]  }
0x7e: {  	v1 =	vld [tilespmem:s15+$0xFFFFFF90]  }
0x7f: {  	v2 =	vld [tilespmem:s15+$0xFFFFFFA0]  }
0x80: {  	v3 =	vld [tilespmem:s15+$0xFFFFFFB0]  }
0x81: {  	v4 =	vld [tilespmem:s15+$0xFFFFFFC0]  }
0x82: {  	s12 =	simm.s32 $0xC920;
	v5 =	vld [tilespmem:s15+$0xFFFFFFD0]  }
0x83: {  	v6 =	vld [tilespmem:s12+$0x70]  }
0x84: {  	v7 =	vld [tilespmem:s15+$0xFFFFFFE0]  }
0x85: {  	v8 =	vld [tilespmem:s15+$0xFFFFFFF0]  }
0x86: {  	v9 =	vld [tilespmem:s15+$0x0]  }
0x87: {  	v10 =	vld [tilespmem:s15+$0x10]  }
0x88: {  	v11 =	vld [tilespmem:s15+$0x20]  }
0x89: {  	v12 =	vld [tilespmem:s15+$0x30]  }
0x8a: {  	v62 =	vld [tilespmem:s15+$0x40]  }
0x8b: {  	v63 =	vld [tilespmem:s15+$0x50]  }
0x8c: {  	v13 =	vld [tilespmem:s15+$0x60]  }
0x8d: {  	v14 =	vld [tilespmem:s15+$0xFFFFFF80]  }
0x8e: {  	v15 =	vld [tilespmem:s12+$0xFFFFFF80]  }
0x8f: {  	v16 =	vld [tilespmem:s12+$0xFFFFFF90]  }
0x90: {  	v17 =	vld [tilespmem:s12+$0xFFFFFFA0]  }
0x91: {  	v18 =	vld [tilespmem:s12+$0xFFFFFFB0]  }
0x92: {  	v19 =	vld [tilespmem:s12+$0xFFFFFFC0]  }
0x93: {  	v20 =	vld [tilespmem:s12+$0xFFFFFFD0]  }
0x94: {  	v21 =	vld [tilespmem:s12+$0xFFFFFFE0]  }
0x95: {  	v22 =	vld [tilespmem:s12+$0xFFFFFFF0]  }
0x96: {  	v23 =	vld [tilespmem:s12+$0x0]  }
0x97: {  	v24 =	vld [tilespmem:s12+$0x10]  }
0x98: {  	v25 =	vld [tilespmem:s12+$0x20]  }
0x99: {  	v26 =	vld [tilespmem:s12+$0x30]  }
0x9a: {  	v27 =	vld [tilespmem:s12+$0x40]  }
0x9b: {  	v28 =	vld [tilespmem:s12+$0x50]  }
0x9c: {  	s13 =	simm.s32 $0x280;
	v29 =	vld [tilespmem:s12+$0x60]  }
0x9d: {  	v0 =	vld.idx.msk [tilespmem:v61+s13+$0x0], $0xffff  }
0x9e: {  	v1 =	vld.idx.msk [tilespmem:v1+s13+$0x0], $0xffff  }
0x9f: {  	v2 =	vld.idx.msk [tilespmem:v2+s13+$0x0], $0xffff  }
0xa0: {  	v3 =	vld.idx.msk [tilespmem:v3+s13+$0x0], $0xffff  }
0xa1: {  	v4 =	vld.idx.msk [tilespmem:v4+s13+$0x0], $0xffff  }
0xa2: {  	v5 =	vld.idx.msk [tilespmem:v5+s13+$0x0], $0xffff  }
0xa3: {  	v7 =	vld.idx.msk [tilespmem:v7+s13+$0x0], $0xffff  }
0xa4: {  	v8 =	vld.idx.msk [tilespmem:v8+s13+$0x0], $0xffff  }
0xa5: {  	v14 =	vld.idx.msk [tilespmem:v14+s13+$0x0], $0xffff  }
0xa6: {  	v9 =	vld.idx.msk [tilespmem:v9+s13+$0x0], $0xffff  }
0xa7: {  	v10 =	vld.idx.msk [tilespmem:v10+s13+$0x0], $0xffff  }
0xa8: {  	v11 =	vld.idx.msk [tilespmem:v11+s13+$0x0], $0xffff  }
0xa9: {  	v12 =	vld.idx.msk [tilespmem:v12+s13+$0x0], $0xffff  }
0xaa: {  	s14 =	simm.s32 $0x2A80;
	v13 =	vld.idx.msk [tilespmem:v13+s13+$0x0], $0xffff  }
0xab: {  	[tilespmem:v6+s14+$0x0] =	vst.idx.add.s32.msk $0xffff, v0  }
0xac: {  	v0 =	vld.idx.msk [tilespmem:v62+s13+$0x0], $0xffff  }
0xad: {  	v6 =	vld.idx.msk [tilespmem:v63+s13+$0x0], $0xffff  }
0xae: {  	[tilespmem:v15+s14+$0x0] =	vst.idx.add.s32.msk $0xffff, v14  }
0xaf: {  	[tilespmem:v16+s14+$0x0] =	vst.idx.add.s32.msk $0xffff, v1  }
0xb0: {  	[tilespmem:v17+s14+$0x0] =	vst.idx.add.s32.msk $0xffff, v2  }
0xb1: {  	[tilespmem:v18+s14+$0x0] =	vst.idx.add.s32.msk $0xffff, v3  }
0xb2: {  	[tilespmem:v19+s14+$0x0] =	vst.idx.add.s32.msk $0xffff, v4  }
0xb3: {  	[tilespmem:v20+s14+$0x0] =	vst.idx.add.s32.msk $0xffff, v5  }
0xb4: {  	[tilespmem:v21+s14+$0x0] =	vst.idx.add.s32.msk $0xffff, v7  }
0xb5: {  	[tilespmem:v22+s14+$0x0] =	vst.idx.add.s32.msk $0xffff, v8  }
0xb6: {  	[tilespmem:v23+s14+$0x0] =	vst.idx.add.s32.msk $0xffff, v9  }
0xb7: {  	[tilespmem:v24+s14+$0x0] =	vst.idx.add.s32.msk $0xffff, v10  }
0xb8: {  	[tilespmem:v25+s14+$0x0] =	vst.idx.add.s32.msk $0xffff, v11  }
0xb9: {  	[tilespmem:v26+s14+$0x0] =	vst.idx.add.s32.msk $0xffff, v12  }
0xba: {  	[tilespmem:v29+s14+$0x0] =	vst.idx.add.s32.msk $0xffff, v13  }
0xbb: {  	[tilespmem:v27+s14+$0x0] =	vst.idx.add.s32.msk $0xffff, v0  }
0xbc: {  	s16 =	simm.s32 $0x7C00;
	s15 =	simm.s32 $0x0;
	[tilespmem:v28+s14+$0x0] =	vst.idx.add.s32.msk $0xffff, v6  }
.LBB2_5:
0xbd: {  	v0 =	vld [tilespmem:s16+$0x70];
	s15 =	sadd.s32 $0x10, s15  }
0xbe: {  	v1 =	vld [tilespmem:s16+$0xFFFFFF90];
	p0 =	slt.u32 s15, $0x4D0  }
0xbf: {  	v2 =	vld [tilespmem:s16+$0xFFFFFFA0]  }
0xc0: {  	v3 =	vld [tilespmem:s16+$0xFFFFFFB0]  }
0xc1: {  	v4 =	vld [tilespmem:s16+$0xFFFFFFC0]  }
0xc2: {  	s12 =	sadd.s32 $0x100, s12;
	v5 =	vld [tilespmem:s16+$0xFFFFFFD0]  }
0xc3: {  	v6 =	vld [tilespmem:s12+$0x70]  }
0xc4: {  	v7 =	vld [tilespmem:s16+$0xFFFFFFE0]  }
0xc5: {  	v0 =	vld.idx.msk [tilespmem:v0+s13+$0x0], $0xffff  }
0xc6: {  	v8 =	vld [tilespmem:s16+$0xFFFFFFF0]  }
0xc7: {  	v9 =	vld [tilespmem:s16+$0x0]  }
0xc8: {  	v10 =	vld [tilespmem:s16+$0x10]  }
0xc9: {  	v11 =	vld [tilespmem:s16+$0x20]  }
0xca: {  	v12 =	vld [tilespmem:s16+$0x30]  }
0xcb: {  	[tilespmem:v6+s14+$0x0] =	vst.idx.add.s32.msk $0xffff, v0  }
0xcc: {  	v0 =	vld [tilespmem:s16+$0x40]  }
0xcd: {  	v6 =	vld [tilespmem:s16+$0x50]  }
0xce: {  	v13 =	vld [tilespmem:s16+$0x60]  }
0xcf: {  	v14 =	vld [tilespmem:s16+$0xFFFFFF80]  }
0xd0: {  	v1 =	vld.idx.msk [tilespmem:v1+s13+$0x0], $0xffff  }
0xd1: {  	v2 =	vld.idx.msk [tilespmem:v2+s13+$0x0], $0xffff  }
0xd2: {  	v3 =	vld.idx.msk [tilespmem:v3+s13+$0x0], $0xffff  }
0xd3: {  	v4 =	vld.idx.msk [tilespmem:v4+s13+$0x0], $0xffff  }
0xd4: {  	v5 =	vld.idx.msk [tilespmem:v5+s13+$0x0], $0xffff  }
0xd5: {  	v7 =	vld.idx.msk [tilespmem:v7+s13+$0x0], $0xffff  }
0xd6: {  	v8 =	vld.idx.msk [tilespmem:v8+s13+$0x0], $0xffff  }
0xd7: {  	v14 =	vld.idx.msk [tilespmem:v14+s13+$0x0], $0xffff  }
0xd8: {  	v9 =	vld.idx.msk [tilespmem:v9+s13+$0x0], $0xffff  }
0xd9: {  	v10 =	vld.idx.msk [tilespmem:v10+s13+$0x0], $0xffff  }
0xda: {  	v11 =	vld.idx.msk [tilespmem:v11+s13+$0x0], $0xffff  }
0xdb: {  	v12 =	vld.idx.msk [tilespmem:v12+s13+$0x0], $0xffff  }
0xdc: {  	v0 =	vld.idx.msk [tilespmem:v0+s13+$0x0], $0xffff  }
0xdd: {  	v6 =	vld.idx.msk [tilespmem:v6+s13+$0x0], $0xffff  }
0xde: {  	v13 =	vld.idx.msk [tilespmem:v13+s13+$0x0], $0xffff  }
0xdf: {  	v15 =	vld [tilespmem:s12+$0xFFFFFF80]  }
0xe0: {  	v16 =	vld [tilespmem:s12+$0xFFFFFF90]  }
0xe1: {  	v17 =	vld [tilespmem:s12+$0xFFFFFFA0]  }
0xe2: {  	v18 =	vld [tilespmem:s12+$0xFFFFFFB0]  }
0xe3: {  	v19 =	vld [tilespmem:s12+$0xFFFFFFC0]  }
0xe4: {  	v20 =	vld [tilespmem:s12+$0xFFFFFFD0]  }
0xe5: {  	v21 =	vld [tilespmem:s12+$0xFFFFFFE0]  }
0xe6: {  	v22 =	vld [tilespmem:s12+$0xFFFFFFF0]  }
0xe7: {  	v23 =	vld [tilespmem:s12+$0x0]  }
0xe8: {  	v24 =	vld [tilespmem:s12+$0x10]  }
0xe9: {  	v25 =	vld [tilespmem:s12+$0x20]  }
0xea: {  	v26 =	vld [tilespmem:s12+$0x30]  }
0xeb: {  	v27 =	vld [tilespmem:s12+$0x40]  }
0xec: {  	v28 =	vld [tilespmem:s12+$0x50]  }
0xed: {  	v29 =	vld [tilespmem:s12+$0x60]  }
0xee: {  	[tilespmem:v15+s14+$0x0] =	vst.idx.add.s32.msk $0xffff, v14  }
0xef: {  	[tilespmem:v16+s14+$0x0] =	vst.idx.add.s32.msk $0xffff, v1  }
0xf0: {  	[tilespmem:v17+s14+$0x0] =	vst.idx.add.s32.msk $0xffff, v2  }
0xf1: {  	[tilespmem:v18+s14+$0x0] =	vst.idx.add.s32.msk $0xffff, v3  }
0xf2: {  	[tilespmem:v19+s14+$0x0] =	vst.idx.add.s32.msk $0xffff, v4  }
0xf3: {  	[tilespmem:v20+s14+$0x0] =	vst.idx.add.s32.msk $0xffff, v5  }
0xf4: {  	[tilespmem:v21+s14+$0x0] =	vst.idx.add.s32.msk $0xffff, v7  }
0xf5: {  	[tilespmem:v22+s14+$0x0] =	vst.idx.add.s32.msk $0xffff, v8  }
0xf6: {  	[tilespmem:v23+s14+$0x0] =	vst.idx.add.s32.msk $0xffff, v9  }
0xf7: {  	[tilespmem:v24+s14+$0x0] =	vst.idx.add.s32.msk $0xffff, v10  }
.Ltmp2:
0xf8: {  	[tilespmem:v25+s14+$0x0] =	vst.idx.add.s32.msk $0xffff, v11;
	(pc) =	sbr.rel @p0 .LBB2_5-.Ltmp2, $4  }
0xf9: {  	[tilespmem:v26+s14+$0x0] =	vst.idx.add.s32.msk $0xffff, v12  }
0xfa: {  	[tilespmem:v27+s14+$0x0] =	vst.idx.add.s32.msk $0xffff, v0  }
0xfb: {  	[tilespmem:v28+s14+$0x0] =	vst.idx.add.s32.msk $0xffff, v6  }
0xfc: {  	s16 =	sadd.s32 $0x100, s16;
	[tilespmem:v29+s14+$0x0] =	vst.idx.add.s32.msk $0xffff, v13  }
0xfd: {  	s12 =	simm.s32 $0x0;
	s13 =	simm.s32 $0x280;
	s14 =	simm.s32 $0x2A80  }
.LBB2_7:
0xfe: {  	s15 =	sshra.s32 s12, $0x2  }
0xff: {  	v0 =	vld [tilespmem:s15+$0xC880];
	_ =	sdelay $0x4  }
0x100: {  	v1 =	vld [tilespmem:s15+$0x116A0];
	_ =	sdelay $0x2  }
0x101: {  	p0 =	sne.s32 s12, $0x40;
	v0 =	vld.idx.msk [tilespmem:v0+s13+$0x0], $0xffff  }
.Ltmp3:
0x102: {  	_ = 	snop;
	(pc) =	sbr.rel @p0 .LBB2_7-.Ltmp3, $2  }
0x103: {  	_ =	sdelay $0x2  }
0x104: {  	s12 =	sadd.s32 $0x40, s12;
	[tilespmem:v1+s14+$0x0] =	vst.idx.add.s32.msk $0xffff, v0  }
0x105: {  	_ =	strace $0x9000004A  }
0x106: {  	s12 =	simm.s32 $0x2A80;
	s14 =	simm.s32 $0x4;
	_ =	strace $0x8000004B  }
0x107: {  	[spmem:s7] =	stream.linear.scatter [tilespmem:s12], [sflag:$0x4], $0x2800, $0x200038;
	[tilespmem:$0x148D0] =	vst v63  }
0x108: {  	_ =	swait.ge [sflag:s14], $0x2800  }
0x109: {  	[sflag:s14] =	ssyncset.done $0x0  }
0x10a: {  	[sflag:s14] =	ssyncadd.s32 $0xFFFFD800  }
0x10b: {  	s15 =	simm.s32 $0x5280;
	[bflag:$0x0] =	sbarrier.arrive $0xFFFF  }
0x10c: {  	[tilespmem:s15], [sflag:$0x3] =	stream.linear.gather [spmem:s30], $0x280, $0x200038;
	[tilespmem:$0x148D0] =	vst v63  }
0x10d: {  	s16 =	simm.s32 $0x5500  }
0x10e: {  	[tilespmem:s16], [sflag:$0x3] =	stream.linear.gather [spmem:s4], $0x280, $0x200038;
	[tilespmem:$0x148D0] =	vst v63  }
0x10f: {  	s13 =	simm.s32 $0x5780  }
0x110: {  	[tilespmem:s13], [sflag:$0x3] =	stream.linear.gather [spmem:s5], $0x280, $0x200038;
	[tilespmem:$0x148D0] =	vst v63  }
0x111: {  	s14 =	simm.s32 $0x5A00  }
0x112: {  	[tilespmem:s14], [sflag:$0x3] =	stream.linear.gather [spmem:s2], $0x280, $0x200038;
	[tilespmem:$0x148D0] =	vst v63  }
0x113: {  	s15 =	simm.s32 $0x5C80  }
0x114: {  	[tilespmem:s15], [sflag:$0x3] =	stream.linear.gather [spmem:s31], $0x280, $0x200038;
	[tilespmem:$0x148D0] =	vst v63  }
0x115: {  	s16 =	simm.s32 $0x5F00  }
0x116: {  	[tilespmem:s16], [sflag:$0x3] =	stream.linear.gather [spmem:s1], $0x280, $0x200038;
	[tilespmem:$0x148D0] =	vst v63  }
0x117: {  	s13 =	simm.s32 $0x6180  }
0x118: {  	[tilespmem:s13], [sflag:$0x3] =	stream.linear.gather [spmem:s29], $0x280, $0x200038;
	[tilespmem:$0x148D0] =	vst v63  }
0x119: {  	s14 =	simm.s32 $0x6400  }
0x11a: {  	[tilespmem:s14], [sflag:$0x3] =	stream.linear.gather [spmem:s25], $0x280, $0x200038;
	[tilespmem:$0x148D0] =	vst v63  }
0x11b: {  	s14 =	simm.s32 $0x6680  }
0x11c: {  	[tilespmem:s14], [sflag:$0x3] =	stream.linear.gather [spmem:s26], $0x280, $0x200038;
	[tilespmem:$0x148D0] =	vst v63  }
0x11d: {  	s15 =	simm.s32 $0x6900  }
0x11e: {  	[tilespmem:s15], [sflag:$0x3] =	stream.linear.gather [spmem:s22], $0x280, $0x200038;
	[tilespmem:$0x148D0] =	vst v63  }
0x11f: {  	s16 =	simm.s32 $0x6B80  }
0x120: {  	[tilespmem:s16], [sflag:$0x3] =	stream.linear.gather [spmem:s20], $0x280, $0x200038;
	[tilespmem:$0x148D0] =	vst v63  }
0x121: {  	s13 =	simm.s32 $0x6E00  }
0x122: {  	[tilespmem:s13], [sflag:$0x3] =	stream.linear.gather [spmem:s23], $0x280, $0x200038;
	[tilespmem:$0x148D0] =	vst v63  }
0x123: {  	s15 =	simm.s32 $0x7080  }
0x124: {  	[tilespmem:s15], [sflag:$0x3] =	stream.linear.gather [spmem:s21], $0x280, $0x200038;
	[tilespmem:$0x148D0] =	vst v63  }
0x125: {  	s16 =	simm.s32 $0x7300  }
0x126: {  	[tilespmem:s16], [sflag:$0x3] =	stream.linear.gather [spmem:s28], $0x280, $0x200038;
	[tilespmem:$0x148D0] =	vst v63  }
0x127: {  	s13 =	simm.s32 $0x7580  }
0x128: {  	[tilespmem:s13], [sflag:$0x3] =	stream.linear.gather [spmem:s24], $0x280, $0x200038;
	[tilespmem:$0x148D0] =	vst v63  }
0x129: {  	s15 =	simm.s32 $0x7800;
	s16 =	simm.s32 $0x3  }
0x12a: {  	[tilespmem:s15], [sflag:$0x3] =	stream.linear.gather [spmem:s6], $0x280, $0x200038;
	[tilespmem:$0x148D0] =	vst v63  }
0x12b: {  	_ =	swait.ge [sflag:s16], $0x280  }
0x12c: {  	[sflag:s16] =	ssyncset.done $0x0  }
0x12d: {  	[sflag:s16] =	ssyncadd.s32 $0xFFFFFD80  }
0x12e: {  	_ =	swait.ge [sflag:s16], $0x280  }
0x12f: {  	[sflag:s16] =	ssyncset.done $0x0  }
0x130: {  	[sflag:s16] =	ssyncadd.s32 $0xFFFFFD80  }
0x131: {  	_ =	swait.ge [sflag:s16], $0x280  }
0x132: {  	[sflag:s16] =	ssyncset.done $0x0  }
0x133: {  	[sflag:s16] =	ssyncadd.s32 $0xFFFFFD80  }
0x134: {  	_ =	swait.ge [sflag:s16], $0x280  }
0x135: {  	[sflag:s16] =	ssyncset.done $0x0  }
0x136: {  	[sflag:s16] =	ssyncadd.s32 $0xFFFFFD80  }
0x137: {  	_ =	swait.ge [sflag:s16], $0x280  }
0x138: {  	[sflag:s16] =	ssyncset.done $0x0  }
0x139: {  	[sflag:s16] =	ssyncadd.s32 $0xFFFFFD80  }
0x13a: {  	_ =	swait.ge [sflag:s16], $0x280  }
0x13b: {  	[sflag:s16] =	ssyncset.done $0x0  }
0x13c: {  	[sflag:s16] =	ssyncadd.s32 $0xFFFFFD80  }
0x13d: {  	_ =	swait.ge [sflag:s16], $0x280  }
0x13e: {  	[sflag:s16] =	ssyncset.done $0x0  }
0x13f: {  	[sflag:s16] =	ssyncadd.s32 $0xFFFFFD80  }
0x140: {  	_ =	swait.ge [sflag:s16], $0x280  }
0x141: {  	[sflag:s16] =	ssyncset.done $0x0  }
0x142: {  	[sflag:s16] =	ssyncadd.s32 $0xFFFFFD80  }
0x143: {  	_ =	swait.ge [sflag:s16], $0x280  }
0x144: {  	[sflag:s16] =	ssyncset.done $0x0  }
0x145: {  	[sflag:s16] =	ssyncadd.s32 $0xFFFFFD80  }
0x146: {  	_ =	swait.ge [sflag:s16], $0x280  }
0x147: {  	[sflag:s16] =	ssyncset.done $0x0  }
0x148: {  	[sflag:s16] =	ssyncadd.s32 $0xFFFFFD80  }
0x149: {  	_ =	swait.ge [sflag:s16], $0x280  }
0x14a: {  	[sflag:s16] =	ssyncset.done $0x0  }
0x14b: {  	[sflag:s16] =	ssyncadd.s32 $0xFFFFFD80  }
0x14c: {  	_ =	swait.ge [sflag:s16], $0x280  }
0x14d: {  	[sflag:s16] =	ssyncset.done $0x0  }
0x14e: {  	[sflag:s16] =	ssyncadd.s32 $0xFFFFFD80  }
0x14f: {  	_ =	swait.ge [sflag:s16], $0x280  }
0x150: {  	[sflag:s16] =	ssyncset.done $0x0  }
0x151: {  	[sflag:s16] =	ssyncadd.s32 $0xFFFFFD80  }
0x152: {  	_ =	swait.ge [sflag:s16], $0x280  }
0x153: {  	[sflag:s16] =	ssyncset.done $0x0  }
0x154: {  	[sflag:s16] =	ssyncadd.s32 $0xFFFFFD80  }
0x155: {  	_ =	swait.ge [sflag:s16], $0x280  }
0x156: {  	[sflag:s16] =	ssyncset.done $0x0  }
0x157: {  	[sflag:s16] =	ssyncadd.s32 $0xFFFFFD80  }
0x158: {  	_ =	swait.ge [sflag:s16], $0x280  }
0x159: {  	[sflag:s16] =	ssyncset.done $0x0  }
0x15a: {  	[sflag:s16] =	ssyncadd.s32 $0xFFFFFD80  }
0x15b: {  	v0 =	vld [tilespmem:s14+$0xF30]  }
0x15c: {  	v1 =	vld [tilespmem:s14+$0xFFFFEC30]  }
0x15d: {  	v2 =	vld [tilespmem:s14+$0xFFFFEEB0]  }
0x15e: {  	v3 =	vld [tilespmem:s14+$0xFFFFF130]  }
0x15f: {  	v4 =	vld [tilespmem:s14+$0xFFFFF3B0]  }
0x160: {  	v5 =	vld [tilespmem:s14+$0xFFFFF630]  }
0x161: {  	v6 =	vld [tilespmem:s14+$0xFFFFF8B0]  }
0x162: {  	v7 =	vld [tilespmem:s14+$0xFFFFFB30]  }
0x163: {  	v8 =	vld [tilespmem:s14+$0xFFFFFDB0]  }
0x164: {  	v9 =	vld [tilespmem:s14+$0x30]  }
0x165: {  	v10 =	vld [tilespmem:s14+$0x2B0]  }
0x166: {  	v11 =	vld [tilespmem:s14+$0x530]  }
0x167: {  	v12 =	vld [tilespmem:s14+$0x7B0]  }
0x168: {  	v13 =	vld [tilespmem:s14+$0xA30]  }
0x169: {  	s12 =	simm.s32 $0x20;
	v14 =	vld [tilespmem:s14+$0xCB0]  }
0x16a: {  	v15 =	vld [tilespmem:s12+$0x10]  }
0x16b: {  	v16 =	vld [tilespmem:s14+$0x11B0]  }
0x16c: {  	v17 =	vld [tilespmem:s14+$0xFFFFEE80]  }
0x16d: {  	v18 =	vld [tilespmem:s14+$0xFFFFEC10]  }
0x16e: {  	v19 =	vld [tilespmem:s14+$0xFFFFEE90]  }
0x16f: {  	v20 =	vld [tilespmem:s14+$0xFFFFEC20]  }
0x170: {  	v21 =	vld [tilespmem:s14+$0xFFFFEEA0]  }
0x171: {  	v22 =	vld [tilespmem:s14+$0xFFFFEC00]  }
0x172: {  	v23 =	vld [tilespmem:s14+$0xFFFFF100]  }
0x173: {  	v24 =	vld [tilespmem:s14+$0xFFFFF110]  }
0x174: {  	v25 =	vld [tilespmem:s14+$0xFFFFF120]  }
0x175: {  	v26 =	vld [tilespmem:s14+$0xFFFFF380]  }
0x176: {  	v27 =	vld [tilespmem:s14+$0xFFFFF390]  }
0x177: {  	v28 =	vld [tilespmem:s14+$0xFFFFF3A0]  }
0x178: {  	v29 =	vld [tilespmem:s14+$0xFFFFF600]  }
0x179: {  	v30 =	vld [tilespmem:s14+$0xFFFFF610]  }
0x17a: {  	v31 =	vld [tilespmem:s14+$0xFFFFF620]  }
0x17b: {  	v51 =	vld [tilespmem:s14+$0x10];
	v1 =	vadd.s32 v1, v2  }
0x17c: {  	v52 =	vld [tilespmem:s14+$0x20];
	v1 =	vadd.s32 v3, v1  }
0x17d: {  	v53 =	vld [tilespmem:s14+$0x280];
	v1 =	vadd.s32 v4, v1  }
0x17e: {  	v54 =	vld [tilespmem:s14+$0x290];
	v1 =	vadd.s32 v5, v1  }
0x17f: {  	v55 =	vld [tilespmem:s14+$0x2A0];
	v1 =	vadd.s32 v6, v1  }
0x180: {  	v32 =	vld [tilespmem:s14+$0x510];
	v1 =	vadd.s32 v7, v1  }
0x181: {  	v33 =	vld [tilespmem:s14+$0x520];
	v1 =	vadd.s32 v8, v1  }
0x182: {  	v35 =	vld [tilespmem:s14+$0x780];
	v1 =	vadd.s32 v9, v1  }
0x183: {  	v56 =	vld [tilespmem:s14+$0x790];
	v1 =	vadd.s32 v10, v1  }
0x184: {  	v36 =	vld [tilespmem:s14+$0x7A0];
	v1 =	vadd.s32 v11, v1  }
0x185: {  	v58 =	vld [tilespmem:s14+$0xA00];
	v1 =	vadd.s32 v12, v1  }
0x186: {  	v60 =	vld [tilespmem:s14+$0xA10];
	v1 =	vadd.s32 v13, v1  }
0x187: {  	v61 =	vld [tilespmem:s14+$0xA20];
	v1 =	vadd.s32 v14, v1  }
0x188: {  	v62 =	vld [tilespmem:s14+$0xC80];
	v0 =	vadd.s32 v0, v1;
	v1 =	vmul.u32 $0x9E3779B1, v15  }
0x189: {  	v2 =	vld [tilespmem:s14+$0xFFFFF880];
	v0 =	vadd.s32 v16, v0  }
0x18a: {  	v3 =	vld [tilespmem:s14+$0xFFFFF890];
	v0 =	vxor.u32 v0, v1  }
0x18b: {  	v4 =	vld [tilespmem:s14+$0xFFFFF8A0];
	v0 =	vmul.u32 $0x85EBCA6B, v0  }
0x18c: {  	v5 =	vld [tilespmem:s14+$0xFFFFFB00]  }
0x18d: {  	v6 =	vld [tilespmem:s14+$0xFFFFFB10];
	v34 =	vshrl.u32 v0, $0xD  }
0x18e: {  	v18 =	vadd.s32 v18, v19;
	v57 =	vadd.s32 v20, v21;
	v7 =	vld [tilespmem:s14+$0xFFFFFB20];
	v0 =	vxor.u32 v0, v34  }
0x18f: {  	v17 =	vadd.s32 v22, v17;
	v18 =	vadd.s32 v24, v18;
	v8 =	vld [tilespmem:s14+$0xFFFFFD80];
	v0 =	vmul.u32 $0xC2B2AE35, v0  }
0x190: {  	v17 =	vadd.s32 v23, v17;
	v19 =	vadd.s32 v25, v57;
	v18 =	vadd.s32 v27, v18;
	v9 =	vld [tilespmem:s14+$0xFFFFFD90]  }
0x191: {  	v19 =	vadd.s32 v28, v19;
	v18 =	vadd.s32 v30, v18;
	v10 =	vld [tilespmem:s14+$0xFFFFFDA0];
	v59 =	vshrl.u32 v0, $0x10  }
0x192: {  	v3 =	vadd.s32 v3, v18;
	v11 =	vld [tilespmem:s14+$0x0];
	v21 =	vxor.u32 v0, v59;
	v0 =	vadd.s32 v26, v17  }
0x193: {  	v19 =	vadd.s32 v31, v19;
	v3 =	vadd.s32 v6, v3;
	v6 =	vld [tilespmem:s14+$0xF00];
	v0 =	vadd.s32 v29, v0  }
0x194: {  	v4 =	vadd.s32 v4, v19;
	v1 =	vld [tilespmem:s14+$0x500];
	v0 =	vadd.s32 v2, v0  }
0x195: {  	v4 =	vadd.s32 v7, v4;
	v7 =	vld [tilespmem:s12+$0xFFFFFFE0];
	v0 =	vadd.s32 v5, v0  }
0x196: {  	v4 =	vadd.s32 v10, v4;
	v10 =	vld [tilespmem:s12+$0xFFFFFFF0];
	v0 =	vadd.s32 v8, v0  }
0x197: {  	v3 =	vadd.s32 v9, v3;
	v2 =	vld [tilespmem:s14+$0xC90];
	v0 =	vadd.s32 v11, v0  }
0x198: {  	v3 =	vadd.s32 v51, v3;
	v4 =	vadd.s32 v52, v4;
	v5 =	vld [tilespmem:s14+$0xCA0];
	v0 =	vadd.s32 v53, v0  }
0x199: {  	v3 =	vadd.s32 v54, v3;
	v4 =	vadd.s32 v55, v4;
	v8 =	vld [tilespmem:s14+$0xF10];
	v0 =	vadd.s32 v1, v0  }
0x19a: {  	v1 =	vadd.s32 v32, v3;
	v3 =	vadd.s32 v33, v4;
	v4 =	vadd.s32 v35, v0;
	v0 =	vld [tilespmem:s14+$0xF20]  }
0x19b: {  	v9 =	vadd.s32 v56, v1;
	v3 =	vadd.s32 v36, v3;
	v1 =	vld [tilespmem:s12+$0x0];
	v4 =	vadd.s32 v58, v4  }
0x19c: {  	v9 =	vadd.s32 v60, v9;
	v11 =	vadd.s32 v61, v3;
	v3 =	vld [tilespmem:s14+$0x1180];
	v4 =	vadd.s32 v62, v4  }
0x19d: {  	v7 =	vmul.u32 $0x9E3779B1, v7;
	v63 =	vadd.s32 v2, v9;
	v2 =	vadd.s32 v6, v4;
	v4 =	vld [tilespmem:s14+$0x1190]  }
0x19e: {  	s13 =	simm.s32 $0x0;
	s15 =	simm.s32 $0x20;
	[tilespmem:s12+$0x10] =	vst v21;
	v9 =	vadd.s32 v5, v11;
	v5 =	vmul.u32 $0x9E3779B1, v10;
	v8 =	vadd.s32 v8, v63;
	v6 =	vld [tilespmem:s14+$0x11A0];
	s14 =	simm.s32 $0x66C0  }
.LBB2_9:
0x19f: {  	v10 =	vld [tilespmem:s14+$0xF30];
	v0 =	vadd.s32 v0, v9  }
0x1a0: {  	v9 =	vld [tilespmem:s14+$0xFFFFEC30];
	v1 =	vmul.u32 $0x9E3779B1, v1  }
0x1a1: {  	s13 =	sadd.s32 $0x4, s13;
	v11 =	vld [tilespmem:s14+$0xFFFFEEB0];
	v2 =	vadd.s32 v3, v2  }
0x1a2: {  	p0 =	slt.u32 s13, $0x24;
	v3 =	vld [tilespmem:s14+$0xFFFFF130];
	v2 =	vxor.u32 v2, v7;
	v4 =	vadd.s32 v4, v8  }
0x1a3: {  	v7 =	vld [tilespmem:s14+$0xFFFFF3B0];
	v2 =	vmul.u32 $0x85EBCA6B, v2;
	v4 =	vxor.u32 v4, v5;
	v0 =	vadd.s32 v6, v0  }
0x1a4: {  	v5 =	vld [tilespmem:s14+$0xFFFFF630];
	v4 =	vmul.u32 $0x85EBCA6B, v4;
	v0 =	vxor.u32 v0, v1  }
0x1a5: {  	v1 =	vld [tilespmem:s14+$0xFFFFF8B0];
	v6 =	vshrl.u32 v2, $0xD;
	v0 =	vmul.u32 $0x85EBCA6B, v0  }
0x1a6: {  	v8 =	vadd.s32 v9, v11;
	v9 =	vld [tilespmem:s14+$0xFFFFFB30];
	v2 =	vxor.u32 v2, v6;
	v6 =	vshrl.u32 v4, $0xD  }
0x1a7: {  	v3 =	vadd.s32 v3, v8;
	v8 =	vld [tilespmem:s14+$0xFFFFFDB0];
	v4 =	vxor.u32 v4, v6;
	v6 =	vshrl.u32 v0, $0xD  }
0x1a8: {  	v2 =	vmul.u32 $0xC2B2AE35, v2;
	v3 =	vadd.s32 v7, v3;
	v7 =	vld [tilespmem:s14+$0x30];
	v0 =	vxor.u32 v0, v6  }
0x1a9: {  	v4 =	vmul.u32 $0xC2B2AE35, v4;
	v3 =	vadd.s32 v5, v3;
	v5 =	vld [tilespmem:s14+$0x2B0];
	v0 =	vmul.u32 $0xC2B2AE35, v0  }
0x1aa: {  	v6 =	vshrl.u32 v2, $0x10;
	v1 =	vadd.s32 v1, v3;
	v3 =	vld [tilespmem:s14+$0x530]  }
0x1ab: {  	v11 =	vshrl.u32 v4, $0x10;
	v1 =	vadd.s32 v9, v1;
	v9 =	vld [tilespmem:s14+$0x7B0];
	v12 =	vshrl.u32 v0, $0x10  }
0x1ac: {  	v2 =	vxor.u32 v2, v6;
	v4 =	vxor.u32 v4, v11;
	v1 =	vadd.s32 v8, v1;
	v8 =	vld [tilespmem:s14+$0xA30]  }
0x1ad: {  	s15 =	sadd.s32 $0x40, s15;
	v0 =	vxor.u32 v0, v12;
	v1 =	vadd.s32 v7, v1;
	v6 =	vld [tilespmem:s14+$0xCB0];
	[tilespmem:s12+$0xFFFFFFE0] =	vst v2  }
0x1ae: {  	v1 =	vadd.s32 v5, v1;
	v2 =	vld [tilespmem:s15+$0x10];
	[tilespmem:s12+$0xFFFFFFF0] =	vst v4  }
0x1af: {  	v1 =	vadd.s32 v3, v1;
	v3 =	vld [tilespmem:s14+$0x11B0];
	[tilespmem:s12+$0x0] =	vst v0;
	s12 =	smov.u32 s15  }
0x1b0: {  	v0 =	vld [tilespmem:s14+$0xFFFFEE80];
	v1 =	vadd.s32 v9, v1  }
0x1b1: {  	v4 =	vld [tilespmem:s14+$0xFFFFEC10];
	v1 =	vadd.s32 v8, v1  }
0x1b2: {  	v5 =	vld [tilespmem:s14+$0xFFFFEE90];
	v1 =	vadd.s32 v6, v1  }
0x1b3: {  	v6 =	vld [tilespmem:s14+$0xFFFFEC20];
	v1 =	vadd.s32 v10, v1;
	v2 =	vmul.u32 $0x9E3779B1, v2  }
0x1b4: {  	v7 =	vld [tilespmem:s14+$0xFFFFEEA0];
	v1 =	vadd.s32 v3, v1  }
0x1b5: {  	v3 =	vld [tilespmem:s14+$0xFFFFEC00];
	v1 =	vxor.u32 v1, v2  }
0x1b6: {  	v2 =	vld [tilespmem:s14+$0xFFFFF100];
	v1 =	vmul.u32 $0x85EBCA6B, v1  }
0x1b7: {  	v4 =	vadd.s32 v4, v5;
	v5 =	vld [tilespmem:s14+$0xFFFFF110]  }
0x1b8: {  	v8 =	vld [tilespmem:s14+$0xFFFFF120];
	v9 =	vshrl.u32 v1, $0xD  }
0x1b9: {  	v10 =	vld [tilespmem:s14+$0xFFFFF380];
	v6 =	vadd.s32 v6, v7;
	v1 =	vxor.u32 v1, v9  }
0x1ba: {  	v0 =	vadd.s32 v3, v0;
	v3 =	vld [tilespmem:s14+$0xFFFFF390];
	v1 =	vmul.u32 $0xC2B2AE35, v1  }
0x1bb: {  	v0 =	vadd.s32 v2, v0;
	v2 =	vld [tilespmem:s14+$0xFFFFF3A0]  }
0x1bc: {  	v7 =	vld [tilespmem:s14+$0xFFFFF600];
	v4 =	vadd.s32 v5, v4;
	v5 =	vshrl.u32 v1, $0x10  }
0x1bd: {  	v9 =	vld [tilespmem:s14+$0xFFFFF610];
	v6 =	vadd.s32 v8, v6;
	v1 =	vxor.u32 v1, v5  }
0x1be: {  	v0 =	vadd.s32 v10, v0;
	v5 =	vld [tilespmem:s14+$0xFFFFF620];
	[tilespmem:s15+$0x10] =	vst v1  }
0x1bf: {  	v1 =	vld [tilespmem:s14+$0xFFFFF880];
	v3 =	vadd.s32 v3, v4  }
0x1c0: {  	v4 =	vld [tilespmem:s14+$0xFFFFF890];
	v2 =	vadd.s32 v2, v6  }
0x1c1: {  	v0 =	vadd.s32 v7, v0;
	v6 =	vld [tilespmem:s14+$0xFFFFF8A0]  }
0x1c2: {  	v7 =	vld [tilespmem:s14+$0xFFFFFB00];
	v3 =	vadd.s32 v9, v3  }
0x1c3: {  	v8 =	vld [tilespmem:s14+$0xFFFFFB10];
	v2 =	vadd.s32 v5, v2  }
0x1c4: {  	v0 =	vadd.s32 v1, v0;
	v1 =	vld [tilespmem:s14+$0xFFFFFB20]  }
0x1c5: {  	v5 =	vld [tilespmem:s14+$0xFFFFFD80];
	v3 =	vadd.s32 v4, v3  }
0x1c6: {  	v4 =	vld [tilespmem:s14+$0xFFFFFD90];
	v2 =	vadd.s32 v6, v2  }
0x1c7: {  	v0 =	vadd.s32 v7, v0;
	v6 =	vld [tilespmem:s14+$0xFFFFFDA0]  }
0x1c8: {  	v7 =	vld [tilespmem:s14+$0x0];
	v3 =	vadd.s32 v8, v3  }
0x1c9: {  	v8 =	vld [tilespmem:s14+$0x10];
	v1 =	vadd.s32 v1, v2  }
0x1ca: {  	v0 =	vadd.s32 v5, v0;
	v2 =	vld [tilespmem:s14+$0x20]  }
0x1cb: {  	v5 =	vld [tilespmem:s14+$0x280];
	v3 =	vadd.s32 v4, v3  }
0x1cc: {  	v4 =	vld [tilespmem:s14+$0x290];
	v1 =	vadd.s32 v6, v1  }
0x1cd: {  	v0 =	vadd.s32 v7, v0;
	v6 =	vld [tilespmem:s14+$0x2A0]  }
0x1ce: {  	v7 =	vld [tilespmem:s14+$0x500];
	v3 =	vadd.s32 v8, v3  }
0x1cf: {  	v8 =	vld [tilespmem:s14+$0x510];
	v1 =	vadd.s32 v2, v1  }
0x1d0: {  	v0 =	vadd.s32 v5, v0;
	v2 =	vld [tilespmem:s14+$0x520]  }
0x1d1: {  	v5 =	vld [tilespmem:s14+$0x780];
	v3 =	vadd.s32 v4, v3  }
0x1d2: {  	v4 =	vld [tilespmem:s14+$0x790];
	v1 =	vadd.s32 v6, v1  }
0x1d3: {  	v0 =	vadd.s32 v7, v0;
	v6 =	vld [tilespmem:s14+$0x7A0]  }
0x1d4: {  	v7 =	vld [tilespmem:s14+$0xA00];
	v3 =	vadd.s32 v8, v3  }
0x1d5: {  	v8 =	vld [tilespmem:s14+$0xA10];
	v1 =	vadd.s32 v2, v1  }
0x1d6: {  	v0 =	vadd.s32 v5, v0;
	v2 =	vld [tilespmem:s14+$0xA20]  }
0x1d7: {  	v5 =	vld [tilespmem:s14+$0xC80];
	v3 =	vadd.s32 v4, v3  }
0x1d8: {  	v4 =	vld [tilespmem:s14+$0xC90];
	v1 =	vadd.s32 v6, v1  }
0x1d9: {  	v0 =	vadd.s32 v7, v0;
	v6 =	vld [tilespmem:s14+$0xCA0]  }
0x1da: {  	v7 =	vld [tilespmem:s14+$0xF00];
	v3 =	vadd.s32 v8, v3  }
0x1db: {  	v8 =	vld [tilespmem:s15+$0xFFFFFFE0];
	v1 =	vadd.s32 v2, v1  }
0x1dc: {  	v2 =	vadd.s32 v5, v0;
	v5 =	vld [tilespmem:s14+$0xF10]  }
0x1dd: {  	v4 =	vadd.s32 v4, v3;
	v10 =	vld [tilespmem:s15+$0xFFFFFFF0]  }
.Ltmp4:
0x1de: {  	v9 =	vadd.s32 v6, v1;
	v0 =	vld [tilespmem:s14+$0xF20];
	(pc) =	sbr.rel @p0 .LBB2_9-.Ltmp4, $4  }
0x1df: {  	v2 =	vadd.s32 v7, v2;
	v1 =	vld [tilespmem:s15+$0x0]  }
0x1e0: {  	v3 =	vld [tilespmem:s14+$0x1180];
	v7 =	vmul.u32 $0x9E3779B1, v8  }
0x1e1: {  	v8 =	vadd.s32 v5, v4;
	v4 =	vld [tilespmem:s14+$0x1190]  }
0x1e2: {  	v5 =	vmul.u32 $0x9E3779B1, v10;
	v6 =	vld [tilespmem:s14+$0x11A0];
	s14 =	sadd.s32 $0x40, s14  }
0x1e3: {  	_ =	sdelay $0x1  }
0x1e4: {  	v0 =	vadd.s32 v0, v9;
	v2 =	vadd.s32 v3, v2  }
0x1e5: {  	v1 =	vmul.u32 $0x9E3779B1, v1;
	v2 =	vxor.u32 v2, v7;
	v3 =	vadd.s32 v4, v8  }
0x1e6: {  	v2 =	vmul.u32 $0x85EBCA6B, v2;
	v3 =	vxor.u32 v3, v5;
	v0 =	vadd.s32 v6, v0  }
0x1e7: {  	v3 =	vmul.u32 $0x85EBCA6B, v3;
	v0 =	vxor.u32 v0, v1  }
0x1e8: {  	v1 =	vshrl.u32 v2, $0xD;
	v0 =	vmul.u32 $0x85EBCA6B, v0  }
0x1e9: {  	v1 =	vxor.u32 v2, v1;
	v2 =	vshrl.u32 v3, $0xD  }
0x1ea: {  	v2 =	vxor.u32 v3, v2;
	v3 =	vshrl.u32 v0, $0xD;
	v1 =	vmul.u32 $0xC2B2AE35, v1  }
0x1eb: {  	v0 =	vxor.u32 v0, v3;
	v2 =	vmul.u32 $0xC2B2AE35, v2  }
0x1ec: {  	v0 =	vmul.u32 $0xC2B2AE35, v0;
	v3 =	vshrl.u32 v1, $0x10  }
0x1ed: {  	v4 =	vshrl.u32 v2, $0x10;
	v1 =	vxor.u32 v1, v3  }
0x1ee: {  	v3 =	vshrl.u32 v0, $0x10;
	v2 =	vxor.u32 v2, v4;
	[tilespmem:s12+$0xFFFFFFE0] =	vst v1  }
0x1ef: {  	v0 =	vxor.u32 v0, v3;
	[tilespmem:s12+$0xFFFFFFF0] =	vst v2  }
0x1f0: {  	[tilespmem:s12+$0x0] =	vst v0  }
0x1f1: {  	_ =	strace $0x9000004B  }
0x1f2: {  	s16 =	simm.s32 $0x40;
	_ =	strace $0x8000004C  }
0x1f3: {  	v0 =	vld [tilespmem:s16+$0x30]  }
0x1f4: {  	v1 =	vld [tilespmem:s16+$0xFFFFFFD0]  }
0x1f5: {  	v2 =	vld [tilespmem:s16+$0xFFFFFFE0]  }
0x1f6: {  	v3 =	vld [tilespmem:s16+$0xFFFFFFF0]  }
0x1f7: {  	v4 =	vld [tilespmem:s16+$0x0]  }
0x1f8: {  	v5 =	vld [tilespmem:s16+$0x10]  }
0x1f9: {  	v6 =	vld [tilespmem:s16+$0x20]  }
0x1fa: {  	v7 =	vld [tilespmem:s16+$0xFFFFFFC0];
	_ =	sdelay $0x1  }
0x1fb: {  	v0 =	vmul.u32 $0x85EBCA6B, v0  }
0x1fc: {  	v1 =	vmul.u32 $0x85EBCA6B, v1;
	v2 =	vmul.u32 $0x85EBCA6B, v2;
	v10 =	vmul.u32 $0x85EBCA6B, v3  }
0x1fd: {  	v4 =	vmul.u32 $0x85EBCA6B, v4;
	v5 =	vmul.u32 $0x85EBCA6B, v5;
	v11 =	vmul.u32 $0x85EBCA6B, v6  }
0x1fe: {  	v7 =	vmul.u32 $0x85EBCA6B, v7;
	v8 =	vshrl.u32 v0, $0xD;
	v61 =	vshrl.u32 v1, $0xD  }
0x1ff: {  	v3 =	vshrl.u32 v2, $0xD;
	v62 =	vshrl.u32 v4, $0xD;
	v0 =	vxor.u32 v0, v8  }
0x200: {  	v12 =	vshrl.u32 v5, $0xD;
	v63 =	vshrl.u32 v11, $0xD;
	v0 =	vmul.u32 $0xC2B2AE35, v0  }
0x201: {  	v8 =	vxor.u32 v1, v61;
	v1 =	vshrl.u32 v10, $0xD;
	v3 =	vxor.u32 v2, v3  }
0x202: {  	v4 =	vxor.u32 v4, v62;
	v2 =	vxor.u32 v10, v1;
	v6 =	vshrl.u32 v0, $0x10  }
0x203: {  	s11 =	sadd.s32 $0x2C0, s11;
	v1 =	vxor.u32 v5, v12;
	v0 =	vxor.u32 v0, v6;
	v6 =	vshrl.u32 v7, $0xD  }
0x204: {  	s13 =	simm.s32 $0xC0;
	s12 =	simm.s32 $0x0;
	v5 =	vxor.u32 v11, v63;
	[tilespmem:s11+$0x30] =	vst v0;
	v6 =	vxor.u32 v7, v6;
	v0 =	vmul.u32 $0xC2B2AE35, v8  }
.LBB2_11:
0x205: {  	v7 =	vld [tilespmem:s13+$0x30];
	s12 =	sadd.s32 $0x8, s12;
	v6 =	vmul.u32 $0xC2B2AE35, v6;
	v3 =	vmul.u32 $0xC2B2AE35, v3;
	v2 =	vmul.u32 $0xC2B2AE35, v2  }
0x206: {  	v4 =	vmul.u32 $0xC2B2AE35, v4;
	v1 =	vmul.u32 $0xC2B2AE35, v1;
	v5 =	vmul.u32 $0xC2B2AE35, v5;
	v8 =	vld [tilespmem:s13+$0xFFFFFFD0];
	p0 =	slt.u32 s12, $0x20  }
0x207: {  	v11 =	vshrl.u32 v0, $0x10;
	v9 =	vld [tilespmem:s13+$0xFFFFFFE0];
	v10 =	vshrl.u32 v6, $0x10;
	v12 =	vshrl.u32 v3, $0x10  }
0x208: {  	v14 =	vshrl.u32 v2, $0x10;
	v15 =	vshrl.u32 v4, $0x10;
	v16 =	vshrl.u32 v1, $0x10;
	v13 =	vld [tilespmem:s13+$0xFFFFFFF0]  }
0x209: {  	v0 =	vxor.u32 v0, v11;
	v6 =	vxor.u32 v6, v10;
	v10 =	vshrl.u32 v5, $0x10;
	v17 =	vld [tilespmem:s13+$0x0]  }
0x20a: {  	v3 =	vxor.u32 v3, v12;
	v2 =	vxor.u32 v2, v14;
	v11 =	vld [tilespmem:s13+$0x10];
	v7 =	vmul.u32 $0x85EBCA6B, v7;
	[tilespmem:s11+$0xFFFFFFC0] =	vst v6  }
0x20b: {  	v1 =	vxor.u32 v1, v16;
	v6 =	vmul.u32 $0x85EBCA6B, v8;
	v8 =	vld [tilespmem:s13+$0x20];
	[tilespmem:s11+$0xFFFFFFD0] =	vst v0;
	v0 =	vxor.u32 v4, v15  }
0x20c: {  	v4 =	vld [tilespmem:s13+$0xFFFFFFC0];
	v9 =	vmul.u32 $0x85EBCA6B, v9;
	v12 =	vshrl.u32 v7, $0xD;
	[tilespmem:s11+$0xFFFFFFE0] =	vst v3;
	v3 =	vxor.u32 v5, v10  }
0x20d: {  	v5 =	vshrl.u32 v6, $0xD;
	v10 =	vmul.u32 $0x85EBCA6B, v13;
	v7 =	vxor.u32 v7, v12;
	[tilespmem:s11+$0xFFFFFFF0] =	vst v2  }
0x20e: {  	v2 =	vshrl.u32 v9, $0xD;
	v12 =	vmul.u32 $0x85EBCA6B, v17;
	v7 =	vmul.u32 $0xC2B2AE35, v7;
	[tilespmem:s11+$0x0] =	vst v0  }
0x20f: {  	v0 =	vxor.u32 v6, v5;
	v5 =	vshrl.u32 v10, $0xD;
	v6 =	vmul.u32 $0x85EBCA6B, v11;
	[tilespmem:s11+$0x10] =	vst v1  }
.Ltmp5:
0x210: {  	v1 =	vshrl.u32 v12, $0xD;
	v8 =	vmul.u32 $0x85EBCA6B, v8;
	v11 =	vshrl.u32 v7, $0x10;
	[tilespmem:s11+$0x20] =	vst v3;
	(pc) =	sbr.rel @p0 .LBB2_11-.Ltmp5, $4  }
0x211: {  	s11 =	sadd.s32 $0x80, s11;
	v13 =	vmul.u32 $0x85EBCA6B, v4;
	v14 =	vshrl.u32 v6, $0xD;
	v4 =	vxor.u32 v7, v11  }
0x212: {  	v3 =	vxor.u32 v9, v2;
	v2 =	vxor.u32 v10, v5;
	v5 =	vshrl.u32 v8, $0xD;
	[tilespmem:s11+$0x30] =	vst v4  }
0x213: {  	v4 =	vxor.u32 v12, v1;
	v1 =	vxor.u32 v6, v14;
	v7 =	vshrl.u32 v13, $0xD  }
0x214: {  	s13 =	sadd.s32 $0x80, s13;
	v0 =	vmul.u32 $0xC2B2AE35, v0;
	v5 =	vxor.u32 v8, v5;
	v6 =	vxor.u32 v13, v7  }
0x215: {  	v6 =	vmul.u32 $0xC2B2AE35, v6  }
0x216: {  	v3 =	vmul.u32 $0xC2B2AE35, v3;
	v8 =	vshrl.u32 v0, $0x10  }
0x217: {  	v2 =	vmul.u32 $0xC2B2AE35, v2;
	v7 =	vshrl.u32 v6, $0x10;
	v0 =	vxor.u32 v0, v8  }
0x218: {  	v4 =	vmul.u32 $0xC2B2AE35, v4;
	v61 =	vshrl.u32 v3, $0x10;
	v6 =	vxor.u32 v6, v7;
	[tilespmem:s11+$0xFFFFFFD0] =	vst v0  }
0x219: {  	v1 =	vmul.u32 $0xC2B2AE35, v1;
	v62 =	vshrl.u32 v2, $0x10;
	v3 =	vxor.u32 v3, v61;
	[tilespmem:s11+$0xFFFFFFC0] =	vst v6  }
0x21a: {  	v63 =	vshrl.u32 v4, $0x10;
	v0 =	vmul.u32 $0xC2B2AE35, v5;
	v2 =	vxor.u32 v2, v62;
	[tilespmem:s11+$0xFFFFFFE0] =	vst v3  }
0x21b: {  	v4 =	vxor.u32 v4, v63;
	v3 =	vshrl.u32 v1, $0x10;
	[tilespmem:s11+$0xFFFFFFF0] =	vst v2  }
0x21c: {  	[tilespmem:s11+$0x0] =	vst v4;
	v2 =	vshrl.u32 v0, $0x10;
	v1 =	vxor.u32 v1, v3  }
0x21d: {  	v0 =	vxor.u32 v0, v2;
	[tilespmem:s11+$0x10] =	vst v1  }
0x21e: {  	s15 =	simm.s32 $0x4;
	[tilespmem:s11+$0x20] =	vst v0  }
0x21f: {  	[spmem:s10] =	stream.linear.scatter [tilespmem:s9], [sflag:$0x4], $0x280, $0x200038;
	[tilespmem:$0x148D0] =	vst v63  }
0x220: {  	_ =	swait.ge [sflag:s15], $0x280  }
0x221: {  	[sflag:s15] =	ssyncset.done $0x0  }
0x222: {  	[sflag:s15] =	ssyncadd.s32 $0xFFFFFD80  }
0x223: {  	s16 =	simm.s32 $0x280;
	[bflag:$0x0] =	sbarrier.arrive $0xFFFF  }
0x224: {  	[tilespmem:s16], [sflag:$0x4] =	stream.linear.gather [spmem:s8], $0x2800, $0x200038;
	[tilespmem:$0x148D0] =	vst v63  }
0x225: {  	_ =	swait.ge [sflag:s15], $0x2800  }
0x226: {  	[sflag:s15] =	ssyncset.done $0x0  }
0x227: {  	[sflag:s15] =	ssyncadd.s32 $0xFFFFD800  }
0x228: {  	v0 =	vimm.s32 $0x0;
	s8 =	simm.s32 $0x2AC0;
	_ =	strace $0x9000004C  }
0x229: {  	_ =	strace $0x8000004D;
	[tilespmem:s8+$0xFFFFFFC0] =	vst v0  }
0x22a: {  	[tilespmem:s8+$0x30] =	vst v0  }
0x22b: {  	[tilespmem:s8+$0x20] =	vst v0  }
0x22c: {  	[tilespmem:s8+$0x10] =	vst v0  }
0x22d: {  	[tilespmem:s8+$0x0] =	vst v0  }
0x22e: {  	[tilespmem:s8+$0xFFFFFFF0] =	vst v0  }
0x22f: {  	s9 =	simm.s32 $0x0;
	[tilespmem:s8+$0xFFFFFFE0] =	vst v0  }
.LBB2_13:
0x230: {  	s9 =	sadd.s32 $0x8, s9;
	[tilespmem:s8+$0xFFFFFFD0] =	vst v0;
	s8 =	sadd.s32 $0x80, s8  }
0x231: {  	[tilespmem:s8+$0xFFFFFFC0] =	vst v0;
	p0 =	slt.u32 s9, $0x278  }
0x232: {  	[tilespmem:s8+$0x30] =	vst v0  }
.Ltmp6:
0x233: {  	[tilespmem:s8+$0x20] =	vst v0;
	(pc) =	sbr.rel @p0 .LBB2_13-.Ltmp6, $4  }
0x234: {  	[tilespmem:s8+$0x10] =	vst v0  }
0x235: {  	[tilespmem:s8+$0x0] =	vst v0  }
0x236: {  	[tilespmem:s8+$0xFFFFFFF0] =	vst v0  }
0x237: {  	[tilespmem:s8+$0xFFFFFFE0] =	vst v0  }
0x238: {  	[tilespmem:s8+$0xFFFFFFD0] =	vst v0  }
0x239: {  	_ =	strace $0x9000004D  }
0x23a: {  	s11 =	simm.s32 $0x7B00;
	_ =	strace $0x8000004E  }
0x23b: {  	v61 =	vld [tilespmem:s11+$0x70]  }
0x23c: {  	v1 =	vld [tilespmem:s11+$0xFFFFFF90]  }
0x23d: {  	v2 =	vld [tilespmem:s11+$0xFFFFFFA0]  }
0x23e: {  	v3 =	vld [tilespmem:s11+$0xFFFFFFB0]  }
0x23f: {  	v4 =	vld [tilespmem:s11+$0xFFFFFFC0]  }
0x240: {  	s8 =	simm.s32 $0xC920;
	v5 =	vld [tilespmem:s11+$0xFFFFFFD0]  }
0x241: {  	v6 =	vld [tilespmem:s8+$0x70]  }
0x242: {  	v7 =	vld [tilespmem:s11+$0xFFFFFFE0]  }
0x243: {  	v8 =	vld [tilespmem:s11+$0xFFFFFFF0]  }
0x244: {  	v9 =	vld [tilespmem:s11+$0x0]  }
0x245: {  	v10 =	vld [tilespmem:s11+$0x10]  }
0x246: {  	v11 =	vld [tilespmem:s11+$0x20]  }
0x247: {  	v12 =	vld [tilespmem:s11+$0x30]  }
0x248: {  	v62 =	vld [tilespmem:s11+$0x40]  }
0x249: {  	v63 =	vld [tilespmem:s11+$0x50]  }
0x24a: {  	v13 =	vld [tilespmem:s11+$0x60]  }
0x24b: {  	v14 =	vld [tilespmem:s11+$0xFFFFFF80]  }
0x24c: {  	v15 =	vld [tilespmem:s8+$0xFFFFFF80]  }
0x24d: {  	v16 =	vld [tilespmem:s8+$0xFFFFFF90]  }
0x24e: {  	v17 =	vld [tilespmem:s8+$0xFFFFFFA0]  }
0x24f: {  	v18 =	vld [tilespmem:s8+$0xFFFFFFB0]  }
0x250: {  	v19 =	vld [tilespmem:s8+$0xFFFFFFC0]  }
0x251: {  	v20 =	vld [tilespmem:s8+$0xFFFFFFD0]  }
0x252: {  	v21 =	vld [tilespmem:s8+$0xFFFFFFE0]  }
0x253: {  	v22 =	vld [tilespmem:s8+$0xFFFFFFF0]  }
0x254: {  	v23 =	vld [tilespmem:s8+$0x0]  }
0x255: {  	v24 =	vld [tilespmem:s8+$0x10]  }
0x256: {  	v25 =	vld [tilespmem:s8+$0x20]  }
0x257: {  	v26 =	vld [tilespmem:s8+$0x30]  }
0x258: {  	v27 =	vld [tilespmem:s8+$0x40]  }
0x259: {  	v28 =	vld [tilespmem:s8+$0x50]  }
0x25a: {  	s9 =	simm.s32 $0x280;
	v29 =	vld [tilespmem:s8+$0x60]  }
0x25b: {  	v0 =	vld.idx.msk [tilespmem:v61+s9+$0x0], $0xffff  }
0x25c: {  	v1 =	vld.idx.msk [tilespmem:v1+s9+$0x0], $0xffff  }
0x25d: {  	v2 =	vld.idx.msk [tilespmem:v2+s9+$0x0], $0xffff  }
0x25e: {  	v3 =	vld.idx.msk [tilespmem:v3+s9+$0x0], $0xffff  }
0x25f: {  	v4 =	vld.idx.msk [tilespmem:v4+s9+$0x0], $0xffff  }
0x260: {  	v5 =	vld.idx.msk [tilespmem:v5+s9+$0x0], $0xffff  }
0x261: {  	v7 =	vld.idx.msk [tilespmem:v7+s9+$0x0], $0xffff  }
0x262: {  	v8 =	vld.idx.msk [tilespmem:v8+s9+$0x0], $0xffff  }
0x263: {  	v14 =	vld.idx.msk [tilespmem:v14+s9+$0x0], $0xffff  }
0x264: {  	v9 =	vld.idx.msk [tilespmem:v9+s9+$0x0], $0xffff  }
0x265: {  	v10 =	vld.idx.msk [tilespmem:v10+s9+$0x0], $0xffff  }
0x266: {  	v11 =	vld.idx.msk [tilespmem:v11+s9+$0x0], $0xffff  }
0x267: {  	v12 =	vld.idx.msk [tilespmem:v12+s9+$0x0], $0xffff  }
0x268: {  	s10 =	simm.s32 $0x2A80;
	v13 =	vld.idx.msk [tilespmem:v13+s9+$0x0], $0xffff  }
0x269: {  	[tilespmem:v6+s10+$0x0] =	vst.idx.add.s32.msk $0xffff, v0  }
0x26a: {  	v0 =	vld.idx.msk [tilespmem:v62+s9+$0x0], $0xffff  }
0x26b: {  	v6 =	vld.idx.msk [tilespmem:v63+s9+$0x0], $0xffff  }
0x26c: {  	[tilespmem:v15+s10+$0x0] =	vst.idx.add.s32.msk $0xffff, v14  }
0x26d: {  	[tilespmem:v16+s10+$0x0] =	vst.idx.add.s32.msk $0xffff, v1  }
0x26e: {  	[tilespmem:v17+s10+$0x0] =	vst.idx.add.s32.msk $0xffff, v2  }
0x26f: {  	[tilespmem:v18+s10+$0x0] =	vst.idx.add.s32.msk $0xffff, v3  }
0x270: {  	[tilespmem:v19+s10+$0x0] =	vst.idx.add.s32.msk $0xffff, v4  }
0x271: {  	[tilespmem:v20+s10+$0x0] =	vst.idx.add.s32.msk $0xffff, v5  }
0x272: {  	[tilespmem:v21+s10+$0x0] =	vst.idx.add.s32.msk $0xffff, v7  }
0x273: {  	[tilespmem:v22+s10+$0x0] =	vst.idx.add.s32.msk $0xffff, v8  }
0x274: {  	[tilespmem:v23+s10+$0x0] =	vst.idx.add.s32.msk $0xffff, v9  }
0x275: {  	[tilespmem:v24+s10+$0x0] =	vst.idx.add.s32.msk $0xffff, v10  }
0x276: {  	[tilespmem:v25+s10+$0x0] =	vst.idx.add.s32.msk $0xffff, v11  }
0x277: {  	[tilespmem:v26+s10+$0x0] =	vst.idx.add.s32.msk $0xffff, v12  }
0x278: {  	[tilespmem:v29+s10+$0x0] =	vst.idx.add.s32.msk $0xffff, v13  }
0x279: {  	[tilespmem:v27+s10+$0x0] =	vst.idx.add.s32.msk $0xffff, v0  }
0x27a: {  	s12 =	simm.s32 $0x7C00;
	s11 =	simm.s32 $0x0;
	[tilespmem:v28+s10+$0x0] =	vst.idx.add.s32.msk $0xffff, v6  }
.LBB2_15:
0x27b: {  	v0 =	vld [tilespmem:s12+$0x70];
	s11 =	sadd.s32 $0x10, s11  }
0x27c: {  	v1 =	vld [tilespmem:s12+$0xFFFFFF90];
	p0 =	slt.u32 s11, $0x4D0  }
0x27d: {  	v2 =	vld [tilespmem:s12+$0xFFFFFFA0]  }
0x27e: {  	v3 =	vld [tilespmem:s12+$0xFFFFFFB0]  }
0x27f: {  	v4 =	vld [tilespmem:s12+$0xFFFFFFC0]  }
0x280: {  	s8 =	sadd.s32 $0x100, s8;
	v5 =	vld [tilespmem:s12+$0xFFFFFFD0]  }
0x281: {  	v6 =	vld [tilespmem:s8+$0x70]  }
0x282: {  	v7 =	vld [tilespmem:s12+$0xFFFFFFE0]  }
0x283: {  	v0 =	vld.idx.msk [tilespmem:v0+s9+$0x0], $0xffff  }
0x284: {  	v8 =	vld [tilespmem:s12+$0xFFFFFFF0]  }
0x285: {  	v9 =	vld [tilespmem:s12+$0x0]  }
0x286: {  	v10 =	vld [tilespmem:s12+$0x10]  }
0x287: {  	v11 =	vld [tilespmem:s12+$0x20]  }
0x288: {  	v12 =	vld [tilespmem:s12+$0x30]  }
0x289: {  	[tilespmem:v6+s10+$0x0] =	vst.idx.add.s32.msk $0xffff, v0  }
0x28a: {  	v0 =	vld [tilespmem:s12+$0x40]  }
0x28b: {  	v6 =	vld [tilespmem:s12+$0x50]  }
0x28c: {  	v13 =	vld [tilespmem:s12+$0x60]  }
0x28d: {  	v14 =	vld [tilespmem:s12+$0xFFFFFF80]  }
0x28e: {  	v1 =	vld.idx.msk [tilespmem:v1+s9+$0x0], $0xffff  }
0x28f: {  	v2 =	vld.idx.msk [tilespmem:v2+s9+$0x0], $0xffff  }
0x290: {  	v3 =	vld.idx.msk [tilespmem:v3+s9+$0x0], $0xffff  }
0x291: {  	v4 =	vld.idx.msk [tilespmem:v4+s9+$0x0], $0xffff  }
0x292: {  	v5 =	vld.idx.msk [tilespmem:v5+s9+$0x0], $0xffff  }
0x293: {  	v7 =	vld.idx.msk [tilespmem:v7+s9+$0x0], $0xffff  }
0x294: {  	v8 =	vld.idx.msk [tilespmem:v8+s9+$0x0], $0xffff  }
0x295: {  	v14 =	vld.idx.msk [tilespmem:v14+s9+$0x0], $0xffff  }
0x296: {  	v9 =	vld.idx.msk [tilespmem:v9+s9+$0x0], $0xffff  }
0x297: {  	v10 =	vld.idx.msk [tilespmem:v10+s9+$0x0], $0xffff  }
0x298: {  	v11 =	vld.idx.msk [tilespmem:v11+s9+$0x0], $0xffff  }
0x299: {  	v12 =	vld.idx.msk [tilespmem:v12+s9+$0x0], $0xffff  }
0x29a: {  	v0 =	vld.idx.msk [tilespmem:v0+s9+$0x0], $0xffff  }
0x29b: {  	v6 =	vld.idx.msk [tilespmem:v6+s9+$0x0], $0xffff  }
0x29c: {  	v13 =	vld.idx.msk [tilespmem:v13+s9+$0x0], $0xffff  }
0x29d: {  	v15 =	vld [tilespmem:s8+$0xFFFFFF80]  }
0x29e: {  	v16 =	vld [tilespmem:s8+$0xFFFFFF90]  }
0x29f: {  	v17 =	vld [tilespmem:s8+$0xFFFFFFA0]  }
0x2a0: {  	v18 =	vld [tilespmem:s8+$0xFFFFFFB0]  }
0x2a1: {  	v19 =	vld [tilespmem:s8+$0xFFFFFFC0]  }
0x2a2: {  	v20 =	vld [tilespmem:s8+$0xFFFFFFD0]  }
0x2a3: {  	v21 =	vld [tilespmem:s8+$0xFFFFFFE0]  }
0x2a4: {  	v22 =	vld [tilespmem:s8+$0xFFFFFFF0]  }
0x2a5: {  	v23 =	vld [tilespmem:s8+$0x0]  }
0x2a6: {  	v24 =	vld [tilespmem:s8+$0x10]  }
0x2a7: {  	v25 =	vld [tilespmem:s8+$0x20]  }
0x2a8: {  	v26 =	vld [tilespmem:s8+$0x30]  }
0x2a9: {  	v27 =	vld [tilespmem:s8+$0x40]  }
0x2aa: {  	v28 =	vld [tilespmem:s8+$0x50]  }
0x2ab: {  	v29 =	vld [tilespmem:s8+$0x60]  }
0x2ac: {  	[tilespmem:v15+s10+$0x0] =	vst.idx.add.s32.msk $0xffff, v14  }
0x2ad: {  	[tilespmem:v16+s10+$0x0] =	vst.idx.add.s32.msk $0xffff, v1  }
0x2ae: {  	[tilespmem:v17+s10+$0x0] =	vst.idx.add.s32.msk $0xffff, v2  }
0x2af: {  	[tilespmem:v18+s10+$0x0] =	vst.idx.add.s32.msk $0xffff, v3  }
0x2b0: {  	[tilespmem:v19+s10+$0x0] =	vst.idx.add.s32.msk $0xffff, v4  }
0x2b1: {  	[tilespmem:v20+s10+$0x0] =	vst.idx.add.s32.msk $0xffff, v5  }
0x2b2: {  	[tilespmem:v21+s10+$0x0] =	vst.idx.add.s32.msk $0xffff, v7  }
0x2b3: {  	[tilespmem:v22+s10+$0x0] =	vst.idx.add.s32.msk $0xffff, v8  }
0x2b4: {  	[tilespmem:v23+s10+$0x0] =	vst.idx.add.s32.msk $0xffff, v9  }
0x2b5: {  	[tilespmem:v24+s10+$0x0] =	vst.idx.add.s32.msk $0xffff, v10  }
.Ltmp7:
0x2b6: {  	[tilespmem:v25+s10+$0x0] =	vst.idx.add.s32.msk $0xffff, v11;
	(pc) =	sbr.rel @p0 .LBB2_15-.Ltmp7, $4  }
0x2b7: {  	[tilespmem:v26+s10+$0x0] =	vst.idx.add.s32.msk $0xffff, v12  }
0x2b8: {  	[tilespmem:v27+s10+$0x0] =	vst.idx.add.s32.msk $0xffff, v0  }
0x2b9: {  	[tilespmem:v28+s10+$0x0] =	vst.idx.add.s32.msk $0xffff, v6  }
0x2ba: {  	s12 =	sadd.s32 $0x100, s12;
	[tilespmem:v29+s10+$0x0] =	vst.idx.add.s32.msk $0xffff, v13  }
0x2bb: {  	s8 =	simm.s32 $0x0;
	s9 =	simm.s32 $0x280;
	s10 =	simm.s32 $0x2A80  }
.LBB2_17:
0x2bc: {  	s11 =	sshra.s32 s8, $0x2  }
0x2bd: {  	v0 =	vld [tilespmem:s11+$0xC880];
	_ =	sdelay $0x4  }
0x2be: {  	v1 =	vld [tilespmem:s11+$0x116A0];
	_ =	sdelay $0x2  }
0x2bf: {  	p0 =	sne.s32 s8, $0x40;
	v0 =	vld.idx.msk [tilespmem:v0+s9+$0x0], $0xffff  }
.Ltmp8:
0x2c0: {  	_ = 	snop;
	(pc) =	sbr.rel @p0 .LBB2_17-.Ltmp8, $2  }
0x2c1: {  	_ =	sdelay $0x2  }
0x2c2: {  	s8 =	sadd.s32 $0x40, s8;
	[tilespmem:v1+s10+$0x0] =	vst.idx.add.s32.msk $0xffff, v0  }
0x2c3: {  	_ =	strace $0x9000004E  }
0x2c4: {  	s8 =	simm.s32 $0x2A80;
	s15 =	simm.s32 $0x4;
	_ =	strace $0x8000004F  }
0x2c5: {  	[spmem:s7] =	stream.linear.scatter [tilespmem:s8], [sflag:$0x4], $0x2800, $0x200038;
	[tilespmem:$0x148D0] =	vst v63  }
0x2c6: {  	_ =	swait.ge [sflag:s15], $0x2800  }
0x2c7: {  	[sflag:s15] =	ssyncset.done $0x0  }
0x2c8: {  	[sflag:s15] =	ssyncadd.s32 $0xFFFFD800  }
0x2c9: {  	s16 =	simm.s32 $0x5280;
	[bflag:$0x0] =	sbarrier.arrive $0xFFFF  }
0x2ca: {  	[tilespmem:s16], [sflag:$0x3] =	stream.linear.gather [spmem:s30], $0x280, $0x200038;
	[tilespmem:$0x148D0] =	vst v63  }
0x2cb: {  	s30 =	simm.s32 $0x5500  }
0x2cc: {  	[tilespmem:s30], [sflag:$0x3] =	stream.linear.gather [spmem:s4], $0x280, $0x200038;
	[tilespmem:$0x148D0] =	vst v63  }
0x2cd: {  	s8 =	simm.s32 $0x5780  }
0x2ce: {  	[tilespmem:s8], [sflag:$0x3] =	stream.linear.gather [spmem:s5], $0x280, $0x200038;
	[tilespmem:$0x148D0] =	vst v63  }
0x2cf: {  	s9 =	simm.s32 $0x5A00  }
0x2d0: {  	[tilespmem:s9], [sflag:$0x3] =	stream.linear.gather [spmem:s2], $0x280, $0x200038;
	[tilespmem:$0x148D0] =	vst v63  }
0x2d1: {  	s10 =	simm.s32 $0x5C80  }
0x2d2: {  	[tilespmem:s10], [sflag:$0x3] =	stream.linear.gather [spmem:s31], $0x280, $0x200038;
	[tilespmem:$0x148D0] =	vst v63  }
0x2d3: {  	s11 =	simm.s32 $0x5F00  }
0x2d4: {  	[tilespmem:s11], [sflag:$0x3] =	stream.linear.gather [spmem:s1], $0x280, $0x200038;
	[tilespmem:$0x148D0] =	vst v63  }
0x2d5: {  	s12 =	simm.s32 $0x6180  }
0x2d6: {  	[tilespmem:s12], [sflag:$0x3] =	stream.linear.gather [spmem:s29], $0x280, $0x200038;
	[tilespmem:$0x148D0] =	vst v63  }
0x2d7: {  	s13 =	simm.s32 $0x6400  }
0x2d8: {  	[tilespmem:s13], [sflag:$0x3] =	stream.linear.gather [spmem:s25], $0x280, $0x200038;
	[tilespmem:$0x148D0] =	vst v63  }
0x2d9: {  	s14 =	simm.s32 $0x6680  }
0x2da: {  	[tilespmem:s14], [sflag:$0x3] =	stream.linear.gather [spmem:s26], $0x280, $0x200038;
	[tilespmem:$0x148D0] =	vst v63  }
0x2db: {  	s15 =	simm.s32 $0x6900  }
0x2dc: {  	[tilespmem:s15], [sflag:$0x3] =	stream.linear.gather [spmem:s22], $0x280, $0x200038;
	[tilespmem:$0x148D0] =	vst v63  }
0x2dd: {  	s16 =	simm.s32 $0x6B80  }
0x2de: {  	[tilespmem:s16], [sflag:$0x3] =	stream.linear.gather [spmem:s20], $0x280, $0x200038;
	[tilespmem:$0x148D0] =	vst v63  }
0x2df: {  	s22 =	simm.s32 $0x6E00  }
0x2e0: {  	[tilespmem:s22], [sflag:$0x3] =	stream.linear.gather [spmem:s23], $0x280, $0x200038;
	[tilespmem:$0x148D0] =	vst v63  }
0x2e1: {  	s25 =	simm.s32 $0x7080  }
0x2e2: {  	[tilespmem:s25], [sflag:$0x3] =	stream.linear.gather [spmem:s21], $0x280, $0x200038;
	[tilespmem:$0x148D0] =	vst v63  }
0x2e3: {  	s26 =	simm.s32 $0x7300  }
0x2e4: {  	[tilespmem:s26], [sflag:$0x3] =	stream.linear.gather [spmem:s28], $0x280, $0x200038;
	[tilespmem:$0x148D0] =	vst v63  }
0x2e5: {  	s29 =	simm.s32 $0x7580  }
0x2e6: {  	[tilespmem:s29], [sflag:$0x3] =	stream.linear.gather [spmem:s24], $0x280, $0x200038;
	[tilespmem:$0x148D0] =	vst v63  }
0x2e7: {  	s30 =	simm.s32 $0x7800;
	s31 =	simm.s32 $0x3  }
0x2e8: {  	[tilespmem:s30], [sflag:$0x3] =	stream.linear.gather [spmem:s6], $0x280, $0x200038;
	[tilespmem:$0x148D0] =	vst v63  }
0x2e9: {  	_ =	swait.ge [sflag:s31], $0x280  }
0x2ea: {  	[sflag:s31] =	ssyncset.done $0x0  }
0x2eb: {  	[sflag:s31] =	ssyncadd.s32 $0xFFFFFD80  }
0x2ec: {  	_ =	swait.ge [sflag:s31], $0x280  }
0x2ed: {  	[sflag:s31] =	ssyncset.done $0x0  }
0x2ee: {  	[sflag:s31] =	ssyncadd.s32 $0xFFFFFD80  }
0x2ef: {  	_ =	swait.ge [sflag:s31], $0x280  }
0x2f0: {  	[sflag:s31] =	ssyncset.done $0x0  }
0x2f1: {  	[sflag:s31] =	ssyncadd.s32 $0xFFFFFD80  }
0x2f2: {  	_ =	swait.ge [sflag:s31], $0x280  }
0x2f3: {  	[sflag:s31] =	ssyncset.done $0x0  }
0x2f4: {  	[sflag:s31] =	ssyncadd.s32 $0xFFFFFD80  }
0x2f5: {  	_ =	swait.ge [sflag:s31], $0x280  }
0x2f6: {  	[sflag:s31] =	ssyncset.done $0x0  }
0x2f7: {  	[sflag:s31] =	ssyncadd.s32 $0xFFFFFD80  }
0x2f8: {  	_ =	swait.ge [sflag:s31], $0x280  }
0x2f9: {  	[sflag:s31] =	ssyncset.done $0x0  }
0x2fa: {  	[sflag:s31] =	ssyncadd.s32 $0xFFFFFD80  }
0x2fb: {  	_ =	swait.ge [sflag:s31], $0x280  }
0x2fc: {  	[sflag:s31] =	ssyncset.done $0x0  }
0x2fd: {  	[sflag:s31] =	ssyncadd.s32 $0xFFFFFD80  }
0x2fe: {  	_ =	swait.ge [sflag:s31], $0x280  }
0x2ff: {  	[sflag:s31] =	ssyncset.done $0x0  }
0x300: {  	[sflag:s31] =	ssyncadd.s32 $0xFFFFFD80  }
0x301: {  	_ =	swait.ge [sflag:s31], $0x280  }
0x302: {  	[sflag:s31] =	ssyncset.done $0x0  }
0x303: {  	[sflag:s31] =	ssyncadd.s32 $0xFFFFFD80  }
0x304: {  	_ =	swait.ge [sflag:s31], $0x280  }
0x305: {  	[sflag:s31] =	ssyncset.done $0x0  }
0x306: {  	[sflag:s31] =	ssyncadd.s32 $0xFFFFFD80  }
0x307: {  	_ =	swait.ge [sflag:s31], $0x280  }
0x308: {  	[sflag:s31] =	ssyncset.done $0x0  }
0x309: {  	[sflag:s31] =	ssyncadd.s32 $0xFFFFFD80  }
0x30a: {  	_ =	swait.ge [sflag:s31], $0x280  }
0x30b: {  	[sflag:s31] =	ssyncset.done $0x0  }
0x30c: {  	[sflag:s31] =	ssyncadd.s32 $0xFFFFFD80  }
0x30d: {  	_ =	swait.ge [sflag:s31], $0x280  }
0x30e: {  	[sflag:s31] =	ssyncset.done $0x0  }
0x30f: {  	[sflag:s31] =	ssyncadd.s32 $0xFFFFFD80  }
0x310: {  	_ =	swait.ge [sflag:s31], $0x280  }
0x311: {  	[sflag:s31] =	ssyncset.done $0x0  }
0x312: {  	[sflag:s31] =	ssyncadd.s32 $0xFFFFFD80  }
0x313: {  	_ =	swait.ge [sflag:s31], $0x280  }
0x314: {  	[sflag:s31] =	ssyncset.done $0x0  }
0x315: {  	[sflag:s31] =	ssyncadd.s32 $0xFFFFFD80  }
0x316: {  	_ =	swait.ge [sflag:s31], $0x280  }
0x317: {  	[sflag:s31] =	ssyncset.done $0x0  }
0x318: {  	[sflag:s31] =	ssyncadd.s32 $0xFFFFFD80  }
0x319: {  	v0 =	vld [tilespmem:s14+$0xF30]  }
0x31a: {  	v1 =	vld [tilespmem:s14+$0xFFFFEC30]  }
0x31b: {  	v2 =	vld [tilespmem:s14+$0xFFFFEEB0]  }
0x31c: {  	v3 =	vld [tilespmem:s14+$0xFFFFF130]  }
0x31d: {  	v4 =	vld [tilespmem:s14+$0xFFFFF3B0]  }
0x31e: {  	v5 =	vld [tilespmem:s14+$0xFFFFF630]  }
0x31f: {  	v6 =	vld [tilespmem:s14+$0xFFFFF8B0]  }
0x320: {  	v7 =	vld [tilespmem:s14+$0xFFFFFB30]  }
0x321: {  	v8 =	vld [tilespmem:s14+$0xFFFFFDB0]  }
0x322: {  	v9 =	vld [tilespmem:s14+$0x30]  }
0x323: {  	v10 =	vld [tilespmem:s14+$0x2B0]  }
0x324: {  	v11 =	vld [tilespmem:s14+$0x530]  }
0x325: {  	v12 =	vld [tilespmem:s14+$0x7B0]  }
0x326: {  	v13 =	vld [tilespmem:s14+$0xA30]  }
0x327: {  	s1 =	simm.s32 $0x20;
	v14 =	vld [tilespmem:s14+$0xCB0]  }
0x328: {  	v15 =	vld [tilespmem:s1+$0x10]  }
0x329: {  	v16 =	vld [tilespmem:s14+$0x11B0]  }
0x32a: {  	v17 =	vld [tilespmem:s14+$0xFFFFEE80]  }
0x32b: {  	v18 =	vld [tilespmem:s14+$0xFFFFEC10]  }
0x32c: {  	v19 =	vld [tilespmem:s14+$0xFFFFEE90]  }
0x32d: {  	v20 =	vld [tilespmem:s14+$0xFFFFEC20]  }
0x32e: {  	v21 =	vld [tilespmem:s14+$0xFFFFEEA0]  }
0x32f: {  	v22 =	vld [tilespmem:s14+$0xFFFFEC00]  }
0x330: {  	v23 =	vld [tilespmem:s14+$0xFFFFF100]  }
0x331: {  	v24 =	vld [tilespmem:s14+$0xFFFFF110]  }
0x332: {  	v25 =	vld [tilespmem:s14+$0xFFFFF120]  }
0x333: {  	v26 =	vld [tilespmem:s14+$0xFFFFF380]  }
0x334: {  	v27 =	vld [tilespmem:s14+$0xFFFFF390]  }
0x335: {  	v28 =	vld [tilespmem:s14+$0xFFFFF3A0]  }
0x336: {  	v29 =	vld [tilespmem:s14+$0xFFFFF600]  }
0x337: {  	v30 =	vld [tilespmem:s14+$0xFFFFF610]  }
0x338: {  	v31 =	vld [tilespmem:s14+$0xFFFFF620]  }
0x339: {  	v51 =	vld [tilespmem:s14+$0x10];
	v1 =	vadd.s32 v1, v2  }
0x33a: {  	v52 =	vld [tilespmem:s14+$0x20];
	v1 =	vadd.s32 v3, v1  }
0x33b: {  	v53 =	vld [tilespmem:s14+$0x280];
	v1 =	vadd.s32 v4, v1  }
0x33c: {  	v54 =	vld [tilespmem:s14+$0x290];
	v1 =	vadd.s32 v5, v1  }
0x33d: {  	v55 =	vld [tilespmem:s14+$0x2A0];
	v1 =	vadd.s32 v6, v1  }
0x33e: {  	v32 =	vld [tilespmem:s14+$0x510];
	v1 =	vadd.s32 v7, v1  }
0x33f: {  	v33 =	vld [tilespmem:s14+$0x520];
	v1 =	vadd.s32 v8, v1  }
0x340: {  	v35 =	vld [tilespmem:s14+$0x780];
	v1 =	vadd.s32 v9, v1  }
0x341: {  	v56 =	vld [tilespmem:s14+$0x790];
	v1 =	vadd.s32 v10, v1  }
0x342: {  	v36 =	vld [tilespmem:s14+$0x7A0];
	v1 =	vadd.s32 v11, v1  }
0x343: {  	v58 =	vld [tilespmem:s14+$0xA00];
	v1 =	vadd.s32 v12, v1  }
0x344: {  	v60 =	vld [tilespmem:s14+$0xA10];
	v1 =	vadd.s32 v13, v1  }
0x345: {  	v61 =	vld [tilespmem:s14+$0xA20];
	v1 =	vadd.s32 v14, v1  }
0x346: {  	v62 =	vld [tilespmem:s14+$0xC80];
	v0 =	vadd.s32 v0, v1;
	v1 =	vmul.u32 $0x9E3779B1, v15  }
0x347: {  	v2 =	vld [tilespmem:s14+$0xFFFFF880];
	v0 =	vadd.s32 v16, v0  }
0x348: {  	v3 =	vld [tilespmem:s14+$0xFFFFF890];
	v0 =	vxor.u32 v0, v1  }
0x349: {  	v4 =	vld [tilespmem:s14+$0xFFFFF8A0];
	v0 =	vmul.u32 $0x85EBCA6B, v0  }
0x34a: {  	v5 =	vld [tilespmem:s14+$0xFFFFFB00]  }
0x34b: {  	v6 =	vld [tilespmem:s14+$0xFFFFFB10];
	v34 =	vshrl.u32 v0, $0xD  }
0x34c: {  	v18 =	vadd.s32 v18, v19;
	v57 =	vadd.s32 v20, v21;
	v7 =	vld [tilespmem:s14+$0xFFFFFB20];
	v0 =	vxor.u32 v0, v34  }
0x34d: {  	v17 =	vadd.s32 v22, v17;
	v18 =	vadd.s32 v24, v18;
	v8 =	vld [tilespmem:s14+$0xFFFFFD80];
	v0 =	vmul.u32 $0xC2B2AE35, v0  }
0x34e: {  	v17 =	vadd.s32 v23, v17;
	v19 =	vadd.s32 v25, v57;
	v18 =	vadd.s32 v27, v18;
	v9 =	vld [tilespmem:s14+$0xFFFFFD90]  }
0x34f: {  	v19 =	vadd.s32 v28, v19;
	v18 =	vadd.s32 v30, v18;
	v10 =	vld [tilespmem:s14+$0xFFFFFDA0];
	v59 =	vshrl.u32 v0, $0x10  }
0x350: {  	v3 =	vadd.s32 v3, v18;
	v11 =	vld [tilespmem:s14+$0x0];
	v21 =	vxor.u32 v0, v59;
	v0 =	vadd.s32 v26, v17  }
0x351: {  	v19 =	vadd.s32 v31, v19;
	v3 =	vadd.s32 v6, v3;
	v6 =	vld [tilespmem:s14+$0xF00];
	v0 =	vadd.s32 v29, v0  }
0x352: {  	v4 =	vadd.s32 v4, v19;
	v1 =	vld [tilespmem:s14+$0x500];
	v0 =	vadd.s32 v2, v0  }
0x353: {  	v4 =	vadd.s32 v7, v4;
	v7 =	vld [tilespmem:s1+$0xFFFFFFE0];
	v0 =	vadd.s32 v5, v0  }
0x354: {  	v4 =	vadd.s32 v10, v4;
	v10 =	vld [tilespmem:s1+$0xFFFFFFF0];
	v0 =	vadd.s32 v8, v0  }
0x355: {  	v3 =	vadd.s32 v9, v3;
	v2 =	vld [tilespmem:s14+$0xC90];
	v0 =	vadd.s32 v11, v0  }
0x356: {  	v3 =	vadd.s32 v51, v3;
	v4 =	vadd.s32 v52, v4;
	v5 =	vld [tilespmem:s14+$0xCA0];
	v0 =	vadd.s32 v53, v0  }
0x357: {  	v3 =	vadd.s32 v54, v3;
	v4 =	vadd.s32 v55, v4;
	v8 =	vld [tilespmem:s14+$0xF10];
	v0 =	vadd.s32 v1, v0  }
0x358: {  	v1 =	vadd.s32 v32, v3;
	v3 =	vadd.s32 v33, v4;
	v4 =	vadd.s32 v35, v0;
	v0 =	vld [tilespmem:s14+$0xF20]  }
0x359: {  	v9 =	vadd.s32 v56, v1;
	v3 =	vadd.s32 v36, v3;
	v1 =	vld [tilespmem:s1+$0x0];
	v4 =	vadd.s32 v58, v4  }
0x35a: {  	v9 =	vadd.s32 v60, v9;
	v11 =	vadd.s32 v61, v3;
	v3 =	vld [tilespmem:s14+$0x1180];
	v4 =	vadd.s32 v62, v4  }
0x35b: {  	v7 =	vmul.u32 $0x9E3779B1, v7;
	v63 =	vadd.s32 v2, v9;
	v2 =	vadd.s32 v6, v4;
	v4 =	vld [tilespmem:s14+$0x1190]  }
0x35c: {  	s4 =	simm.s32 $0x66C0;
	s5 =	simm.s32 $0x20;
	s2 =	simm.s32 $0x0;
	[tilespmem:s1+$0x10] =	vst v21;
	v9 =	vadd.s32 v5, v11;
	v5 =	vmul.u32 $0x9E3779B1, v10;
	v8 =	vadd.s32 v8, v63;
	v6 =	vld [tilespmem:s14+$0x11A0]  }
.LBB2_19:
0x35d: {  	v10 =	vld [tilespmem:s4+$0xF30];
	v0 =	vadd.s32 v0, v9  }
0x35e: {  	v9 =	vld [tilespmem:s4+$0xFFFFEC30];
	v1 =	vmul.u32 $0x9E3779B1, v1  }
0x35f: {  	s2 =	sadd.s32 $0x4, s2;
	v11 =	vld [tilespmem:s4+$0xFFFFEEB0];
	v2 =	vadd.s32 v3, v2  }
0x360: {  	p0 =	slt.u32 s2, $0x24;
	v3 =	vld [tilespmem:s4+$0xFFFFF130];
	v2 =	vxor.u32 v2, v7;
	v4 =	vadd.s32 v4, v8  }
0x361: {  	v7 =	vld [tilespmem:s4+$0xFFFFF3B0];
	v2 =	vmul.u32 $0x85EBCA6B, v2;
	v4 =	vxor.u32 v4, v5;
	v0 =	vadd.s32 v6, v0  }
0x362: {  	v5 =	vld [tilespmem:s4+$0xFFFFF630];
	v4 =	vmul.u32 $0x85EBCA6B, v4;
	v0 =	vxor.u32 v0, v1  }
0x363: {  	v1 =	vld [tilespmem:s4+$0xFFFFF8B0];
	v6 =	vshrl.u32 v2, $0xD;
	v0 =	vmul.u32 $0x85EBCA6B, v0  }
0x364: {  	v8 =	vadd.s32 v9, v11;
	v9 =	vld [tilespmem:s4+$0xFFFFFB30];
	v2 =	vxor.u32 v2, v6;
	v6 =	vshrl.u32 v4, $0xD  }
0x365: {  	v3 =	vadd.s32 v3, v8;
	v8 =	vld [tilespmem:s4+$0xFFFFFDB0];
	v4 =	vxor.u32 v4, v6;
	v6 =	vshrl.u32 v0, $0xD  }
0x366: {  	v2 =	vmul.u32 $0xC2B2AE35, v2;
	v3 =	vadd.s32 v7, v3;
	v7 =	vld [tilespmem:s4+$0x30];
	v0 =	vxor.u32 v0, v6  }
0x367: {  	v4 =	vmul.u32 $0xC2B2AE35, v4;
	v3 =	vadd.s32 v5, v3;
	v5 =	vld [tilespmem:s4+$0x2B0];
	v0 =	vmul.u32 $0xC2B2AE35, v0  }
0x368: {  	v6 =	vshrl.u32 v2, $0x10;
	v1 =	vadd.s32 v1, v3;
	v3 =	vld [tilespmem:s4+$0x530]  }
0x369: {  	v11 =	vshrl.u32 v4, $0x10;
	v1 =	vadd.s32 v9, v1;
	v9 =	vld [tilespmem:s4+$0x7B0];
	v12 =	vshrl.u32 v0, $0x10  }
0x36a: {  	v2 =	vxor.u32 v2, v6;
	v4 =	vxor.u32 v4, v11;
	v1 =	vadd.s32 v8, v1;
	v8 =	vld [tilespmem:s4+$0xA30]  }
0x36b: {  	s5 =	sadd.s32 $0x40, s5;
	v0 =	vxor.u32 v0, v12;
	v1 =	vadd.s32 v7, v1;
	v6 =	vld [tilespmem:s4+$0xCB0];
	[tilespmem:s1+$0xFFFFFFE0] =	vst v2  }
0x36c: {  	v1 =	vadd.s32 v5, v1;
	v2 =	vld [tilespmem:s5+$0x10];
	[tilespmem:s1+$0xFFFFFFF0] =	vst v4  }
0x36d: {  	v1 =	vadd.s32 v3, v1;
	v3 =	vld [tilespmem:s4+$0x11B0];
	[tilespmem:s1+$0x0] =	vst v0;
	s1 =	smov.u32 s5  }
0x36e: {  	v0 =	vld [tilespmem:s4+$0xFFFFEE80];
	v1 =	vadd.s32 v9, v1  }
0x36f: {  	v4 =	vld [tilespmem:s4+$0xFFFFEC10];
	v1 =	vadd.s32 v8, v1  }
0x370: {  	v5 =	vld [tilespmem:s4+$0xFFFFEE90];
	v1 =	vadd.s32 v6, v1  }
0x371: {  	v6 =	vld [tilespmem:s4+$0xFFFFEC20];
	v1 =	vadd.s32 v10, v1;
	v2 =	vmul.u32 $0x9E3779B1, v2  }
0x372: {  	v7 =	vld [tilespmem:s4+$0xFFFFEEA0];
	v1 =	vadd.s32 v3, v1  }
0x373: {  	v3 =	vld [tilespmem:s4+$0xFFFFEC00];
	v1 =	vxor.u32 v1, v2  }
0x374: {  	v2 =	vld [tilespmem:s4+$0xFFFFF100];
	v1 =	vmul.u32 $0x85EBCA6B, v1  }
0x375: {  	v4 =	vadd.s32 v4, v5;
	v5 =	vld [tilespmem:s4+$0xFFFFF110]  }
0x376: {  	v8 =	vld [tilespmem:s4+$0xFFFFF120];
	v9 =	vshrl.u32 v1, $0xD  }
0x377: {  	v10 =	vld [tilespmem:s4+$0xFFFFF380];
	v6 =	vadd.s32 v6, v7;
	v1 =	vxor.u32 v1, v9  }
0x378: {  	v0 =	vadd.s32 v3, v0;
	v3 =	vld [tilespmem:s4+$0xFFFFF390];
	v1 =	vmul.u32 $0xC2B2AE35, v1  }
0x379: {  	v0 =	vadd.s32 v2, v0;
	v2 =	vld [tilespmem:s4+$0xFFFFF3A0]  }
0x37a: {  	v7 =	vld [tilespmem:s4+$0xFFFFF600];
	v4 =	vadd.s32 v5, v4;
	v5 =	vshrl.u32 v1, $0x10  }
0x37b: {  	v9 =	vld [tilespmem:s4+$0xFFFFF610];
	v6 =	vadd.s32 v8, v6;
	v1 =	vxor.u32 v1, v5  }
0x37c: {  	v0 =	vadd.s32 v10, v0;
	v5 =	vld [tilespmem:s4+$0xFFFFF620];
	[tilespmem:s5+$0x10] =	vst v1  }
0x37d: {  	v1 =	vld [tilespmem:s4+$0xFFFFF880];
	v3 =	vadd.s32 v3, v4  }
0x37e: {  	v4 =	vld [tilespmem:s4+$0xFFFFF890];
	v2 =	vadd.s32 v2, v6  }
0x37f: {  	v0 =	vadd.s32 v7, v0;
	v6 =	vld [tilespmem:s4+$0xFFFFF8A0]  }
0x380: {  	v7 =	vld [tilespmem:s4+$0xFFFFFB00];
	v3 =	vadd.s32 v9, v3  }
0x381: {  	v8 =	vld [tilespmem:s4+$0xFFFFFB10];
	v2 =	vadd.s32 v5, v2  }
0x382: {  	v0 =	vadd.s32 v1, v0;
	v1 =	vld [tilespmem:s4+$0xFFFFFB20]  }
0x383: {  	v5 =	vld [tilespmem:s4+$0xFFFFFD80];
	v3 =	vadd.s32 v4, v3  }
0x384: {  	v4 =	vld [tilespmem:s4+$0xFFFFFD90];
	v2 =	vadd.s32 v6, v2  }
0x385: {  	v0 =	vadd.s32 v7, v0;
	v6 =	vld [tilespmem:s4+$0xFFFFFDA0]  }
0x386: {  	v7 =	vld [tilespmem:s4+$0x0];
	v3 =	vadd.s32 v8, v3  }
0x387: {  	v8 =	vld [tilespmem:s4+$0x10];
	v1 =	vadd.s32 v1, v2  }
0x388: {  	v0 =	vadd.s32 v5, v0;
	v2 =	vld [tilespmem:s4+$0x20]  }
0x389: {  	v5 =	vld [tilespmem:s4+$0x280];
	v3 =	vadd.s32 v4, v3  }
0x38a: {  	v4 =	vld [tilespmem:s4+$0x290];
	v1 =	vadd.s32 v6, v1  }
0x38b: {  	v0 =	vadd.s32 v7, v0;
	v6 =	vld [tilespmem:s4+$0x2A0]  }
0x38c: {  	v7 =	vld [tilespmem:s4+$0x500];
	v3 =	vadd.s32 v8, v3  }
0x38d: {  	v8 =	vld [tilespmem:s4+$0x510];
	v1 =	vadd.s32 v2, v1  }
0x38e: {  	v0 =	vadd.s32 v5, v0;
	v2 =	vld [tilespmem:s4+$0x520]  }
0x38f: {  	v5 =	vld [tilespmem:s4+$0x780];
	v3 =	vadd.s32 v4, v3  }
0x390: {  	v4 =	vld [tilespmem:s4+$0x790];
	v1 =	vadd.s32 v6, v1  }
0x391: {  	v0 =	vadd.s32 v7, v0;
	v6 =	vld [tilespmem:s4+$0x7A0]  }
0x392: {  	v7 =	vld [tilespmem:s4+$0xA00];
	v3 =	vadd.s32 v8, v3  }
0x393: {  	v8 =	vld [tilespmem:s4+$0xA10];
	v1 =	vadd.s32 v2, v1  }
0x394: {  	v0 =	vadd.s32 v5, v0;
	v2 =	vld [tilespmem:s4+$0xA20]  }
0x395: {  	v5 =	vld [tilespmem:s4+$0xC80];
	v3 =	vadd.s32 v4, v3  }
0x396: {  	v4 =	vld [tilespmem:s4+$0xC90];
	v1 =	vadd.s32 v6, v1  }
0x397: {  	v0 =	vadd.s32 v7, v0;
	v6 =	vld [tilespmem:s4+$0xCA0]  }
0x398: {  	v7 =	vld [tilespmem:s4+$0xF00];
	v3 =	vadd.s32 v8, v3  }
0x399: {  	v8 =	vld [tilespmem:s5+$0xFFFFFFE0];
	v1 =	vadd.s32 v2, v1  }
0x39a: {  	v2 =	vadd.s32 v5, v0;
	v5 =	vld [tilespmem:s4+$0xF10]  }
0x39b: {  	v4 =	vadd.s32 v4, v3;
	v10 =	vld [tilespmem:s5+$0xFFFFFFF0]  }
.Ltmp9:
0x39c: {  	v9 =	vadd.s32 v6, v1;
	v0 =	vld [tilespmem:s4+$0xF20];
	(pc) =	sbr.rel @p0 .LBB2_19-.Ltmp9, $4  }
0x39d: {  	v2 =	vadd.s32 v7, v2;
	v1 =	vld [tilespmem:s5+$0x0]  }
0x39e: {  	v3 =	vld [tilespmem:s4+$0x1180];
	v7 =	vmul.u32 $0x9E3779B1, v8  }
0x39f: {  	v8 =	vadd.s32 v5, v4;
	v4 =	vld [tilespmem:s4+$0x1190]  }
0x3a0: {  	v5 =	vmul.u32 $0x9E3779B1, v10;
	v6 =	vld [tilespmem:s4+$0x11A0];
	s4 =	sadd.s32 $0x40, s4  }
0x3a1: {  	_ =	sdelay $0x1  }
0x3a2: {  	v0 =	vadd.s32 v0, v9;
	v2 =	vadd.s32 v3, v2  }
0x3a3: {  	v1 =	vmul.u32 $0x9E3779B1, v1;
	v2 =	vxor.u32 v2, v7;
	v3 =	vadd.s32 v4, v8  }
0x3a4: {  	v2 =	vmul.u32 $0x85EBCA6B, v2;
	v3 =	vxor.u32 v3, v5;
	v0 =	vadd.s32 v6, v0  }
0x3a5: {  	v3 =	vmul.u32 $0x85EBCA6B, v3;
	v0 =	vxor.u32 v0, v1  }
0x3a6: {  	v1 =	vshrl.u32 v2, $0xD;
	v0 =	vmul.u32 $0x85EBCA6B, v0  }
0x3a7: {  	v1 =	vxor.u32 v2, v1;
	v2 =	vshrl.u32 v3, $0xD  }
0x3a8: {  	v2 =	vxor.u32 v3, v2;
	v3 =	vshrl.u32 v0, $0xD;
	v1 =	vmul.u32 $0xC2B2AE35, v1  }
0x3a9: {  	v0 =	vxor.u32 v0, v3;
	v2 =	vmul.u32 $0xC2B2AE35, v2  }
0x3aa: {  	v0 =	vmul.u32 $0xC2B2AE35, v0;
	v3 =	vshrl.u32 v1, $0x10  }
0x3ab: {  	v63 =	vshrl.u32 v2, $0x10;
	v1 =	vxor.u32 v1, v3  }
0x3ac: {  	v3 =	vshrl.u32 v0, $0x10;
	v2 =	vxor.u32 v2, v63;
	[tilespmem:s1+$0xFFFFFFE0] =	vst v1  }
0x3ad: {  	v0 =	vxor.u32 v0, v3;
	[tilespmem:s1+$0xFFFFFFF0] =	vst v2  }
0x3ae: {  	[tilespmem:s1+$0x0] =	vst v0  }
0x3af: {  	s1 =	simm.s32 $0x11980;
	v0 =	vimm.s32 $0x0;
	_ =	strace $0x9000004F  }
0x3b0: {  	_ =	strace $0x80000050;
	[tilespmem:s1+$0xFFFFFFC0] =	vst v0  }
0x3b1: {  	[tilespmem:s1+$0x30] =	vst v0  }
0x3b2: {  	[tilespmem:s1+$0x20] =	vst v0  }
0x3b3: {  	[tilespmem:s1+$0x10] =	vst v0  }
0x3b4: {  	[tilespmem:s1+$0x0] =	vst v0  }
0x3b5: {  	[tilespmem:s1+$0xFFFFFFF0] =	vst v0  }
0x3b6: {  	s2 =	simm.s32 $0x0;
	[tilespmem:s1+$0xFFFFFFE0] =	vst v0  }
.LBB2_21:
0x3b7: {  	s2 =	sadd.s32 $0x8, s2;
	[tilespmem:s1+$0xFFFFFFD0] =	vst v0;
	s1 =	sadd.s32 $0x80, s1  }
0x3b8: {  	[tilespmem:s1+$0xFFFFFFC0] =	vst v0;
	p0 =	slt.u32 s2, $0x18  }
0x3b9: {  	[tilespmem:s1+$0x30] =	vst v0  }
.Ltmp10:
0x3ba: {  	[tilespmem:s1+$0x20] =	vst v0;
	(pc) =	sbr.rel @p0 .LBB2_21-.Ltmp10, $4  }
0x3bb: {  	[tilespmem:s1+$0x10] =	vst v0  }
0x3bc: {  	[tilespmem:s1+$0x0] =	vst v0  }
0x3bd: {  	[tilespmem:s1+$0xFFFFFFF0] =	vst v0  }
0x3be: {  	[tilespmem:s1+$0xFFFFFFE0] =	vst v0  }
0x3bf: {  	[tilespmem:s1+$0xFFFFFFD0] =	vst v0;
	s1 =	simm.s32 $0x40  }
0x3c0: {  	v0 =	vld [tilespmem:s1+$0xFFFFFFF0]  }
0x3c1: {  	v1 =	vld [tilespmem:s1+$0x20]  }
0x3c2: {  	v2 =	vld [tilespmem:s1+$0x30]  }
0x3c3: {  	v3 =	vld [tilespmem:s1+$0xFFFFFFC0]  }
0x3c4: {  	v4 =	vld [tilespmem:s1+$0x10]  }
0x3c5: {  	v5 =	vld [tilespmem:s1+$0x0];
	_ =	sdelay $0x1  }
0x3c6: {  	s2 =	simm.s32 $0x11700  }
0x3c7: {  	v6 =	vld [tilespmem:s2+$0x20]  }
0x3c8: {  	v8 =	vld [tilespmem:s2+$0xFFFFFFC0];
	v7 =	vmul.u32 $0x85EBCA6B, v2;
	v2 =	vmul.u32 $0x85EBCA6B, v3;
	v1 =	vmul.u32 $0x85EBCA6B, v1  }
0x3c9: {  	v12 =	vld [tilespmem:s2+$0x30];
	v9 =	vmul.u32 $0x85EBCA6B, v0;
	v0 =	vmul.u32 $0x85EBCA6B, v4;
	v5 =	vmul.u32 $0x85EBCA6B, v5  }
0x3ca: {  	v3 =	vld [tilespmem:s1+$0xFFFFFFD0];
	v4 =	vshrl.u32 v7, $0xD;
	v10 =	vshrl.u32 v2, $0xD;
	v11 =	vshrl.u32 v1, $0xD  }
0x3cb: {  	v14 =	vld [tilespmem:s2+$0xFFFFFFF0];
	v13 =	vshrl.u32 v0, $0xD;
	v15 =	vshrl.u32 v9, $0xD;
	v2 =	vxor.u32 v2, v10  }
0x3cc: {  	v10 =	vld [tilespmem:s1+$0xFFFFFFE0];
	v1 =	vxor.u32 v1, v11;
	v0 =	vxor.u32 v0, v13;
	v9 =	vxor.u32 v9, v15  }
0x3cd: {  	v11 =	vmul.u32 $0xC2B2AE35, v2;
	v61 =	vmul.u32 $0xC2B2AE35, v1;
	v2 =	vld [tilespmem:s2+$0x10];
	v16 =	vmul.u32 $0xC2B2AE35, v0  }
0x3ce: {  	v1 =	vxor.u32 v7, v4;
	v0 =	vld [tilespmem:s2+$0x0];
	v7 =	vshrl.u32 v5, $0xD;
	v9 =	vmul.u32 $0xC2B2AE35, v9  }
0x3cf: {  	v17 =	vmul.u32 $0xC2B2AE35, v1;
	v1 =	vld [tilespmem:s2+$0xFFFFFFD0];
	v63 =	vmul.u32 $0x85EBCA6B, v3;
	v4 =	vshrl.u32 v61, $0x10  }
0x3d0: {  	s4 =	simm.s32 $0x11940;
	v3 =	vld [tilespmem:s2+$0xFFFFFFE0];
	v5 =	vxor.u32 v5, v7;
	v18 =	vshrl.u32 v11, $0x10;
	v4 =	vxor.u32 v61, v4  }
0x3d1: {  	[tilespmem:v6+s4+$0x0] =	vst.idx.add.s32.msk $0xffff, v4;
	v6 =	vshrl.u32 v17, $0x10;
	v4 =	vmul.u32 $0x85EBCA6B, v10;
	v10 =	vxor.u32 v11, v18  }
0x3d2: {  	v62 =	vshrl.u32 v16, $0x10;
	v11 =	vshrl.u32 v9, $0x10;
	v6 =	vxor.u32 v17, v6;
	[tilespmem:v8+s4+$0x0] =	vst.idx.add.s32.msk $0xffff, v10  }
0x3d3: {  	v5 =	vmul.u32 $0xC2B2AE35, v5;
	v7 =	vxor.u32 v9, v11;
	[tilespmem:v12+s4+$0x0] =	vst.idx.add.s32.msk $0xffff, v6;
	v6 =	vshrl.u32 v63, $0xD  }
0x3d4: {  	s5 =	simm.s32 $0x0;
	v8 =	vshrl.u32 v4, $0xD;
	[tilespmem:v14+s4+$0x0] =	vst.idx.add.s32.msk $0xffff, v7;
	v7 =	vxor.u32 v16, v62;
	v6 =	vxor.u32 v63, v6  }
.LBB2_23:
0x3d5: {  	s5 =	sadd.s32 $0x8, s5;
	v6 =	vmul.u32 $0xC2B2AE35, v6;
	v4 =	vxor.u32 v4, v8;
	v8 =	vshrl.u32 v5, $0x10;
	[tilespmem:v2+s4+$0x0] =	vst.idx.add.s32.msk $0xffff, v7;
	s1 =	sadd.s32 $0x80, s1;
	s2 =	sadd.s32 $0x80, s2  }
0x3d6: {  	v2 =	vld [tilespmem:s1+$0xFFFFFFF0];
	p0 =	slt.u32 s5, $0x20;
	v4 =	vmul.u32 $0xC2B2AE35, v4;
	v5 =	vxor.u32 v5, v8  }
0x3d7: {  	v7 =	vld [tilespmem:s1+$0x0];
	v8 =	vshrl.u32 v6, $0x10  }
0x3d8: {  	v9 =	vld [tilespmem:s1+$0x10];
	v6 =	vxor.u32 v6, v8;
	v8 =	vshrl.u32 v4, $0x10  }
0x3d9: {  	v10 =	vld [tilespmem:s1+$0x20];
	v4 =	vxor.u32 v4, v8  }
0x3da: {  	v8 =	vld [tilespmem:s1+$0x30]  }
0x3db: {  	v11 =	vld [tilespmem:s1+$0xFFFFFFC0]  }
0x3dc: {  	v12 =	vld [tilespmem:s2+$0x20]  }
0x3dd: {  	[tilespmem:v0+s4+$0x0] =	vst.idx.add.s32.msk $0xffff, v5  }
0x3de: {  	[tilespmem:v3+s4+$0x0] =	vst.idx.add.s32.msk $0xffff, v4  }
0x3df: {  	v0 =	vmul.u32 $0x85EBCA6B, v8;
	[tilespmem:v1+s4+$0x0] =	vst.idx.add.s32.msk $0xffff, v6  }
0x3e0: {  	v4 =	vmul.u32 $0x85EBCA6B, v10;
	v1 =	vmul.u32 $0x85EBCA6B, v11;
	v3 =	vld [tilespmem:s1+$0xFFFFFFD0]  }
0x3e1: {  	v6 =	vmul.u32 $0x85EBCA6B, v2;
	v2 =	vmul.u32 $0x85EBCA6B, v9;
	v5 =	vld [tilespmem:s2+$0xFFFFFFC0];
	v8 =	vshrl.u32 v0, $0xD  }
0x3e2: {  	v7 =	vmul.u32 $0x85EBCA6B, v7;
	v10 =	vshrl.u32 v4, $0xD;
	v9 =	vshrl.u32 v1, $0xD;
	v11 =	vld [tilespmem:s2+$0x30]  }
0x3e3: {  	v13 =	vshrl.u32 v2, $0xD;
	v4 =	vxor.u32 v4, v10;
	v1 =	vxor.u32 v1, v9;
	v9 =	vld [tilespmem:s1+$0xFFFFFFE0]  }
0x3e4: {  	v4 =	vmul.u32 $0xC2B2AE35, v4;
	v10 =	vmul.u32 $0xC2B2AE35, v1;
	v14 =	vld [tilespmem:s2+$0xFFFFFFF0];
	v1 =	vxor.u32 v2, v13  }
0x3e5: {  	v13 =	vshrl.u32 v6, $0xD;
	v2 =	vld [tilespmem:s2+$0x10];
	v15 =	vmul.u32 $0xC2B2AE35, v1;
	v1 =	vxor.u32 v0, v8  }
0x3e6: {  	v16 =	vshrl.u32 v4, $0x10;
	v8 =	vshrl.u32 v7, $0xD;
	v0 =	vld [tilespmem:s2+$0x0];
	v17 =	vmul.u32 $0xC2B2AE35, v1  }
0x3e7: {  	v6 =	vxor.u32 v6, v13;
	v4 =	vxor.u32 v4, v16;
	v18 =	vshrl.u32 v10, $0x10;
	v1 =	vld [tilespmem:s2+$0xFFFFFFD0]  }
.Ltmp11:
0x3e8: {  	v6 =	vmul.u32 $0xC2B2AE35, v6;
	v13 =	vshrl.u32 v15, $0x10;
	[tilespmem:v12+s4+$0x0] =	vst.idx.add.s32.msk $0xffff, v4;
	v12 =	vshrl.u32 v17, $0x10;
	(pc) =	sbr.rel @p0 .LBB2_23-.Ltmp11, $4  }
0x3e9: {  	v16 =	vmul.u32 $0x85EBCA6B, v3;
	v4 =	vmul.u32 $0x85EBCA6B, v9;
	v3 =	vld [tilespmem:s2+$0xFFFFFFE0];
	v9 =	vxor.u32 v17, v12  }
0x3ea: {  	v7 =	vxor.u32 v7, v8;
	v10 =	vxor.u32 v10, v18;
	v12 =	vshrl.u32 v6, $0x10;
	[tilespmem:v11+s4+$0x0] =	vst.idx.add.s32.msk $0xffff, v9  }
0x3eb: {  	v8 =	vshrl.u32 v16, $0xD;
	v9 =	vxor.u32 v6, v12;
	[tilespmem:v5+s4+$0x0] =	vst.idx.add.s32.msk $0xffff, v10;
	v5 =	vmul.u32 $0xC2B2AE35, v7  }
0x3ec: {  	v6 =	vxor.u32 v16, v8;
	v8 =	vshrl.u32 v4, $0xD;
	v7 =	vxor.u32 v15, v13;
	[tilespmem:v14+s4+$0x0] =	vst.idx.add.s32.msk $0xffff, v9  }
0x3ed: {  	_ =	sdelay $0x1  }
0x3ee: {  	v4 =	vxor.u32 v4, v8;
	v6 =	vmul.u32 $0xC2B2AE35, v6  }
0x3ef: {  	v42 =	vshrl.u32 v5, $0x10;
	v4 =	vmul.u32 $0xC2B2AE35, v4  }
0x3f0: {  	[tilespmem:v2+s4+$0x0] =	vst.idx.add.s32.msk $0xffff, v7;
	v43 =	vxor.u32 v5, v42;
	v45 =	vshrl.u32 v6, $0x10  }
0x3f1: {  	[tilespmem:v0+s4+$0x0] =	vst.idx.add.s32.msk $0xffff, v43;
	v44 =	vshrl.u32 v4, $0x10;
	v46 =	vxor.u32 v6, v45  }
0x3f2: {  	v4 =	vxor.u32 v4, v44;
	[tilespmem:v1+s4+$0x0] =	vst.idx.add.s32.msk $0xffff, v46  }
0x3f3: {  	[tilespmem:v3+s4+$0x0] =	vst.idx.add.s32.msk $0xffff, v4  }
0x3f4: {  	s1 =	simm.s32 $0x11940;
	s2 =	rddreg [dreg:$0x8]  }
0x3f5: {  	[spmem:s2] =	stream.linear.scatter [tilespmem:s1], [sflag:$0x4], $0x200, $0x200038;
	[tilespmem:$0x148D0] =	vst v63  }
0x3f6: {  	s1 =	simm.s32 $0x4  }
0x3f7: {  	_ =	swait.ge [sflag:s1], $0x200  }
0x3f8: {  	[sflag:s1] =	ssyncset.done $0x0  }
0x3f9: {  	[sflag:s1] =	ssyncadd.s32 $0xFFFFFE00  }
0x3fa: {  	s24 =	simm.s32 $0x11B40;
	[bflag:$0x0] =	sbarrier.arrive $0xFFFF  }
0x3fb: {  	[tilespmem:s24], [sflag:$0x3] =	stream.linear.gather [spmem:s3], $0x10, $0x200038;
	[tilespmem:$0x148D0] =	vst v63  }
0x3fc: {  	s25 =	simm.s32 $0x11B50;
	s26 =	rddreg [dreg:$0x12]  }
0x3fd: {  	[tilespmem:s25], [sflag:$0x3] =	stream.linear.gather [spmem:s26], $0x10, $0x200038;
	[tilespmem:$0x148D0] =	vst v63  }
0x3fe: {  	s28 =	simm.s32 $0x11B60;
	s29 =	rddreg [dreg:$0xd]  }
0x3ff: {  	[tilespmem:s28], [sflag:$0x3] =	stream.linear.gather [spmem:s29], $0x10, $0x200038;
	[tilespmem:$0x148D0] =	vst v63  }
0x400: {  	s30 =	simm.s32 $0x11B70;
	s31 =	rddreg [dreg:$0x9]  }
0x401: {  	[tilespmem:s30], [sflag:$0x3] =	stream.linear.gather [spmem:s31], $0x10, $0x200038;
	[tilespmem:$0x148D0] =	vst v63  }
0x402: {  	s4 =	simm.s32 $0x11B80;
	s5 =	rddreg [dreg:$0x13]  }
0x403: {  	[tilespmem:s4], [sflag:$0x3] =	stream.linear.gather [spmem:s5], $0x10, $0x200038;
	[tilespmem:$0x148D0] =	vst v63  }
0x404: {  	s6 =	simm.s32 $0x11B90;
	s7 =	rddreg [dreg:$0xe]  }
0x405: {  	[tilespmem:s6], [sflag:$0x3] =	stream.linear.gather [spmem:s7], $0x10, $0x200038;
	[tilespmem:$0x148D0] =	vst v63  }
0x406: {  	s8 =	simm.s32 $0x11BA0;
	s9 =	rddreg [dreg:$0xa]  }
0x407: {  	[tilespmem:s8], [sflag:$0x3] =	stream.linear.gather [spmem:s9], $0x10, $0x200038;
	[tilespmem:$0x148D0] =	vst v63  }
0x408: {  	s10 =	simm.s32 $0x11BB0;
	s11 =	rddreg [dreg:$0x14]  }
0x409: {  	[tilespmem:s10], [sflag:$0x3] =	stream.linear.gather [spmem:s11], $0x10, $0x200038;
	[tilespmem:$0x148D0] =	vst v63  }
0x40a: {  	s12 =	simm.s32 $0x11BC0;
	s13 =	rddreg [dreg:$0xf]  }
0x40b: {  	[tilespmem:s12], [sflag:$0x3] =	stream.linear.gather [spmem:s13], $0x10, $0x200038;
	[tilespmem:$0x148D0] =	vst v63  }
0x40c: {  	s14 =	simm.s32 $0x11BD0;
	s15 =	rddreg [dreg:$0xb]  }
0x40d: {  	[tilespmem:s14], [sflag:$0x3] =	stream.linear.gather [spmem:s15], $0x10, $0x200038;
	[tilespmem:$0x148D0] =	vst v63  }
0x40e: {  	s16 =	simm.s32 $0x11BE0  }
0x40f: {  	[tilespmem:s16], [sflag:$0x3] =	stream.linear.gather [spmem:s17], $0x10, $0x200038;
	[tilespmem:$0x148D0] =	vst v63  }
0x410: {  	s20 =	rddreg [dreg:$0x10];
	s17 =	simm.s32 $0x11BF0  }
0x411: {  	[tilespmem:s17], [sflag:$0x3] =	stream.linear.gather [spmem:s20], $0x10, $0x200038;
	[tilespmem:$0x148D0] =	vst v63  }
0x412: {  	s21 =	simm.s32 $0x11C00;
	s22 =	rddreg [dreg:$0xc]  }
0x413: {  	[tilespmem:s21], [sflag:$0x3] =	stream.linear.gather [spmem:s22], $0x10, $0x200038;
	[tilespmem:$0x148D0] =	vst v63  }
0x414: {  	s23 =	simm.s32 $0x11C10  }
0x415: {  	[tilespmem:s23], [sflag:$0x3] =	stream.linear.gather [spmem:s18], $0x10, $0x200038;
	[tilespmem:$0x148D0] =	vst v63  }
0x416: {  	s24 =	simm.s32 $0x11C20;
	s25 =	rddreg [dreg:$0x11]  }
0x417: {  	[tilespmem:s24], [sflag:$0x3] =	stream.linear.gather [spmem:s25], $0x10, $0x200038;
	[tilespmem:$0x148D0] =	vst v63  }
0x418: {  	s26 =	simm.s32 $0x11C30;
	s28 =	simm.s32 $0x3  }
0x419: {  	[tilespmem:s26], [sflag:$0x3] =	stream.linear.gather [spmem:s19], $0x10, $0x200038;
	[tilespmem:$0x148D0] =	vst v63  }
0x41a: {  	_ =	swait.ge [sflag:s28], $0x10  }
0x41b: {  	[sflag:s28] =	ssyncset.done $0x0  }
0x41c: {  	[sflag:s28] =	ssyncadd.s32 $0xFFFFFFF0  }
0x41d: {  	_ =	swait.ge [sflag:s28], $0x10  }
0x41e: {  	[sflag:s28] =	ssyncset.done $0x0  }
0x41f: {  	[sflag:s28] =	ssyncadd.s32 $0xFFFFFFF0  }
0x420: {  	_ =	swait.ge [sflag:s28], $0x10  }
0x421: {  	[sflag:s28] =	ssyncset.done $0x0  }
0x422: {  	[sflag:s28] =	ssyncadd.s32 $0xFFFFFFF0  }
0x423: {  	_ =	swait.ge [sflag:s28], $0x10  }
0x424: {  	[sflag:s28] =	ssyncset.done $0x0  }
0x425: {  	[sflag:s28] =	ssyncadd.s32 $0xFFFFFFF0  }
0x426: {  	_ =	swait.ge [sflag:s28], $0x10  }
0x427: {  	[sflag:s28] =	ssyncset.done $0x0  }
0x428: {  	[sflag:s28] =	ssyncadd.s32 $0xFFFFFFF0  }
0x429: {  	_ =	swait.ge [sflag:s28], $0x10  }
0x42a: {  	[sflag:s28] =	ssyncset.done $0x0  }
0x42b: {  	[sflag:s28] =	ssyncadd.s32 $0xFFFFFFF0  }
0x42c: {  	_ =	swait.ge [sflag:s28], $0x10  }
0x42d: {  	[sflag:s28] =	ssyncset.done $0x0  }
0x42e: {  	[sflag:s28] =	ssyncadd.s32 $0xFFFFFFF0  }
0x42f: {  	_ =	swait.ge [sflag:s28], $0x10  }
0x430: {  	[sflag:s28] =	ssyncset.done $0x0  }
0x431: {  	[sflag:s28] =	ssyncadd.s32 $0xFFFFFFF0  }
0x432: {  	_ =	swait.ge [sflag:s28], $0x10  }
0x433: {  	[sflag:s28] =	ssyncset.done $0x0  }
0x434: {  	[sflag:s28] =	ssyncadd.s32 $0xFFFFFFF0  }
0x435: {  	_ =	swait.ge [sflag:s28], $0x10  }
0x436: {  	[sflag:s28] =	ssyncset.done $0x0  }
0x437: {  	[sflag:s28] =	ssyncadd.s32 $0xFFFFFFF0  }
0x438: {  	_ =	swait.ge [sflag:s28], $0x10  }
0x439: {  	[sflag:s28] =	ssyncset.done $0x0  }
0x43a: {  	[sflag:s28] =	ssyncadd.s32 $0xFFFFFFF0  }
0x43b: {  	_ =	swait.ge [sflag:s28], $0x10  }
0x43c: {  	[sflag:s28] =	ssyncset.done $0x0  }
0x43d: {  	[sflag:s28] =	ssyncadd.s32 $0xFFFFFFF0  }
0x43e: {  	_ =	swait.ge [sflag:s28], $0x10  }
0x43f: {  	[sflag:s28] =	ssyncset.done $0x0  }
0x440: {  	[sflag:s28] =	ssyncadd.s32 $0xFFFFFFF0  }
0x441: {  	_ =	swait.ge [sflag:s28], $0x10  }
0x442: {  	[sflag:s28] =	ssyncset.done $0x0  }
0x443: {  	[sflag:s28] =	ssyncadd.s32 $0xFFFFFFF0  }
0x444: {  	_ =	swait.ge [sflag:s28], $0x10  }
0x445: {  	[sflag:s28] =	ssyncset.done $0x0  }
0x446: {  	[sflag:s28] =	ssyncadd.s32 $0xFFFFFFF0  }
0x447: {  	_ =	swait.ge [sflag:s28], $0x10  }
0x448: {  	[sflag:s28] =	ssyncset.done $0x0  }
0x449: {  	[sflag:s28] =	ssyncadd.s32 $0xFFFFFFF0  }
0x44a: {  	v47 =	vld [tilespmem:$0x11B40]  }
0x44b: {  	v48 =	vld [tilespmem:$0x11B50]  }
0x44c: {  	v49 =	vld [tilespmem:$0x11B60]  }
0x44d: {  	v50 =	vld [tilespmem:$0x11B70]  }
0x44e: {  	v51 =	vld [tilespmem:$0x11B80]  }
0x44f: {  	v52 =	vld [tilespmem:$0x11B90]  }
0x450: {  	v53 =	vld [tilespmem:$0x11BA0];
	v0 =	vadd.s32 v47, v48  }
0x451: {  	v54 =	vld [tilespmem:$0x11BB0];
	v0 =	vadd.s32 v49, v0  }
0x452: {  	v55 =	vld [tilespmem:$0x11BC0];
	v0 =	vadd.s32 v50, v0  }
0x453: {  	v56 =	vld [tilespmem:$0x11BD0];
	v0 =	vadd.s32 v51, v0  }
0x454: {  	v57 =	vld [tilespmem:$0x11BE0];
	v0 =	vadd.s32 v52, v0  }
0x455: {  	v58 =	vld [tilespmem:$0x11BF0];
	v0 =	vadd.s32 v53, v0  }
0x456: {  	v59 =	vld [tilespmem:$0x11C00];
	v0 =	vadd.s32 v54, v0  }
0x457: {  	v60 =	vld [tilespmem:$0x11C10];
	v0 =	vadd.s32 v55, v0  }
0x458: {  	v61 =	vld [tilespmem:$0x11C20];
	v0 =	vadd.s32 v56, v0  }
0x459: {  	v62 =	vld [tilespmem:$0x11C30];
	v0 =	vadd.s32 v57, v0  }
0x45a: {  	v0 =	vadd.s32 v58, v0  }
0x45b: {  	v0 =	vadd.s32 v59, v0  }
0x45c: {  	v0 =	vadd.s32 v60, v0  }
0x45d: {  	v0 =	vadd.s32 v61, v0  }
0x45e: {  	v0 =	vadd.s32 v62, v0  }
0x45f: {  	v63 =	vmulhi.u32 $0xD1B71759, v0;
	_ =	sdelay $0x1  }
0x460: {  	v1 =	vshrl.u32 v63, $0xC  }
0x461: {  	v1 =	vmul.u32 $0x1388, v1;
	_ =	sdelay $0x1  }
0x462: {  	v0 =	vsub.s32 v0, v1  }
0x463: {  	s29 =	simm.s32 $0x0;
	s30 =	simm.s32 $0x11C40;
	s31 =	rddreg [dreg:$0x7];
	[tilespmem:$0x11C40] =	vst v0  }
0x464: {  	[hbm4b:s31+s29] =	stream.linear.scatter [tilespmem:s30], [sflag:$0x4], $0x10, $0x200038;
	[tilespmem:$0x148D0] =	vst v63  }
0x465: {  	_ =	swait.ge [sflag:s1], $0x10  }
0x466: {  	[sflag:s1] =	ssyncset.done $0x0  }
0x467: {  	[sflag:s1] =	ssyncadd.s32 $0xFFFFFFF0  }
0x468: {  	_ =	strace $0x90000050  }
0x469: {  	_ =	sfence.sel $0x180000  }
0x46a: {  	[bflag:$0x0] =	sbarrier.arrive $0xFFFF  }
0x46b: {  	_ =	strace $0x90000047  }
0x46c: {  	[bflag:$0x2] =	sbarrier.arrive $0xFFFF  }
0x46d: {  	p0 =	sne.s32 s0, $0x0;
	s0 =	rddreg [dreg:$0x6]  }
0x46e: {  	s0 =	sadd.s32 @!p0 $0x100000, s0  }
0x46f: {  	[sflag:s0] =	ssyncadd.tile.s32 @!p0 $0x1;
	_ =	shalt  }
.Lfunc_end2:
_tile_overlayer_lowered:
.L_overlay_start_2:
0x470: {  	(tag) =	ssettag $0x2  }
0x471: {  	s0 =	rddreg [dreg:$0x0];
	s2 =	stileid.u32  }
0x472: {  	s1 =	rddreg [dreg:$0x1];
	p0 =	sne.s32 s2, $0x0  }
0x473: {  	s3 =	rddreg [dreg:$0x2];
	[bflag:$0x3] =	sbarrier.arrive $0xFFFF;
	s2 =	simm.s32 @!p0 $0x1C04  }
0x474: {  	[timem:s3], [sflag:s2] =	dma.local @!p0 [hbm:s0], s1  }
0x475: {  	s0 =	simm.s32 @!p0 $0x4  }
0x476: {  	_ =	swait.ge @!p0 [sflag:s0], s1  }
0x477: {  	s1 =	ssub.s32 @!p0 $0x0, s1;
	[sflag:s0] =	ssyncset.done @!p0 $0x0  }
0x478: {  	[sflag:s0] =	ssyncadd.s32 @!p0 s1  }
0x479: {  	[bflag:$0x3] =	sbarrier.arrive $0xFFFF  }
0x47a: {  	_ =	shalt  }

</sc_bundles>
